<compile_context>
chip_gen: v7x
topology: tpu7x:2x2x1
jax: 0.10.2.dev20260603
libtpu: 0.0.44.dev20260713+nightly
codegen_flags: <defaults>
</compile_context>

<pallas_src>
import functools

import jax
import jax.numpy as jnp
from jax import lax
from jax.experimental import pallas as pl
from jax.experimental.pallas import tpu as pltpu
from jax.experimental.pallas import tpu_sc as plsc

N = 10000
E = 320000
H = 128
OUT = 2
BN_EPS = 1e-5

NW = 32
CH = 128
NCHUNK = 80
PW = NCHUNK * CH
EP = NW * PW
NP = 10240
RPT = NP // 16

NCHUNKS_TOT = NW * NCHUNK
NC0 = 128
NC1 = 32
ST0 = 32
assert 16 * (NC0 + NC1) == NCHUNKS_TOT and NC0 % ST0 == 0 and NC1 <= ST0

_mesh = plsc.VectorSubcoreMesh(core_axis_name="c", subcore_axis_name="s")


@functools.partial(
    pl.kernel,
    out_type=jax.ShapeDtypeStruct((2, NP, H), jnp.float32),
    mesh=_mesh,
    scratch_types=[
        pltpu.VMEM((NCHUNK, CH), jnp.int32),
        pltpu.VMEM((CH, H), jnp.float32),
        pltpu.VMEM_SHARED((NP, H), jnp.float32),
    ],
)
def _sc_count(dst_hbm, zeros_hbm, out_hbm, dst_v, ones_v, cnt_sh):
    c = lax.axis_index("c")
    s = lax.axis_index("s")
    wid = s * 2 + c
    pltpu.sync_copy(dst_hbm.at[wid], dst_v)
    ones16 = jnp.ones((16,), jnp.float32)

    def fbody(k, carry):
        ones_v[k // 8, pl.ds((k % 8) * 16, 16)] = ones16
        return carry

    lax.fori_loop(0, CH * 8, fbody, 0)
    pltpu.sync_copy(zeros_hbm, cnt_sh.at[pl.ds(s * RPT, RPT)])
    plsc.subcore_barrier()

    def body(j, carry):
        pltpu.sync_copy(ones_v, cnt_sh.at[dst_v.at[j]], add=True)
        return carry

    lax.fori_loop(0, NCHUNK, body, 0)
    plsc.subcore_barrier()
    pltpu.sync_copy(cnt_sh.at[pl.ds(s * RPT, RPT)],
                    out_hbm.at[c, pl.ds(s * RPT, RPT)])


@functools.partial(
    pl.kernel,
    out_type=jax.ShapeDtypeStruct((2, NP, H), jnp.float32),
    mesh=_mesh,
    scratch_types=[
        pltpu.VMEM((ST0, CH), jnp.int32),
        pltpu.VMEM((ST0, CH), jnp.int32),
        pltpu.VMEM((CH, H), jnp.float32),
        pltpu.VMEM((CH, H), jnp.float32),
        pltpu.VMEM_SHARED((NP, H), jnp.float32),
        pltpu.SemaphoreType.DMA,
        pltpu.SemaphoreType.DMA,
    ],
)
def _sc_agg(h_hbm, src_hbm, dst_hbm, zeros_hbm, out_hbm,
            src_v, dst_v, buf0, buf1, agg_sh, sem0, sem1):
    c = lax.axis_index("c")
    s = lax.axis_index("s")
    pltpu.sync_copy(zeros_hbm, agg_sh.at[pl.ds(s * RPT, RPT)])
    plsc.subcore_barrier()

    def _stage(base, L):
        pltpu.sync_copy(src_hbm.at[pl.ds(base, L)], src_v.at[pl.ds(0, L)])
        pltpu.sync_copy(dst_hbm.at[pl.ds(base, L)], dst_v.at[pl.ds(0, L)])
        pltpu.async_copy(h_hbm.at[src_v.at[0]], buf0, sem0)

        def body(i, carry):
            pltpu.async_copy(h_hbm.at[src_v.at[2 * i + 1]], buf1, sem1)
            pltpu.make_async_copy(h_hbm.at[src_v.at[0]], buf0, sem0).wait()
            pltpu.sync_copy(buf0, agg_sh.at[dst_v.at[2 * i]], add=True)

            @pl.when(i < L // 2 - 1)
            def _():
                pltpu.async_copy(h_hbm.at[src_v.at[2 * i + 2]], buf0, sem0)

            pltpu.make_async_copy(h_hbm.at[src_v.at[0]], buf1, sem1).wait()
            pltpu.sync_copy(buf1, agg_sh.at[dst_v.at[2 * i + 1]], add=True)
            return carry

        lax.fori_loop(0, L // 2, body, 0)

    @pl.when(c == 0)
    def _():
        for st in range(NC0 // ST0):
            _stage(s * NC0 + st * ST0, ST0)

    @pl.when(c == 1)
    def _():
        _stage(16 * NC0 + s * NC1, NC1)

    plsc.subcore_barrier()
    pltpu.sync_copy(agg_sh.at[pl.ds(s * RPT, RPT)],
                    out_hbm.at[c, pl.ds(s * RPT, RPT)])


_RB = 2000
_GRID = N // _RB


def _proj_body(x_ref, w_ref, b_ref, o_ref):
    o_ref[...] = (jnp.dot(x_ref[...], w_ref[...],
                          preferred_element_type=jnp.float32) + b_ref[...])


def _tc_proj(x, w_t, b):
    return pl.pallas_call(
        _proj_body,
        grid=(_GRID,),
        in_specs=[
            pl.BlockSpec((_RB, H), lambda i: (i, 0)),
            pl.BlockSpec((H, H), lambda i: (0, 0)),
            pl.BlockSpec((1, H), lambda i: (0, 0)),
        ],
        out_specs=pl.BlockSpec((_RB, H), lambda i: (i, 0)),
        out_shape=jax.ShapeDtypeStruct((N, H), jnp.float32),
    )(x, w_t, b)


def _cnt_body(parts_ref, o_ref):
    o_ref[...] = jnp.maximum(parts_ref[0] + parts_ref[1], 1.0)


def _tc_cnt(parts):
    return pl.pallas_call(
        _cnt_body,
        grid=(_GRID,),
        in_specs=[pl.BlockSpec((2, _RB, H), lambda i: (0, i, 0))],
        out_specs=pl.BlockSpec((_RB, H), lambda i: (i, 0)),
        out_shape=jax.ShapeDtypeStruct((N, H), jnp.float32),
    )(parts)


def _layer_body(p_ref, cnt_ref, h_ref, wl_ref, bl_ref, wr_ref, sc_ref,
                sh_ref, o_ref):
    agg = (p_ref[0] + p_ref[1]) / cnt_ref[...]
    z = (jnp.dot(agg, wl_ref[...], preferred_element_type=jnp.float32)
         + jnp.dot(h_ref[...], wr_ref[...], preferred_element_type=jnp.float32)
         + bl_ref[...])
    o_ref[...] = jnp.maximum(z * sc_ref[...] + sh_ref[...], 0.0)


def _tc_layer(p, cnt, h, wl_t, bl, wr_t, scale, shift):
    return pl.pallas_call(
        _layer_body,
        grid=(_GRID,),
        in_specs=[
            pl.BlockSpec((2, _RB, H), lambda i: (0, i, 0)),
            pl.BlockSpec((_RB, H), lambda i: (i, 0)),
            pl.BlockSpec((_RB, H), lambda i: (i, 0)),
            pl.BlockSpec((H, H), lambda i: (0, 0)),
            pl.BlockSpec((1, H), lambda i: (0, 0)),
            pl.BlockSpec((H, H), lambda i: (0, 0)),
            pl.BlockSpec((1, H), lambda i: (0, 0)),
            pl.BlockSpec((1, H), lambda i: (0, 0)),
        ],
        out_specs=pl.BlockSpec((_RB, H), lambda i: (i, 0)),
        out_shape=jax.ShapeDtypeStruct((N, H), jnp.float32),
    )(p, cnt, h, wl_t, bl, wr_t, scale, shift)


def _final_body(p_ref, cnt_ref, h_ref, wl_ref, bl_ref, wr_ref, sc_ref,
                sh_ref, wc1_ref, bc1_ref, wc2_ref, bc2_ref, o_ref,
                acc_sum, acc_max):
    i = pl.program_id(0)
    agg = (p_ref[0] + p_ref[1]) / cnt_ref[...]
    z = (jnp.dot(agg, wl_ref[...], preferred_element_type=jnp.float32)
         + jnp.dot(h_ref[...], wr_ref[...], preferred_element_type=jnp.float32)
         + bl_ref[...])
    hb = jnp.maximum(z * sc_ref[...] + sh_ref[...], 0.0)
    psum = jnp.sum(hb, axis=0, keepdims=True)
    pmax = jnp.max(hb, axis=0, keepdims=True)

    @pl.when(i == 0)
    def _():
        acc_sum[...] = psum
        acc_max[...] = pmax

    @pl.when(i > 0)
    def _():
        acc_sum[...] = acc_sum[...] + psum
        acc_max[...] = jnp.maximum(acc_max[...], pmax)

    @pl.when(i == _GRID - 1)
    def _():
        mean = acc_sum[...] * (1.0 / N)
        rep = jnp.concatenate([mean, acc_max[...]], axis=1)
        zz = jnp.maximum(
            jnp.dot(rep, wc1_ref[...], preferred_element_type=jnp.float32)
            + bc1_ref[...], 0.0)
        o_ref[...] = (jnp.dot(zz, wc2_ref[...],
                              preferred_element_type=jnp.float32)
                      + bc2_ref[...])


def _tc_final(p, cnt, h, wl_t, bl, wr_t, scale, shift, wc1_t, bc1, wc2_t,
              bc2):
    return pl.pallas_call(
        _final_body,
        grid=(_GRID,),
        in_specs=[
            pl.BlockSpec((2, _RB, H), lambda i: (0, i, 0)),
            pl.BlockSpec((_RB, H), lambda i: (i, 0)),
            pl.BlockSpec((_RB, H), lambda i: (i, 0)),
            pl.BlockSpec((H, H), lambda i: (0, 0)),
            pl.BlockSpec((1, H), lambda i: (0, 0)),
            pl.BlockSpec((H, H), lambda i: (0, 0)),
            pl.BlockSpec((1, H), lambda i: (0, 0)),
            pl.BlockSpec((1, H), lambda i: (0, 0)),
            pl.BlockSpec((2 * H, H), lambda i: (0, 0)),
            pl.BlockSpec((1, H), lambda i: (0, 0)),
            pl.BlockSpec((H, OUT), lambda i: (0, 0)),
            pl.BlockSpec((1, OUT), lambda i: (0, 0)),
        ],
        out_specs=pl.BlockSpec((1, OUT), lambda i: (0, 0)),
        out_shape=jax.ShapeDtypeStruct((1, OUT), jnp.float32),
        scratch_shapes=[
            pltpu.VMEM((1, H), jnp.float32),
            pltpu.VMEM((1, H), jnp.float32),
        ],
    )(p, cnt, h, wl_t, bl, wr_t, scale, shift, wc1_t, bc1, wc2_t, bc2)


def kernel(x, edge_index, W_in, b_in,
           Wl0, bl0, Wr0, g0, be0,
           Wl1, bl1, Wr1, g1, be1,
           Wl2, bl2, Wr2, g2, be2,
           Wc1, bc1, Wc2, bc2):
    pad = EP - E
    src_p = jnp.concatenate(
        [edge_index[0], jnp.zeros((pad,), jnp.int32)]).reshape(NW, NCHUNK, CH)
    dst_p = jnp.concatenate(
        [edge_index[1], jnp.full((pad,), N, jnp.int32)]).reshape(NW, NCHUNK, CH)
    zeros_rows = jnp.zeros((RPT, H), jnp.float32)
    src_flat = src_p.reshape(NCHUNKS_TOT, CH)
    dst_flat = dst_p.reshape(NCHUNKS_TOT, CH)

    cnt_parts = _sc_count(dst_p, zeros_rows)
    cnt = _tc_cnt(cnt_parts)

    bn = 1.0 / jnp.sqrt(jnp.float32(1.0 + BN_EPS))
    h = _tc_proj(x, W_in.T, b_in.reshape(1, H))

    for (Wl, bl, Wr, g, be) in ((Wl0, bl0, Wr0, g0, be0),
                                (Wl1, bl1, Wr1, g1, be1)):
        p = _sc_agg(h, src_flat, dst_flat, zeros_rows)
        h = _tc_layer(p, cnt, h, Wl.T, bl.reshape(1, H), Wr.T,
                      (g * bn).reshape(1, H), be.reshape(1, H))
    p = _sc_agg(h, src_flat, dst_flat, zeros_rows)
    logits = _tc_final(p, cnt, h, Wl2.T, bl2.reshape(1, H), Wr2.T,
                       (g2 * bn).reshape(1, H), be2.reshape(1, H),
                       Wc1.T, bc1.reshape(1, H), Wc2.T, bc2.reshape(1, OUT))
    return logits

# --- scband reference (transcript-rebuilt; emitter-appended) ---
"""Pipeline reference for scband-graph-sagenetwork-76046690943378 (READ-ONLY COPY).

The authoritative reference and input builder live on the scoring server;
editing this copy changes nothing except your own understanding.
"""

import jax, jax.numpy as jnp
import numpy as np

N = 10000
E = 320000
D = 128
H = 128
OUT = 2
BN_EPS = 1e-5


def setup_inputs(seed: int = 0) -> dict:
    key = jax.random.key(seed)
    ks = jax.random.split(key, 32)
    inp = {}
    inp['x'] = jax.random.normal(ks[0], (N, D), dtype=jnp.float32)
    inp['edge_index'] = jax.random.randint(ks[1], (2, E), 0, N, dtype=jnp.int32)
    # input projection (nn.Linear(D, H))
    s = 1.0 / np.sqrt(D)
    inp['W_in'] = jax.random.uniform(ks[2], (H, D), jnp.float32, -s, s)
    inp['b_in'] = jax.random.uniform(ks[3], (H,), jnp.float32, -s, s)
    # 3 SAGEConv layers: lin_l (with bias) applied to aggregated neighbors, lin_r (no bias) applied to root
    sh = 1.0 / np.sqrt(H)
    k = 4
    for i in range(3):
        inp[f'Wl{i}'] = jax.random.uniform(ks[k], (H, H), jnp.float32, -sh, sh); k += 1
        inp[f'bl{i}'] = jax.random.uniform(ks[k], (H,), jnp.float32, -sh, sh); k += 1
        inp[f'Wr{i}'] = jax.random.uniform(ks[k], (H, H), jnp.float32, -sh, sh); k += 1
        inp[f'g{i}'] = jnp.ones((H,), jnp.float32)
        inp[f'be{i}'] = jnp.zeros((H,), jnp.float32)
    # classifier: Linear(2H, H) -> ReLU -> Linear(H, OUT)
    s1 = 1.0 / np.sqrt(2 * H)
    inp['Wc1'] = jax.random.uniform(ks[k], (H, 2 * H), jnp.float32, -s1, s1); k += 1
    inp['bc1'] = jax.random.uniform(ks[k], (H,), jnp.float32, -s1, s1); k += 1
    s2 = 1.0 / np.sqrt(H)
    inp['Wc2'] = jax.random.uniform(ks[k], (OUT, H), jnp.float32, -s2, s2); k += 1
    inp['bc2'] = jax.random.uniform(ks[k], (OUT,), jnp.float32, -s2, s2); k += 1
    return inp


def _sage_conv(x, src, dst, Wl, bl, Wr):
    msgs = x[src]
    agg = jax.ops.segment_sum(msgs, dst, num_segments=N)
    cnt = jax.ops.segment_sum(jnp.ones((src.shape[0], 1), x.dtype), dst, num_segments=N)
    agg = agg / jnp.maximum(cnt, 1.0)
    return agg @ Wl.T + bl + x @ Wr.T


def reference(x, edge_index, W_in, b_in,
              Wl0, bl0, Wr0, g0, be0,
              Wl1, bl1, Wr1, g1, be1,
              Wl2, bl2, Wr2, g2, be2,
              Wc1, bc1, Wc2, bc2):
    src = edge_index[0]
    dst = edge_index[1]
    h = x @ W_in.T + b_in
    layers = [(Wl0, bl0, Wr0, g0, be0), (Wl1, bl1, Wr1, g1, be1), (Wl2, bl2, Wr2, g2, be2)]
    for (Wl, bl, Wr, g, be) in layers:
        h = _sage_conv(h, src, dst, Wl, bl, Wr)
        # BatchNorm1d in eval mode: running_mean=0, running_var=1
        h = (h / jnp.sqrt(1.0 + BN_EPS)) * g + be
        h = jax.nn.relu(h)
        # dropout is identity in eval mode
    mean_pool = jnp.mean(h, axis=0, keepdims=True)
    max_pool = jnp.max(h, axis=0, keepdims=True)
    graph_repr = jnp.concatenate([mean_pool, max_pool], axis=1)
    z = jax.nn.relu(graph_repr @ Wc1.T + bc1)
    logits = z @ Wc2.T + bc2
    return logits

if __name__ == "__main__":
    import jax
    _d = setup_inputs()
    print(jax.jit(kernel)(*tuple(_d.values())))

</pallas_src>

<mosaic_0001>
#map = affine_map<(d0, d1) -> (0, 0, 0)>
#map1 = affine_map<(d0, d1) -> (0, 0)>
module attributes {stable_mosaic.version = 14 : i64} {
  func.func @_sc_count(%arg0: i32, %arg1: i32, %arg2: memref<32x80x128xi32, #tpu.memory_space<hbm>>, %arg3: memref<640x128xf32, #tpu.memory_space<hbm>>, %arg4: memref<2x10240x128xf32, #tpu.memory_space<hbm>>, %arg5: memref<80x128xi32, #tpu.memory_space<vmem>>, %arg6: memref<128x128xf32, #tpu.memory_space<vmem>>, %arg7: memref<10240x128xf32, #tpu.memory_space<vmem_shared>>) attributes {dimension_semantics = [#tpu.dimension_semantics<core_parallel>, #tpu.dimension_semantics<subcore_parallel>], iteration_bounds = array<i64: 2, 16>, scalar_prefetch = 0 : i64, scratch_operands = 3 : i64, tpu.core_type = #tpu.core_type<sc_vector_subcore>, window_params = [{transform_indices = #map}, {transform_indices = #map1}, {transform_indices = #map}]} {
    %mul3A = arith.constant 2 : i32
    %mul3A_0 = arith.muli %arg1, %mul3A : i32
    %add3A = arith.addi %mul3A_0, %arg0 : i32
    "tpu.region"() ({
      %run_scoped3A = tpu.sem_alloc : memref<!tpu.dma_semaphore, #tpu.memory_space<semaphore_mem>>
      %dma_start3A = arith.constant 0 : i32
      %dma_start3A_20 = arith.constant 0 : i32
      %dma_start3A_21 = tpu.memref_slice %arg2[%add3A, %dma_start3A, %dma_start3A_20] : memref<32x80x128xi32, #tpu.memory_space<hbm>> -> memref<1x80x128xi32, #tpu.memory_space<hbm>>
      %dma_start3A_22 = tpu.memref_squeeze %dma_start3A_21 : memref<1x80x128xi32, #tpu.memory_space<hbm>> -> memref<80x128xi32, #tpu.memory_space<hbm>>
      %dma_start3A_23 = arith.constant 0 : i32
      %dma_start3A_24 = arith.constant 0 : i32
      %dma_start3A_25 = tpu.memref_slice %arg2[%add3A, %dma_start3A_23, %dma_start3A_24] : memref<32x80x128xi32, #tpu.memory_space<hbm>> -> memref<1x80x128xi32, #tpu.memory_space<hbm>>
      %dma_start3A_26 = tpu.memref_squeeze %dma_start3A_25 : memref<1x80x128xi32, #tpu.memory_space<hbm>> -> memref<80x128xi32, #tpu.memory_space<hbm>>
      tpu.enqueue_dma source(%dma_start3A_26 : memref<80x128xi32, #tpu.memory_space<hbm>>) target(%arg5 : memref<80x128xi32, #tpu.memory_space<vmem>>) target_semaphore(%run_scoped3A : memref<!tpu.dma_semaphore, #tpu.memory_space<semaphore_mem>>)
      %dma_wait3A = arith.constant 0 : i32
      %dma_wait3A_27 = arith.constant 0 : i32
      %dma_wait3A_28 = tpu.memref_slice %arg2[%add3A, %dma_wait3A, %dma_wait3A_27] : memref<32x80x128xi32, #tpu.memory_space<hbm>> -> memref<1x80x128xi32, #tpu.memory_space<hbm>>
      %dma_wait3A_29 = tpu.memref_squeeze %dma_wait3A_28 : memref<1x80x128xi32, #tpu.memory_space<hbm>> -> memref<80x128xi32, #tpu.memory_space<hbm>>
      %dma_wait3A_30 = arith.constant 0 : i32
      %dma_wait3A_31 = arith.constant 0 : i32
      %dma_wait3A_32 = tpu.memref_slice %arg2[%add3A, %dma_wait3A_30, %dma_wait3A_31] : memref<32x80x128xi32, #tpu.memory_space<hbm>> -> memref<1x80x128xi32, #tpu.memory_space<hbm>>
      %dma_wait3A_33 = tpu.memref_squeeze %dma_wait3A_32 : memref<1x80x128xi32, #tpu.memory_space<hbm>> -> memref<80x128xi32, #tpu.memory_space<hbm>>
      tpu.wait_dma2 semaphore(%run_scoped3A : memref<!tpu.dma_semaphore, #tpu.memory_space<semaphore_mem>>) src(%dma_wait3A_33 : memref<80x128xi32, #tpu.memory_space<hbm>>) dst(%arg5 : memref<80x128xi32, #tpu.memory_space<vmem>>)
      tpu.yield
    }) : () -> ()
    %broadcast_in_dim3A = arith.constant 1.000000e+00 : f32
    %broadcast_in_dim3A_1 = vector.broadcast %broadcast_in_dim3A : f32 to vector<16xf32>
    %scan3A = arith.constant 0 : i32
    %scan3A_2 = arith.constant 0 : i32
    %scan3A_3 = arith.constant 1024 : i32
    %scan3A_4 = arith.addi %scan3A_2, %scan3A_3 : i32
    %scan3A_5 = arith.constant 1 : i32
    scf.for %scan3A_20 = %scan3A_2 to %scan3A_4 step %scan3A_5  : i32 {
      %jit3A = arith.constant 8 : i32
      %div3A = arith.divsi %scan3A_20, %jit3A : i32
      %sign3A = arith.constant 0 : i32
      %sign3A_21 = arith.cmpi sgt, %scan3A_20, %sign3A : i32
      %sign3A_22 = arith.extui %sign3A_21 : i1 to i32
      %sign3A_23 = arith.constant 0 : i32
      %sign3A_24 = arith.cmpi slt, %scan3A_20, %sign3A_23 : i32
      %sign3A_25 = arith.extui %sign3A_24 : i1 to i32
      %sign3A_26 = arith.subi %sign3A_22, %sign3A_25 : i32
      %sign3A_27 = arith.constant 0 : i32
      %sign3A_28 = arith.cmpi sgt, %jit3A, %sign3A_27 : i32
      %sign3A_29 = arith.extui %sign3A_28 : i1 to i32
      %sign3A_30 = arith.constant 0 : i32
      %sign3A_31 = arith.cmpi slt, %jit3A, %sign3A_30 : i32
      %sign3A_32 = arith.extui %sign3A_31 : i1 to i32
      %sign3A_33 = arith.subi %sign3A_29, %sign3A_32 : i32
      %ne3A = arith.cmpi ne, %sign3A_26, %sign3A_33 : i32
      %rem3A = arith.remsi %scan3A_20, %jit3A : i32
      %ne3A_34 = arith.constant 0 : i32
      %ne3A_35 = arith.cmpi ne, %rem3A, %ne3A_34 : i32
      %and3A = arith.andi %ne3A, %ne3A_35 : i1
      %sub3A = arith.constant 1 : i32
      %sub3A_36 = arith.subi %div3A, %sub3A : i32
      %select_n3A = arith.select %and3A, %sub3A_36, %div3A : i32
      %jit3A_37 = arith.constant 8 : i32
      %eq3A = arith.constant 0 : i32
      %eq3A_38 = arith.cmpi eq, %jit3A_37, %eq3A : i32
      %jit3A_39 = arith.constant 1 : i32
      %select_n3A_40 = arith.select %eq3A_38, %jit3A_39, %jit3A_37 : i32
      %rem3A_41 = arith.remsi %scan3A_20, %select_n3A_40 : i32
      %ne3A_42 = arith.constant 0 : i32
      %ne3A_43 = arith.cmpi ne, %rem3A_41, %ne3A_42 : i32
      %lt3A = arith.constant 0 : i32
      %lt3A_44 = arith.cmpi slt, %rem3A_41, %lt3A : i32
      %lt3A_45 = arith.constant 0 : i32
      %lt3A_46 = arith.cmpi slt, %select_n3A_40, %lt3A_45 : i32
      %ne3A_47 = arith.xori %lt3A_44, %lt3A_46 : i1
      %and3A_48 = arith.andi %ne3A_47, %ne3A_43 : i1
      %add3A_49 = arith.addi %rem3A_41, %select_n3A_40 : i32
      %select_n3A_50 = arith.select %and3A_48, %add3A_49, %rem3A_41 : i32
      %mul3A_51 = arith.constant 16 : i32
      %mul3A_52 = arith.muli %select_n3A_50, %mul3A_51 : i32
      %swap3A = arith.index_cast %select_n3A : i32 to index
      %swap3A_53 = arith.index_cast %mul3A_52 : i32 to index
      %swap3A_54 = tpu.vector_load %arg6[%swap3A, %swap3A_53] {strides = array<i32>} : memref<128x128xf32, #tpu.memory_space<vmem>>, vector<1x16xf32>,
      %swap3A_55 = vector.shape_cast %swap3A_54 : vector<1x16xf32> to vector<16xf32>
      %swap3A_56 = vector.shape_cast %broadcast_in_dim3A_1 : vector<16xf32> to vector<1x16xf32>
      tpu.vector_store %arg6[%swap3A, %swap3A_53], %swap3A_56 {strides = array<i32>} : memref<128x128xf32, #tpu.memory_space<vmem>>, vector<1x16xf32>,
    }
    %scan3A_6 = arith.constant 1024 : i32
    %mul3A_7 = arith.constant 640 : i32
    %mul3A_8 = arith.muli %arg1, %mul3A_7 : i32
    "tpu.region"() ({
      %run_scoped3A = tpu.sem_alloc : memref<!tpu.dma_semaphore, #tpu.memory_space<semaphore_mem>>
      %dma_start3A = arith.constant 0 : i32
      %dma_start3A_20 = tpu.memref_slice %arg7[%mul3A_8, %dma_start3A] : memref<10240x128xf32, #tpu.memory_space<vmem_shared>> -> memref<640x128xf32, #tpu.memory_space<vmem_shared>>
      tpu.enqueue_dma source(%arg3 : memref<640x128xf32, #tpu.memory_space<hbm>>) target(%dma_start3A_20 : memref<640x128xf32, #tpu.memory_space<vmem_shared>>) target_semaphore(%run_scoped3A : memref<!tpu.dma_semaphore, #tpu.memory_space<semaphore_mem>>)
      %dma_wait3A = arith.constant 0 : i32
      %dma_wait3A_21 = tpu.memref_slice %arg7[%mul3A_8, %dma_wait3A] : memref<10240x128xf32, #tpu.memory_space<vmem_shared>> -> memref<640x128xf32, #tpu.memory_space<vmem_shared>>
      tpu.wait_dma2 semaphore(%run_scoped3A : memref<!tpu.dma_semaphore, #tpu.memory_space<semaphore_mem>>) src(%arg3 : memref<640x128xf32, #tpu.memory_space<hbm>>) dst(%dma_wait3A_21 : memref<640x128xf32, #tpu.memory_space<vmem_shared>>)
      tpu.yield
    }) : () -> ()
    %barrier3A = arith.constant 0 : index
    tpu.barrier barrier_id(%barrier3A)
    %scan3A_9 = arith.constant 0 : i32
    %scan3A_10 = arith.constant 0 : i32
    %scan3A_11 = arith.constant 80 : i32
    %scan3A_12 = arith.addi %scan3A_10, %scan3A_11 : i32
    %scan3A_13 = arith.constant 1 : i32
    scf.for %scan3A_20 = %scan3A_10 to %scan3A_12 step %scan3A_13  : i32 {
      "tpu.region"() ({
        %run_scoped3A = tpu.sem_alloc : memref<!tpu.dma_semaphore, #tpu.memory_space<semaphore_mem>>
        %dma_start3A = arith.constant 0 : i32
        %dma_start3A_21 = tpu.memref_slice %arg5[%scan3A_20, %dma_start3A] : memref<80x128xi32, #tpu.memory_space<vmem>> -> memref<1x128xi32, #tpu.memory_space<vmem>>
        %dma_start3A_22 = tpu.memref_squeeze %dma_start3A_21 : memref<1x128xi32, #tpu.memory_space<vmem>> -> memref<128xi32, #tpu.memory_space<vmem>>
        %dma_start3A_23 = arith.constant 0 : i32
        %dma_start3A_24 = arith.constant 0 : i32
        %dma_start3A_25 = tpu.memref_slice %arg7[%dma_start3A_23, %dma_start3A_24] : memref<10240x128xf32, #tpu.memory_space<vmem_shared>> -> memref<10240x128xf32, #tpu.memory_space<vmem_shared>>
        tpu.enqueue_indirect_dma source(%arg6 : memref<128x128xf32, #tpu.memory_space<vmem>>) target(%dma_start3A_25 : memref<10240x128xf32, #tpu.memory_space<vmem_shared>>) offsets(%dma_start3A_22 : memref<128xi32, #tpu.memory_space<vmem>>) semaphore(%run_scoped3A : memref<!tpu.dma_semaphore, #tpu.memory_space<semaphore_mem>>) {add = true}
        %dma_wait3A = arith.constant 0 : i32
        %dma_wait3A_26 = tpu.memref_slice %arg5[%scan3A_20, %dma_wait3A] : memref<80x128xi32, #tpu.memory_space<vmem>> -> memref<1x128xi32, #tpu.memory_space<vmem>>
        %dma_wait3A_27 = tpu.memref_squeeze %dma_wait3A_26 : memref<1x128xi32, #tpu.memory_space<vmem>> -> memref<128xi32, #tpu.memory_space<vmem>>
        %dma_wait3A_28 = arith.constant 0 : i32
        %dma_wait3A_29 = arith.constant 0 : i32
        %dma_wait3A_30 = tpu.memref_slice %arg7[%dma_wait3A_28, %dma_wait3A_29] : memref<10240x128xf32, #tpu.memory_space<vmem_shared>> -> memref<10240x128xf32, #tpu.memory_space<vmem_shared>>
        tpu.wait_indirect_dma semaphore(%run_scoped3A : memref<!tpu.dma_semaphore, #tpu.memory_space<semaphore_mem>>) src(%arg6 : memref<128x128xf32, #tpu.memory_space<vmem>>) dst(%dma_wait3A_30 : memref<10240x128xf32, #tpu.memory_space<vmem_shared>>)
        tpu.yield
      }) : () -> ()
    }
    %scan3A_14 = arith.constant 80 : i32
    %barrier3A_15 = arith.constant 0 : index
    tpu.barrier barrier_id(%barrier3A_15)
    %mul3A_16 = arith.constant 640 : i32
    %mul3A_17 = arith.muli %arg1, %mul3A_16 : i32
    %mul3A_18 = arith.constant 640 : i32
    %mul3A_19 = arith.muli %arg1, %mul3A_18 : i32
    "tpu.region"() ({
      %run_scoped3A = tpu.sem_alloc : memref<!tpu.dma_semaphore, #tpu.memory_space<semaphore_mem>>
      %dma_start3A = arith.constant 0 : i32
      %dma_start3A_20 = tpu.memref_slice %arg4[%arg0, %mul3A_19, %dma_start3A] : memref<2x10240x128xf32, #tpu.memory_space<hbm>> -> memref<1x640x128xf32, #tpu.memory_space<hbm>>
      %dma_start3A_21 = tpu.memref_squeeze %dma_start3A_20 : memref<1x640x128xf32, #tpu.memory_space<hbm>> -> memref<640x128xf32, #tpu.memory_space<hbm>>
      %dma_start3A_22 = arith.constant 0 : i32
      %dma_start3A_23 = tpu.memref_slice %arg7[%mul3A_17, %dma_start3A_22] : memref<10240x128xf32, #tpu.memory_space<vmem_shared>> -> memref<640x128xf32, #tpu.memory_space<vmem_shared>>
      tpu.enqueue_dma source(%dma_start3A_23 : memref<640x128xf32, #tpu.memory_space<vmem_shared>>) target(%dma_start3A_21 : memref<640x128xf32, #tpu.memory_space<hbm>>) target_semaphore(%run_scoped3A : memref<!tpu.dma_semaphore, #tpu.memory_space<semaphore_mem>>)
      %dma_wait3A = arith.constant 0 : i32
      %dma_wait3A_24 = tpu.memref_slice %arg4[%arg0, %mul3A_19, %dma_wait3A] : memref<2x10240x128xf32, #tpu.memory_space<hbm>> -> memref<1x640x128xf32, #tpu.memory_space<hbm>>
      %dma_wait3A_25 = tpu.memref_squeeze %dma_wait3A_24 : memref<1x640x128xf32, #tpu.memory_space<hbm>> -> memref<640x128xf32, #tpu.memory_space<hbm>>
      %dma_wait3A_26 = arith.constant 0 : i32
      %dma_wait3A_27 = tpu.memref_slice %arg7[%mul3A_17, %dma_wait3A_26] : memref<10240x128xf32, #tpu.memory_space<vmem_shared>> -> memref<640x128xf32, #tpu.memory_space<vmem_shared>>
      tpu.wait_dma2 semaphore(%run_scoped3A : memref<!tpu.dma_semaphore, #tpu.memory_space<semaphore_mem>>) src(%dma_wait3A_27 : memref<640x128xf32, #tpu.memory_space<vmem_shared>>) dst(%dma_wait3A_25 : memref<640x128xf32, #tpu.memory_space<hbm>>)
      tpu.yield
    }) : () -> ()
    return
  }
}

#map = affine_map<(d0, d1) -> (0, 0)>
#map1 = affine_map<(d0, d1) -> (0, 0, 0)>
module attributes {stable_mosaic.version = 14 : i64} {
  func.func @_sc_agg(%arg0: i32, %arg1: i32, %arg2: memref<10000x128xf32, #tpu.memory_space<hbm>>, %arg3: memref<2560x128xi32, #tpu.memory_space<hbm>>, %arg4: memref<2560x128xi32, #tpu.memory_space<hbm>>, %arg5: memref<640x128xf32, #tpu.memory_space<hbm>>, %arg6: memref<2x10240x128xf32, #tpu.memory_space<hbm>>, %arg7: memref<32x128xi32, #tpu.memory_space<vmem>>, %arg8: memref<32x128xi32, #tpu.memory_space<vmem>>, %arg9: memref<128x128xf32, #tpu.memory_space<vmem>>, %arg10: memref<128x128xf32, #tpu.memory_space<vmem>>, %arg11: memref<10240x128xf32, #tpu.memory_space<vmem_shared>>, %arg12: memref<!tpu.dma_semaphore, #tpu.memory_space<semaphore_mem>>, %arg13: memref<!tpu.dma_semaphore, #tpu.memory_space<semaphore_mem>>) attributes {dimension_semantics = [#tpu.dimension_semantics<core_parallel>, #tpu.dimension_semantics<subcore_parallel>], iteration_bounds = array<i64: 2, 16>, scalar_prefetch = 0 : i64, scratch_operands = 7 : i64, tpu.core_type = #tpu.core_type<sc_vector_subcore>, window_params = [{transform_indices = #map}, {transform_indices = #map}, {transform_indices = #map}, {transform_indices = #map}, {transform_indices = #map1}]} {
    %mul3A = arith.constant 640 : i32
    %mul3A_0 = arith.muli %arg1, %mul3A : i32
    "tpu.region"() ({
      %run_scoped3A = tpu.sem_alloc : memref<!tpu.dma_semaphore, #tpu.memory_space<semaphore_mem>>
      %dma_start3A = arith.constant 0 : i32
      %dma_start3A_13 = tpu.memref_slice %arg11[%mul3A_0, %dma_start3A] : memref<10240x128xf32, #tpu.memory_space<vmem_shared>> -> memref<640x128xf32, #tpu.memory_space<vmem_shared>>
      tpu.enqueue_dma source(%arg5 : memref<640x128xf32, #tpu.memory_space<hbm>>) target(%dma_start3A_13 : memref<640x128xf32, #tpu.memory_space<vmem_shared>>) target_semaphore(%run_scoped3A : memref<!tpu.dma_semaphore, #tpu.memory_space<semaphore_mem>>)
      %dma_wait3A = arith.constant 0 : i32
      %dma_wait3A_14 = tpu.memref_slice %arg11[%mul3A_0, %dma_wait3A] : memref<10240x128xf32, #tpu.memory_space<vmem_shared>> -> memref<640x128xf32, #tpu.memory_space<vmem_shared>>
      tpu.wait_dma2 semaphore(%run_scoped3A : memref<!tpu.dma_semaphore, #tpu.memory_space<semaphore_mem>>) src(%arg5 : memref<640x128xf32, #tpu.memory_space<hbm>>) dst(%dma_wait3A_14 : memref<640x128xf32, #tpu.memory_space<vmem_shared>>)
      tpu.yield
    }) : () -> ()
    %barrier3A = arith.constant 0 : index
    tpu.barrier barrier_id(%barrier3A)
    %eq3A = arith.constant 0 : i32
    %eq3A_1 = arith.cmpi eq, %arg0, %eq3A : i32
    %convert_element_type3A = arith.extui %eq3A_1 : i1 to i32
    %cond3A = arith.constant 0 : i32
    %cond3A_2 = arith.cmpi ne, %convert_element_type3A, %cond3A : i32
    scf.if %cond3A_2 {
      %mul3A_13 = arith.constant 128 : i32
      %mul3A_14 = arith.muli %arg1, %mul3A_13 : i32
      %add3A = arith.constant 0 : i32
      %add3A_15 = arith.addi %mul3A_14, %add3A : i32
      "tpu.region"() ({
        %run_scoped3A = tpu.sem_alloc : memref<!tpu.dma_semaphore, #tpu.memory_space<semaphore_mem>>
        %dma_start3A_78 = arith.constant 0 : i32
        %dma_start3A_79 = arith.constant 0 : i32
        %dma_start3A_80 = tpu.memref_slice %arg7[%dma_start3A_78, %dma_start3A_79] : memref<32x128xi32, #tpu.memory_space<vmem>> -> memref<32x128xi32, #tpu.memory_space<vmem>>
        %dma_start3A_81 = arith.constant 0 : i32
        %dma_start3A_82 = tpu.memref_slice %arg3[%add3A_15, %dma_start3A_81] : memref<2560x128xi32, #tpu.memory_space<hbm>> -> memref<32x128xi32, #tpu.memory_space<hbm>>
        %dma_start3A_83 = arith.constant 0 : i32
        %dma_start3A_84 = arith.constant 0 : i32
        %dma_start3A_85 = tpu.memref_slice %arg7[%dma_start3A_83, %dma_start3A_84] : memref<32x128xi32, #tpu.memory_space<vmem>> -> memref<32x128xi32, #tpu.memory_space<vmem>>
        %dma_start3A_86 = arith.constant 0 : i32
        %dma_start3A_87 = tpu.memref_slice %arg3[%add3A_15, %dma_start3A_86] : memref<2560x128xi32, #tpu.memory_space<hbm>> -> memref<32x128xi32, #tpu.memory_space<hbm>>
        tpu.enqueue_dma source(%dma_start3A_87 : memref<32x128xi32, #tpu.memory_space<hbm>>) target(%dma_start3A_85 : memref<32x128xi32, #tpu.memory_space<vmem>>) target_semaphore(%run_scoped3A : memref<!tpu.dma_semaphore, #tpu.memory_space<semaphore_mem>>)
        %dma_wait3A = arith.constant 0 : i32
        %dma_wait3A_88 = arith.constant 0 : i32
        %dma_wait3A_89 = tpu.memref_slice %arg7[%dma_wait3A, %dma_wait3A_88] : memref<32x128xi32, #tpu.memory_space<vmem>> -> memref<32x128xi32, #tpu.memory_space<vmem>>
        %dma_wait3A_90 = arith.constant 0 : i32
        %dma_wait3A_91 = tpu.memref_slice %arg3[%add3A_15, %dma_wait3A_90] : memref<2560x128xi32, #tpu.memory_space<hbm>> -> memref<32x128xi32, #tpu.memory_space<hbm>>
        %dma_wait3A_92 = arith.constant 0 : i32
        %dma_wait3A_93 = arith.constant 0 : i32
        %dma_wait3A_94 = tpu.memref_slice %arg7[%dma_wait3A_92, %dma_wait3A_93] : memref<32x128xi32, #tpu.memory_space<vmem>> -> memref<32x128xi32, #tpu.memory_space<vmem>>
        %dma_wait3A_95 = arith.constant 0 : i32
        %dma_wait3A_96 = tpu.memref_slice %arg3[%add3A_15, %dma_wait3A_95] : memref<2560x128xi32, #tpu.memory_space<hbm>> -> memref<32x128xi32, #tpu.memory_space<hbm>>
        tpu.wait_dma2 semaphore(%run_scoped3A : memref<!tpu.dma_semaphore, #tpu.memory_space<semaphore_mem>>) src(%dma_wait3A_96 : memref<32x128xi32, #tpu.memory_space<hbm>>) dst(%dma_wait3A_94 : memref<32x128xi32, #tpu.memory_space<vmem>>)
        tpu.yield
      }) : () -> ()
      "tpu.region"() ({
        %run_scoped3A = tpu.sem_alloc : memref<!tpu.dma_semaphore, #tpu.memory_space<semaphore_mem>>
        %dma_start3A_78 = arith.constant 0 : i32
        %dma_start3A_79 = arith.constant 0 : i32
        %dma_start3A_80 = tpu.memref_slice %arg8[%dma_start3A_78, %dma_start3A_79] : memref<32x128xi32, #tpu.memory_space<vmem>> -> memref<32x128xi32, #tpu.memory_space<vmem>>
        %dma_start3A_81 = arith.constant 0 : i32
        %dma_start3A_82 = tpu.memref_slice %arg4[%add3A_15, %dma_start3A_81] : memref<2560x128xi32, #tpu.memory_space<hbm>> -> memref<32x128xi32, #tpu.memory_space<hbm>>
        %dma_start3A_83 = arith.constant 0 : i32
        %dma_start3A_84 = arith.constant 0 : i32
        %dma_start3A_85 = tpu.memref_slice %arg8[%dma_start3A_83, %dma_start3A_84] : memref<32x128xi32, #tpu.memory_space<vmem>> -> memref<32x128xi32, #tpu.memory_space<vmem>>
        %dma_start3A_86 = arith.constant 0 : i32
        %dma_start3A_87 = tpu.memref_slice %arg4[%add3A_15, %dma_start3A_86] : memref<2560x128xi32, #tpu.memory_space<hbm>> -> memref<32x128xi32, #tpu.memory_space<hbm>>
        tpu.enqueue_dma source(%dma_start3A_87 : memref<32x128xi32, #tpu.memory_space<hbm>>) target(%dma_start3A_85 : memref<32x128xi32, #tpu.memory_space<vmem>>) target_semaphore(%run_scoped3A : memref<!tpu.dma_semaphore, #tpu.memory_space<semaphore_mem>>)
        %dma_wait3A = arith.constant 0 : i32
        %dma_wait3A_88 = arith.constant 0 : i32
        %dma_wait3A_89 = tpu.memref_slice %arg8[%dma_wait3A, %dma_wait3A_88] : memref<32x128xi32, #tpu.memory_space<vmem>> -> memref<32x128xi32, #tpu.memory_space<vmem>>
        %dma_wait3A_90 = arith.constant 0 : i32
        %dma_wait3A_91 = tpu.memref_slice %arg4[%add3A_15, %dma_wait3A_90] : memref<2560x128xi32, #tpu.memory_space<hbm>> -> memref<32x128xi32, #tpu.memory_space<hbm>>
        %dma_wait3A_92 = arith.constant 0 : i32
        %dma_wait3A_93 = arith.constant 0 : i32
        %dma_wait3A_94 = tpu.memref_slice %arg8[%dma_wait3A_92, %dma_wait3A_93] : memref<32x128xi32, #tpu.memory_space<vmem>> -> memref<32x128xi32, #tpu.memory_space<vmem>>
        %dma_wait3A_95 = arith.constant 0 : i32
        %dma_wait3A_96 = tpu.memref_slice %arg4[%add3A_15, %dma_wait3A_95] : memref<2560x128xi32, #tpu.memory_space<hbm>> -> memref<32x128xi32, #tpu.memory_space<hbm>>
        tpu.wait_dma2 semaphore(%run_scoped3A : memref<!tpu.dma_semaphore, #tpu.memory_space<semaphore_mem>>) src(%dma_wait3A_96 : memref<32x128xi32, #tpu.memory_space<hbm>>) dst(%dma_wait3A_94 : memref<32x128xi32, #tpu.memory_space<vmem>>)
        tpu.yield
      }) : () -> ()
      %dma_start3A = arith.constant 0 : i32
      %dma_start3A_16 = arith.constant 0 : i32
      %dma_start3A_17 = tpu.memref_slice %arg7[%dma_start3A, %dma_start3A_16] : memref<32x128xi32, #tpu.memory_space<vmem>> -> memref<1x128xi32, #tpu.memory_space<vmem>>
      %dma_start3A_18 = tpu.memref_squeeze %dma_start3A_17 : memref<1x128xi32, #tpu.memory_space<vmem>> -> memref<128xi32, #tpu.memory_space<vmem>>
      %dma_start3A_19 = arith.constant 0 : i32
      %dma_start3A_20 = arith.constant 0 : i32
      %dma_start3A_21 = tpu.memref_slice %arg2[%dma_start3A_19, %dma_start3A_20] : memref<10000x128xf32, #tpu.memory_space<hbm>> -> memref<10000x128xf32, #tpu.memory_space<hbm>>
      tpu.enqueue_indirect_dma source(%dma_start3A_21 : memref<10000x128xf32, #tpu.memory_space<hbm>>) target(%arg9 : memref<128x128xf32, #tpu.memory_space<vmem>>) offsets(%dma_start3A_18 : memref<128xi32, #tpu.memory_space<vmem>>) semaphore(%arg12 : memref<!tpu.dma_semaphore, #tpu.memory_space<semaphore_mem>>)
      %scan3A = arith.constant 0 : i32
      %scan3A_22 = arith.constant 0 : i32
      %scan3A_23 = arith.constant 16 : i32
      %scan3A_24 = arith.addi %scan3A_22, %scan3A_23 : i32
      %scan3A_25 = arith.constant 1 : i32
      scf.for %scan3A_78 = %scan3A_22 to %scan3A_24 step %scan3A_25  : i32 {
        %mul3A_79 = arith.constant 2 : i32
        %mul3A_80 = arith.muli %mul3A_79, %scan3A_78 : i32
        %add3A_81 = arith.constant 1 : i32
        %add3A_82 = arith.addi %mul3A_80, %add3A_81 : i32
        %dma_start3A_83 = arith.constant 0 : i32
        %dma_start3A_84 = tpu.memref_slice %arg7[%add3A_82, %dma_start3A_83] : memref<32x128xi32, #tpu.memory_space<vmem>> -> memref<1x128xi32, #tpu.memory_space<vmem>>
        %dma_start3A_85 = tpu.memref_squeeze %dma_start3A_84 : memref<1x128xi32, #tpu.memory_space<vmem>> -> memref<128xi32, #tpu.memory_space<vmem>>
        %dma_start3A_86 = arith.constant 0 : i32
        %dma_start3A_87 = arith.constant 0 : i32
        %dma_start3A_88 = tpu.memref_slice %arg2[%dma_start3A_86, %dma_start3A_87] : memref<10000x128xf32, #tpu.memory_space<hbm>> -> memref<10000x128xf32, #tpu.memory_space<hbm>>
        tpu.enqueue_indirect_dma source(%dma_start3A_88 : memref<10000x128xf32, #tpu.memory_space<hbm>>) target(%arg10 : memref<128x128xf32, #tpu.memory_space<vmem>>) offsets(%dma_start3A_85 : memref<128xi32, #tpu.memory_space<vmem>>) semaphore(%arg13 : memref<!tpu.dma_semaphore, #tpu.memory_space<semaphore_mem>>)
        %dma_wait3A = arith.constant 0 : i32
        %dma_wait3A_89 = arith.constant 0 : i32
        %dma_wait3A_90 = tpu.memref_slice %arg7[%dma_wait3A, %dma_wait3A_89] : memref<32x128xi32, #tpu.memory_space<vmem>> -> memref<1x128xi32, #tpu.memory_space<vmem>>
        %dma_wait3A_91 = tpu.memref_squeeze %dma_wait3A_90 : memref<1x128xi32, #tpu.memory_space<vmem>> -> memref<128xi32, #tpu.memory_space<vmem>>
        %dma_wait3A_92 = arith.constant 0 : i32
        %dma_wait3A_93 = arith.constant 0 : i32
        %dma_wait3A_94 = tpu.memref_slice %arg2[%dma_wait3A_92, %dma_wait3A_93] : memref<10000x128xf32, #tpu.memory_space<hbm>> -> memref<10000x128xf32, #tpu.memory_space<hbm>>
        tpu.wait_indirect_dma semaphore(%arg12 : memref<!tpu.dma_semaphore, #tpu.memory_space<semaphore_mem>>) src(%dma_wait3A_94 : memref<10000x128xf32, #tpu.memory_space<hbm>>) dst(%arg9 : memref<128x128xf32, #tpu.memory_space<vmem>>)
        %mul3A_95 = arith.constant 2 : i32
        %mul3A_96 = arith.muli %mul3A_95, %scan3A_78 : i32
        "tpu.region"() ({
          %run_scoped3A = tpu.sem_alloc : memref<!tpu.dma_semaphore, #tpu.memory_space<semaphore_mem>>
          %dma_start3A_112 = arith.constant 0 : i32
          %dma_start3A_113 = tpu.memref_slice %arg8[%mul3A_96, %dma_start3A_112] : memref<32x128xi32, #tpu.memory_space<vmem>> -> memref<1x128xi32, #tpu.memory_space<vmem>>
          %dma_start3A_114 = tpu.memref_squeeze %dma_start3A_113 : memref<1x128xi32, #tpu.memory_space<vmem>> -> memref<128xi32, #tpu.memory_space<vmem>>
          %dma_start3A_115 = arith.constant 0 : i32
          %dma_start3A_116 = arith.constant 0 : i32
          %dma_start3A_117 = tpu.memref_slice %arg11[%dma_start3A_115, %dma_start3A_116] : memref<10240x128xf32, #tpu.memory_space<vmem_shared>> -> memref<10240x128xf32, #tpu.memory_space<vmem_shared>>
          tpu.enqueue_indirect_dma source(%arg9 : memref<128x128xf32, #tpu.memory_space<vmem>>) target(%dma_start3A_117 : memref<10240x128xf32, #tpu.memory_space<vmem_shared>>) offsets(%dma_start3A_114 : memref<128xi32, #tpu.memory_space<vmem>>) semaphore(%run_scoped3A : memref<!tpu.dma_semaphore, #tpu.memory_space<semaphore_mem>>) {add = true}
          %dma_wait3A_118 = arith.constant 0 : i32
          %dma_wait3A_119 = tpu.memref_slice %arg8[%mul3A_96, %dma_wait3A_118] : memref<32x128xi32, #tpu.memory_space<vmem>> -> memref<1x128xi32, #tpu.memory_space<vmem>>
          %dma_wait3A_120 = tpu.memref_squeeze %dma_wait3A_119 : memref<1x128xi32, #tpu.memory_space<vmem>> -> memref<128xi32, #tpu.memory_space<vmem>>
          %dma_wait3A_121 = arith.constant 0 : i32
          %dma_wait3A_122 = arith.constant 0 : i32
          %dma_wait3A_123 = tpu.memref_slice %arg11[%dma_wait3A_121, %dma_wait3A_122] : memref<10240x128xf32, #tpu.memory_space<vmem_shared>> -> memref<10240x128xf32, #tpu.memory_space<vmem_shared>>
          tpu.wait_indirect_dma semaphore(%run_scoped3A : memref<!tpu.dma_semaphore, #tpu.memory_space<semaphore_mem>>) src(%arg9 : memref<128x128xf32, #tpu.memory_space<vmem>>) dst(%dma_wait3A_123 : memref<10240x128xf32, #tpu.memory_space<vmem_shared>>)
          tpu.yield
        }) : () -> ()
        %lt3A = arith.constant 15 : i32
        %lt3A_97 = arith.cmpi slt, %scan3A_78, %lt3A : i32
        %convert_element_type3A_98 = arith.extui %lt3A_97 : i1 to i32
        %cond3A_99 = arith.constant 0 : i32
        %cond3A_100 = arith.cmpi ne, %convert_element_type3A_98, %cond3A_99 : i32
        scf.if %cond3A_100 {
          %mul3A_112 = arith.constant 2 : i32
          %mul3A_113 = arith.muli %mul3A_112, %scan3A_78 : i32
          %add3A_114 = arith.constant 2 : i32
          %add3A_115 = arith.addi %mul3A_113, %add3A_114 : i32
          %dma_start3A_116 = arith.constant 0 : i32
          %dma_start3A_117 = tpu.memref_slice %arg7[%add3A_115, %dma_start3A_116] : memref<32x128xi32, #tpu.memory_space<vmem>> -> memref<1x128xi32, #tpu.memory_space<vmem>>
          %dma_start3A_118 = tpu.memref_squeeze %dma_start3A_117 : memref<1x128xi32, #tpu.memory_space<vmem>> -> memref<128xi32, #tpu.memory_space<vmem>>
          %dma_start3A_119 = arith.constant 0 : i32
          %dma_start3A_120 = arith.constant 0 : i32
          %dma_start3A_121 = tpu.memref_slice %arg2[%dma_start3A_119, %dma_start3A_120] : memref<10000x128xf32, #tpu.memory_space<hbm>> -> memref<10000x128xf32, #tpu.memory_space<hbm>>
          tpu.enqueue_indirect_dma source(%dma_start3A_121 : memref<10000x128xf32, #tpu.memory_space<hbm>>) target(%arg9 : memref<128x128xf32, #tpu.memory_space<vmem>>) offsets(%dma_start3A_118 : memref<128xi32, #tpu.memory_space<vmem>>) semaphore(%arg12 : memref<!tpu.dma_semaphore, #tpu.memory_space<semaphore_mem>>)
        } else {
        }
        %dma_wait3A_101 = arith.constant 0 : i32
        %dma_wait3A_102 = arith.constant 0 : i32
        %dma_wait3A_103 = tpu.memref_slice %arg7[%dma_wait3A_101, %dma_wait3A_102] : memref<32x128xi32, #tpu.memory_space<vmem>> -> memref<1x128xi32, #tpu.memory_space<vmem>>
        %dma_wait3A_104 = tpu.memref_squeeze %dma_wait3A_103 : memref<1x128xi32, #tpu.memory_space<vmem>> -> memref<128xi32, #tpu.memory_space<vmem>>
        %dma_wait3A_105 = arith.constant 0 : i32
        %dma_wait3A_106 = arith.constant 0 : i32
        %dma_wait3A_107 = tpu.memref_slice %arg2[%dma_wait3A_105, %dma_wait3A_106] : memref<10000x128xf32, #tpu.memory_space<hbm>> -> memref<10000x128xf32, #tpu.memory_space<hbm>>
        tpu.wait_indirect_dma semaphore(%arg13 : memref<!tpu.dma_semaphore, #tpu.memory_space<semaphore_mem>>) src(%dma_wait3A_107 : memref<10000x128xf32, #tpu.memory_space<hbm>>) dst(%arg10 : memref<128x128xf32, #tpu.memory_space<vmem>>)
        %mul3A_108 = arith.constant 2 : i32
        %mul3A_109 = arith.muli %mul3A_108, %scan3A_78 : i32
        %add3A_110 = arith.constant 1 : i32
        %add3A_111 = arith.addi %mul3A_109, %add3A_110 : i32
        "tpu.region"() ({
          %run_scoped3A = tpu.sem_alloc : memref<!tpu.dma_semaphore, #tpu.memory_space<semaphore_mem>>
          %dma_start3A_112 = arith.constant 0 : i32
          %dma_start3A_113 = tpu.memref_slice %arg8[%add3A_111, %dma_start3A_112] : memref<32x128xi32, #tpu.memory_space<vmem>> -> memref<1x128xi32, #tpu.memory_space<vmem>>
          %dma_start3A_114 = tpu.memref_squeeze %dma_start3A_113 : memref<1x128xi32, #tpu.memory_space<vmem>> -> memref<128xi32, #tpu.memory_space<vmem>>
          %dma_start3A_115 = arith.constant 0 : i32
          %dma_start3A_116 = arith.constant 0 : i32
          %dma_start3A_117 = tpu.memref_slice %arg11[%dma_start3A_115, %dma_start3A_116] : memref<10240x128xf32, #tpu.memory_space<vmem_shared>> -> memref<10240x128xf32, #tpu.memory_space<vmem_shared>>
          tpu.enqueue_indirect_dma source(%arg10 : memref<128x128xf32, #tpu.memory_space<vmem>>) target(%dma_start3A_117 : memref<10240x128xf32, #tpu.memory_space<vmem_shared>>) offsets(%dma_start3A_114 : memref<128xi32, #tpu.memory_space<vmem>>) semaphore(%run_scoped3A : memref<!tpu.dma_semaphore, #tpu.memory_space<semaphore_mem>>) {add = true}
          %dma_wait3A_118 = arith.constant 0 : i32
          %dma_wait3A_119 = tpu.memref_slice %arg8[%add3A_111, %dma_wait3A_118] : memref<32x128xi32, #tpu.memory_space<vmem>> -> memref<1x128xi32, #tpu.memory_space<vmem>>
          %dma_wait3A_120 = tpu.memref_squeeze %dma_wait3A_119 : memref<1x128xi32, #tpu.memory_space<vmem>> -> memref<128xi32, #tpu.memory_space<vmem>>
          %dma_wait3A_121 = arith.constant 0 : i32
          %dma_wait3A_122 = arith.constant 0 : i32
          %dma_wait3A_123 = tpu.memref_slice %arg11[%dma_wait3A_121, %dma_wait3A_122] : memref<10240x128xf32, #tpu.memory_space<vmem_shared>> -> memref<10240x128xf32, #tpu.memory_space<vmem_shared>>
          tpu.wait_indirect_dma semaphore(%run_scoped3A : memref<!tpu.dma_semaphore, #tpu.memory_space<semaphore_mem>>) src(%arg10 : memref<128x128xf32, #tpu.memory_space<vmem>>) dst(%dma_wait3A_123 : memref<10240x128xf32, #tpu.memory_space<vmem_shared>>)
          tpu.yield
        }) : () -> ()
      }
      %scan3A_26 = arith.constant 16 : i32
      %mul3A_27 = arith.constant 128 : i32
      %mul3A_28 = arith.muli %arg1, %mul3A_27 : i32
      %add3A_29 = arith.constant 32 : i32
      %add3A_30 = arith.addi %mul3A_28, %add3A_29 : i32
      "tpu.region"() ({
        %run_scoped3A = tpu.sem_alloc : memref<!tpu.dma_semaphore, #tpu.memory_space<semaphore_mem>>
        %dma_start3A_78 = arith.constant 0 : i32
        %dma_start3A_79 = arith.constant 0 : i32
        %dma_start3A_80 = tpu.memref_slice %arg7[%dma_start3A_78, %dma_start3A_79] : memref<32x128xi32, #tpu.memory_space<vmem>> -> memref<32x128xi32, #tpu.memory_space<vmem>>
        %dma_start3A_81 = arith.constant 0 : i32
        %dma_start3A_82 = tpu.memref_slice %arg3[%add3A_30, %dma_start3A_81] : memref<2560x128xi32, #tpu.memory_space<hbm>> -> memref<32x128xi32, #tpu.memory_space<hbm>>
        %dma_start3A_83 = arith.constant 0 : i32
        %dma_start3A_84 = arith.constant 0 : i32
        %dma_start3A_85 = tpu.memref_slice %arg7[%dma_start3A_83, %dma_start3A_84] : memref<32x128xi32, #tpu.memory_space<vmem>> -> memref<32x128xi32, #tpu.memory_space<vmem>>
        %dma_start3A_86 = arith.constant 0 : i32
        %dma_start3A_87 = tpu.memref_slice %arg3[%add3A_30, %dma_start3A_86] : memref<2560x128xi32, #tpu.memory_space<hbm>> -> memref<32x128xi32, #tpu.memory_space<hbm>>
        tpu.enqueue_dma source(%dma_start3A_87 : memref<32x128xi32, #tpu.memory_space<hbm>>) target(%dma_start3A_85 : memref<32x128xi32, #tpu.memory_space<vmem>>) target_semaphore(%run_scoped3A : memref<!tpu.dma_semaphore, #tpu.memory_space<semaphore_mem>>)
        %dma_wait3A = arith.constant 0 : i32
        %dma_wait3A_88 = arith.constant 0 : i32
        %dma_wait3A_89 = tpu.memref_slice %arg7[%dma_wait3A, %dma_wait3A_88] : memref<32x128xi32, #tpu.memory_space<vmem>> -> memref<32x128xi32, #tpu.memory_space<vmem>>
        %dma_wait3A_90 = arith.constant 0 : i32
        %dma_wait3A_91 = tpu.memref_slice %arg3[%add3A_30, %dma_wait3A_90] : memref<2560x128xi32, #tpu.memory_space<hbm>> -> memref<32x128xi32, #tpu.memory_space<hbm>>
        %dma_wait3A_92 = arith.constant 0 : i32
        %dma_wait3A_93 = arith.constant 0 : i32
        %dma_wait3A_94 = tpu.memref_slice %arg7[%dma_wait3A_92, %dma_wait3A_93] : memref<32x128xi32, #tpu.memory_space<vmem>> -> memref<32x128xi32, #tpu.memory_space<vmem>>
        %dma_wait3A_95 = arith.constant 0 : i32
        %dma_wait3A_96 = tpu.memref_slice %arg3[%add3A_30, %dma_wait3A_95] : memref<2560x128xi32, #tpu.memory_space<hbm>> -> memref<32x128xi32, #tpu.memory_space<hbm>>
        tpu.wait_dma2 semaphore(%run_scoped3A : memref<!tpu.dma_semaphore, #tpu.memory_space<semaphore_mem>>) src(%dma_wait3A_96 : memref<32x128xi32, #tpu.memory_space<hbm>>) dst(%dma_wait3A_94 : memref<32x128xi32, #tpu.memory_space<vmem>>)
        tpu.yield
      }) : () -> ()
      "tpu.region"() ({
        %run_scoped3A = tpu.sem_alloc : memref<!tpu.dma_semaphore, #tpu.memory_space<semaphore_mem>>
        %dma_start3A_78 = arith.constant 0 : i32
        %dma_start3A_79 = arith.constant 0 : i32
        %dma_start3A_80 = tpu.memref_slice %arg8[%dma_start3A_78, %dma_start3A_79] : memref<32x128xi32, #tpu.memory_space<vmem>> -> memref<32x128xi32, #tpu.memory_space<vmem>>
        %dma_start3A_81 = arith.constant 0 : i32
        %dma_start3A_82 = tpu.memref_slice %arg4[%add3A_30, %dma_start3A_81] : memref<2560x128xi32, #tpu.memory_space<hbm>> -> memref<32x128xi32, #tpu.memory_space<hbm>>
        %dma_start3A_83 = arith.constant 0 : i32
        %dma_start3A_84 = arith.constant 0 : i32
        %dma_start3A_85 = tpu.memref_slice %arg8[%dma_start3A_83, %dma_start3A_84] : memref<32x128xi32, #tpu.memory_space<vmem>> -> memref<32x128xi32, #tpu.memory_space<vmem>>
        %dma_start3A_86 = arith.constant 0 : i32
        %dma_start3A_87 = tpu.memref_slice %arg4[%add3A_30, %dma_start3A_86] : memref<2560x128xi32, #tpu.memory_space<hbm>> -> memref<32x128xi32, #tpu.memory_space<hbm>>
        tpu.enqueue_dma source(%dma_start3A_87 : memref<32x128xi32, #tpu.memory_space<hbm>>) target(%dma_start3A_85 : memref<32x128xi32, #tpu.memory_space<vmem>>) target_semaphore(%run_scoped3A : memref<!tpu.dma_semaphore, #tpu.memory_space<semaphore_mem>>)
        %dma_wait3A = arith.constant 0 : i32
        %dma_wait3A_88 = arith.constant 0 : i32
        %dma_wait3A_89 = tpu.memref_slice %arg8[%dma_wait3A, %dma_wait3A_88] : memref<32x128xi32, #tpu.memory_space<vmem>> -> memref<32x128xi32, #tpu.memory_space<vmem>>
        %dma_wait3A_90 = arith.constant 0 : i32
        %dma_wait3A_91 = tpu.memref_slice %arg4[%add3A_30, %dma_wait3A_90] : memref<2560x128xi32, #tpu.memory_space<hbm>> -> memref<32x128xi32, #tpu.memory_space<hbm>>
        %dma_wait3A_92 = arith.constant 0 : i32
        %dma_wait3A_93 = arith.constant 0 : i32
        %dma_wait3A_94 = tpu.memref_slice %arg8[%dma_wait3A_92, %dma_wait3A_93] : memref<32x128xi32, #tpu.memory_space<vmem>> -> memref<32x128xi32, #tpu.memory_space<vmem>>
        %dma_wait3A_95 = arith.constant 0 : i32
        %dma_wait3A_96 = tpu.memref_slice %arg4[%add3A_30, %dma_wait3A_95] : memref<2560x128xi32, #tpu.memory_space<hbm>> -> memref<32x128xi32, #tpu.memory_space<hbm>>
        tpu.wait_dma2 semaphore(%run_scoped3A : memref<!tpu.dma_semaphore, #tpu.memory_space<semaphore_mem>>) src(%dma_wait3A_96 : memref<32x128xi32, #tpu.memory_space<hbm>>) dst(%dma_wait3A_94 : memref<32x128xi32, #tpu.memory_space<vmem>>)
        tpu.yield
      }) : () -> ()
      %dma_start3A_31 = arith.constant 0 : i32
      %dma_start3A_32 = arith.constant 0 : i32
      %dma_start3A_33 = tpu.memref_slice %arg7[%dma_start3A_31, %dma_start3A_32] : memref<32x128xi32, #tpu.memory_space<vmem>> -> memref<1x128xi32, #tpu.memory_space<vmem>>
      %dma_start3A_34 = tpu.memref_squeeze %dma_start3A_33 : memref<1x128xi32, #tpu.memory_space<vmem>> -> memref<128xi32, #tpu.memory_space<vmem>>
      %dma_start3A_35 = arith.constant 0 : i32
      %dma_start3A_36 = arith.constant 0 : i32
      %dma_start3A_37 = tpu.memref_slice %arg2[%dma_start3A_35, %dma_start3A_36] : memref<10000x128xf32, #tpu.memory_space<hbm>> -> memref<10000x128xf32, #tpu.memory_space<hbm>>
      tpu.enqueue_indirect_dma source(%dma_start3A_37 : memref<10000x128xf32, #tpu.memory_space<hbm>>) target(%arg9 : memref<128x128xf32, #tpu.memory_space<vmem>>) offsets(%dma_start3A_34 : memref<128xi32, #tpu.memory_space<vmem>>) semaphore(%arg12 : memref<!tpu.dma_semaphore, #tpu.memory_space<semaphore_mem>>)
      %scan3A_38 = arith.constant 0 : i32
      %scan3A_39 = arith.constant 0 : i32
      %scan3A_40 = arith.constant 16 : i32
      %scan3A_41 = arith.addi %scan3A_39, %scan3A_40 : i32
      %scan3A_42 = arith.constant 1 : i32
      scf.for %scan3A_78 = %scan3A_39 to %scan3A_41 step %scan3A_42  : i32 {
        %mul3A_79 = arith.constant 2 : i32
        %mul3A_80 = arith.muli %mul3A_79, %scan3A_78 : i32
        %add3A_81 = arith.constant 1 : i32
        %add3A_82 = arith.addi %mul3A_80, %add3A_81 : i32
        %dma_start3A_83 = arith.constant 0 : i32
        %dma_start3A_84 = tpu.memref_slice %arg7[%add3A_82, %dma_start3A_83] : memref<32x128xi32, #tpu.memory_space<vmem>> -> memref<1x128xi32, #tpu.memory_space<vmem>>
        %dma_start3A_85 = tpu.memref_squeeze %dma_start3A_84 : memref<1x128xi32, #tpu.memory_space<vmem>> -> memref<128xi32, #tpu.memory_space<vmem>>
        %dma_start3A_86 = arith.constant 0 : i32
        %dma_start3A_87 = arith.constant 0 : i32
        %dma_start3A_88 = tpu.memref_slice %arg2[%dma_start3A_86, %dma_start3A_87] : memref<10000x128xf32, #tpu.memory_space<hbm>> -> memref<10000x128xf32, #tpu.memory_space<hbm>>
        tpu.enqueue_indirect_dma source(%dma_start3A_88 : memref<10000x128xf32, #tpu.memory_space<hbm>>) target(%arg10 : memref<128x128xf32, #tpu.memory_space<vmem>>) offsets(%dma_start3A_85 : memref<128xi32, #tpu.memory_space<vmem>>) semaphore(%arg13 : memref<!tpu.dma_semaphore, #tpu.memory_space<semaphore_mem>>)
        %dma_wait3A = arith.constant 0 : i32
        %dma_wait3A_89 = arith.constant 0 : i32
        %dma_wait3A_90 = tpu.memref_slice %arg7[%dma_wait3A, %dma_wait3A_89] : memref<32x128xi32, #tpu.memory_space<vmem>> -> memref<1x128xi32, #tpu.memory_space<vmem>>
        %dma_wait3A_91 = tpu.memref_squeeze %dma_wait3A_90 : memref<1x128xi32, #tpu.memory_space<vmem>> -> memref<128xi32, #tpu.memory_space<vmem>>
        %dma_wait3A_92 = arith.constant 0 : i32
        %dma_wait3A_93 = arith.constant 0 : i32
        %dma_wait3A_94 = tpu.memref_slice %arg2[%dma_wait3A_92, %dma_wait3A_93] : memref<10000x128xf32, #tpu.memory_space<hbm>> -> memref<10000x128xf32, #tpu.memory_space<hbm>>
        tpu.wait_indirect_dma semaphore(%arg12 : memref<!tpu.dma_semaphore, #tpu.memory_space<semaphore_mem>>) src(%dma_wait3A_94 : memref<10000x128xf32, #tpu.memory_space<hbm>>) dst(%arg9 : memref<128x128xf32, #tpu.memory_space<vmem>>)
        %mul3A_95 = arith.constant 2 : i32
        %mul3A_96 = arith.muli %mul3A_95, %scan3A_78 : i32
        "tpu.region"() ({
          %run_scoped3A = tpu.sem_alloc : memref<!tpu.dma_semaphore, #tpu.memory_space<semaphore_mem>>
          %dma_start3A_112 = arith.constant 0 : i32
          %dma_start3A_113 = tpu.memref_slice %arg8[%mul3A_96, %dma_start3A_112] : memref<32x128xi32, #tpu.memory_space<vmem>> -> memref<1x128xi32, #tpu.memory_space<vmem>>
          %dma_start3A_114 = tpu.memref_squeeze %dma_start3A_113 : memref<1x128xi32, #tpu.memory_space<vmem>> -> memref<128xi32, #tpu.memory_space<vmem>>
          %dma_start3A_115 = arith.constant 0 : i32
          %dma_start3A_116 = arith.constant 0 : i32
          %dma_start3A_117 = tpu.memref_slice %arg11[%dma_start3A_115, %dma_start3A_116] : memref<10240x128xf32, #tpu.memory_space<vmem_shared>> -> memref<10240x128xf32, #tpu.memory_space<vmem_shared>>
          tpu.enqueue_indirect_dma source(%arg9 : memref<128x128xf32, #tpu.memory_space<vmem>>) target(%dma_start3A_117 : memref<10240x128xf32, #tpu.memory_space<vmem_shared>>) offsets(%dma_start3A_114 : memref<128xi32, #tpu.memory_space<vmem>>) semaphore(%run_scoped3A : memref<!tpu.dma_semaphore, #tpu.memory_space<semaphore_mem>>) {add = true}
          %dma_wait3A_118 = arith.constant 0 : i32
          %dma_wait3A_119 = tpu.memref_slice %arg8[%mul3A_96, %dma_wait3A_118] : memref<32x128xi32, #tpu.memory_space<vmem>> -> memref<1x128xi32, #tpu.memory_space<vmem>>
          %dma_wait3A_120 = tpu.memref_squeeze %dma_wait3A_119 : memref<1x128xi32, #tpu.memory_space<vmem>> -> memref<128xi32, #tpu.memory_space<vmem>>
          %dma_wait3A_121 = arith.constant 0 : i32
          %dma_wait3A_122 = arith.constant 0 : i32
          %dma_wait3A_123 = tpu.memref_slice %arg11[%dma_wait3A_121, %dma_wait3A_122] : memref<10240x128xf32, #tpu.memory_space<vmem_shared>> -> memref<10240x128xf32, #tpu.memory_space<vmem_shared>>
          tpu.wait_indirect_dma semaphore(%run_scoped3A : memref<!tpu.dma_semaphore, #tpu.memory_space<semaphore_mem>>) src(%arg9 : memref<128x128xf32, #tpu.memory_space<vmem>>) dst(%dma_wait3A_123 : memref<10240x128xf32, #tpu.memory_space<vmem_shared>>)
          tpu.yield
        }) : () -> ()
        %lt3A = arith.constant 15 : i32
        %lt3A_97 = arith.cmpi slt, %scan3A_78, %lt3A : i32
        %convert_element_type3A_98 = arith.extui %lt3A_97 : i1 to i32
        %cond3A_99 = arith.constant 0 : i32
        %cond3A_100 = arith.cmpi ne, %convert_element_type3A_98, %cond3A_99 : i32
        scf.if %cond3A_100 {
          %mul3A_112 = arith.constant 2 : i32
          %mul3A_113 = arith.muli %mul3A_112, %scan3A_78 : i32
          %add3A_114 = arith.constant 2 : i32
          %add3A_115 = arith.addi %mul3A_113, %add3A_114 : i32
          %dma_start3A_116 = arith.constant 0 : i32
          %dma_start3A_117 = tpu.memref_slice %arg7[%add3A_115, %dma_start3A_116] : memref<32x128xi32, #tpu.memory_space<vmem>> -> memref<1x128xi32, #tpu.memory_space<vmem>>
          %dma_start3A_118 = tpu.memref_squeeze %dma_start3A_117 : memref<1x128xi32, #tpu.memory_space<vmem>> -> memref<128xi32, #tpu.memory_space<vmem>>
          %dma_start3A_119 = arith.constant 0 : i32
          %dma_start3A_120 = arith.constant 0 : i32
          %dma_start3A_121 = tpu.memref_slice %arg2[%dma_start3A_119, %dma_start3A_120] : memref<10000x128xf32, #tpu.memory_space<hbm>> -> memref<10000x128xf32, #tpu.memory_space<hbm>>
          tpu.enqueue_indirect_dma source(%dma_start3A_121 : memref<10000x128xf32, #tpu.memory_space<hbm>>) target(%arg9 : memref<128x128xf32, #tpu.memory_space<vmem>>) offsets(%dma_start3A_118 : memref<128xi32, #tpu.memory_space<vmem>>) semaphore(%arg12 : memref<!tpu.dma_semaphore, #tpu.memory_space<semaphore_mem>>)
        } else {
        }
        %dma_wait3A_101 = arith.constant 0 : i32
        %dma_wait3A_102 = arith.constant 0 : i32
        %dma_wait3A_103 = tpu.memref_slice %arg7[%dma_wait3A_101, %dma_wait3A_102] : memref<32x128xi32, #tpu.memory_space<vmem>> -> memref<1x128xi32, #tpu.memory_space<vmem>>
        %dma_wait3A_104 = tpu.memref_squeeze %dma_wait3A_103 : memref<1x128xi32, #tpu.memory_space<vmem>> -> memref<128xi32, #tpu.memory_space<vmem>>
        %dma_wait3A_105 = arith.constant 0 : i32
        %dma_wait3A_106 = arith.constant 0 : i32
        %dma_wait3A_107 = tpu.memref_slice %arg2[%dma_wait3A_105, %dma_wait3A_106] : memref<10000x128xf32, #tpu.memory_space<hbm>> -> memref<10000x128xf32, #tpu.memory_space<hbm>>
        tpu.wait_indirect_dma semaphore(%arg13 : memref<!tpu.dma_semaphore, #tpu.memory_space<semaphore_mem>>) src(%dma_wait3A_107 : memref<10000x128xf32, #tpu.memory_space<hbm>>) dst(%arg10 : memref<128x128xf32, #tpu.memory_space<vmem>>)
        %mul3A_108 = arith.constant 2 : i32
        %mul3A_109 = arith.muli %mul3A_108, %scan3A_78 : i32
        %add3A_110 = arith.constant 1 : i32
        %add3A_111 = arith.addi %mul3A_109, %add3A_110 : i32
        "tpu.region"() ({
          %run_scoped3A = tpu.sem_alloc : memref<!tpu.dma_semaphore, #tpu.memory_space<semaphore_mem>>
          %dma_start3A_112 = arith.constant 0 : i32
          %dma_start3A_113 = tpu.memref_slice %arg8[%add3A_111, %dma_start3A_112] : memref<32x128xi32, #tpu.memory_space<vmem>> -> memref<1x128xi32, #tpu.memory_space<vmem>>
          %dma_start3A_114 = tpu.memref_squeeze %dma_start3A_113 : memref<1x128xi32, #tpu.memory_space<vmem>> -> memref<128xi32, #tpu.memory_space<vmem>>
          %dma_start3A_115 = arith.constant 0 : i32
          %dma_start3A_116 = arith.constant 0 : i32
          %dma_start3A_117 = tpu.memref_slice %arg11[%dma_start3A_115, %dma_start3A_116] : memref<10240x128xf32, #tpu.memory_space<vmem_shared>> -> memref<10240x128xf32, #tpu.memory_space<vmem_shared>>
          tpu.enqueue_indirect_dma source(%arg10 : memref<128x128xf32, #tpu.memory_space<vmem>>) target(%dma_start3A_117 : memref<10240x128xf32, #tpu.memory_space<vmem_shared>>) offsets(%dma_start3A_114 : memref<128xi32, #tpu.memory_space<vmem>>) semaphore(%run_scoped3A : memref<!tpu.dma_semaphore, #tpu.memory_space<semaphore_mem>>) {add = true}
          %dma_wait3A_118 = arith.constant 0 : i32
          %dma_wait3A_119 = tpu.memref_slice %arg8[%add3A_111, %dma_wait3A_118] : memref<32x128xi32, #tpu.memory_space<vmem>> -> memref<1x128xi32, #tpu.memory_space<vmem>>
          %dma_wait3A_120 = tpu.memref_squeeze %dma_wait3A_119 : memref<1x128xi32, #tpu.memory_space<vmem>> -> memref<128xi32, #tpu.memory_space<vmem>>
          %dma_wait3A_121 = arith.constant 0 : i32
          %dma_wait3A_122 = arith.constant 0 : i32
          %dma_wait3A_123 = tpu.memref_slice %arg11[%dma_wait3A_121, %dma_wait3A_122] : memref<10240x128xf32, #tpu.memory_space<vmem_shared>> -> memref<10240x128xf32, #tpu.memory_space<vmem_shared>>
          tpu.wait_indirect_dma semaphore(%run_scoped3A : memref<!tpu.dma_semaphore, #tpu.memory_space<semaphore_mem>>) src(%arg10 : memref<128x128xf32, #tpu.memory_space<vmem>>) dst(%dma_wait3A_123 : memref<10240x128xf32, #tpu.memory_space<vmem_shared>>)
          tpu.yield
        }) : () -> ()
      }
      %scan3A_43 = arith.constant 16 : i32
      %mul3A_44 = arith.constant 128 : i32
      %mul3A_45 = arith.muli %arg1, %mul3A_44 : i32
      %add3A_46 = arith.constant 64 : i32
      %add3A_47 = arith.addi %mul3A_45, %add3A_46 : i32
      "tpu.region"() ({
        %run_scoped3A = tpu.sem_alloc : memref<!tpu.dma_semaphore, #tpu.memory_space<semaphore_mem>>
        %dma_start3A_78 = arith.constant 0 : i32
        %dma_start3A_79 = arith.constant 0 : i32
        %dma_start3A_80 = tpu.memref_slice %arg7[%dma_start3A_78, %dma_start3A_79] : memref<32x128xi32, #tpu.memory_space<vmem>> -> memref<32x128xi32, #tpu.memory_space<vmem>>
        %dma_start3A_81 = arith.constant 0 : i32
        %dma_start3A_82 = tpu.memref_slice %arg3[%add3A_47, %dma_start3A_81] : memref<2560x128xi32, #tpu.memory_space<hbm>> -> memref<32x128xi32, #tpu.memory_space<hbm>>
        %dma_start3A_83 = arith.constant 0 : i32
        %dma_start3A_84 = arith.constant 0 : i32
        %dma_start3A_85 = tpu.memref_slice %arg7[%dma_start3A_83, %dma_start3A_84] : memref<32x128xi32, #tpu.memory_space<vmem>> -> memref<32x128xi32, #tpu.memory_space<vmem>>
        %dma_start3A_86 = arith.constant 0 : i32
        %dma_start3A_87 = tpu.memref_slice %arg3[%add3A_47, %dma_start3A_86] : memref<2560x128xi32, #tpu.memory_space<hbm>> -> memref<32x128xi32, #tpu.memory_space<hbm>>
        tpu.enqueue_dma source(%dma_start3A_87 : memref<32x128xi32, #tpu.memory_space<hbm>>) target(%dma_start3A_85 : memref<32x128xi32, #tpu.memory_space<vmem>>) target_semaphore(%run_scoped3A : memref<!tpu.dma_semaphore, #tpu.memory_space<semaphore_mem>>)
        %dma_wait3A = arith.constant 0 : i32
        %dma_wait3A_88 = arith.constant 0 : i32
        %dma_wait3A_89 = tpu.memref_slice %arg7[%dma_wait3A, %dma_wait3A_88] : memref<32x128xi32, #tpu.memory_space<vmem>> -> memref<32x128xi32, #tpu.memory_space<vmem>>
        %dma_wait3A_90 = arith.constant 0 : i32
        %dma_wait3A_91 = tpu.memref_slice %arg3[%add3A_47, %dma_wait3A_90] : memref<2560x128xi32, #tpu.memory_space<hbm>> -> memref<32x128xi32, #tpu.memory_space<hbm>>
        %dma_wait3A_92 = arith.constant 0 : i32
        %dma_wait3A_93 = arith.constant 0 : i32
        %dma_wait3A_94 = tpu.memref_slice %arg7[%dma_wait3A_92, %dma_wait3A_93] : memref<32x128xi32, #tpu.memory_space<vmem>> -> memref<32x128xi32, #tpu.memory_space<vmem>>
        %dma_wait3A_95 = arith.constant 0 : i32
        %dma_wait3A_96 = tpu.memref_slice %arg3[%add3A_47, %dma_wait3A_95] : memref<2560x128xi32, #tpu.memory_space<hbm>> -> memref<32x128xi32, #tpu.memory_space<hbm>>
        tpu.wait_dma2 semaphore(%run_scoped3A : memref<!tpu.dma_semaphore, #tpu.memory_space<semaphore_mem>>) src(%dma_wait3A_96 : memref<32x128xi32, #tpu.memory_space<hbm>>) dst(%dma_wait3A_94 : memref<32x128xi32, #tpu.memory_space<vmem>>)
        tpu.yield
      }) : () -> ()
      "tpu.region"() ({
        %run_scoped3A = tpu.sem_alloc : memref<!tpu.dma_semaphore, #tpu.memory_space<semaphore_mem>>
        %dma_start3A_78 = arith.constant 0 : i32
        %dma_start3A_79 = arith.constant 0 : i32
        %dma_start3A_80 = tpu.memref_slice %arg8[%dma_start3A_78, %dma_start3A_79] : memref<32x128xi32, #tpu.memory_space<vmem>> -> memref<32x128xi32, #tpu.memory_space<vmem>>
        %dma_start3A_81 = arith.constant 0 : i32
        %dma_start3A_82 = tpu.memref_slice %arg4[%add3A_47, %dma_start3A_81] : memref<2560x128xi32, #tpu.memory_space<hbm>> -> memref<32x128xi32, #tpu.memory_space<hbm>>
        %dma_start3A_83 = arith.constant 0 : i32
        %dma_start3A_84 = arith.constant 0 : i32
        %dma_start3A_85 = tpu.memref_slice %arg8[%dma_start3A_83, %dma_start3A_84] : memref<32x128xi32, #tpu.memory_space<vmem>> -> memref<32x128xi32, #tpu.memory_space<vmem>>
        %dma_start3A_86 = arith.constant 0 : i32
        %dma_start3A_87 = tpu.memref_slice %arg4[%add3A_47, %dma_start3A_86] : memref<2560x128xi32, #tpu.memory_space<hbm>> -> memref<32x128xi32, #tpu.memory_space<hbm>>
        tpu.enqueue_dma source(%dma_start3A_87 : memref<32x128xi32, #tpu.memory_space<hbm>>) target(%dma_start3A_85 : memref<32x128xi32, #tpu.memory_space<vmem>>) target_semaphore(%run_scoped3A : memref<!tpu.dma_semaphore, #tpu.memory_space<semaphore_mem>>)
        %dma_wait3A = arith.constant 0 : i32
        %dma_wait3A_88 = arith.constant 0 : i32
        %dma_wait3A_89 = tpu.memref_slice %arg8[%dma_wait3A, %dma_wait3A_88] : memref<32x128xi32, #tpu.memory_space<vmem>> -> memref<32x128xi32, #tpu.memory_space<vmem>>
        %dma_wait3A_90 = arith.constant 0 : i32
        %dma_wait3A_91 = tpu.memref_slice %arg4[%add3A_47, %dma_wait3A_90] : memref<2560x128xi32, #tpu.memory_space<hbm>> -> memref<32x128xi32, #tpu.memory_space<hbm>>
        %dma_wait3A_92 = arith.constant 0 : i32
        %dma_wait3A_93 = arith.constant 0 : i32
        %dma_wait3A_94 = tpu.memref_slice %arg8[%dma_wait3A_92, %dma_wait3A_93] : memref<32x128xi32, #tpu.memory_space<vmem>> -> memref<32x128xi32, #tpu.memory_space<vmem>>
        %dma_wait3A_95 = arith.constant 0 : i32
        %dma_wait3A_96 = tpu.memref_slice %arg4[%add3A_47, %dma_wait3A_95] : memref<2560x128xi32, #tpu.memory_space<hbm>> -> memref<32x128xi32, #tpu.memory_space<hbm>>
        tpu.wait_dma2 semaphore(%run_scoped3A : memref<!tpu.dma_semaphore, #tpu.memory_space<semaphore_mem>>) src(%dma_wait3A_96 : memref<32x128xi32, #tpu.memory_space<hbm>>) dst(%dma_wait3A_94 : memref<32x128xi32, #tpu.memory_space<vmem>>)
        tpu.yield
      }) : () -> ()
      %dma_start3A_48 = arith.constant 0 : i32
      %dma_start3A_49 = arith.constant 0 : i32
      %dma_start3A_50 = tpu.memref_slice %arg7[%dma_start3A_48, %dma_start3A_49] : memref<32x128xi32, #tpu.memory_space<vmem>> -> memref<1x128xi32, #tpu.memory_space<vmem>>
      %dma_start3A_51 = tpu.memref_squeeze %dma_start3A_50 : memref<1x128xi32, #tpu.memory_space<vmem>> -> memref<128xi32, #tpu.memory_space<vmem>>
      %dma_start3A_52 = arith.constant 0 : i32
      %dma_start3A_53 = arith.constant 0 : i32
      %dma_start3A_54 = tpu.memref_slice %arg2[%dma_start3A_52, %dma_start3A_53] : memref<10000x128xf32, #tpu.memory_space<hbm>> -> memref<10000x128xf32, #tpu.memory_space<hbm>>
      tpu.enqueue_indirect_dma source(%dma_start3A_54 : memref<10000x128xf32, #tpu.memory_space<hbm>>) target(%arg9 : memref<128x128xf32, #tpu.memory_space<vmem>>) offsets(%dma_start3A_51 : memref<128xi32, #tpu.memory_space<vmem>>) semaphore(%arg12 : memref<!tpu.dma_semaphore, #tpu.memory_space<semaphore_mem>>)
      %scan3A_55 = arith.constant 0 : i32
      %scan3A_56 = arith.constant 0 : i32
      %scan3A_57 = arith.constant 16 : i32
      %scan3A_58 = arith.addi %scan3A_56, %scan3A_57 : i32
      %scan3A_59 = arith.constant 1 : i32
      scf.for %scan3A_78 = %scan3A_56 to %scan3A_58 step %scan3A_59  : i32 {
        %mul3A_79 = arith.constant 2 : i32
        %mul3A_80 = arith.muli %mul3A_79, %scan3A_78 : i32
        %add3A_81 = arith.constant 1 : i32
        %add3A_82 = arith.addi %mul3A_80, %add3A_81 : i32
        %dma_start3A_83 = arith.constant 0 : i32
        %dma_start3A_84 = tpu.memref_slice %arg7[%add3A_82, %dma_start3A_83] : memref<32x128xi32, #tpu.memory_space<vmem>> -> memref<1x128xi32, #tpu.memory_space<vmem>>
        %dma_start3A_85 = tpu.memref_squeeze %dma_start3A_84 : memref<1x128xi32, #tpu.memory_space<vmem>> -> memref<128xi32, #tpu.memory_space<vmem>>
        %dma_start3A_86 = arith.constant 0 : i32
        %dma_start3A_87 = arith.constant 0 : i32
        %dma_start3A_88 = tpu.memref_slice %arg2[%dma_start3A_86, %dma_start3A_87] : memref<10000x128xf32, #tpu.memory_space<hbm>> -> memref<10000x128xf32, #tpu.memory_space<hbm>>
        tpu.enqueue_indirect_dma source(%dma_start3A_88 : memref<10000x128xf32, #tpu.memory_space<hbm>>) target(%arg10 : memref<128x128xf32, #tpu.memory_space<vmem>>) offsets(%dma_start3A_85 : memref<128xi32, #tpu.memory_space<vmem>>) semaphore(%arg13 : memref<!tpu.dma_semaphore, #tpu.memory_space<semaphore_mem>>)
        %dma_wait3A = arith.constant 0 : i32
        %dma_wait3A_89 = arith.constant 0 : i32
        %dma_wait3A_90 = tpu.memref_slice %arg7[%dma_wait3A, %dma_wait3A_89] : memref<32x128xi32, #tpu.memory_space<vmem>> -> memref<1x128xi32, #tpu.memory_space<vmem>>
        %dma_wait3A_91 = tpu.memref_squeeze %dma_wait3A_90 : memref<1x128xi32, #tpu.memory_space<vmem>> -> memref<128xi32, #tpu.memory_space<vmem>>
        %dma_wait3A_92 = arith.constant 0 : i32
        %dma_wait3A_93 = arith.constant 0 : i32
        %dma_wait3A_94 = tpu.memref_slice %arg2[%dma_wait3A_92, %dma_wait3A_93] : memref<10000x128xf32, #tpu.memory_space<hbm>> -> memref<10000x128xf32, #tpu.memory_space<hbm>>
        tpu.wait_indirect_dma semaphore(%arg12 : memref<!tpu.dma_semaphore, #tpu.memory_space<semaphore_mem>>) src(%dma_wait3A_94 : memref<10000x128xf32, #tpu.memory_space<hbm>>) dst(%arg9 : memref<128x128xf32, #tpu.memory_space<vmem>>)
        %mul3A_95 = arith.constant 2 : i32
        %mul3A_96 = arith.muli %mul3A_95, %scan3A_78 : i32
        "tpu.region"() ({
          %run_scoped3A = tpu.sem_alloc : memref<!tpu.dma_semaphore, #tpu.memory_space<semaphore_mem>>
          %dma_start3A_112 = arith.constant 0 : i32
          %dma_start3A_113 = tpu.memref_slice %arg8[%mul3A_96, %dma_start3A_112] : memref<32x128xi32, #tpu.memory_space<vmem>> -> memref<1x128xi32, #tpu.memory_space<vmem>>
          %dma_start3A_114 = tpu.memref_squeeze %dma_start3A_113 : memref<1x128xi32, #tpu.memory_space<vmem>> -> memref<128xi32, #tpu.memory_space<vmem>>
          %dma_start3A_115 = arith.constant 0 : i32
          %dma_start3A_116 = arith.constant 0 : i32
          %dma_start3A_117 = tpu.memref_slice %arg11[%dma_start3A_115, %dma_start3A_116] : memref<10240x128xf32, #tpu.memory_space<vmem_shared>> -> memref<10240x128xf32, #tpu.memory_space<vmem_shared>>
          tpu.enqueue_indirect_dma source(%arg9 : memref<128x128xf32, #tpu.memory_space<vmem>>) target(%dma_start3A_117 : memref<10240x128xf32, #tpu.memory_space<vmem_shared>>) offsets(%dma_start3A_114 : memref<128xi32, #tpu.memory_space<vmem>>) semaphore(%run_scoped3A : memref<!tpu.dma_semaphore, #tpu.memory_space<semaphore_mem>>) {add = true}
          %dma_wait3A_118 = arith.constant 0 : i32
          %dma_wait3A_119 = tpu.memref_slice %arg8[%mul3A_96, %dma_wait3A_118] : memref<32x128xi32, #tpu.memory_space<vmem>> -> memref<1x128xi32, #tpu.memory_space<vmem>>
          %dma_wait3A_120 = tpu.memref_squeeze %dma_wait3A_119 : memref<1x128xi32, #tpu.memory_space<vmem>> -> memref<128xi32, #tpu.memory_space<vmem>>
          %dma_wait3A_121 = arith.constant 0 : i32
          %dma_wait3A_122 = arith.constant 0 : i32
          %dma_wait3A_123 = tpu.memref_slice %arg11[%dma_wait3A_121, %dma_wait3A_122] : memref<10240x128xf32, #tpu.memory_space<vmem_shared>> -> memref<10240x128xf32, #tpu.memory_space<vmem_shared>>
          tpu.wait_indirect_dma semaphore(%run_scoped3A : memref<!tpu.dma_semaphore, #tpu.memory_space<semaphore_mem>>) src(%arg9 : memref<128x128xf32, #tpu.memory_space<vmem>>) dst(%dma_wait3A_123 : memref<10240x128xf32, #tpu.memory_space<vmem_shared>>)
          tpu.yield
        }) : () -> ()
        %lt3A = arith.constant 15 : i32
        %lt3A_97 = arith.cmpi slt, %scan3A_78, %lt3A : i32
        %convert_element_type3A_98 = arith.extui %lt3A_97 : i1 to i32
        %cond3A_99 = arith.constant 0 : i32
        %cond3A_100 = arith.cmpi ne, %convert_element_type3A_98, %cond3A_99 : i32
        scf.if %cond3A_100 {
          %mul3A_112 = arith.constant 2 : i32
          %mul3A_113 = arith.muli %mul3A_112, %scan3A_78 : i32
          %add3A_114 = arith.constant 2 : i32
          %add3A_115 = arith.addi %mul3A_113, %add3A_114 : i32
          %dma_start3A_116 = arith.constant 0 : i32
          %dma_start3A_117 = tpu.memref_slice %arg7[%add3A_115, %dma_start3A_116] : memref<32x128xi32, #tpu.memory_space<vmem>> -> memref<1x128xi32, #tpu.memory_space<vmem>>
          %dma_start3A_118 = tpu.memref_squeeze %dma_start3A_117 : memref<1x128xi32, #tpu.memory_space<vmem>> -> memref<128xi32, #tpu.memory_space<vmem>>
          %dma_start3A_119 = arith.constant 0 : i32
          %dma_start3A_120 = arith.constant 0 : i32
          %dma_start3A_121 = tpu.memref_slice %arg2[%dma_start3A_119, %dma_start3A_120] : memref<10000x128xf32, #tpu.memory_space<hbm>> -> memref<10000x128xf32, #tpu.memory_space<hbm>>
          tpu.enqueue_indirect_dma source(%dma_start3A_121 : memref<10000x128xf32, #tpu.memory_space<hbm>>) target(%arg9 : memref<128x128xf32, #tpu.memory_space<vmem>>) offsets(%dma_start3A_118 : memref<128xi32, #tpu.memory_space<vmem>>) semaphore(%arg12 : memref<!tpu.dma_semaphore, #tpu.memory_space<semaphore_mem>>)
        } else {
        }
        %dma_wait3A_101 = arith.constant 0 : i32
        %dma_wait3A_102 = arith.constant 0 : i32
        %dma_wait3A_103 = tpu.memref_slice %arg7[%dma_wait3A_101, %dma_wait3A_102] : memref<32x128xi32, #tpu.memory_space<vmem>> -> memref<1x128xi32, #tpu.memory_space<vmem>>
        %dma_wait3A_104 = tpu.memref_squeeze %dma_wait3A_103 : memref<1x128xi32, #tpu.memory_space<vmem>> -> memref<128xi32, #tpu.memory_space<vmem>>
        %dma_wait3A_105 = arith.constant 0 : i32
        %dma_wait3A_106 = arith.constant 0 : i32
        %dma_wait3A_107 = tpu.memref_slice %arg2[%dma_wait3A_105, %dma_wait3A_106] : memref<10000x128xf32, #tpu.memory_space<hbm>> -> memref<10000x128xf32, #tpu.memory_space<hbm>>
        tpu.wait_indirect_dma semaphore(%arg13 : memref<!tpu.dma_semaphore, #tpu.memory_space<semaphore_mem>>) src(%dma_wait3A_107 : memref<10000x128xf32, #tpu.memory_space<hbm>>) dst(%arg10 : memref<128x128xf32, #tpu.memory_space<vmem>>)
        %mul3A_108 = arith.constant 2 : i32
        %mul3A_109 = arith.muli %mul3A_108, %scan3A_78 : i32
        %add3A_110 = arith.constant 1 : i32
        %add3A_111 = arith.addi %mul3A_109, %add3A_110 : i32
        "tpu.region"() ({
          %run_scoped3A = tpu.sem_alloc : memref<!tpu.dma_semaphore, #tpu.memory_space<semaphore_mem>>
          %dma_start3A_112 = arith.constant 0 : i32
          %dma_start3A_113 = tpu.memref_slice %arg8[%add3A_111, %dma_start3A_112] : memref<32x128xi32, #tpu.memory_space<vmem>> -> memref<1x128xi32, #tpu.memory_space<vmem>>
          %dma_start3A_114 = tpu.memref_squeeze %dma_start3A_113 : memref<1x128xi32, #tpu.memory_space<vmem>> -> memref<128xi32, #tpu.memory_space<vmem>>
          %dma_start3A_115 = arith.constant 0 : i32
          %dma_start3A_116 = arith.constant 0 : i32
          %dma_start3A_117 = tpu.memref_slice %arg11[%dma_start3A_115, %dma_start3A_116] : memref<10240x128xf32, #tpu.memory_space<vmem_shared>> -> memref<10240x128xf32, #tpu.memory_space<vmem_shared>>
          tpu.enqueue_indirect_dma source(%arg10 : memref<128x128xf32, #tpu.memory_space<vmem>>) target(%dma_start3A_117 : memref<10240x128xf32, #tpu.memory_space<vmem_shared>>) offsets(%dma_start3A_114 : memref<128xi32, #tpu.memory_space<vmem>>) semaphore(%run_scoped3A : memref<!tpu.dma_semaphore, #tpu.memory_space<semaphore_mem>>) {add = true}
          %dma_wait3A_118 = arith.constant 0 : i32
          %dma_wait3A_119 = tpu.memref_slice %arg8[%add3A_111, %dma_wait3A_118] : memref<32x128xi32, #tpu.memory_space<vmem>> -> memref<1x128xi32, #tpu.memory_space<vmem>>
          %dma_wait3A_120 = tpu.memref_squeeze %dma_wait3A_119 : memref<1x128xi32, #tpu.memory_space<vmem>> -> memref<128xi32, #tpu.memory_space<vmem>>
          %dma_wait3A_121 = arith.constant 0 : i32
          %dma_wait3A_122 = arith.constant 0 : i32
          %dma_wait3A_123 = tpu.memref_slice %arg11[%dma_wait3A_121, %dma_wait3A_122] : memref<10240x128xf32, #tpu.memory_space<vmem_shared>> -> memref<10240x128xf32, #tpu.memory_space<vmem_shared>>
          tpu.wait_indirect_dma semaphore(%run_scoped3A : memref<!tpu.dma_semaphore, #tpu.memory_space<semaphore_mem>>) src(%arg10 : memref<128x128xf32, #tpu.memory_space<vmem>>) dst(%dma_wait3A_123 : memref<10240x128xf32, #tpu.memory_space<vmem_shared>>)
          tpu.yield
        }) : () -> ()
      }
      %scan3A_60 = arith.constant 16 : i32
      %mul3A_61 = arith.constant 128 : i32
      %mul3A_62 = arith.muli %arg1, %mul3A_61 : i32
      %add3A_63 = arith.constant 96 : i32
      %add3A_64 = arith.addi %mul3A_62, %add3A_63 : i32
      "tpu.region"() ({
        %run_scoped3A = tpu.sem_alloc : memref<!tpu.dma_semaphore, #tpu.memory_space<semaphore_mem>>
        %dma_start3A_78 = arith.constant 0 : i32
        %dma_start3A_79 = arith.constant 0 : i32
        %dma_start3A_80 = tpu.memref_slice %arg7[%dma_start3A_78, %dma_start3A_79] : memref<32x128xi32, #tpu.memory_space<vmem>> -> memref<32x128xi32, #tpu.memory_space<vmem>>
        %dma_start3A_81 = arith.constant 0 : i32
        %dma_start3A_82 = tpu.memref_slice %arg3[%add3A_64, %dma_start3A_81] : memref<2560x128xi32, #tpu.memory_space<hbm>> -> memref<32x128xi32, #tpu.memory_space<hbm>>
        %dma_start3A_83 = arith.constant 0 : i32
        %dma_start3A_84 = arith.constant 0 : i32
        %dma_start3A_85 = tpu.memref_slice %arg7[%dma_start3A_83, %dma_start3A_84] : memref<32x128xi32, #tpu.memory_space<vmem>> -> memref<32x128xi32, #tpu.memory_space<vmem>>
        %dma_start3A_86 = arith.constant 0 : i32
        %dma_start3A_87 = tpu.memref_slice %arg3[%add3A_64, %dma_start3A_86] : memref<2560x128xi32, #tpu.memory_space<hbm>> -> memref<32x128xi32, #tpu.memory_space<hbm>>
        tpu.enqueue_dma source(%dma_start3A_87 : memref<32x128xi32, #tpu.memory_space<hbm>>) target(%dma_start3A_85 : memref<32x128xi32, #tpu.memory_space<vmem>>) target_semaphore(%run_scoped3A : memref<!tpu.dma_semaphore, #tpu.memory_space<semaphore_mem>>)
        %dma_wait3A = arith.constant 0 : i32
        %dma_wait3A_88 = arith.constant 0 : i32
        %dma_wait3A_89 = tpu.memref_slice %arg7[%dma_wait3A, %dma_wait3A_88] : memref<32x128xi32, #tpu.memory_space<vmem>> -> memref<32x128xi32, #tpu.memory_space<vmem>>
        %dma_wait3A_90 = arith.constant 0 : i32
        %dma_wait3A_91 = tpu.memref_slice %arg3[%add3A_64, %dma_wait3A_90] : memref<2560x128xi32, #tpu.memory_space<hbm>> -> memref<32x128xi32, #tpu.memory_space<hbm>>
        %dma_wait3A_92 = arith.constant 0 : i32
        %dma_wait3A_93 = arith.constant 0 : i32
        %dma_wait3A_94 = tpu.memref_slice %arg7[%dma_wait3A_92, %dma_wait3A_93] : memref<32x128xi32, #tpu.memory_space<vmem>> -> memref<32x128xi32, #tpu.memory_space<vmem>>
        %dma_wait3A_95 = arith.constant 0 : i32
        %dma_wait3A_96 = tpu.memref_slice %arg3[%add3A_64, %dma_wait3A_95] : memref<2560x128xi32, #tpu.memory_space<hbm>> -> memref<32x128xi32, #tpu.memory_space<hbm>>
        tpu.wait_dma2 semaphore(%run_scoped3A : memref<!tpu.dma_semaphore, #tpu.memory_space<semaphore_mem>>) src(%dma_wait3A_96 : memref<32x128xi32, #tpu.memory_space<hbm>>) dst(%dma_wait3A_94 : memref<32x128xi32, #tpu.memory_space<vmem>>)
        tpu.yield
      }) : () -> ()
      "tpu.region"() ({
        %run_scoped3A = tpu.sem_alloc : memref<!tpu.dma_semaphore, #tpu.memory_space<semaphore_mem>>
        %dma_start3A_78 = arith.constant 0 : i32
        %dma_start3A_79 = arith.constant 0 : i32
        %dma_start3A_80 = tpu.memref_slice %arg8[%dma_start3A_78, %dma_start3A_79] : memref<32x128xi32, #tpu.memory_space<vmem>> -> memref<32x128xi32, #tpu.memory_space<vmem>>
        %dma_start3A_81 = arith.constant 0 : i32
        %dma_start3A_82 = tpu.memref_slice %arg4[%add3A_64, %dma_start3A_81] : memref<2560x128xi32, #tpu.memory_space<hbm>> -> memref<32x128xi32, #tpu.memory_space<hbm>>
        %dma_start3A_83 = arith.constant 0 : i32
        %dma_start3A_84 = arith.constant 0 : i32
        %dma_start3A_85 = tpu.memref_slice %arg8[%dma_start3A_83, %dma_start3A_84] : memref<32x128xi32, #tpu.memory_space<vmem>> -> memref<32x128xi32, #tpu.memory_space<vmem>>
        %dma_start3A_86 = arith.constant 0 : i32
        %dma_start3A_87 = tpu.memref_slice %arg4[%add3A_64, %dma_start3A_86] : memref<2560x128xi32, #tpu.memory_space<hbm>> -> memref<32x128xi32, #tpu.memory_space<hbm>>
        tpu.enqueue_dma source(%dma_start3A_87 : memref<32x128xi32, #tpu.memory_space<hbm>>) target(%dma_start3A_85 : memref<32x128xi32, #tpu.memory_space<vmem>>) target_semaphore(%run_scoped3A : memref<!tpu.dma_semaphore, #tpu.memory_space<semaphore_mem>>)
        %dma_wait3A = arith.constant 0 : i32
        %dma_wait3A_88 = arith.constant 0 : i32
        %dma_wait3A_89 = tpu.memref_slice %arg8[%dma_wait3A, %dma_wait3A_88] : memref<32x128xi32, #tpu.memory_space<vmem>> -> memref<32x128xi32, #tpu.memory_space<vmem>>
        %dma_wait3A_90 = arith.constant 0 : i32
        %dma_wait3A_91 = tpu.memref_slice %arg4[%add3A_64, %dma_wait3A_90] : memref<2560x128xi32, #tpu.memory_space<hbm>> -> memref<32x128xi32, #tpu.memory_space<hbm>>
        %dma_wait3A_92 = arith.constant 0 : i32
        %dma_wait3A_93 = arith.constant 0 : i32
        %dma_wait3A_94 = tpu.memref_slice %arg8[%dma_wait3A_92, %dma_wait3A_93] : memref<32x128xi32, #tpu.memory_space<vmem>> -> memref<32x128xi32, #tpu.memory_space<vmem>>
        %dma_wait3A_95 = arith.constant 0 : i32
        %dma_wait3A_96 = tpu.memref_slice %arg4[%add3A_64, %dma_wait3A_95] : memref<2560x128xi32, #tpu.memory_space<hbm>> -> memref<32x128xi32, #tpu.memory_space<hbm>>
        tpu.wait_dma2 semaphore(%run_scoped3A : memref<!tpu.dma_semaphore, #tpu.memory_space<semaphore_mem>>) src(%dma_wait3A_96 : memref<32x128xi32, #tpu.memory_space<hbm>>) dst(%dma_wait3A_94 : memref<32x128xi32, #tpu.memory_space<vmem>>)
        tpu.yield
      }) : () -> ()
      %dma_start3A_65 = arith.constant 0 : i32
      %dma_start3A_66 = arith.constant 0 : i32
      %dma_start3A_67 = tpu.memref_slice %arg7[%dma_start3A_65, %dma_start3A_66] : memref<32x128xi32, #tpu.memory_space<vmem>> -> memref<1x128xi32, #tpu.memory_space<vmem>>
      %dma_start3A_68 = tpu.memref_squeeze %dma_start3A_67 : memref<1x128xi32, #tpu.memory_space<vmem>> -> memref<128xi32, #tpu.memory_space<vmem>>
      %dma_start3A_69 = arith.constant 0 : i32
      %dma_start3A_70 = arith.constant 0 : i32
      %dma_start3A_71 = tpu.memref_slice %arg2[%dma_start3A_69, %dma_start3A_70] : memref<10000x128xf32, #tpu.memory_space<hbm>> -> memref<10000x128xf32, #tpu.memory_space<hbm>>
      tpu.enqueue_indirect_dma source(%dma_start3A_71 : memref<10000x128xf32, #tpu.memory_space<hbm>>) target(%arg9 : memref<128x128xf32, #tpu.memory_space<vmem>>) offsets(%dma_start3A_68 : memref<128xi32, #tpu.memory_space<vmem>>) semaphore(%arg12 : memref<!tpu.dma_semaphore, #tpu.memory_space<semaphore_mem>>)
      %scan3A_72 = arith.constant 0 : i32
      %scan3A_73 = arith.constant 0 : i32
      %scan3A_74 = arith.constant 16 : i32
      %scan3A_75 = arith.addi %scan3A_73, %scan3A_74 : i32
      %scan3A_76 = arith.constant 1 : i32
      scf.for %scan3A_78 = %scan3A_73 to %scan3A_75 step %scan3A_76  : i32 {
        %mul3A_79 = arith.constant 2 : i32
        %mul3A_80 = arith.muli %mul3A_79, %scan3A_78 : i32
        %add3A_81 = arith.constant 1 : i32
        %add3A_82 = arith.addi %mul3A_80, %add3A_81 : i32
        %dma_start3A_83 = arith.constant 0 : i32
        %dma_start3A_84 = tpu.memref_slice %arg7[%add3A_82, %dma_start3A_83] : memref<32x128xi32, #tpu.memory_space<vmem>> -> memref<1x128xi32, #tpu.memory_space<vmem>>
        %dma_start3A_85 = tpu.memref_squeeze %dma_start3A_84 : memref<1x128xi32, #tpu.memory_space<vmem>> -> memref<128xi32, #tpu.memory_space<vmem>>
        %dma_start3A_86 = arith.constant 0 : i32
        %dma_start3A_87 = arith.constant 0 : i32
        %dma_start3A_88 = tpu.memref_slice %arg2[%dma_start3A_86, %dma_start3A_87] : memref<10000x128xf32, #tpu.memory_space<hbm>> -> memref<10000x128xf32, #tpu.memory_space<hbm>>
        tpu.enqueue_indirect_dma source(%dma_start3A_88 : memref<10000x128xf32, #tpu.memory_space<hbm>>) target(%arg10 : memref<128x128xf32, #tpu.memory_space<vmem>>) offsets(%dma_start3A_85 : memref<128xi32, #tpu.memory_space<vmem>>) semaphore(%arg13 : memref<!tpu.dma_semaphore, #tpu.memory_space<semaphore_mem>>)
        %dma_wait3A = arith.constant 0 : i32
        %dma_wait3A_89 = arith.constant 0 : i32
        %dma_wait3A_90 = tpu.memref_slice %arg7[%dma_wait3A, %dma_wait3A_89] : memref<32x128xi32, #tpu.memory_space<vmem>> -> memref<1x128xi32, #tpu.memory_space<vmem>>
        %dma_wait3A_91 = tpu.memref_squeeze %dma_wait3A_90 : memref<1x128xi32, #tpu.memory_space<vmem>> -> memref<128xi32, #tpu.memory_space<vmem>>
        %dma_wait3A_92 = arith.constant 0 : i32
        %dma_wait3A_93 = arith.constant 0 : i32
        %dma_wait3A_94 = tpu.memref_slice %arg2[%dma_wait3A_92, %dma_wait3A_93] : memref<10000x128xf32, #tpu.memory_space<hbm>> -> memref<10000x128xf32, #tpu.memory_space<hbm>>
        tpu.wait_indirect_dma semaphore(%arg12 : memref<!tpu.dma_semaphore, #tpu.memory_space<semaphore_mem>>) src(%dma_wait3A_94 : memref<10000x128xf32, #tpu.memory_space<hbm>>) dst(%arg9 : memref<128x128xf32, #tpu.memory_space<vmem>>)
        %mul3A_95 = arith.constant 2 : i32
        %mul3A_96 = arith.muli %mul3A_95, %scan3A_78 : i32
        "tpu.region"() ({
          %run_scoped3A = tpu.sem_alloc : memref<!tpu.dma_semaphore, #tpu.memory_space<semaphore_mem>>
          %dma_start3A_112 = arith.constant 0 : i32
          %dma_start3A_113 = tpu.memref_slice %arg8[%mul3A_96, %dma_start3A_112] : memref<32x128xi32, #tpu.memory_space<vmem>> -> memref<1x128xi32, #tpu.memory_space<vmem>>
          %dma_start3A_114 = tpu.memref_squeeze %dma_start3A_113 : memref<1x128xi32, #tpu.memory_space<vmem>> -> memref<128xi32, #tpu.memory_space<vmem>>
          %dma_start3A_115 = arith.constant 0 : i32
          %dma_start3A_116 = arith.constant 0 : i32
          %dma_start3A_117 = tpu.memref_slice %arg11[%dma_start3A_115, %dma_start3A_116] : memref<10240x128xf32, #tpu.memory_space<vmem_shared>> -> memref<10240x128xf32, #tpu.memory_space<vmem_shared>>
          tpu.enqueue_indirect_dma source(%arg9 : memref<128x128xf32, #tpu.memory_space<vmem>>) target(%dma_start3A_117 : memref<10240x128xf32, #tpu.memory_space<vmem_shared>>) offsets(%dma_start3A_114 : memref<128xi32, #tpu.memory_space<vmem>>) semaphore(%run_scoped3A : memref<!tpu.dma_semaphore, #tpu.memory_space<semaphore_mem>>) {add = true}
          %dma_wait3A_118 = arith.constant 0 : i32
          %dma_wait3A_119 = tpu.memref_slice %arg8[%mul3A_96, %dma_wait3A_118] : memref<32x128xi32, #tpu.memory_space<vmem>> -> memref<1x128xi32, #tpu.memory_space<vmem>>
          %dma_wait3A_120 = tpu.memref_squeeze %dma_wait3A_119 : memref<1x128xi32, #tpu.memory_space<vmem>> -> memref<128xi32, #tpu.memory_space<vmem>>
          %dma_wait3A_121 = arith.constant 0 : i32
          %dma_wait3A_122 = arith.constant 0 : i32
          %dma_wait3A_123 = tpu.memref_slice %arg11[%dma_wait3A_121, %dma_wait3A_122] : memref<10240x128xf32, #tpu.memory_space<vmem_shared>> -> memref<10240x128xf32, #tpu.memory_space<vmem_shared>>
          tpu.wait_indirect_dma semaphore(%run_scoped3A : memref<!tpu.dma_semaphore, #tpu.memory_space<semaphore_mem>>) src(%arg9 : memref<128x128xf32, #tpu.memory_space<vmem>>) dst(%dma_wait3A_123 : memref<10240x128xf32, #tpu.memory_space<vmem_shared>>)
          tpu.yield
        }) : () -> ()
        %lt3A = arith.constant 15 : i32
        %lt3A_97 = arith.cmpi slt, %scan3A_78, %lt3A : i32
        %convert_element_type3A_98 = arith.extui %lt3A_97 : i1 to i32
        %cond3A_99 = arith.constant 0 : i32
        %cond3A_100 = arith.cmpi ne, %convert_element_type3A_98, %cond3A_99 : i32
        scf.if %cond3A_100 {
          %mul3A_112 = arith.constant 2 : i32
          %mul3A_113 = arith.muli %mul3A_112, %scan3A_78 : i32
          %add3A_114 = arith.constant 2 : i32
          %add3A_115 = arith.addi %mul3A_113, %add3A_114 : i32
          %dma_start3A_116 = arith.constant 0 : i32
          %dma_start3A_117 = tpu.memref_slice %arg7[%add3A_115, %dma_start3A_116] : memref<32x128xi32, #tpu.memory_space<vmem>> -> memref<1x128xi32, #tpu.memory_space<vmem>>
          %dma_start3A_118 = tpu.memref_squeeze %dma_start3A_117 : memref<1x128xi32, #tpu.memory_space<vmem>> -> memref<128xi32, #tpu.memory_space<vmem>>
          %dma_start3A_119 = arith.constant 0 : i32
          %dma_start3A_120 = arith.constant 0 : i32
          %dma_start3A_121 = tpu.memref_slice %arg2[%dma_start3A_119, %dma_start3A_120] : memref<10000x128xf32, #tpu.memory_space<hbm>> -> memref<10000x128xf32, #tpu.memory_space<hbm>>
          tpu.enqueue_indirect_dma source(%dma_start3A_121 : memref<10000x128xf32, #tpu.memory_space<hbm>>) target(%arg9 : memref<128x128xf32, #tpu.memory_space<vmem>>) offsets(%dma_start3A_118 : memref<128xi32, #tpu.memory_space<vmem>>) semaphore(%arg12 : memref<!tpu.dma_semaphore, #tpu.memory_space<semaphore_mem>>)
        } else {
        }
        %dma_wait3A_101 = arith.constant 0 : i32
        %dma_wait3A_102 = arith.constant 0 : i32
        %dma_wait3A_103 = tpu.memref_slice %arg7[%dma_wait3A_101, %dma_wait3A_102] : memref<32x128xi32, #tpu.memory_space<vmem>> -> memref<1x128xi32, #tpu.memory_space<vmem>>
        %dma_wait3A_104 = tpu.memref_squeeze %dma_wait3A_103 : memref<1x128xi32, #tpu.memory_space<vmem>> -> memref<128xi32, #tpu.memory_space<vmem>>
        %dma_wait3A_105 = arith.constant 0 : i32
        %dma_wait3A_106 = arith.constant 0 : i32
        %dma_wait3A_107 = tpu.memref_slice %arg2[%dma_wait3A_105, %dma_wait3A_106] : memref<10000x128xf32, #tpu.memory_space<hbm>> -> memref<10000x128xf32, #tpu.memory_space<hbm>>
        tpu.wait_indirect_dma semaphore(%arg13 : memref<!tpu.dma_semaphore, #tpu.memory_space<semaphore_mem>>) src(%dma_wait3A_107 : memref<10000x128xf32, #tpu.memory_space<hbm>>) dst(%arg10 : memref<128x128xf32, #tpu.memory_space<vmem>>)
        %mul3A_108 = arith.constant 2 : i32
        %mul3A_109 = arith.muli %mul3A_108, %scan3A_78 : i32
        %add3A_110 = arith.constant 1 : i32
        %add3A_111 = arith.addi %mul3A_109, %add3A_110 : i32
        "tpu.region"() ({
          %run_scoped3A = tpu.sem_alloc : memref<!tpu.dma_semaphore, #tpu.memory_space<semaphore_mem>>
          %dma_start3A_112 = arith.constant 0 : i32
          %dma_start3A_113 = tpu.memref_slice %arg8[%add3A_111, %dma_start3A_112] : memref<32x128xi32, #tpu.memory_space<vmem>> -> memref<1x128xi32, #tpu.memory_space<vmem>>
          %dma_start3A_114 = tpu.memref_squeeze %dma_start3A_113 : memref<1x128xi32, #tpu.memory_space<vmem>> -> memref<128xi32, #tpu.memory_space<vmem>>
          %dma_start3A_115 = arith.constant 0 : i32
          %dma_start3A_116 = arith.constant 0 : i32
          %dma_start3A_117 = tpu.memref_slice %arg11[%dma_start3A_115, %dma_start3A_116] : memref<10240x128xf32, #tpu.memory_space<vmem_shared>> -> memref<10240x128xf32, #tpu.memory_space<vmem_shared>>
          tpu.enqueue_indirect_dma source(%arg10 : memref<128x128xf32, #tpu.memory_space<vmem>>) target(%dma_start3A_117 : memref<10240x128xf32, #tpu.memory_space<vmem_shared>>) offsets(%dma_start3A_114 : memref<128xi32, #tpu.memory_space<vmem>>) semaphore(%run_scoped3A : memref<!tpu.dma_semaphore, #tpu.memory_space<semaphore_mem>>) {add = true}
          %dma_wait3A_118 = arith.constant 0 : i32
          %dma_wait3A_119 = tpu.memref_slice %arg8[%add3A_111, %dma_wait3A_118] : memref<32x128xi32, #tpu.memory_space<vmem>> -> memref<1x128xi32, #tpu.memory_space<vmem>>
          %dma_wait3A_120 = tpu.memref_squeeze %dma_wait3A_119 : memref<1x128xi32, #tpu.memory_space<vmem>> -> memref<128xi32, #tpu.memory_space<vmem>>
          %dma_wait3A_121 = arith.constant 0 : i32
          %dma_wait3A_122 = arith.constant 0 : i32
          %dma_wait3A_123 = tpu.memref_slice %arg11[%dma_wait3A_121, %dma_wait3A_122] : memref<10240x128xf32, #tpu.memory_space<vmem_shared>> -> memref<10240x128xf32, #tpu.memory_space<vmem_shared>>
          tpu.wait_indirect_dma semaphore(%run_scoped3A : memref<!tpu.dma_semaphore, #tpu.memory_space<semaphore_mem>>) src(%arg10 : memref<128x128xf32, #tpu.memory_space<vmem>>) dst(%dma_wait3A_123 : memref<10240x128xf32, #tpu.memory_space<vmem_shared>>)
          tpu.yield
        }) : () -> ()
      }
      %scan3A_77 = arith.constant 16 : i32
    } else {
    }
    %eq3A_3 = arith.constant 1 : i32
    %eq3A_4 = arith.cmpi eq, %arg0, %eq3A_3 : i32
    %convert_element_type3A_5 = arith.extui %eq3A_4 : i1 to i32
    %cond3A_6 = arith.constant 0 : i32
    %cond3A_7 = arith.cmpi ne, %convert_element_type3A_5, %cond3A_6 : i32
    scf.if %cond3A_7 {
      %mul3A_13 = arith.constant 32 : i32
      %mul3A_14 = arith.muli %arg1, %mul3A_13 : i32
      %add3A = arith.constant 2048 : i32
      %add3A_15 = arith.addi %add3A, %mul3A_14 : i32
      "tpu.region"() ({
        %run_scoped3A = tpu.sem_alloc : memref<!tpu.dma_semaphore, #tpu.memory_space<semaphore_mem>>
        %dma_start3A_27 = arith.constant 0 : i32
        %dma_start3A_28 = arith.constant 0 : i32
        %dma_start3A_29 = tpu.memref_slice %arg7[%dma_start3A_27, %dma_start3A_28] : memref<32x128xi32, #tpu.memory_space<vmem>> -> memref<32x128xi32, #tpu.memory_space<vmem>>
        %dma_start3A_30 = arith.constant 0 : i32
        %dma_start3A_31 = tpu.memref_slice %arg3[%add3A_15, %dma_start3A_30] : memref<2560x128xi32, #tpu.memory_space<hbm>> -> memref<32x128xi32, #tpu.memory_space<hbm>>
        %dma_start3A_32 = arith.constant 0 : i32
        %dma_start3A_33 = arith.constant 0 : i32
        %dma_start3A_34 = tpu.memref_slice %arg7[%dma_start3A_32, %dma_start3A_33] : memref<32x128xi32, #tpu.memory_space<vmem>> -> memref<32x128xi32, #tpu.memory_space<vmem>>
        %dma_start3A_35 = arith.constant 0 : i32
        %dma_start3A_36 = tpu.memref_slice %arg3[%add3A_15, %dma_start3A_35] : memref<2560x128xi32, #tpu.memory_space<hbm>> -> memref<32x128xi32, #tpu.memory_space<hbm>>
        tpu.enqueue_dma source(%dma_start3A_36 : memref<32x128xi32, #tpu.memory_space<hbm>>) target(%dma_start3A_34 : memref<32x128xi32, #tpu.memory_space<vmem>>) target_semaphore(%run_scoped3A : memref<!tpu.dma_semaphore, #tpu.memory_space<semaphore_mem>>)
        %dma_wait3A = arith.constant 0 : i32
        %dma_wait3A_37 = arith.constant 0 : i32
        %dma_wait3A_38 = tpu.memref_slice %arg7[%dma_wait3A, %dma_wait3A_37] : memref<32x128xi32, #tpu.memory_space<vmem>> -> memref<32x128xi32, #tpu.memory_space<vmem>>
        %dma_wait3A_39 = arith.constant 0 : i32
        %dma_wait3A_40 = tpu.memref_slice %arg3[%add3A_15, %dma_wait3A_39] : memref<2560x128xi32, #tpu.memory_space<hbm>> -> memref<32x128xi32, #tpu.memory_space<hbm>>
        %dma_wait3A_41 = arith.constant 0 : i32
        %dma_wait3A_42 = arith.constant 0 : i32
        %dma_wait3A_43 = tpu.memref_slice %arg7[%dma_wait3A_41, %dma_wait3A_42] : memref<32x128xi32, #tpu.memory_space<vmem>> -> memref<32x128xi32, #tpu.memory_space<vmem>>
        %dma_wait3A_44 = arith.constant 0 : i32
        %dma_wait3A_45 = tpu.memref_slice %arg3[%add3A_15, %dma_wait3A_44] : memref<2560x128xi32, #tpu.memory_space<hbm>> -> memref<32x128xi32, #tpu.memory_space<hbm>>
        tpu.wait_dma2 semaphore(%run_scoped3A : memref<!tpu.dma_semaphore, #tpu.memory_space<semaphore_mem>>) src(%dma_wait3A_45 : memref<32x128xi32, #tpu.memory_space<hbm>>) dst(%dma_wait3A_43 : memref<32x128xi32, #tpu.memory_space<vmem>>)
        tpu.yield
      }) : () -> ()
      "tpu.region"() ({
        %run_scoped3A = tpu.sem_alloc : memref<!tpu.dma_semaphore, #tpu.memory_space<semaphore_mem>>
        %dma_start3A_27 = arith.constant 0 : i32
        %dma_start3A_28 = arith.constant 0 : i32
        %dma_start3A_29 = tpu.memref_slice %arg8[%dma_start3A_27, %dma_start3A_28] : memref<32x128xi32, #tpu.memory_space<vmem>> -> memref<32x128xi32, #tpu.memory_space<vmem>>
        %dma_start3A_30 = arith.constant 0 : i32
        %dma_start3A_31 = tpu.memref_slice %arg4[%add3A_15, %dma_start3A_30] : memref<2560x128xi32, #tpu.memory_space<hbm>> -> memref<32x128xi32, #tpu.memory_space<hbm>>
        %dma_start3A_32 = arith.constant 0 : i32
        %dma_start3A_33 = arith.constant 0 : i32
        %dma_start3A_34 = tpu.memref_slice %arg8[%dma_start3A_32, %dma_start3A_33] : memref<32x128xi32, #tpu.memory_space<vmem>> -> memref<32x128xi32, #tpu.memory_space<vmem>>
        %dma_start3A_35 = arith.constant 0 : i32
        %dma_start3A_36 = tpu.memref_slice %arg4[%add3A_15, %dma_start3A_35] : memref<2560x128xi32, #tpu.memory_space<hbm>> -> memref<32x128xi32, #tpu.memory_space<hbm>>
        tpu.enqueue_dma source(%dma_start3A_36 : memref<32x128xi32, #tpu.memory_space<hbm>>) target(%dma_start3A_34 : memref<32x128xi32, #tpu.memory_space<vmem>>) target_semaphore(%run_scoped3A : memref<!tpu.dma_semaphore, #tpu.memory_space<semaphore_mem>>)
        %dma_wait3A = arith.constant 0 : i32
        %dma_wait3A_37 = arith.constant 0 : i32
        %dma_wait3A_38 = tpu.memref_slice %arg8[%dma_wait3A, %dma_wait3A_37] : memref<32x128xi32, #tpu.memory_space<vmem>> -> memref<32x128xi32, #tpu.memory_space<vmem>>
        %dma_wait3A_39 = arith.constant 0 : i32
        %dma_wait3A_40 = tpu.memref_slice %arg4[%add3A_15, %dma_wait3A_39] : memref<2560x128xi32, #tpu.memory_space<hbm>> -> memref<32x128xi32, #tpu.memory_space<hbm>>
        %dma_wait3A_41 = arith.constant 0 : i32
        %dma_wait3A_42 = arith.constant 0 : i32
        %dma_wait3A_43 = tpu.memref_slice %arg8[%dma_wait3A_41, %dma_wait3A_42] : memref<32x128xi32, #tpu.memory_space<vmem>> -> memref<32x128xi32, #tpu.memory_space<vmem>>
        %dma_wait3A_44 = arith.constant 0 : i32
        %dma_wait3A_45 = tpu.memref_slice %arg4[%add3A_15, %dma_wait3A_44] : memref<2560x128xi32, #tpu.memory_space<hbm>> -> memref<32x128xi32, #tpu.memory_space<hbm>>
        tpu.wait_dma2 semaphore(%run_scoped3A : memref<!tpu.dma_semaphore, #tpu.memory_space<semaphore_mem>>) src(%dma_wait3A_45 : memref<32x128xi32, #tpu.memory_space<hbm>>) dst(%dma_wait3A_43 : memref<32x128xi32, #tpu.memory_space<vmem>>)
        tpu.yield
      }) : () -> ()
      %dma_start3A = arith.constant 0 : i32
      %dma_start3A_16 = arith.constant 0 : i32
      %dma_start3A_17 = tpu.memref_slice %arg7[%dma_start3A, %dma_start3A_16] : memref<32x128xi32, #tpu.memory_space<vmem>> -> memref<1x128xi32, #tpu.memory_space<vmem>>
      %dma_start3A_18 = tpu.memref_squeeze %dma_start3A_17 : memref<1x128xi32, #tpu.memory_space<vmem>> -> memref<128xi32, #tpu.memory_space<vmem>>
      %dma_start3A_19 = arith.constant 0 : i32
      %dma_start3A_20 = arith.constant 0 : i32
      %dma_start3A_21 = tpu.memref_slice %arg2[%dma_start3A_19, %dma_start3A_20] : memref<10000x128xf32, #tpu.memory_space<hbm>> -> memref<10000x128xf32, #tpu.memory_space<hbm>>
      tpu.enqueue_indirect_dma source(%dma_start3A_21 : memref<10000x128xf32, #tpu.memory_space<hbm>>) target(%arg9 : memref<128x128xf32, #tpu.memory_space<vmem>>) offsets(%dma_start3A_18 : memref<128xi32, #tpu.memory_space<vmem>>) semaphore(%arg12 : memref<!tpu.dma_semaphore, #tpu.memory_space<semaphore_mem>>)
      %scan3A = arith.constant 0 : i32
      %scan3A_22 = arith.constant 0 : i32
      %scan3A_23 = arith.constant 16 : i32
      %scan3A_24 = arith.addi %scan3A_22, %scan3A_23 : i32
      %scan3A_25 = arith.constant 1 : i32
      scf.for %scan3A_27 = %scan3A_22 to %scan3A_24 step %scan3A_25  : i32 {
        %mul3A_28 = arith.constant 2 : i32
        %mul3A_29 = arith.muli %mul3A_28, %scan3A_27 : i32
        %add3A_30 = arith.constant 1 : i32
        %add3A_31 = arith.addi %mul3A_29, %add3A_30 : i32
        %dma_start3A_32 = arith.constant 0 : i32
        %dma_start3A_33 = tpu.memref_slice %arg7[%add3A_31, %dma_start3A_32] : memref<32x128xi32, #tpu.memory_space<vmem>> -> memref<1x128xi32, #tpu.memory_space<vmem>>
        %dma_start3A_34 = tpu.memref_squeeze %dma_start3A_33 : memref<1x128xi32, #tpu.memory_space<vmem>> -> memref<128xi32, #tpu.memory_space<vmem>>
        %dma_start3A_35 = arith.constant 0 : i32
        %dma_start3A_36 = arith.constant 0 : i32
        %dma_start3A_37 = tpu.memref_slice %arg2[%dma_start3A_35, %dma_start3A_36] : memref<10000x128xf32, #tpu.memory_space<hbm>> -> memref<10000x128xf32, #tpu.memory_space<hbm>>
        tpu.enqueue_indirect_dma source(%dma_start3A_37 : memref<10000x128xf32, #tpu.memory_space<hbm>>) target(%arg10 : memref<128x128xf32, #tpu.memory_space<vmem>>) offsets(%dma_start3A_34 : memref<128xi32, #tpu.memory_space<vmem>>) semaphore(%arg13 : memref<!tpu.dma_semaphore, #tpu.memory_space<semaphore_mem>>)
        %dma_wait3A = arith.constant 0 : i32
        %dma_wait3A_38 = arith.constant 0 : i32
        %dma_wait3A_39 = tpu.memref_slice %arg7[%dma_wait3A, %dma_wait3A_38] : memref<32x128xi32, #tpu.memory_space<vmem>> -> memref<1x128xi32, #tpu.memory_space<vmem>>
        %dma_wait3A_40 = tpu.memref_squeeze %dma_wait3A_39 : memref<1x128xi32, #tpu.memory_space<vmem>> -> memref<128xi32, #tpu.memory_space<vmem>>
        %dma_wait3A_41 = arith.constant 0 : i32
        %dma_wait3A_42 = arith.constant 0 : i32
        %dma_wait3A_43 = tpu.memref_slice %arg2[%dma_wait3A_41, %dma_wait3A_42] : memref<10000x128xf32, #tpu.memory_space<hbm>> -> memref<10000x128xf32, #tpu.memory_space<hbm>>
        tpu.wait_indirect_dma semaphore(%arg12 : memref<!tpu.dma_semaphore, #tpu.memory_space<semaphore_mem>>) src(%dma_wait3A_43 : memref<10000x128xf32, #tpu.memory_space<hbm>>) dst(%arg9 : memref<128x128xf32, #tpu.memory_space<vmem>>)
        %mul3A_44 = arith.constant 2 : i32
        %mul3A_45 = arith.muli %mul3A_44, %scan3A_27 : i32
        "tpu.region"() ({
          %run_scoped3A = tpu.sem_alloc : memref<!tpu.dma_semaphore, #tpu.memory_space<semaphore_mem>>
          %dma_start3A_61 = arith.constant 0 : i32
          %dma_start3A_62 = tpu.memref_slice %arg8[%mul3A_45, %dma_start3A_61] : memref<32x128xi32, #tpu.memory_space<vmem>> -> memref<1x128xi32, #tpu.memory_space<vmem>>
          %dma_start3A_63 = tpu.memref_squeeze %dma_start3A_62 : memref<1x128xi32, #tpu.memory_space<vmem>> -> memref<128xi32, #tpu.memory_space<vmem>>
          %dma_start3A_64 = arith.constant 0 : i32
          %dma_start3A_65 = arith.constant 0 : i32
          %dma_start3A_66 = tpu.memref_slice %arg11[%dma_start3A_64, %dma_start3A_65] : memref<10240x128xf32, #tpu.memory_space<vmem_shared>> -> memref<10240x128xf32, #tpu.memory_space<vmem_shared>>
          tpu.enqueue_indirect_dma source(%arg9 : memref<128x128xf32, #tpu.memory_space<vmem>>) target(%dma_start3A_66 : memref<10240x128xf32, #tpu.memory_space<vmem_shared>>) offsets(%dma_start3A_63 : memref<128xi32, #tpu.memory_space<vmem>>) semaphore(%run_scoped3A : memref<!tpu.dma_semaphore, #tpu.memory_space<semaphore_mem>>) {add = true}
          %dma_wait3A_67 = arith.constant 0 : i32
          %dma_wait3A_68 = tpu.memref_slice %arg8[%mul3A_45, %dma_wait3A_67] : memref<32x128xi32, #tpu.memory_space<vmem>> -> memref<1x128xi32, #tpu.memory_space<vmem>>
          %dma_wait3A_69 = tpu.memref_squeeze %dma_wait3A_68 : memref<1x128xi32, #tpu.memory_space<vmem>> -> memref<128xi32, #tpu.memory_space<vmem>>
          %dma_wait3A_70 = arith.constant 0 : i32
          %dma_wait3A_71 = arith.constant 0 : i32
          %dma_wait3A_72 = tpu.memref_slice %arg11[%dma_wait3A_70, %dma_wait3A_71] : memref<10240x128xf32, #tpu.memory_space<vmem_shared>> -> memref<10240x128xf32, #tpu.memory_space<vmem_shared>>
          tpu.wait_indirect_dma semaphore(%run_scoped3A : memref<!tpu.dma_semaphore, #tpu.memory_space<semaphore_mem>>) src(%arg9 : memref<128x128xf32, #tpu.memory_space<vmem>>) dst(%dma_wait3A_72 : memref<10240x128xf32, #tpu.memory_space<vmem_shared>>)
          tpu.yield
        }) : () -> ()
        %lt3A = arith.constant 15 : i32
        %lt3A_46 = arith.cmpi slt, %scan3A_27, %lt3A : i32
        %convert_element_type3A_47 = arith.extui %lt3A_46 : i1 to i32
        %cond3A_48 = arith.constant 0 : i32
        %cond3A_49 = arith.cmpi ne, %convert_element_type3A_47, %cond3A_48 : i32
        scf.if %cond3A_49 {
          %mul3A_61 = arith.constant 2 : i32
          %mul3A_62 = arith.muli %mul3A_61, %scan3A_27 : i32
          %add3A_63 = arith.constant 2 : i32
          %add3A_64 = arith.addi %mul3A_62, %add3A_63 : i32
          %dma_start3A_65 = arith.constant 0 : i32
          %dma_start3A_66 = tpu.memref_slice %arg7[%add3A_64, %dma_start3A_65] : memref<32x128xi32, #tpu.memory_space<vmem>> -> memref<1x128xi32, #tpu.memory_space<vmem>>
          %dma_start3A_67 = tpu.memref_squeeze %dma_start3A_66 : memref<1x128xi32, #tpu.memory_space<vmem>> -> memref<128xi32, #tpu.memory_space<vmem>>
          %dma_start3A_68 = arith.constant 0 : i32
          %dma_start3A_69 = arith.constant 0 : i32
          %dma_start3A_70 = tpu.memref_slice %arg2[%dma_start3A_68, %dma_start3A_69] : memref<10000x128xf32, #tpu.memory_space<hbm>> -> memref<10000x128xf32, #tpu.memory_space<hbm>>
          tpu.enqueue_indirect_dma source(%dma_start3A_70 : memref<10000x128xf32, #tpu.memory_space<hbm>>) target(%arg9 : memref<128x128xf32, #tpu.memory_space<vmem>>) offsets(%dma_start3A_67 : memref<128xi32, #tpu.memory_space<vmem>>) semaphore(%arg12 : memref<!tpu.dma_semaphore, #tpu.memory_space<semaphore_mem>>)
        } else {
        }
        %dma_wait3A_50 = arith.constant 0 : i32
        %dma_wait3A_51 = arith.constant 0 : i32
        %dma_wait3A_52 = tpu.memref_slice %arg7[%dma_wait3A_50, %dma_wait3A_51] : memref<32x128xi32, #tpu.memory_space<vmem>> -> memref<1x128xi32, #tpu.memory_space<vmem>>
        %dma_wait3A_53 = tpu.memref_squeeze %dma_wait3A_52 : memref<1x128xi32, #tpu.memory_space<vmem>> -> memref<128xi32, #tpu.memory_space<vmem>>
        %dma_wait3A_54 = arith.constant 0 : i32
        %dma_wait3A_55 = arith.constant 0 : i32
        %dma_wait3A_56 = tpu.memref_slice %arg2[%dma_wait3A_54, %dma_wait3A_55] : memref<10000x128xf32, #tpu.memory_space<hbm>> -> memref<10000x128xf32, #tpu.memory_space<hbm>>
        tpu.wait_indirect_dma semaphore(%arg13 : memref<!tpu.dma_semaphore, #tpu.memory_space<semaphore_mem>>) src(%dma_wait3A_56 : memref<10000x128xf32, #tpu.memory_space<hbm>>) dst(%arg10 : memref<128x128xf32, #tpu.memory_space<vmem>>)
        %mul3A_57 = arith.constant 2 : i32
        %mul3A_58 = arith.muli %mul3A_57, %scan3A_27 : i32
        %add3A_59 = arith.constant 1 : i32
        %add3A_60 = arith.addi %mul3A_58, %add3A_59 : i32
        "tpu.region"() ({
          %run_scoped3A = tpu.sem_alloc : memref<!tpu.dma_semaphore, #tpu.memory_space<semaphore_mem>>
          %dma_start3A_61 = arith.constant 0 : i32
          %dma_start3A_62 = tpu.memref_slice %arg8[%add3A_60, %dma_start3A_61] : memref<32x128xi32, #tpu.memory_space<vmem>> -> memref<1x128xi32, #tpu.memory_space<vmem>>
          %dma_start3A_63 = tpu.memref_squeeze %dma_start3A_62 : memref<1x128xi32, #tpu.memory_space<vmem>> -> memref<128xi32, #tpu.memory_space<vmem>>
          %dma_start3A_64 = arith.constant 0 : i32
          %dma_start3A_65 = arith.constant 0 : i32
          %dma_start3A_66 = tpu.memref_slice %arg11[%dma_start3A_64, %dma_start3A_65] : memref<10240x128xf32, #tpu.memory_space<vmem_shared>> -> memref<10240x128xf32, #tpu.memory_space<vmem_shared>>
          tpu.enqueue_indirect_dma source(%arg10 : memref<128x128xf32, #tpu.memory_space<vmem>>) target(%dma_start3A_66 : memref<10240x128xf32, #tpu.memory_space<vmem_shared>>) offsets(%dma_start3A_63 : memref<128xi32, #tpu.memory_space<vmem>>) semaphore(%run_scoped3A : memref<!tpu.dma_semaphore, #tpu.memory_space<semaphore_mem>>) {add = true}
          %dma_wait3A_67 = arith.constant 0 : i32
          %dma_wait3A_68 = tpu.memref_slice %arg8[%add3A_60, %dma_wait3A_67] : memref<32x128xi32, #tpu.memory_space<vmem>> -> memref<1x128xi32, #tpu.memory_space<vmem>>
          %dma_wait3A_69 = tpu.memref_squeeze %dma_wait3A_68 : memref<1x128xi32, #tpu.memory_space<vmem>> -> memref<128xi32, #tpu.memory_space<vmem>>
          %dma_wait3A_70 = arith.constant 0 : i32
          %dma_wait3A_71 = arith.constant 0 : i32
          %dma_wait3A_72 = tpu.memref_slice %arg11[%dma_wait3A_70, %dma_wait3A_71] : memref<10240x128xf32, #tpu.memory_space<vmem_shared>> -> memref<10240x128xf32, #tpu.memory_space<vmem_shared>>
          tpu.wait_indirect_dma semaphore(%run_scoped3A : memref<!tpu.dma_semaphore, #tpu.memory_space<semaphore_mem>>) src(%arg10 : memref<128x128xf32, #tpu.memory_space<vmem>>) dst(%dma_wait3A_72 : memref<10240x128xf32, #tpu.memory_space<vmem_shared>>)
          tpu.yield
        }) : () -> ()
      }
      %scan3A_26 = arith.constant 16 : i32
    } else {
    }
    %barrier3A_8 = arith.constant 0 : index
    tpu.barrier barrier_id(%barrier3A_8)
    %mul3A_9 = arith.constant 640 : i32
    %mul3A_10 = arith.muli %arg1, %mul3A_9 : i32
    %mul3A_11 = arith.constant 640 : i32
    %mul3A_12 = arith.muli %arg1, %mul3A_11 : i32
    "tpu.region"() ({
      %run_scoped3A = tpu.sem_alloc : memref<!tpu.dma_semaphore, #tpu.memory_space<semaphore_mem>>
      %dma_start3A = arith.constant 0 : i32
      %dma_start3A_13 = tpu.memref_slice %arg6[%arg0, %mul3A_12, %dma_start3A] : memref<2x10240x128xf32, #tpu.memory_space<hbm>> -> memref<1x640x128xf32, #tpu.memory_space<hbm>>
      %dma_start3A_14 = tpu.memref_squeeze %dma_start3A_13 : memref<1x640x128xf32, #tpu.memory_space<hbm>> -> memref<640x128xf32, #tpu.memory_space<hbm>>
      %dma_start3A_15 = arith.constant 0 : i32
      %dma_start3A_16 = tpu.memref_slice %arg11[%mul3A_10, %dma_start3A_15] : memref<10240x128xf32, #tpu.memory_space<vmem_shared>> -> memref<640x128xf32, #tpu.memory_space<vmem_shared>>
      tpu.enqueue_dma source(%dma_start3A_16 : memref<640x128xf32, #tpu.memory_space<vmem_shared>>) target(%dma_start3A_14 : memref<640x128xf32, #tpu.memory_space<hbm>>) target_semaphore(%run_scoped3A : memref<!tpu.dma_semaphore, #tpu.memory_space<semaphore_mem>>)
      %dma_wait3A = arith.constant 0 : i32
      %dma_wait3A_17 = tpu.memref_slice %arg6[%arg0, %mul3A_12, %dma_wait3A] : memref<2x10240x128xf32, #tpu.memory_space<hbm>> -> memref<1x640x128xf32, #tpu.memory_space<hbm>>
      %dma_wait3A_18 = tpu.memref_squeeze %dma_wait3A_17 : memref<1x640x128xf32, #tpu.memory_space<hbm>> -> memref<640x128xf32, #tpu.memory_space<hbm>>
      %dma_wait3A_19 = arith.constant 0 : i32
      %dma_wait3A_20 = tpu.memref_slice %arg11[%mul3A_10, %dma_wait3A_19] : memref<10240x128xf32, #tpu.memory_space<vmem_shared>> -> memref<640x128xf32, #tpu.memory_space<vmem_shared>>
      tpu.wait_dma2 semaphore(%run_scoped3A : memref<!tpu.dma_semaphore, #tpu.memory_space<semaphore_mem>>) src(%dma_wait3A_20 : memref<640x128xf32, #tpu.memory_space<vmem_shared>>) dst(%dma_wait3A_18 : memref<640x128xf32, #tpu.memory_space<hbm>>)
      tpu.yield
    }) : () -> ()
    return
  }
}

#map = affine_map<(d0, d1) -> (0, 0)>
#map1 = affine_map<(d0, d1) -> (0, 0, 0)>
module attributes {stable_mosaic.version = 14 : i64} {
  func.func @_sc_agg(%arg0: i32, %arg1: i32, %arg2: memref<10000x128xf32, #tpu.memory_space<hbm>>, %arg3: memref<2560x128xi32, #tpu.memory_space<hbm>>, %arg4: memref<2560x128xi32, #tpu.memory_space<hbm>>, %arg5: memref<640x128xf32, #tpu.memory_space<hbm>>, %arg6: memref<2x10240x128xf32, #tpu.memory_space<hbm>>, %arg7: memref<32x128xi32, #tpu.memory_space<vmem>>, %arg8: memref<32x128xi32, #tpu.memory_space<vmem>>, %arg9: memref<128x128xf32, #tpu.memory_space<vmem>>, %arg10: memref<128x128xf32, #tpu.memory_space<vmem>>, %arg11: memref<10240x128xf32, #tpu.memory_space<vmem_shared>>, %arg12: memref<!tpu.dma_semaphore, #tpu.memory_space<semaphore_mem>>, %arg13: memref<!tpu.dma_semaphore, #tpu.memory_space<semaphore_mem>>) attributes {dimension_semantics = [#tpu.dimension_semantics<core_parallel>, #tpu.dimension_semantics<subcore_parallel>], iteration_bounds = array<i64: 2, 16>, scalar_prefetch = 0 : i64, scratch_operands = 7 : i64, tpu.core_type = #tpu.core_type<sc_vector_subcore>, window_params = [{transform_indices = #map}, {transform_indices = #map}, {transform_indices = #map}, {transform_indices = #map}, {transform_indices = #map1}]} {
    %mul3A = arith.constant 640 : i32
    %mul3A_0 = arith.muli %arg1, %mul3A : i32
    "tpu.region"() ({
      %run_scoped3A = tpu.sem_alloc : memref<!tpu.dma_semaphore, #tpu.memory_space<semaphore_mem>>
      %dma_start3A = arith.constant 0 : i32
      %dma_start3A_13 = tpu.memref_slice %arg11[%mul3A_0, %dma_start3A] : memref<10240x128xf32, #tpu.memory_space<vmem_shared>> -> memref<640x128xf32, #tpu.memory_space<vmem_shared>>
      tpu.enqueue_dma source(%arg5 : memref<640x128xf32, #tpu.memory_space<hbm>>) target(%dma_start3A_13 : memref<640x128xf32, #tpu.memory_space<vmem_shared>>) target_semaphore(%run_scoped3A : memref<!tpu.dma_semaphore, #tpu.memory_space<semaphore_mem>>)
      %dma_wait3A = arith.constant 0 : i32
      %dma_wait3A_14 = tpu.memref_slice %arg11[%mul3A_0, %dma_wait3A] : memref<10240x128xf32, #tpu.memory_space<vmem_shared>> -> memref<640x128xf32, #tpu.memory_space<vmem_shared>>
      tpu.wait_dma2 semaphore(%run_scoped3A : memref<!tpu.dma_semaphore, #tpu.memory_space<semaphore_mem>>) src(%arg5 : memref<640x128xf32, #tpu.memory_space<hbm>>) dst(%dma_wait3A_14 : memref<640x128xf32, #tpu.memory_space<vmem_shared>>)
      tpu.yield
    }) : () -> ()
    %barrier3A = arith.constant 0 : index
    tpu.barrier barrier_id(%barrier3A)
    %eq3A = arith.constant 0 : i32
    %eq3A_1 = arith.cmpi eq, %arg0, %eq3A : i32
    %convert_element_type3A = arith.extui %eq3A_1 : i1 to i32
    %cond3A = arith.constant 0 : i32
    %cond3A_2 = arith.cmpi ne, %convert_element_type3A, %cond3A : i32
    scf.if %cond3A_2 {
      %mul3A_13 = arith.constant 128 : i32
      %mul3A_14 = arith.muli %arg1, %mul3A_13 : i32
      %add3A = arith.constant 0 : i32
      %add3A_15 = arith.addi %mul3A_14, %add3A : i32
      "tpu.region"() ({
        %run_scoped3A = tpu.sem_alloc : memref<!tpu.dma_semaphore, #tpu.memory_space<semaphore_mem>>
        %dma_start3A_78 = arith.constant 0 : i32
        %dma_start3A_79 = arith.constant 0 : i32
        %dma_start3A_80 = tpu.memref_slice %arg7[%dma_start3A_78, %dma_start3A_79] : memref<32x128xi32, #tpu.memory_space<vmem>> -> memref<32x128xi32, #tpu.memory_space<vmem>>
        %dma_start3A_81 = arith.constant 0 : i32
        %dma_start3A_82 = tpu.memref_slice %arg3[%add3A_15, %dma_start3A_81] : memref<2560x128xi32, #tpu.memory_space<hbm>> -> memref<32x128xi32, #tpu.memory_space<hbm>>
        %dma_start3A_83 = arith.constant 0 : i32
        %dma_start3A_84 = arith.constant 0 : i32
        %dma_start3A_85 = tpu.memref_slice %arg7[%dma_start3A_83, %dma_start3A_84] : memref<32x128xi32, #tpu.memory_space<vmem>> -> memref<32x128xi32, #tpu.memory_space<vmem>>
        %dma_start3A_86 = arith.constant 0 : i32
        %dma_start3A_87 = tpu.memref_slice %arg3[%add3A_15, %dma_start3A_86] : memref<2560x128xi32, #tpu.memory_space<hbm>> -> memref<32x128xi32, #tpu.memory_space<hbm>>
        tpu.enqueue_dma source(%dma_start3A_87 : memref<32x128xi32, #tpu.memory_space<hbm>>) target(%dma_start3A_85 : memref<32x128xi32, #tpu.memory_space<vmem>>) target_semaphore(%run_scoped3A : memref<!tpu.dma_semaphore, #tpu.memory_space<semaphore_mem>>)
        %dma_wait3A = arith.constant 0 : i32
        %dma_wait3A_88 = arith.constant 0 : i32
        %dma_wait3A_89 = tpu.memref_slice %arg7[%dma_wait3A, %dma_wait3A_88] : memref<32x128xi32, #tpu.memory_space<vmem>> -> memref<32x128xi32, #tpu.memory_space<vmem>>
        %dma_wait3A_90 = arith.constant 0 : i32
        %dma_wait3A_91 = tpu.memref_slice %arg3[%add3A_15, %dma_wait3A_90] : memref<2560x128xi32, #tpu.memory_space<hbm>> -> memref<32x128xi32, #tpu.memory_space<hbm>>
        %dma_wait3A_92 = arith.constant 0 : i32
        %dma_wait3A_93 = arith.constant 0 : i32
        %dma_wait3A_94 = tpu.memref_slice %arg7[%dma_wait3A_92, %dma_wait3A_93] : memref<32x128xi32, #tpu.memory_space<vmem>> -> memref<32x128xi32, #tpu.memory_space<vmem>>
        %dma_wait3A_95 = arith.constant 0 : i32
        %dma_wait3A_96 = tpu.memref_slice %arg3[%add3A_15, %dma_wait3A_95] : memref<2560x128xi32, #tpu.memory_space<hbm>> -> memref<32x128xi32, #tpu.memory_space<hbm>>
        tpu.wait_dma2 semaphore(%run_scoped3A : memref<!tpu.dma_semaphore, #tpu.memory_space<semaphore_mem>>) src(%dma_wait3A_96 : memref<32x128xi32, #tpu.memory_space<hbm>>) dst(%dma_wait3A_94 : memref<32x128xi32, #tpu.memory_space<vmem>>)
        tpu.yield
      }) : () -> ()
      "tpu.region"() ({
        %run_scoped3A = tpu.sem_alloc : memref<!tpu.dma_semaphore, #tpu.memory_space<semaphore_mem>>
        %dma_start3A_78 = arith.constant 0 : i32
        %dma_start3A_79 = arith.constant 0 : i32
        %dma_start3A_80 = tpu.memref_slice %arg8[%dma_start3A_78, %dma_start3A_79] : memref<32x128xi32, #tpu.memory_space<vmem>> -> memref<32x128xi32, #tpu.memory_space<vmem>>
        %dma_start3A_81 = arith.constant 0 : i32
        %dma_start3A_82 = tpu.memref_slice %arg4[%add3A_15, %dma_start3A_81] : memref<2560x128xi32, #tpu.memory_space<hbm>> -> memref<32x128xi32, #tpu.memory_space<hbm>>
        %dma_start3A_83 = arith.constant 0 : i32
        %dma_start3A_84 = arith.constant 0 : i32
        %dma_start3A_85 = tpu.memref_slice %arg8[%dma_start3A_83, %dma_start3A_84] : memref<32x128xi32, #tpu.memory_space<vmem>> -> memref<32x128xi32, #tpu.memory_space<vmem>>
        %dma_start3A_86 = arith.constant 0 : i32
        %dma_start3A_87 = tpu.memref_slice %arg4[%add3A_15, %dma_start3A_86] : memref<2560x128xi32, #tpu.memory_space<hbm>> -> memref<32x128xi32, #tpu.memory_space<hbm>>
        tpu.enqueue_dma source(%dma_start3A_87 : memref<32x128xi32, #tpu.memory_space<hbm>>) target(%dma_start3A_85 : memref<32x128xi32, #tpu.memory_space<vmem>>) target_semaphore(%run_scoped3A : memref<!tpu.dma_semaphore, #tpu.memory_space<semaphore_mem>>)
        %dma_wait3A = arith.constant 0 : i32
        %dma_wait3A_88 = arith.constant 0 : i32
        %dma_wait3A_89 = tpu.memref_slice %arg8[%dma_wait3A, %dma_wait3A_88] : memref<32x128xi32, #tpu.memory_space<vmem>> -> memref<32x128xi32, #tpu.memory_space<vmem>>
        %dma_wait3A_90 = arith.constant 0 : i32
        %dma_wait3A_91 = tpu.memref_slice %arg4[%add3A_15, %dma_wait3A_90] : memref<2560x128xi32, #tpu.memory_space<hbm>> -> memref<32x128xi32, #tpu.memory_space<hbm>>
        %dma_wait3A_92 = arith.constant 0 : i32
        %dma_wait3A_93 = arith.constant 0 : i32
        %dma_wait3A_94 = tpu.memref_slice %arg8[%dma_wait3A_92, %dma_wait3A_93] : memref<32x128xi32, #tpu.memory_space<vmem>> -> memref<32x128xi32, #tpu.memory_space<vmem>>
        %dma_wait3A_95 = arith.constant 0 : i32
        %dma_wait3A_96 = tpu.memref_slice %arg4[%add3A_15, %dma_wait3A_95] : memref<2560x128xi32, #tpu.memory_space<hbm>> -> memref<32x128xi32, #tpu.memory_space<hbm>>
        tpu.wait_dma2 semaphore(%run_scoped3A : memref<!tpu.dma_semaphore, #tpu.memory_space<semaphore_mem>>) src(%dma_wait3A_96 : memref<32x128xi32, #tpu.memory_space<hbm>>) dst(%dma_wait3A_94 : memref<32x128xi32, #tpu.memory_space<vmem>>)
        tpu.yield
      }) : () -> ()
      %dma_start3A = arith.constant 0 : i32
      %dma_start3A_16 = arith.constant 0 : i32
      %dma_start3A_17 = tpu.memref_slice %arg7[%dma_start3A, %dma_start3A_16] : memref<32x128xi32, #tpu.memory_space<vmem>> -> memref<1x128xi32, #tpu.memory_space<vmem>>
      %dma_start3A_18 = tpu.memref_squeeze %dma_start3A_17 : memref<1x128xi32, #tpu.memory_space<vmem>> -> memref<128xi32, #tpu.memory_space<vmem>>
      %dma_start3A_19 = arith.constant 0 : i32
      %dma_start3A_20 = arith.constant 0 : i32
      %dma_start3A_21 = tpu.memref_slice %arg2[%dma_start3A_19, %dma_start3A_20] : memref<10000x128xf32, #tpu.memory_space<hbm>> -> memref<10000x128xf32, #tpu.memory_space<hbm>>
      tpu.enqueue_indirect_dma source(%dma_start3A_21 : memref<10000x128xf32, #tpu.memory_space<hbm>>) target(%arg9 : memref<128x128xf32, #tpu.memory_space<vmem>>) offsets(%dma_start3A_18 : memref<128xi32, #tpu.memory_space<vmem>>) semaphore(%arg12 : memref<!tpu.dma_semaphore, #tpu.memory_space<semaphore_mem>>)
      %scan3A = arith.constant 0 : i32
      %scan3A_22 = arith.constant 0 : i32
      %scan3A_23 = arith.constant 16 : i32
      %scan3A_24 = arith.addi %scan3A_22, %scan3A_23 : i32
      %scan3A_25 = arith.constant 1 : i32
      scf.for %scan3A_78 = %scan3A_22 to %scan3A_24 step %scan3A_25  : i32 {
        %mul3A_79 = arith.constant 2 : i32
        %mul3A_80 = arith.muli %mul3A_79, %scan3A_78 : i32
        %add3A_81 = arith.constant 1 : i32
        %add3A_82 = arith.addi %mul3A_80, %add3A_81 : i32
        %dma_start3A_83 = arith.constant 0 : i32
        %dma_start3A_84 = tpu.memref_slice %arg7[%add3A_82, %dma_start3A_83] : memref<32x128xi32, #tpu.memory_space<vmem>> -> memref<1x128xi32, #tpu.memory_space<vmem>>
        %dma_start3A_85 = tpu.memref_squeeze %dma_start3A_84 : memref<1x128xi32, #tpu.memory_space<vmem>> -> memref<128xi32, #tpu.memory_space<vmem>>
        %dma_start3A_86 = arith.constant 0 : i32
        %dma_start3A_87 = arith.constant 0 : i32
        %dma_start3A_88 = tpu.memref_slice %arg2[%dma_start3A_86, %dma_start3A_87] : memref<10000x128xf32, #tpu.memory_space<hbm>> -> memref<10000x128xf32, #tpu.memory_space<hbm>>
        tpu.enqueue_indirect_dma source(%dma_start3A_88 : memref<10000x128xf32, #tpu.memory_space<hbm>>) target(%arg10 : memref<128x128xf32, #tpu.memory_space<vmem>>) offsets(%dma_start3A_85 : memref<128xi32, #tpu.memory_space<vmem>>) semaphore(%arg13 : memref<!tpu.dma_semaphore, #tpu.memory_space<semaphore_mem>>)
        %dma_wait3A = arith.constant 0 : i32
        %dma_wait3A_89 = arith.constant 0 : i32
        %dma_wait3A_90 = tpu.memref_slice %arg7[%dma_wait3A, %dma_wait3A_89] : memref<32x128xi32, #tpu.memory_space<vmem>> -> memref<1x128xi32, #tpu.memory_space<vmem>>
        %dma_wait3A_91 = tpu.memref_squeeze %dma_wait3A_90 : memref<1x128xi32, #tpu.memory_space<vmem>> -> memref<128xi32, #tpu.memory_space<vmem>>
        %dma_wait3A_92 = arith.constant 0 : i32
        %dma_wait3A_93 = arith.constant 0 : i32
        %dma_wait3A_94 = tpu.memref_slice %arg2[%dma_wait3A_92, %dma_wait3A_93] : memref<10000x128xf32, #tpu.memory_space<hbm>> -> memref<10000x128xf32, #tpu.memory_space<hbm>>
        tpu.wait_indirect_dma semaphore(%arg12 : memref<!tpu.dma_semaphore, #tpu.memory_space<semaphore_mem>>) src(%dma_wait3A_94 : memref<10000x128xf32, #tpu.memory_space<hbm>>) dst(%arg9 : memref<128x128xf32, #tpu.memory_space<vmem>>)
        %mul3A_95 = arith.constant 2 : i32
        %mul3A_96 = arith.muli %mul3A_95, %scan3A_78 : i32
        "tpu.region"() ({
          %run_scoped3A = tpu.sem_alloc : memref<!tpu.dma_semaphore, #tpu.memory_space<semaphore_mem>>
          %dma_start3A_112 = arith.constant 0 : i32
          %dma_start3A_113 = tpu.memref_slice %arg8[%mul3A_96, %dma_start3A_112] : memref<32x128xi32, #tpu.memory_space<vmem>> -> memref<1x128xi32, #tpu.memory_space<vmem>>
          %dma_start3A_114 = tpu.memref_squeeze %dma_start3A_113 : memref<1x128xi32, #tpu.memory_space<vmem>> -> memref<128xi32, #tpu.memory_space<vmem>>
          %dma_start3A_115 = arith.constant 0 : i32
          %dma_start3A_116 = arith.constant 0 : i32
          %dma_start3A_117 = tpu.memref_slice %arg11[%dma_start3A_115, %dma_start3A_116] : memref<10240x128xf32, #tpu.memory_space<vmem_shared>> -> memref<10240x128xf32, #tpu.memory_space<vmem_shared>>
          tpu.enqueue_indirect_dma source(%arg9 : memref<128x128xf32, #tpu.memory_space<vmem>>) target(%dma_start3A_117 : memref<10240x128xf32, #tpu.memory_space<vmem_shared>>) offsets(%dma_start3A_114 : memref<128xi32, #tpu.memory_space<vmem>>) semaphore(%run_scoped3A : memref<!tpu.dma_semaphore, #tpu.memory_space<semaphore_mem>>) {add = true}
          %dma_wait3A_118 = arith.constant 0 : i32
          %dma_wait3A_119 = tpu.memref_slice %arg8[%mul3A_96, %dma_wait3A_118] : memref<32x128xi32, #tpu.memory_space<vmem>> -> memref<1x128xi32, #tpu.memory_space<vmem>>
          %dma_wait3A_120 = tpu.memref_squeeze %dma_wait3A_119 : memref<1x128xi32, #tpu.memory_space<vmem>> -> memref<128xi32, #tpu.memory_space<vmem>>
          %dma_wait3A_121 = arith.constant 0 : i32
          %dma_wait3A_122 = arith.constant 0 : i32
          %dma_wait3A_123 = tpu.memref_slice %arg11[%dma_wait3A_121, %dma_wait3A_122] : memref<10240x128xf32, #tpu.memory_space<vmem_shared>> -> memref<10240x128xf32, #tpu.memory_space<vmem_shared>>
          tpu.wait_indirect_dma semaphore(%run_scoped3A : memref<!tpu.dma_semaphore, #tpu.memory_space<semaphore_mem>>) src(%arg9 : memref<128x128xf32, #tpu.memory_space<vmem>>) dst(%dma_wait3A_123 : memref<10240x128xf32, #tpu.memory_space<vmem_shared>>)
          tpu.yield
        }) : () -> ()
        %lt3A = arith.constant 15 : i32
        %lt3A_97 = arith.cmpi slt, %scan3A_78, %lt3A : i32
        %convert_element_type3A_98 = arith.extui %lt3A_97 : i1 to i32
        %cond3A_99 = arith.constant 0 : i32
        %cond3A_100 = arith.cmpi ne, %convert_element_type3A_98, %cond3A_99 : i32
        scf.if %cond3A_100 {
          %mul3A_112 = arith.constant 2 : i32
          %mul3A_113 = arith.muli %mul3A_112, %scan3A_78 : i32
          %add3A_114 = arith.constant 2 : i32
          %add3A_115 = arith.addi %mul3A_113, %add3A_114 : i32
          %dma_start3A_116 = arith.constant 0 : i32
          %dma_start3A_117 = tpu.memref_slice %arg7[%add3A_115, %dma_start3A_116] : memref<32x128xi32, #tpu.memory_space<vmem>> -> memref<1x128xi32, #tpu.memory_space<vmem>>
          %dma_start3A_118 = tpu.memref_squeeze %dma_start3A_117 : memref<1x128xi32, #tpu.memory_space<vmem>> -> memref<128xi32, #tpu.memory_space<vmem>>
          %dma_start3A_119 = arith.constant 0 : i32
          %dma_start3A_120 = arith.constant 0 : i32
          %dma_start3A_121 = tpu.memref_slice %arg2[%dma_start3A_119, %dma_start3A_120] : memref<10000x128xf32, #tpu.memory_space<hbm>> -> memref<10000x128xf32, #tpu.memory_space<hbm>>
          tpu.enqueue_indirect_dma source(%dma_start3A_121 : memref<10000x128xf32, #tpu.memory_space<hbm>>) target(%arg9 : memref<128x128xf32, #tpu.memory_space<vmem>>) offsets(%dma_start3A_118 : memref<128xi32, #tpu.memory_space<vmem>>) semaphore(%arg12 : memref<!tpu.dma_semaphore, #tpu.memory_space<semaphore_mem>>)
        } else {
        }
        %dma_wait3A_101 = arith.constant 0 : i32
        %dma_wait3A_102 = arith.constant 0 : i32
        %dma_wait3A_103 = tpu.memref_slice %arg7[%dma_wait3A_101, %dma_wait3A_102] : memref<32x128xi32, #tpu.memory_space<vmem>> -> memref<1x128xi32, #tpu.memory_space<vmem>>
        %dma_wait3A_104 = tpu.memref_squeeze %dma_wait3A_103 : memref<1x128xi32, #tpu.memory_space<vmem>> -> memref<128xi32, #tpu.memory_space<vmem>>
        %dma_wait3A_105 = arith.constant 0 : i32
        %dma_wait3A_106 = arith.constant 0 : i32
        %dma_wait3A_107 = tpu.memref_slice %arg2[%dma_wait3A_105, %dma_wait3A_106] : memref<10000x128xf32, #tpu.memory_space<hbm>> -> memref<10000x128xf32, #tpu.memory_space<hbm>>
        tpu.wait_indirect_dma semaphore(%arg13 : memref<!tpu.dma_semaphore, #tpu.memory_space<semaphore_mem>>) src(%dma_wait3A_107 : memref<10000x128xf32, #tpu.memory_space<hbm>>) dst(%arg10 : memref<128x128xf32, #tpu.memory_space<vmem>>)
        %mul3A_108 = arith.constant 2 : i32
        %mul3A_109 = arith.muli %mul3A_108, %scan3A_78 : i32
        %add3A_110 = arith.constant 1 : i32
        %add3A_111 = arith.addi %mul3A_109, %add3A_110 : i32
        "tpu.region"() ({
          %run_scoped3A = tpu.sem_alloc : memref<!tpu.dma_semaphore, #tpu.memory_space<semaphore_mem>>
          %dma_start3A_112 = arith.constant 0 : i32
          %dma_start3A_113 = tpu.memref_slice %arg8[%add3A_111, %dma_start3A_112] : memref<32x128xi32, #tpu.memory_space<vmem>> -> memref<1x128xi32, #tpu.memory_space<vmem>>
          %dma_start3A_114 = tpu.memref_squeeze %dma_start3A_113 : memref<1x128xi32, #tpu.memory_space<vmem>> -> memref<128xi32, #tpu.memory_space<vmem>>
          %dma_start3A_115 = arith.constant 0 : i32
          %dma_start3A_116 = arith.constant 0 : i32
          %dma_start3A_117 = tpu.memref_slice %arg11[%dma_start3A_115, %dma_start3A_116] : memref<10240x128xf32, #tpu.memory_space<vmem_shared>> -> memref<10240x128xf32, #tpu.memory_space<vmem_shared>>
          tpu.enqueue_indirect_dma source(%arg10 : memref<128x128xf32, #tpu.memory_space<vmem>>) target(%dma_start3A_117 : memref<10240x128xf32, #tpu.memory_space<vmem_shared>>) offsets(%dma_start3A_114 : memref<128xi32, #tpu.memory_space<vmem>>) semaphore(%run_scoped3A : memref<!tpu.dma_semaphore, #tpu.memory_space<semaphore_mem>>) {add = true}
          %dma_wait3A_118 = arith.constant 0 : i32
          %dma_wait3A_119 = tpu.memref_slice %arg8[%add3A_111, %dma_wait3A_118] : memref<32x128xi32, #tpu.memory_space<vmem>> -> memref<1x128xi32, #tpu.memory_space<vmem>>
          %dma_wait3A_120 = tpu.memref_squeeze %dma_wait3A_119 : memref<1x128xi32, #tpu.memory_space<vmem>> -> memref<128xi32, #tpu.memory_space<vmem>>
          %dma_wait3A_121 = arith.constant 0 : i32
          %dma_wait3A_122 = arith.constant 0 : i32
          %dma_wait3A_123 = tpu.memref_slice %arg11[%dma_wait3A_121, %dma_wait3A_122] : memref<10240x128xf32, #tpu.memory_space<vmem_shared>> -> memref<10240x128xf32, #tpu.memory_space<vmem_shared>>
          tpu.wait_indirect_dma semaphore(%run_scoped3A : memref<!tpu.dma_semaphore, #tpu.memory_space<semaphore_mem>>) src(%arg10 : memref<128x128xf32, #tpu.memory_space<vmem>>) dst(%dma_wait3A_123 : memref<10240x128xf32, #tpu.memory_space<vmem_shared>>)
          tpu.yield
        }) : () -> ()
      }
      %scan3A_26 = arith.constant 16 : i32
      %mul3A_27 = arith.constant 128 : i32
      %mul3A_28 = arith.muli %arg1, %mul3A_27 : i32
      %add3A_29 = arith.constant 32 : i32
      %add3A_30 = arith.addi %mul3A_28, %add3A_29 : i32
      "tpu.region"() ({
        %run_scoped3A = tpu.sem_alloc : memref<!tpu.dma_semaphore, #tpu.memory_space<semaphore_mem>>
        %dma_start3A_78 = arith.constant 0 : i32
        %dma_start3A_79 = arith.constant 0 : i32
        %dma_start3A_80 = tpu.memref_slice %arg7[%dma_start3A_78, %dma_start3A_79] : memref<32x128xi32, #tpu.memory_space<vmem>> -> memref<32x128xi32, #tpu.memory_space<vmem>>
        %dma_start3A_81 = arith.constant 0 : i32
        %dma_start3A_82 = tpu.memref_slice %arg3[%add3A_30, %dma_start3A_81] : memref<2560x128xi32, #tpu.memory_space<hbm>> -> memref<32x128xi32, #tpu.memory_space<hbm>>
        %dma_start3A_83 = arith.constant 0 : i32
        %dma_start3A_84 = arith.constant 0 : i32
        %dma_start3A_85 = tpu.memref_slice %arg7[%dma_start3A_83, %dma_start3A_84] : memref<32x128xi32, #tpu.memory_space<vmem>> -> memref<32x128xi32, #tpu.memory_space<vmem>>
        %dma_start3A_86 = arith.constant 0 : i32
        %dma_start3A_87 = tpu.memref_slice %arg3[%add3A_30, %dma_start3A_86] : memref<2560x128xi32, #tpu.memory_space<hbm>> -> memref<32x128xi32, #tpu.memory_space<hbm>>
        tpu.enqueue_dma source(%dma_start3A_87 : memref<32x128xi32, #tpu.memory_space<hbm>>) target(%dma_start3A_85 : memref<32x128xi32, #tpu.memory_space<vmem>>) target_semaphore(%run_scoped3A : memref<!tpu.dma_semaphore, #tpu.memory_space<semaphore_mem>>)
        %dma_wait3A = arith.constant 0 : i32
        %dma_wait3A_88 = arith.constant 0 : i32
        %dma_wait3A_89 = tpu.memref_slice %arg7[%dma_wait3A, %dma_wait3A_88] : memref<32x128xi32, #tpu.memory_space<vmem>> -> memref<32x128xi32, #tpu.memory_space<vmem>>
        %dma_wait3A_90 = arith.constant 0 : i32
        %dma_wait3A_91 = tpu.memref_slice %arg3[%add3A_30, %dma_wait3A_90] : memref<2560x128xi32, #tpu.memory_space<hbm>> -> memref<32x128xi32, #tpu.memory_space<hbm>>
        %dma_wait3A_92 = arith.constant 0 : i32
        %dma_wait3A_93 = arith.constant 0 : i32
        %dma_wait3A_94 = tpu.memref_slice %arg7[%dma_wait3A_92, %dma_wait3A_93] : memref<32x128xi32, #tpu.memory_space<vmem>> -> memref<32x128xi32, #tpu.memory_space<vmem>>
        %dma_wait3A_95 = arith.constant 0 : i32
        %dma_wait3A_96 = tpu.memref_slice %arg3[%add3A_30, %dma_wait3A_95] : memref<2560x128xi32, #tpu.memory_space<hbm>> -> memref<32x128xi32, #tpu.memory_space<hbm>>
        tpu.wait_dma2 semaphore(%run_scoped3A : memref<!tpu.dma_semaphore, #tpu.memory_space<semaphore_mem>>) src(%dma_wait3A_96 : memref<32x128xi32, #tpu.memory_space<hbm>>) dst(%dma_wait3A_94 : memref<32x128xi32, #tpu.memory_space<vmem>>)
        tpu.yield
      }) : () -> ()
      "tpu.region"() ({
        %run_scoped3A = tpu.sem_alloc : memref<!tpu.dma_semaphore, #tpu.memory_space<semaphore_mem>>
        %dma_start3A_78 = arith.constant 0 : i32
        %dma_start3A_79 = arith.constant 0 : i32
        %dma_start3A_80 = tpu.memref_slice %arg8[%dma_start3A_78, %dma_start3A_79] : memref<32x128xi32, #tpu.memory_space<vmem>> -> memref<32x128xi32, #tpu.memory_space<vmem>>
        %dma_start3A_81 = arith.constant 0 : i32
        %dma_start3A_82 = tpu.memref_slice %arg4[%add3A_30, %dma_start3A_81] : memref<2560x128xi32, #tpu.memory_space<hbm>> -> memref<32x128xi32, #tpu.memory_space<hbm>>
        %dma_start3A_83 = arith.constant 0 : i32
        %dma_start3A_84 = arith.constant 0 : i32
        %dma_start3A_85 = tpu.memref_slice %arg8[%dma_start3A_83, %dma_start3A_84] : memref<32x128xi32, #tpu.memory_space<vmem>> -> memref<32x128xi32, #tpu.memory_space<vmem>>
        %dma_start3A_86 = arith.constant 0 : i32
        %dma_start3A_87 = tpu.memref_slice %arg4[%add3A_30, %dma_start3A_86] : memref<2560x128xi32, #tpu.memory_space<hbm>> -> memref<32x128xi32, #tpu.memory_space<hbm>>
        tpu.enqueue_dma source(%dma_start3A_87 : memref<32x128xi32, #tpu.memory_space<hbm>>) target(%dma_start3A_85 : memref<32x128xi32, #tpu.memory_space<vmem>>) target_semaphore(%run_scoped3A : memref<!tpu.dma_semaphore, #tpu.memory_space<semaphore_mem>>)
        %dma_wait3A = arith.constant 0 : i32
        %dma_wait3A_88 = arith.constant 0 : i32
        %dma_wait3A_89 = tpu.memref_slice %arg8[%dma_wait3A, %dma_wait3A_88] : memref<32x128xi32, #tpu.memory_space<vmem>> -> memref<32x128xi32, #tpu.memory_space<vmem>>
        %dma_wait3A_90 = arith.constant 0 : i32
        %dma_wait3A_91 = tpu.memref_slice %arg4[%add3A_30, %dma_wait3A_90] : memref<2560x128xi32, #tpu.memory_space<hbm>> -> memref<32x128xi32, #tpu.memory_space<hbm>>
        %dma_wait3A_92 = arith.constant 0 : i32
        %dma_wait3A_93 = arith.constant 0 : i32
        %dma_wait3A_94 = tpu.memref_slice %arg8[%dma_wait3A_92, %dma_wait3A_93] : memref<32x128xi32, #tpu.memory_space<vmem>> -> memref<32x128xi32, #tpu.memory_space<vmem>>
        %dma_wait3A_95 = arith.constant 0 : i32
        %dma_wait3A_96 = tpu.memref_slice %arg4[%add3A_30, %dma_wait3A_95] : memref<2560x128xi32, #tpu.memory_space<hbm>> -> memref<32x128xi32, #tpu.memory_space<hbm>>
        tpu.wait_dma2 semaphore(%run_scoped3A : memref<!tpu.dma_semaphore, #tpu.memory_space<semaphore_mem>>) src(%dma_wait3A_96 : memref<32x128xi32, #tpu.memory_space<hbm>>) dst(%dma_wait3A_94 : memref<32x128xi32, #tpu.memory_space<vmem>>)
        tpu.yield
      }) : () -> ()
      %dma_start3A_31 = arith.constant 0 : i32
      %dma_start3A_32 = arith.constant 0 : i32
      %dma_start3A_33 = tpu.memref_slice %arg7[%dma_start3A_31, %dma_start3A_32] : memref<32x128xi32, #tpu.memory_space<vmem>> -> memref<1x128xi32, #tpu.memory_space<vmem>>
      %dma_start3A_34 = tpu.memref_squeeze %dma_start3A_33 : memref<1x128xi32, #tpu.memory_space<vmem>> -> memref<128xi32, #tpu.memory_space<vmem>>
      %dma_start3A_35 = arith.constant 0 : i32
      %dma_start3A_36 = arith.constant 0 : i32
      %dma_start3A_37 = tpu.memref_slice %arg2[%dma_start3A_35, %dma_start3A_36] : memref<10000x128xf32, #tpu.memory_space<hbm>> -> memref<10000x128xf32, #tpu.memory_space<hbm>>
      tpu.enqueue_indirect_dma source(%dma_start3A_37 : memref<10000x128xf32, #tpu.memory_space<hbm>>) target(%arg9 : memref<128x128xf32, #tpu.memory_space<vmem>>) offsets(%dma_start3A_34 : memref<128xi32, #tpu.memory_space<vmem>>) semaphore(%arg12 : memref<!tpu.dma_semaphore, #tpu.memory_space<semaphore_mem>>)
      %scan3A_38 = arith.constant 0 : i32
      %scan3A_39 = arith.constant 0 : i32
      %scan3A_40 = arith.constant 16 : i32
      %scan3A_41 = arith.addi %scan3A_39, %scan3A_40 : i32
      %scan3A_42 = arith.constant 1 : i32
      scf.for %scan3A_78 = %scan3A_39 to %scan3A_41 step %scan3A_42  : i32 {
        %mul3A_79 = arith.constant 2 : i32
        %mul3A_80 = arith.muli %mul3A_79, %scan3A_78 : i32
        %add3A_81 = arith.constant 1 : i32
        %add3A_82 = arith.addi %mul3A_80, %add3A_81 : i32
        %dma_start3A_83 = arith.constant 0 : i32
        %dma_start3A_84 = tpu.memref_slice %arg7[%add3A_82, %dma_start3A_83] : memref<32x128xi32, #tpu.memory_space<vmem>> -> memref<1x128xi32, #tpu.memory_space<vmem>>
        %dma_start3A_85 = tpu.memref_squeeze %dma_start3A_84 : memref<1x128xi32, #tpu.memory_space<vmem>> -> memref<128xi32, #tpu.memory_space<vmem>>
        %dma_start3A_86 = arith.constant 0 : i32
        %dma_start3A_87 = arith.constant 0 : i32
        %dma_start3A_88 = tpu.memref_slice %arg2[%dma_start3A_86, %dma_start3A_87] : memref<10000x128xf32, #tpu.memory_space<hbm>> -> memref<10000x128xf32, #tpu.memory_space<hbm>>
        tpu.enqueue_indirect_dma source(%dma_start3A_88 : memref<10000x128xf32, #tpu.memory_space<hbm>>) target(%arg10 : memref<128x128xf32, #tpu.memory_space<vmem>>) offsets(%dma_start3A_85 : memref<128xi32, #tpu.memory_space<vmem>>) semaphore(%arg13 : memref<!tpu.dma_semaphore, #tpu.memory_space<semaphore_mem>>)
        %dma_wait3A = arith.constant 0 : i32
        %dma_wait3A_89 = arith.constant 0 : i32
        %dma_wait3A_90 = tpu.memref_slice %arg7[%dma_wait3A, %dma_wait3A_89] : memref<32x128xi32, #tpu.memory_space<vmem>> -> memref<1x128xi32, #tpu.memory_space<vmem>>
        %dma_wait3A_91 = tpu.memref_squeeze %dma_wait3A_90 : memref<1x128xi32, #tpu.memory_space<vmem>> -> memref<128xi32, #tpu.memory_space<vmem>>
        %dma_wait3A_92 = arith.constant 0 : i32
        %dma_wait3A_93 = arith.constant 0 : i32
        %dma_wait3A_94 = tpu.memref_slice %arg2[%dma_wait3A_92, %dma_wait3A_93] : memref<10000x128xf32, #tpu.memory_space<hbm>> -> memref<10000x128xf32, #tpu.memory_space<hbm>>
        tpu.wait_indirect_dma semaphore(%arg12 : memref<!tpu.dma_semaphore, #tpu.memory_space<semaphore_mem>>) src(%dma_wait3A_94 : memref<10000x128xf32, #tpu.memory_space<hbm>>) dst(%arg9 : memref<128x128xf32, #tpu.memory_space<vmem>>)
        %mul3A_95 = arith.constant 2 : i32
        %mul3A_96 = arith.muli %mul3A_95, %scan3A_78 : i32
        "tpu.region"() ({
          %run_scoped3A = tpu.sem_alloc : memref<!tpu.dma_semaphore, #tpu.memory_space<semaphore_mem>>
          %dma_start3A_112 = arith.constant 0 : i32
          %dma_start3A_113 = tpu.memref_slice %arg8[%mul3A_96, %dma_start3A_112] : memref<32x128xi32, #tpu.memory_space<vmem>> -> memref<1x128xi32, #tpu.memory_space<vmem>>
          %dma_start3A_114 = tpu.memref_squeeze %dma_start3A_113 : memref<1x128xi32, #tpu.memory_space<vmem>> -> memref<128xi32, #tpu.memory_space<vmem>>
          %dma_start3A_115 = arith.constant 0 : i32
          %dma_start3A_116 = arith.constant 0 : i32
          %dma_start3A_117 = tpu.memref_slice %arg11[%dma_start3A_115, %dma_start3A_116] : memref<10240x128xf32, #tpu.memory_space<vmem_shared>> -> memref<10240x128xf32, #tpu.memory_space<vmem_shared>>
          tpu.enqueue_indirect_dma source(%arg9 : memref<128x128xf32, #tpu.memory_space<vmem>>) target(%dma_start3A_117 : memref<10240x128xf32, #tpu.memory_space<vmem_shared>>) offsets(%dma_start3A_114 : memref<128xi32, #tpu.memory_space<vmem>>) semaphore(%run_scoped3A : memref<!tpu.dma_semaphore, #tpu.memory_space<semaphore_mem>>) {add = true}
          %dma_wait3A_118 = arith.constant 0 : i32
          %dma_wait3A_119 = tpu.memref_slice %arg8[%mul3A_96, %dma_wait3A_118] : memref<32x128xi32, #tpu.memory_space<vmem>> -> memref<1x128xi32, #tpu.memory_space<vmem>>
          %dma_wait3A_120 = tpu.memref_squeeze %dma_wait3A_119 : memref<1x128xi32, #tpu.memory_space<vmem>> -> memref<128xi32, #tpu.memory_space<vmem>>
          %dma_wait3A_121 = arith.constant 0 : i32
          %dma_wait3A_122 = arith.constant 0 : i32
          %dma_wait3A_123 = tpu.memref_slice %arg11[%dma_wait3A_121, %dma_wait3A_122] : memref<10240x128xf32, #tpu.memory_space<vmem_shared>> -> memref<10240x128xf32, #tpu.memory_space<vmem_shared>>
          tpu.wait_indirect_dma semaphore(%run_scoped3A : memref<!tpu.dma_semaphore, #tpu.memory_space<semaphore_mem>>) src(%arg9 : memref<128x128xf32, #tpu.memory_space<vmem>>) dst(%dma_wait3A_123 : memref<10240x128xf32, #tpu.memory_space<vmem_shared>>)
          tpu.yield
        }) : () -> ()
        %lt3A = arith.constant 15 : i32
        %lt3A_97 = arith.cmpi slt, %scan3A_78, %lt3A : i32
        %convert_element_type3A_98 = arith.extui %lt3A_97 : i1 to i32
        %cond3A_99 = arith.constant 0 : i32
        %cond3A_100 = arith.cmpi ne, %convert_element_type3A_98, %cond3A_99 : i32
        scf.if %cond3A_100 {
          %mul3A_112 = arith.constant 2 : i32
          %mul3A_113 = arith.muli %mul3A_112, %scan3A_78 : i32
          %add3A_114 = arith.constant 2 : i32
          %add3A_115 = arith.addi %mul3A_113, %add3A_114 : i32
          %dma_start3A_116 = arith.constant 0 : i32
          %dma_start3A_117 = tpu.memref_slice %arg7[%add3A_115, %dma_start3A_116] : memref<32x128xi32, #tpu.memory_space<vmem>> -> memref<1x128xi32, #tpu.memory_space<vmem>>
          %dma_start3A_118 = tpu.memref_squeeze %dma_start3A_117 : memref<1x128xi32, #tpu.memory_space<vmem>> -> memref<128xi32, #tpu.memory_space<vmem>>
          %dma_start3A_119 = arith.constant 0 : i32
          %dma_start3A_120 = arith.constant 0 : i32
          %dma_start3A_121 = tpu.memref_slice %arg2[%dma_start3A_119, %dma_start3A_120] : memref<10000x128xf32, #tpu.memory_space<hbm>> -> memref<10000x128xf32, #tpu.memory_space<hbm>>
          tpu.enqueue_indirect_dma source(%dma_start3A_121 : memref<10000x128xf32, #tpu.memory_space<hbm>>) target(%arg9 : memref<128x128xf32, #tpu.memory_space<vmem>>) offsets(%dma_start3A_118 : memref<128xi32, #tpu.memory_space<vmem>>) semaphore(%arg12 : memref<!tpu.dma_semaphore, #tpu.memory_space<semaphore_mem>>)
        } else {
        }
        %dma_wait3A_101 = arith.constant 0 : i32
        %dma_wait3A_102 = arith.constant 0 : i32
        %dma_wait3A_103 = tpu.memref_slice %arg7[%dma_wait3A_101, %dma_wait3A_102] : memref<32x128xi32, #tpu.memory_space<vmem>> -> memref<1x128xi32, #tpu.memory_space<vmem>>
        %dma_wait3A_104 = tpu.memref_squeeze %dma_wait3A_103 : memref<1x128xi32, #tpu.memory_space<vmem>> -> memref<128xi32, #tpu.memory_space<vmem>>
        %dma_wait3A_105 = arith.constant 0 : i32
        %dma_wait3A_106 = arith.constant 0 : i32
        %dma_wait3A_107 = tpu.memref_slice %arg2[%dma_wait3A_105, %dma_wait3A_106] : memref<10000x128xf32, #tpu.memory_space<hbm>> -> memref<10000x128xf32, #tpu.memory_space<hbm>>
        tpu.wait_indirect_dma semaphore(%arg13 : memref<!tpu.dma_semaphore, #tpu.memory_space<semaphore_mem>>) src(%dma_wait3A_107 : memref<10000x128xf32, #tpu.memory_space<hbm>>) dst(%arg10 : memref<128x128xf32, #tpu.memory_space<vmem>>)
        %mul3A_108 = arith.constant 2 : i32
        %mul3A_109 = arith.muli %mul3A_108, %scan3A_78 : i32
        %add3A_110 = arith.constant 1 : i32
        %add3A_111 = arith.addi %mul3A_109, %add3A_110 : i32
        "tpu.region"() ({
          %run_scoped3A = tpu.sem_alloc : memref<!tpu.dma_semaphore, #tpu.memory_space<semaphore_mem>>
          %dma_start3A_112 = arith.constant 0 : i32
          %dma_start3A_113 = tpu.memref_slice %arg8[%add3A_111, %dma_start3A_112] : memref<32x128xi32, #tpu.memory_space<vmem>> -> memref<1x128xi32, #tpu.memory_space<vmem>>
          %dma_start3A_114 = tpu.memref_squeeze %dma_start3A_113 : memref<1x128xi32, #tpu.memory_space<vmem>> -> memref<128xi32, #tpu.memory_space<vmem>>
          %dma_start3A_115 = arith.constant 0 : i32
          %dma_start3A_116 = arith.constant 0 : i32
          %dma_start3A_117 = tpu.memref_slice %arg11[%dma_start3A_115, %dma_start3A_116] : memref<10240x128xf32, #tpu.memory_space<vmem_shared>> -> memref<10240x128xf32, #tpu.memory_space<vmem_shared>>
          tpu.enqueue_indirect_dma source(%arg10 : memref<128x128xf32, #tpu.memory_space<vmem>>) target(%dma_start3A_117 : memref<10240x128xf32, #tpu.memory_space<vmem_shared>>) offsets(%dma_start3A_114 : memref<128xi32, #tpu.memory_space<vmem>>) semaphore(%run_scoped3A : memref<!tpu.dma_semaphore, #tpu.memory_space<semaphore_mem>>) {add = true}
          %dma_wait3A_118 = arith.constant 0 : i32
          %dma_wait3A_119 = tpu.memref_slice %arg8[%add3A_111, %dma_wait3A_118] : memref<32x128xi32, #tpu.memory_space<vmem>> -> memref<1x128xi32, #tpu.memory_space<vmem>>
          %dma_wait3A_120 = tpu.memref_squeeze %dma_wait3A_119 : memref<1x128xi32, #tpu.memory_space<vmem>> -> memref<128xi32, #tpu.memory_space<vmem>>
          %dma_wait3A_121 = arith.constant 0 : i32
          %dma_wait3A_122 = arith.constant 0 : i32
          %dma_wait3A_123 = tpu.memref_slice %arg11[%dma_wait3A_121, %dma_wait3A_122] : memref<10240x128xf32, #tpu.memory_space<vmem_shared>> -> memref<10240x128xf32, #tpu.memory_space<vmem_shared>>
          tpu.wait_indirect_dma semaphore(%run_scoped3A : memref<!tpu.dma_semaphore, #tpu.memory_space<semaphore_mem>>) src(%arg10 : memref<128x128xf32, #tpu.memory_space<vmem>>) dst(%dma_wait3A_123 : memref<10240x128xf32, #tpu.memory_space<vmem_shared>>)
          tpu.yield
        }) : () -> ()
      }
      %scan3A_43 = arith.constant 16 : i32
      %mul3A_44 = arith.constant 128 : i32
      %mul3A_45 = arith.muli %arg1, %mul3A_44 : i32
      %add3A_46 = arith.constant 64 : i32
      %add3A_47 = arith.addi %mul3A_45, %add3A_46 : i32
      "tpu.region"() ({
        %run_scoped3A = tpu.sem_alloc : memref<!tpu.dma_semaphore, #tpu.memory_space<semaphore_mem>>
        %dma_start3A_78 = arith.constant 0 : i32
        %dma_start3A_79 = arith.constant 0 : i32
        %dma_start3A_80 = tpu.memref_slice %arg7[%dma_start3A_78, %dma_start3A_79] : memref<32x128xi32, #tpu.memory_space<vmem>> -> memref<32x128xi32, #tpu.memory_space<vmem>>
        %dma_start3A_81 = arith.constant 0 : i32
        %dma_start3A_82 = tpu.memref_slice %arg3[%add3A_47, %dma_start3A_81] : memref<2560x128xi32, #tpu.memory_space<hbm>> -> memref<32x128xi32, #tpu.memory_space<hbm>>
        %dma_start3A_83 = arith.constant 0 : i32
        %dma_start3A_84 = arith.constant 0 : i32
        %dma_start3A_85 = tpu.memref_slice %arg7[%dma_start3A_83, %dma_start3A_84] : memref<32x128xi32, #tpu.memory_space<vmem>> -> memref<32x128xi32, #tpu.memory_space<vmem>>
        %dma_start3A_86 = arith.constant 0 : i32
        %dma_start3A_87 = tpu.memref_slice %arg3[%add3A_47, %dma_start3A_86] : memref<2560x128xi32, #tpu.memory_space<hbm>> -> memref<32x128xi32, #tpu.memory_space<hbm>>
        tpu.enqueue_dma source(%dma_start3A_87 : memref<32x128xi32, #tpu.memory_space<hbm>>) target(%dma_start3A_85 : memref<32x128xi32, #tpu.memory_space<vmem>>) target_semaphore(%run_scoped3A : memref<!tpu.dma_semaphore, #tpu.memory_space<semaphore_mem>>)
        %dma_wait3A = arith.constant 0 : i32
        %dma_wait3A_88 = arith.constant 0 : i32
        %dma_wait3A_89 = tpu.memref_slice %arg7[%dma_wait3A, %dma_wait3A_88] : memref<32x128xi32, #tpu.memory_space<vmem>> -> memref<32x128xi32, #tpu.memory_space<vmem>>
        %dma_wait3A_90 = arith.constant 0 : i32
        %dma_wait3A_91 = tpu.memref_slice %arg3[%add3A_47, %dma_wait3A_90] : memref<2560x128xi32, #tpu.memory_space<hbm>> -> memref<32x128xi32, #tpu.memory_space<hbm>>
        %dma_wait3A_92 = arith.constant 0 : i32
        %dma_wait3A_93 = arith.constant 0 : i32
        %dma_wait3A_94 = tpu.memref_slice %arg7[%dma_wait3A_92, %dma_wait3A_93] : memref<32x128xi32, #tpu.memory_space<vmem>> -> memref<32x128xi32, #tpu.memory_space<vmem>>
        %dma_wait3A_95 = arith.constant 0 : i32
        %dma_wait3A_96 = tpu.memref_slice %arg3[%add3A_47, %dma_wait3A_95] : memref<2560x128xi32, #tpu.memory_space<hbm>> -> memref<32x128xi32, #tpu.memory_space<hbm>>
        tpu.wait_dma2 semaphore(%run_scoped3A : memref<!tpu.dma_semaphore, #tpu.memory_space<semaphore_mem>>) src(%dma_wait3A_96 : memref<32x128xi32, #tpu.memory_space<hbm>>) dst(%dma_wait3A_94 : memref<32x128xi32, #tpu.memory_space<vmem>>)
        tpu.yield
      }) : () -> ()
      "tpu.region"() ({
        %run_scoped3A = tpu.sem_alloc : memref<!tpu.dma_semaphore, #tpu.memory_space<semaphore_mem>>
        %dma_start3A_78 = arith.constant 0 : i32
        %dma_start3A_79 = arith.constant 0 : i32
        %dma_start3A_80 = tpu.memref_slice %arg8[%dma_start3A_78, %dma_start3A_79] : memref<32x128xi32, #tpu.memory_space<vmem>> -> memref<32x128xi32, #tpu.memory_space<vmem>>
        %dma_start3A_81 = arith.constant 0 : i32
        %dma_start3A_82 = tpu.memref_slice %arg4[%add3A_47, %dma_start3A_81] : memref<2560x128xi32, #tpu.memory_space<hbm>> -> memref<32x128xi32, #tpu.memory_space<hbm>>
        %dma_start3A_83 = arith.constant 0 : i32
        %dma_start3A_84 = arith.constant 0 : i32
        %dma_start3A_85 = tpu.memref_slice %arg8[%dma_start3A_83, %dma_start3A_84] : memref<32x128xi32, #tpu.memory_space<vmem>> -> memref<32x128xi32, #tpu.memory_space<vmem>>
        %dma_start3A_86 = arith.constant 0 : i32
        %dma_start3A_87 = tpu.memref_slice %arg4[%add3A_47, %dma_start3A_86] : memref<2560x128xi32, #tpu.memory_space<hbm>> -> memref<32x128xi32, #tpu.memory_space<hbm>>
        tpu.enqueue_dma source(%dma_start3A_87 : memref<32x128xi32, #tpu.memory_space<hbm>>) target(%dma_start3A_85 : memref<32x128xi32, #tpu.memory_space<vmem>>) target_semaphore(%run_scoped3A : memref<!tpu.dma_semaphore, #tpu.memory_space<semaphore_mem>>)
        %dma_wait3A = arith.constant 0 : i32
        %dma_wait3A_88 = arith.constant 0 : i32
        %dma_wait3A_89 = tpu.memref_slice %arg8[%dma_wait3A, %dma_wait3A_88] : memref<32x128xi32, #tpu.memory_space<vmem>> -> memref<32x128xi32, #tpu.memory_space<vmem>>
        %dma_wait3A_90 = arith.constant 0 : i32
        %dma_wait3A_91 = tpu.memref_slice %arg4[%add3A_47, %dma_wait3A_90] : memref<2560x128xi32, #tpu.memory_space<hbm>> -> memref<32x128xi32, #tpu.memory_space<hbm>>
        %dma_wait3A_92 = arith.constant 0 : i32
        %dma_wait3A_93 = arith.constant 0 : i32
        %dma_wait3A_94 = tpu.memref_slice %arg8[%dma_wait3A_92, %dma_wait3A_93] : memref<32x128xi32, #tpu.memory_space<vmem>> -> memref<32x128xi32, #tpu.memory_space<vmem>>
        %dma_wait3A_95 = arith.constant 0 : i32
        %dma_wait3A_96 = tpu.memref_slice %arg4[%add3A_47, %dma_wait3A_95] : memref<2560x128xi32, #tpu.memory_space<hbm>> -> memref<32x128xi32, #tpu.memory_space<hbm>>
        tpu.wait_dma2 semaphore(%run_scoped3A : memref<!tpu.dma_semaphore, #tpu.memory_space<semaphore_mem>>) src(%dma_wait3A_96 : memref<32x128xi32, #tpu.memory_space<hbm>>) dst(%dma_wait3A_94 : memref<32x128xi32, #tpu.memory_space<vmem>>)
        tpu.yield
      }) : () -> ()
      %dma_start3A_48 = arith.constant 0 : i32
      %dma_start3A_49 = arith.constant 0 : i32
      %dma_start3A_50 = tpu.memref_slice %arg7[%dma_start3A_48, %dma_start3A_49] : memref<32x128xi32, #tpu.memory_space<vmem>> -> memref<1x128xi32, #tpu.memory_space<vmem>>
      %dma_start3A_51 = tpu.memref_squeeze %dma_start3A_50 : memref<1x128xi32, #tpu.memory_space<vmem>> -> memref<128xi32, #tpu.memory_space<vmem>>
      %dma_start3A_52 = arith.constant 0 : i32
      %dma_start3A_53 = arith.constant 0 : i32
      %dma_start3A_54 = tpu.memref_slice %arg2[%dma_start3A_52, %dma_start3A_53] : memref<10000x128xf32, #tpu.memory_space<hbm>> -> memref<10000x128xf32, #tpu.memory_space<hbm>>
      tpu.enqueue_indirect_dma source(%dma_start3A_54 : memref<10000x128xf32, #tpu.memory_space<hbm>>) target(%arg9 : memref<128x128xf32, #tpu.memory_space<vmem>>) offsets(%dma_start3A_51 : memref<128xi32, #tpu.memory_space<vmem>>) semaphore(%arg12 : memref<!tpu.dma_semaphore, #tpu.memory_space<semaphore_mem>>)
      %scan3A_55 = arith.constant 0 : i32
      %scan3A_56 = arith.constant 0 : i32
      %scan3A_57 = arith.constant 16 : i32
      %scan3A_58 = arith.addi %scan3A_56, %scan3A_57 : i32
      %scan3A_59 = arith.constant 1 : i32
      scf.for %scan3A_78 = %scan3A_56 to %scan3A_58 step %scan3A_59  : i32 {
        %mul3A_79 = arith.constant 2 : i32
        %mul3A_80 = arith.muli %mul3A_79, %scan3A_78 : i32
        %add3A_81 = arith.constant 1 : i32
        %add3A_82 = arith.addi %mul3A_80, %add3A_81 : i32
        %dma_start3A_83 = arith.constant 0 : i32
        %dma_start3A_84 = tpu.memref_slice %arg7[%add3A_82, %dma_start3A_83] : memref<32x128xi32, #tpu.memory_space<vmem>> -> memref<1x128xi32, #tpu.memory_space<vmem>>
        %dma_start3A_85 = tpu.memref_squeeze %dma_start3A_84 : memref<1x128xi32, #tpu.memory_space<vmem>> -> memref<128xi32, #tpu.memory_space<vmem>>
        %dma_start3A_86 = arith.constant 0 : i32
        %dma_start3A_87 = arith.constant 0 : i32
        %dma_start3A_88 = tpu.memref_slice %arg2[%dma_start3A_86, %dma_start3A_87] : memref<10000x128xf32, #tpu.memory_space<hbm>> -> memref<10000x128xf32, #tpu.memory_space<hbm>>
        tpu.enqueue_indirect_dma source(%dma_start3A_88 : memref<10000x128xf32, #tpu.memory_space<hbm>>) target(%arg10 : memref<128x128xf32, #tpu.memory_space<vmem>>) offsets(%dma_start3A_85 : memref<128xi32, #tpu.memory_space<vmem>>) semaphore(%arg13 : memref<!tpu.dma_semaphore, #tpu.memory_space<semaphore_mem>>)
        %dma_wait3A = arith.constant 0 : i32
        %dma_wait3A_89 = arith.constant 0 : i32
        %dma_wait3A_90 = tpu.memref_slice %arg7[%dma_wait3A, %dma_wait3A_89] : memref<32x128xi32, #tpu.memory_space<vmem>> -> memref<1x128xi32, #tpu.memory_space<vmem>>
        %dma_wait3A_91 = tpu.memref_squeeze %dma_wait3A_90 : memref<1x128xi32, #tpu.memory_space<vmem>> -> memref<128xi32, #tpu.memory_space<vmem>>
        %dma_wait3A_92 = arith.constant 0 : i32
        %dma_wait3A_93 = arith.constant 0 : i32
        %dma_wait3A_94 = tpu.memref_slice %arg2[%dma_wait3A_92, %dma_wait3A_93] : memref<10000x128xf32, #tpu.memory_space<hbm>> -> memref<10000x128xf32, #tpu.memory_space<hbm>>
        tpu.wait_indirect_dma semaphore(%arg12 : memref<!tpu.dma_semaphore, #tpu.memory_space<semaphore_mem>>) src(%dma_wait3A_94 : memref<10000x128xf32, #tpu.memory_space<hbm>>) dst(%arg9 : memref<128x128xf32, #tpu.memory_space<vmem>>)
        %mul3A_95 = arith.constant 2 : i32
        %mul3A_96 = arith.muli %mul3A_95, %scan3A_78 : i32
        "tpu.region"() ({
          %run_scoped3A = tpu.sem_alloc : memref<!tpu.dma_semaphore, #tpu.memory_space<semaphore_mem>>
          %dma_start3A_112 = arith.constant 0 : i32
          %dma_start3A_113 = tpu.memref_slice %arg8[%mul3A_96, %dma_start3A_112] : memref<32x128xi32, #tpu.memory_space<vmem>> -> memref<1x128xi32, #tpu.memory_space<vmem>>
          %dma_start3A_114 = tpu.memref_squeeze %dma_start3A_113 : memref<1x128xi32, #tpu.memory_space<vmem>> -> memref<128xi32, #tpu.memory_space<vmem>>
          %dma_start3A_115 = arith.constant 0 : i32
          %dma_start3A_116 = arith.constant 0 : i32
          %dma_start3A_117 = tpu.memref_slice %arg11[%dma_start3A_115, %dma_start3A_116] : memref<10240x128xf32, #tpu.memory_space<vmem_shared>> -> memref<10240x128xf32, #tpu.memory_space<vmem_shared>>
          tpu.enqueue_indirect_dma source(%arg9 : memref<128x128xf32, #tpu.memory_space<vmem>>) target(%dma_start3A_117 : memref<10240x128xf32, #tpu.memory_space<vmem_shared>>) offsets(%dma_start3A_114 : memref<128xi32, #tpu.memory_space<vmem>>) semaphore(%run_scoped3A : memref<!tpu.dma_semaphore, #tpu.memory_space<semaphore_mem>>) {add = true}
          %dma_wait3A_118 = arith.constant 0 : i32
          %dma_wait3A_119 = tpu.memref_slice %arg8[%mul3A_96, %dma_wait3A_118] : memref<32x128xi32, #tpu.memory_space<vmem>> -> memref<1x128xi32, #tpu.memory_space<vmem>>
          %dma_wait3A_120 = tpu.memref_squeeze %dma_wait3A_119 : memref<1x128xi32, #tpu.memory_space<vmem>> -> memref<128xi32, #tpu.memory_space<vmem>>
          %dma_wait3A_121 = arith.constant 0 : i32
          %dma_wait3A_122 = arith.constant 0 : i32
          %dma_wait3A_123 = tpu.memref_slice %arg11[%dma_wait3A_121, %dma_wait3A_122] : memref<10240x128xf32, #tpu.memory_space<vmem_shared>> -> memref<10240x128xf32, #tpu.memory_space<vmem_shared>>
          tpu.wait_indirect_dma semaphore(%run_scoped3A : memref<!tpu.dma_semaphore, #tpu.memory_space<semaphore_mem>>) src(%arg9 : memref<128x128xf32, #tpu.memory_space<vmem>>) dst(%dma_wait3A_123 : memref<10240x128xf32, #tpu.memory_space<vmem_shared>>)
          tpu.yield
        }) : () -> ()
        %lt3A = arith.constant 15 : i32
        %lt3A_97 = arith.cmpi slt, %scan3A_78, %lt3A : i32
        %convert_element_type3A_98 = arith.extui %lt3A_97 : i1 to i32
        %cond3A_99 = arith.constant 0 : i32
        %cond3A_100 = arith.cmpi ne, %convert_element_type3A_98, %cond3A_99 : i32
        scf.if %cond3A_100 {
          %mul3A_112 = arith.constant 2 : i32
          %mul3A_113 = arith.muli %mul3A_112, %scan3A_78 : i32
          %add3A_114 = arith.constant 2 : i32
          %add3A_115 = arith.addi %mul3A_113, %add3A_114 : i32
          %dma_start3A_116 = arith.constant 0 : i32
          %dma_start3A_117 = tpu.memref_slice %arg7[%add3A_115, %dma_start3A_116] : memref<32x128xi32, #tpu.memory_space<vmem>> -> memref<1x128xi32, #tpu.memory_space<vmem>>
          %dma_start3A_118 = tpu.memref_squeeze %dma_start3A_117 : memref<1x128xi32, #tpu.memory_space<vmem>> -> memref<128xi32, #tpu.memory_space<vmem>>
          %dma_start3A_119 = arith.constant 0 : i32
          %dma_start3A_120 = arith.constant 0 : i32
          %dma_start3A_121 = tpu.memref_slice %arg2[%dma_start3A_119, %dma_start3A_120] : memref<10000x128xf32, #tpu.memory_space<hbm>> -> memref<10000x128xf32, #tpu.memory_space<hbm>>
          tpu.enqueue_indirect_dma source(%dma_start3A_121 : memref<10000x128xf32, #tpu.memory_space<hbm>>) target(%arg9 : memref<128x128xf32, #tpu.memory_space<vmem>>) offsets(%dma_start3A_118 : memref<128xi32, #tpu.memory_space<vmem>>) semaphore(%arg12 : memref<!tpu.dma_semaphore, #tpu.memory_space<semaphore_mem>>)
        } else {
        }
        %dma_wait3A_101 = arith.constant 0 : i32
        %dma_wait3A_102 = arith.constant 0 : i32
        %dma_wait3A_103 = tpu.memref_slice %arg7[%dma_wait3A_101, %dma_wait3A_102] : memref<32x128xi32, #tpu.memory_space<vmem>> -> memref<1x128xi32, #tpu.memory_space<vmem>>
        %dma_wait3A_104 = tpu.memref_squeeze %dma_wait3A_103 : memref<1x128xi32, #tpu.memory_space<vmem>> -> memref<128xi32, #tpu.memory_space<vmem>>
        %dma_wait3A_105 = arith.constant 0 : i32
        %dma_wait3A_106 = arith.constant 0 : i32
        %dma_wait3A_107 = tpu.memref_slice %arg2[%dma_wait3A_105, %dma_wait3A_106] : memref<10000x128xf32, #tpu.memory_space<hbm>> -> memref<10000x128xf32, #tpu.memory_space<hbm>>
        tpu.wait_indirect_dma semaphore(%arg13 : memref<!tpu.dma_semaphore, #tpu.memory_space<semaphore_mem>>) src(%dma_wait3A_107 : memref<10000x128xf32, #tpu.memory_space<hbm>>) dst(%arg10 : memref<128x128xf32, #tpu.memory_space<vmem>>)
        %mul3A_108 = arith.constant 2 : i32
        %mul3A_109 = arith.muli %mul3A_108, %scan3A_78 : i32
        %add3A_110 = arith.constant 1 : i32
        %add3A_111 = arith.addi %mul3A_109, %add3A_110 : i32
        "tpu.region"() ({
          %run_scoped3A = tpu.sem_alloc : memref<!tpu.dma_semaphore, #tpu.memory_space<semaphore_mem>>
          %dma_start3A_112 = arith.constant 0 : i32
          %dma_start3A_113 = tpu.memref_slice %arg8[%add3A_111, %dma_start3A_112] : memref<32x128xi32, #tpu.memory_space<vmem>> -> memref<1x128xi32, #tpu.memory_space<vmem>>
          %dma_start3A_114 = tpu.memref_squeeze %dma_start3A_113 : memref<1x128xi32, #tpu.memory_space<vmem>> -> memref<128xi32, #tpu.memory_space<vmem>>
          %dma_start3A_115 = arith.constant 0 : i32
          %dma_start3A_116 = arith.constant 0 : i32
          %dma_start3A_117 = tpu.memref_slice %arg11[%dma_start3A_115, %dma_start3A_116] : memref<10240x128xf32, #tpu.memory_space<vmem_shared>> -> memref<10240x128xf32, #tpu.memory_space<vmem_shared>>
          tpu.enqueue_indirect_dma source(%arg10 : memref<128x128xf32, #tpu.memory_space<vmem>>) target(%dma_start3A_117 : memref<10240x128xf32, #tpu.memory_space<vmem_shared>>) offsets(%dma_start3A_114 : memref<128xi32, #tpu.memory_space<vmem>>) semaphore(%run_scoped3A : memref<!tpu.dma_semaphore, #tpu.memory_space<semaphore_mem>>) {add = true}
          %dma_wait3A_118 = arith.constant 0 : i32
          %dma_wait3A_119 = tpu.memref_slice %arg8[%add3A_111, %dma_wait3A_118] : memref<32x128xi32, #tpu.memory_space<vmem>> -> memref<1x128xi32, #tpu.memory_space<vmem>>
          %dma_wait3A_120 = tpu.memref_squeeze %dma_wait3A_119 : memref<1x128xi32, #tpu.memory_space<vmem>> -> memref<128xi32, #tpu.memory_space<vmem>>
          %dma_wait3A_121 = arith.constant 0 : i32
          %dma_wait3A_122 = arith.constant 0 : i32
          %dma_wait3A_123 = tpu.memref_slice %arg11[%dma_wait3A_121, %dma_wait3A_122] : memref<10240x128xf32, #tpu.memory_space<vmem_shared>> -> memref<10240x128xf32, #tpu.memory_space<vmem_shared>>
          tpu.wait_indirect_dma semaphore(%run_scoped3A : memref<!tpu.dma_semaphore, #tpu.memory_space<semaphore_mem>>) src(%arg10 : memref<128x128xf32, #tpu.memory_space<vmem>>) dst(%dma_wait3A_123 : memref<10240x128xf32, #tpu.memory_space<vmem_shared>>)
          tpu.yield
        }) : () -> ()
      }
      %scan3A_60 = arith.constant 16 : i32
      %mul3A_61 = arith.constant 128 : i32
      %mul3A_62 = arith.muli %arg1, %mul3A_61 : i32
      %add3A_63 = arith.constant 96 : i32
      %add3A_64 = arith.addi %mul3A_62, %add3A_63 : i32
      "tpu.region"() ({
        %run_scoped3A = tpu.sem_alloc : memref<!tpu.dma_semaphore, #tpu.memory_space<semaphore_mem>>
        %dma_start3A_78 = arith.constant 0 : i32
        %dma_start3A_79 = arith.constant 0 : i32
        %dma_start3A_80 = tpu.memref_slice %arg7[%dma_start3A_78, %dma_start3A_79] : memref<32x128xi32, #tpu.memory_space<vmem>> -> memref<32x128xi32, #tpu.memory_space<vmem>>
        %dma_start3A_81 = arith.constant 0 : i32
        %dma_start3A_82 = tpu.memref_slice %arg3[%add3A_64, %dma_start3A_81] : memref<2560x128xi32, #tpu.memory_space<hbm>> -> memref<32x128xi32, #tpu.memory_space<hbm>>
        %dma_start3A_83 = arith.constant 0 : i32
        %dma_start3A_84 = arith.constant 0 : i32
        %dma_start3A_85 = tpu.memref_slice %arg7[%dma_start3A_83, %dma_start3A_84] : memref<32x128xi32, #tpu.memory_space<vmem>> -> memref<32x128xi32, #tpu.memory_space<vmem>>
        %dma_start3A_86 = arith.constant 0 : i32
        %dma_start3A_87 = tpu.memref_slice %arg3[%add3A_64, %dma_start3A_86] : memref<2560x128xi32, #tpu.memory_space<hbm>> -> memref<32x128xi32, #tpu.memory_space<hbm>>
        tpu.enqueue_dma source(%dma_start3A_87 : memref<32x128xi32, #tpu.memory_space<hbm>>) target(%dma_start3A_85 : memref<32x128xi32, #tpu.memory_space<vmem>>) target_semaphore(%run_scoped3A : memref<!tpu.dma_semaphore, #tpu.memory_space<semaphore_mem>>)
        %dma_wait3A = arith.constant 0 : i32
        %dma_wait3A_88 = arith.constant 0 : i32
        %dma_wait3A_89 = tpu.memref_slice %arg7[%dma_wait3A, %dma_wait3A_88] : memref<32x128xi32, #tpu.memory_space<vmem>> -> memref<32x128xi32, #tpu.memory_space<vmem>>
        %dma_wait3A_90 = arith.constant 0 : i32
        %dma_wait3A_91 = tpu.memref_slice %arg3[%add3A_64, %dma_wait3A_90] : memref<2560x128xi32, #tpu.memory_space<hbm>> -> memref<32x128xi32, #tpu.memory_space<hbm>>
        %dma_wait3A_92 = arith.constant 0 : i32
        %dma_wait3A_93 = arith.constant 0 : i32
        %dma_wait3A_94 = tpu.memref_slice %arg7[%dma_wait3A_92, %dma_wait3A_93] : memref<32x128xi32, #tpu.memory_space<vmem>> -> memref<32x128xi32, #tpu.memory_space<vmem>>
        %dma_wait3A_95 = arith.constant 0 : i32
        %dma_wait3A_96 = tpu.memref_slice %arg3[%add3A_64, %dma_wait3A_95] : memref<2560x128xi32, #tpu.memory_space<hbm>> -> memref<32x128xi32, #tpu.memory_space<hbm>>
        tpu.wait_dma2 semaphore(%run_scoped3A : memref<!tpu.dma_semaphore, #tpu.memory_space<semaphore_mem>>) src(%dma_wait3A_96 : memref<32x128xi32, #tpu.memory_space<hbm>>) dst(%dma_wait3A_94 : memref<32x128xi32, #tpu.memory_space<vmem>>)
        tpu.yield
      }) : () -> ()
      "tpu.region"() ({
        %run_scoped3A = tpu.sem_alloc : memref<!tpu.dma_semaphore, #tpu.memory_space<semaphore_mem>>
        %dma_start3A_78 = arith.constant 0 : i32
        %dma_start3A_79 = arith.constant 0 : i32
        %dma_start3A_80 = tpu.memref_slice %arg8[%dma_start3A_78, %dma_start3A_79] : memref<32x128xi32, #tpu.memory_space<vmem>> -> memref<32x128xi32, #tpu.memory_space<vmem>>
        %dma_start3A_81 = arith.constant 0 : i32
        %dma_start3A_82 = tpu.memref_slice %arg4[%add3A_64, %dma_start3A_81] : memref<2560x128xi32, #tpu.memory_space<hbm>> -> memref<32x128xi32, #tpu.memory_space<hbm>>
        %dma_start3A_83 = arith.constant 0 : i32
        %dma_start3A_84 = arith.constant 0 : i32
        %dma_start3A_85 = tpu.memref_slice %arg8[%dma_start3A_83, %dma_start3A_84] : memref<32x128xi32, #tpu.memory_space<vmem>> -> memref<32x128xi32, #tpu.memory_space<vmem>>
        %dma_start3A_86 = arith.constant 0 : i32
        %dma_start3A_87 = tpu.memref_slice %arg4[%add3A_64, %dma_start3A_86] : memref<2560x128xi32, #tpu.memory_space<hbm>> -> memref<32x128xi32, #tpu.memory_space<hbm>>
        tpu.enqueue_dma source(%dma_start3A_87 : memref<32x128xi32, #tpu.memory_space<hbm>>) target(%dma_start3A_85 : memref<32x128xi32, #tpu.memory_space<vmem>>) target_semaphore(%run_scoped3A : memref<!tpu.dma_semaphore, #tpu.memory_space<semaphore_mem>>)
        %dma_wait3A = arith.constant 0 : i32
        %dma_wait3A_88 = arith.constant 0 : i32
        %dma_wait3A_89 = tpu.memref_slice %arg8[%dma_wait3A, %dma_wait3A_88] : memref<32x128xi32, #tpu.memory_space<vmem>> -> memref<32x128xi32, #tpu.memory_space<vmem>>
        %dma_wait3A_90 = arith.constant 0 : i32
        %dma_wait3A_91 = tpu.memref_slice %arg4[%add3A_64, %dma_wait3A_90] : memref<2560x128xi32, #tpu.memory_space<hbm>> -> memref<32x128xi32, #tpu.memory_space<hbm>>
        %dma_wait3A_92 = arith.constant 0 : i32
        %dma_wait3A_93 = arith.constant 0 : i32
        %dma_wait3A_94 = tpu.memref_slice %arg8[%dma_wait3A_92, %dma_wait3A_93] : memref<32x128xi32, #tpu.memory_space<vmem>> -> memref<32x128xi32, #tpu.memory_space<vmem>>
        %dma_wait3A_95 = arith.constant 0 : i32
        %dma_wait3A_96 = tpu.memref_slice %arg4[%add3A_64, %dma_wait3A_95] : memref<2560x128xi32, #tpu.memory_space<hbm>> -> memref<32x128xi32, #tpu.memory_space<hbm>>
        tpu.wait_dma2 semaphore(%run_scoped3A : memref<!tpu.dma_semaphore, #tpu.memory_space<semaphore_mem>>) src(%dma_wait3A_96 : memref<32x128xi32, #tpu.memory_space<hbm>>) dst(%dma_wait3A_94 : memref<32x128xi32, #tpu.memory_space<vmem>>)
        tpu.yield
      }) : () -> ()
      %dma_start3A_65 = arith.constant 0 : i32
      %dma_start3A_66 = arith.constant 0 : i32
      %dma_start3A_67 = tpu.memref_slice %arg7[%dma_start3A_65, %dma_start3A_66] : memref<32x128xi32, #tpu.memory_space<vmem>> -> memref<1x128xi32, #tpu.memory_space<vmem>>
      %dma_start3A_68 = tpu.memref_squeeze %dma_start3A_67 : memref<1x128xi32, #tpu.memory_space<vmem>> -> memref<128xi32, #tpu.memory_space<vmem>>
      %dma_start3A_69 = arith.constant 0 : i32
      %dma_start3A_70 = arith.constant 0 : i32
      %dma_start3A_71 = tpu.memref_slice %arg2[%dma_start3A_69, %dma_start3A_70] : memref<10000x128xf32, #tpu.memory_space<hbm>> -> memref<10000x128xf32, #tpu.memory_space<hbm>>
      tpu.enqueue_indirect_dma source(%dma_start3A_71 : memref<10000x128xf32, #tpu.memory_space<hbm>>) target(%arg9 : memref<128x128xf32, #tpu.memory_space<vmem>>) offsets(%dma_start3A_68 : memref<128xi32, #tpu.memory_space<vmem>>) semaphore(%arg12 : memref<!tpu.dma_semaphore, #tpu.memory_space<semaphore_mem>>)
      %scan3A_72 = arith.constant 0 : i32
      %scan3A_73 = arith.constant 0 : i32
      %scan3A_74 = arith.constant 16 : i32
      %scan3A_75 = arith.addi %scan3A_73, %scan3A_74 : i32
      %scan3A_76 = arith.constant 1 : i32
      scf.for %scan3A_78 = %scan3A_73 to %scan3A_75 step %scan3A_76  : i32 {
        %mul3A_79 = arith.constant 2 : i32
        %mul3A_80 = arith.muli %mul3A_79, %scan3A_78 : i32
        %add3A_81 = arith.constant 1 : i32
        %add3A_82 = arith.addi %mul3A_80, %add3A_81 : i32
        %dma_start3A_83 = arith.constant 0 : i32
        %dma_start3A_84 = tpu.memref_slice %arg7[%add3A_82, %dma_start3A_83] : memref<32x128xi32, #tpu.memory_space<vmem>> -> memref<1x128xi32, #tpu.memory_space<vmem>>
        %dma_start3A_85 = tpu.memref_squeeze %dma_start3A_84 : memref<1x128xi32, #tpu.memory_space<vmem>> -> memref<128xi32, #tpu.memory_space<vmem>>
        %dma_start3A_86 = arith.constant 0 : i32
        %dma_start3A_87 = arith.constant 0 : i32
        %dma_start3A_88 = tpu.memref_slice %arg2[%dma_start3A_86, %dma_start3A_87] : memref<10000x128xf32, #tpu.memory_space<hbm>> -> memref<10000x128xf32, #tpu.memory_space<hbm>>
        tpu.enqueue_indirect_dma source(%dma_start3A_88 : memref<10000x128xf32, #tpu.memory_space<hbm>>) target(%arg10 : memref<128x128xf32, #tpu.memory_space<vmem>>) offsets(%dma_start3A_85 : memref<128xi32, #tpu.memory_space<vmem>>) semaphore(%arg13 : memref<!tpu.dma_semaphore, #tpu.memory_space<semaphore_mem>>)
        %dma_wait3A = arith.constant 0 : i32
        %dma_wait3A_89 = arith.constant 0 : i32
        %dma_wait3A_90 = tpu.memref_slice %arg7[%dma_wait3A, %dma_wait3A_89] : memref<32x128xi32, #tpu.memory_space<vmem>> -> memref<1x128xi32, #tpu.memory_space<vmem>>
        %dma_wait3A_91 = tpu.memref_squeeze %dma_wait3A_90 : memref<1x128xi32, #tpu.memory_space<vmem>> -> memref<128xi32, #tpu.memory_space<vmem>>
        %dma_wait3A_92 = arith.constant 0 : i32
        %dma_wait3A_93 = arith.constant 0 : i32
        %dma_wait3A_94 = tpu.memref_slice %arg2[%dma_wait3A_92, %dma_wait3A_93] : memref<10000x128xf32, #tpu.memory_space<hbm>> -> memref<10000x128xf32, #tpu.memory_space<hbm>>
        tpu.wait_indirect_dma semaphore(%arg12 : memref<!tpu.dma_semaphore, #tpu.memory_space<semaphore_mem>>) src(%dma_wait3A_94 : memref<10000x128xf32, #tpu.memory_space<hbm>>) dst(%arg9 : memref<128x128xf32, #tpu.memory_space<vmem>>)
        %mul3A_95 = arith.constant 2 : i32
        %mul3A_96 = arith.muli %mul3A_95, %scan3A_78 : i32
        "tpu.region"() ({
          %run_scoped3A = tpu.sem_alloc : memref<!tpu.dma_semaphore, #tpu.memory_space<semaphore_mem>>
          %dma_start3A_112 = arith.constant 0 : i32
          %dma_start3A_113 = tpu.memref_slice %arg8[%mul3A_96, %dma_start3A_112] : memref<32x128xi32, #tpu.memory_space<vmem>> -> memref<1x128xi32, #tpu.memory_space<vmem>>
          %dma_start3A_114 = tpu.memref_squeeze %dma_start3A_113 : memref<1x128xi32, #tpu.memory_space<vmem>> -> memref<128xi32, #tpu.memory_space<vmem>>
          %dma_start3A_115 = arith.constant 0 : i32
          %dma_start3A_116 = arith.constant 0 : i32
          %dma_start3A_117 = tpu.memref_slice %arg11[%dma_start3A_115, %dma_start3A_116] : memref<10240x128xf32, #tpu.memory_space<vmem_shared>> -> memref<10240x128xf32, #tpu.memory_space<vmem_shared>>
          tpu.enqueue_indirect_dma source(%arg9 : memref<128x128xf32, #tpu.memory_space<vmem>>) target(%dma_start3A_117 : memref<10240x128xf32, #tpu.memory_space<vmem_shared>>) offsets(%dma_start3A_114 : memref<128xi32, #tpu.memory_space<vmem>>) semaphore(%run_scoped3A : memref<!tpu.dma_semaphore, #tpu.memory_space<semaphore_mem>>) {add = true}
          %dma_wait3A_118 = arith.constant 0 : i32
          %dma_wait3A_119 = tpu.memref_slice %arg8[%mul3A_96, %dma_wait3A_118] : memref<32x128xi32, #tpu.memory_space<vmem>> -> memref<1x128xi32, #tpu.memory_space<vmem>>
          %dma_wait3A_120 = tpu.memref_squeeze %dma_wait3A_119 : memref<1x128xi32, #tpu.memory_space<vmem>> -> memref<128xi32, #tpu.memory_space<vmem>>
          %dma_wait3A_121 = arith.constant 0 : i32
          %dma_wait3A_122 = arith.constant 0 : i32
          %dma_wait3A_123 = tpu.memref_slice %arg11[%dma_wait3A_121, %dma_wait3A_122] : memref<10240x128xf32, #tpu.memory_space<vmem_shared>> -> memref<10240x128xf32, #tpu.memory_space<vmem_shared>>
          tpu.wait_indirect_dma semaphore(%run_scoped3A : memref<!tpu.dma_semaphore, #tpu.memory_space<semaphore_mem>>) src(%arg9 : memref<128x128xf32, #tpu.memory_space<vmem>>) dst(%dma_wait3A_123 : memref<10240x128xf32, #tpu.memory_space<vmem_shared>>)
          tpu.yield
        }) : () -> ()
        %lt3A = arith.constant 15 : i32
        %lt3A_97 = arith.cmpi slt, %scan3A_78, %lt3A : i32
        %convert_element_type3A_98 = arith.extui %lt3A_97 : i1 to i32
        %cond3A_99 = arith.constant 0 : i32
        %cond3A_100 = arith.cmpi ne, %convert_element_type3A_98, %cond3A_99 : i32
        scf.if %cond3A_100 {
          %mul3A_112 = arith.constant 2 : i32
          %mul3A_113 = arith.muli %mul3A_112, %scan3A_78 : i32
          %add3A_114 = arith.constant 2 : i32
          %add3A_115 = arith.addi %mul3A_113, %add3A_114 : i32
          %dma_start3A_116 = arith.constant 0 : i32
          %dma_start3A_117 = tpu.memref_slice %arg7[%add3A_115, %dma_start3A_116] : memref<32x128xi32, #tpu.memory_space<vmem>> -> memref<1x128xi32, #tpu.memory_space<vmem>>
          %dma_start3A_118 = tpu.memref_squeeze %dma_start3A_117 : memref<1x128xi32, #tpu.memory_space<vmem>> -> memref<128xi32, #tpu.memory_space<vmem>>
          %dma_start3A_119 = arith.constant 0 : i32
          %dma_start3A_120 = arith.constant 0 : i32
          %dma_start3A_121 = tpu.memref_slice %arg2[%dma_start3A_119, %dma_start3A_120] : memref<10000x128xf32, #tpu.memory_space<hbm>> -> memref<10000x128xf32, #tpu.memory_space<hbm>>
          tpu.enqueue_indirect_dma source(%dma_start3A_121 : memref<10000x128xf32, #tpu.memory_space<hbm>>) target(%arg9 : memref<128x128xf32, #tpu.memory_space<vmem>>) offsets(%dma_start3A_118 : memref<128xi32, #tpu.memory_space<vmem>>) semaphore(%arg12 : memref<!tpu.dma_semaphore, #tpu.memory_space<semaphore_mem>>)
        } else {
        }
        %dma_wait3A_101 = arith.constant 0 : i32
        %dma_wait3A_102 = arith.constant 0 : i32
        %dma_wait3A_103 = tpu.memref_slice %arg7[%dma_wait3A_101, %dma_wait3A_102] : memref<32x128xi32, #tpu.memory_space<vmem>> -> memref<1x128xi32, #tpu.memory_space<vmem>>
        %dma_wait3A_104 = tpu.memref_squeeze %dma_wait3A_103 : memref<1x128xi32, #tpu.memory_space<vmem>> -> memref<128xi32, #tpu.memory_space<vmem>>
        %dma_wait3A_105 = arith.constant 0 : i32
        %dma_wait3A_106 = arith.constant 0 : i32
        %dma_wait3A_107 = tpu.memref_slice %arg2[%dma_wait3A_105, %dma_wait3A_106] : memref<10000x128xf32, #tpu.memory_space<hbm>> -> memref<10000x128xf32, #tpu.memory_space<hbm>>
        tpu.wait_indirect_dma semaphore(%arg13 : memref<!tpu.dma_semaphore, #tpu.memory_space<semaphore_mem>>) src(%dma_wait3A_107 : memref<10000x128xf32, #tpu.memory_space<hbm>>) dst(%arg10 : memref<128x128xf32, #tpu.memory_space<vmem>>)
        %mul3A_108 = arith.constant 2 : i32
        %mul3A_109 = arith.muli %mul3A_108, %scan3A_78 : i32
        %add3A_110 = arith.constant 1 : i32
        %add3A_111 = arith.addi %mul3A_109, %add3A_110 : i32
        "tpu.region"() ({
          %run_scoped3A = tpu.sem_alloc : memref<!tpu.dma_semaphore, #tpu.memory_space<semaphore_mem>>
          %dma_start3A_112 = arith.constant 0 : i32
          %dma_start3A_113 = tpu.memref_slice %arg8[%add3A_111, %dma_start3A_112] : memref<32x128xi32, #tpu.memory_space<vmem>> -> memref<1x128xi32, #tpu.memory_space<vmem>>
          %dma_start3A_114 = tpu.memref_squeeze %dma_start3A_113 : memref<1x128xi32, #tpu.memory_space<vmem>> -> memref<128xi32, #tpu.memory_space<vmem>>
          %dma_start3A_115 = arith.constant 0 : i32
          %dma_start3A_116 = arith.constant 0 : i32
          %dma_start3A_117 = tpu.memref_slice %arg11[%dma_start3A_115, %dma_start3A_116] : memref<10240x128xf32, #tpu.memory_space<vmem_shared>> -> memref<10240x128xf32, #tpu.memory_space<vmem_shared>>
          tpu.enqueue_indirect_dma source(%arg10 : memref<128x128xf32, #tpu.memory_space<vmem>>) target(%dma_start3A_117 : memref<10240x128xf32, #tpu.memory_space<vmem_shared>>) offsets(%dma_start3A_114 : memref<128xi32, #tpu.memory_space<vmem>>) semaphore(%run_scoped3A : memref<!tpu.dma_semaphore, #tpu.memory_space<semaphore_mem>>) {add = true}
          %dma_wait3A_118 = arith.constant 0 : i32
          %dma_wait3A_119 = tpu.memref_slice %arg8[%add3A_111, %dma_wait3A_118] : memref<32x128xi32, #tpu.memory_space<vmem>> -> memref<1x128xi32, #tpu.memory_space<vmem>>
          %dma_wait3A_120 = tpu.memref_squeeze %dma_wait3A_119 : memref<1x128xi32, #tpu.memory_space<vmem>> -> memref<128xi32, #tpu.memory_space<vmem>>
          %dma_wait3A_121 = arith.constant 0 : i32
          %dma_wait3A_122 = arith.constant 0 : i32
          %dma_wait3A_123 = tpu.memref_slice %arg11[%dma_wait3A_121, %dma_wait3A_122] : memref<10240x128xf32, #tpu.memory_space<vmem_shared>> -> memref<10240x128xf32, #tpu.memory_space<vmem_shared>>
          tpu.wait_indirect_dma semaphore(%run_scoped3A : memref<!tpu.dma_semaphore, #tpu.memory_space<semaphore_mem>>) src(%arg10 : memref<128x128xf32, #tpu.memory_space<vmem>>) dst(%dma_wait3A_123 : memref<10240x128xf32, #tpu.memory_space<vmem_shared>>)
          tpu.yield
        }) : () -> ()
      }
      %scan3A_77 = arith.constant 16 : i32
    } else {
    }
    %eq3A_3 = arith.constant 1 : i32
    %eq3A_4 = arith.cmpi eq, %arg0, %eq3A_3 : i32
    %convert_element_type3A_5 = arith.extui %eq3A_4 : i1 to i32
    %cond3A_6 = arith.constant 0 : i32
    %cond3A_7 = arith.cmpi ne, %convert_element_type3A_5, %cond3A_6 : i32
    scf.if %cond3A_7 {
      %mul3A_13 = arith.constant 32 : i32
      %mul3A_14 = arith.muli %arg1, %mul3A_13 : i32
      %add3A = arith.constant 2048 : i32
      %add3A_15 = arith.addi %add3A, %mul3A_14 : i32
      "tpu.region"() ({
        %run_scoped3A = tpu.sem_alloc : memref<!tpu.dma_semaphore, #tpu.memory_space<semaphore_mem>>
        %dma_start3A_27 = arith.constant 0 : i32
        %dma_start3A_28 = arith.constant 0 : i32
        %dma_start3A_29 = tpu.memref_slice %arg7[%dma_start3A_27, %dma_start3A_28] : memref<32x128xi32, #tpu.memory_space<vmem>> -> memref<32x128xi32, #tpu.memory_space<vmem>>
        %dma_start3A_30 = arith.constant 0 : i32
        %dma_start3A_31 = tpu.memref_slice %arg3[%add3A_15, %dma_start3A_30] : memref<2560x128xi32, #tpu.memory_space<hbm>> -> memref<32x128xi32, #tpu.memory_space<hbm>>
        %dma_start3A_32 = arith.constant 0 : i32
        %dma_start3A_33 = arith.constant 0 : i32
        %dma_start3A_34 = tpu.memref_slice %arg7[%dma_start3A_32, %dma_start3A_33] : memref<32x128xi32, #tpu.memory_space<vmem>> -> memref<32x128xi32, #tpu.memory_space<vmem>>
        %dma_start3A_35 = arith.constant 0 : i32
        %dma_start3A_36 = tpu.memref_slice %arg3[%add3A_15, %dma_start3A_35] : memref<2560x128xi32, #tpu.memory_space<hbm>> -> memref<32x128xi32, #tpu.memory_space<hbm>>
        tpu.enqueue_dma source(%dma_start3A_36 : memref<32x128xi32, #tpu.memory_space<hbm>>) target(%dma_start3A_34 : memref<32x128xi32, #tpu.memory_space<vmem>>) target_semaphore(%run_scoped3A : memref<!tpu.dma_semaphore, #tpu.memory_space<semaphore_mem>>)
        %dma_wait3A = arith.constant 0 : i32
        %dma_wait3A_37 = arith.constant 0 : i32
        %dma_wait3A_38 = tpu.memref_slice %arg7[%dma_wait3A, %dma_wait3A_37] : memref<32x128xi32, #tpu.memory_space<vmem>> -> memref<32x128xi32, #tpu.memory_space<vmem>>
        %dma_wait3A_39 = arith.constant 0 : i32
        %dma_wait3A_40 = tpu.memref_slice %arg3[%add3A_15, %dma_wait3A_39] : memref<2560x128xi32, #tpu.memory_space<hbm>> -> memref<32x128xi32, #tpu.memory_space<hbm>>
        %dma_wait3A_41 = arith.constant 0 : i32
        %dma_wait3A_42 = arith.constant 0 : i32
        %dma_wait3A_43 = tpu.memref_slice %arg7[%dma_wait3A_41, %dma_wait3A_42] : memref<32x128xi32, #tpu.memory_space<vmem>> -> memref<32x128xi32, #tpu.memory_space<vmem>>
        %dma_wait3A_44 = arith.constant 0 : i32
        %dma_wait3A_45 = tpu.memref_slice %arg3[%add3A_15, %dma_wait3A_44] : memref<2560x128xi32, #tpu.memory_space<hbm>> -> memref<32x128xi32, #tpu.memory_space<hbm>>
        tpu.wait_dma2 semaphore(%run_scoped3A : memref<!tpu.dma_semaphore, #tpu.memory_space<semaphore_mem>>) src(%dma_wait3A_45 : memref<32x128xi32, #tpu.memory_space<hbm>>) dst(%dma_wait3A_43 : memref<32x128xi32, #tpu.memory_space<vmem>>)
        tpu.yield
      }) : () -> ()
      "tpu.region"() ({
        %run_scoped3A = tpu.sem_alloc : memref<!tpu.dma_semaphore, #tpu.memory_space<semaphore_mem>>
        %dma_start3A_27 = arith.constant 0 : i32
        %dma_start3A_28 = arith.constant 0 : i32
        %dma_start3A_29 = tpu.memref_slice %arg8[%dma_start3A_27, %dma_start3A_28] : memref<32x128xi32, #tpu.memory_space<vmem>> -> memref<32x128xi32, #tpu.memory_space<vmem>>
        %dma_start3A_30 = arith.constant 0 : i32
        %dma_start3A_31 = tpu.memref_slice %arg4[%add3A_15, %dma_start3A_30] : memref<2560x128xi32, #tpu.memory_space<hbm>> -> memref<32x128xi32, #tpu.memory_space<hbm>>
        %dma_start3A_32 = arith.constant 0 : i32
        %dma_start3A_33 = arith.constant 0 : i32
        %dma_start3A_34 = tpu.memref_slice %arg8[%dma_start3A_32, %dma_start3A_33] : memref<32x128xi32, #tpu.memory_space<vmem>> -> memref<32x128xi32, #tpu.memory_space<vmem>>
        %dma_start3A_35 = arith.constant 0 : i32
        %dma_start3A_36 = tpu.memref_slice %arg4[%add3A_15, %dma_start3A_35] : memref<2560x128xi32, #tpu.memory_space<hbm>> -> memref<32x128xi32, #tpu.memory_space<hbm>>
        tpu.enqueue_dma source(%dma_start3A_36 : memref<32x128xi32, #tpu.memory_space<hbm>>) target(%dma_start3A_34 : memref<32x128xi32, #tpu.memory_space<vmem>>) target_semaphore(%run_scoped3A : memref<!tpu.dma_semaphore, #tpu.memory_space<semaphore_mem>>)
        %dma_wait3A = arith.constant 0 : i32
        %dma_wait3A_37 = arith.constant 0 : i32
        %dma_wait3A_38 = tpu.memref_slice %arg8[%dma_wait3A, %dma_wait3A_37] : memref<32x128xi32, #tpu.memory_space<vmem>> -> memref<32x128xi32, #tpu.memory_space<vmem>>
        %dma_wait3A_39 = arith.constant 0 : i32
        %dma_wait3A_40 = tpu.memref_slice %arg4[%add3A_15, %dma_wait3A_39] : memref<2560x128xi32, #tpu.memory_space<hbm>> -> memref<32x128xi32, #tpu.memory_space<hbm>>
        %dma_wait3A_41 = arith.constant 0 : i32
        %dma_wait3A_42 = arith.constant 0 : i32
        %dma_wait3A_43 = tpu.memref_slice %arg8[%dma_wait3A_41, %dma_wait3A_42] : memref<32x128xi32, #tpu.memory_space<vmem>> -> memref<32x128xi32, #tpu.memory_space<vmem>>
        %dma_wait3A_44 = arith.constant 0 : i32
        %dma_wait3A_45 = tpu.memref_slice %arg4[%add3A_15, %dma_wait3A_44] : memref<2560x128xi32, #tpu.memory_space<hbm>> -> memref<32x128xi32, #tpu.memory_space<hbm>>
        tpu.wait_dma2 semaphore(%run_scoped3A : memref<!tpu.dma_semaphore, #tpu.memory_space<semaphore_mem>>) src(%dma_wait3A_45 : memref<32x128xi32, #tpu.memory_space<hbm>>) dst(%dma_wait3A_43 : memref<32x128xi32, #tpu.memory_space<vmem>>)
        tpu.yield
      }) : () -> ()
      %dma_start3A = arith.constant 0 : i32
      %dma_start3A_16 = arith.constant 0 : i32
      %dma_start3A_17 = tpu.memref_slice %arg7[%dma_start3A, %dma_start3A_16] : memref<32x128xi32, #tpu.memory_space<vmem>> -> memref<1x128xi32, #tpu.memory_space<vmem>>
      %dma_start3A_18 = tpu.memref_squeeze %dma_start3A_17 : memref<1x128xi32, #tpu.memory_space<vmem>> -> memref<128xi32, #tpu.memory_space<vmem>>
      %dma_start3A_19 = arith.constant 0 : i32
      %dma_start3A_20 = arith.constant 0 : i32
      %dma_start3A_21 = tpu.memref_slice %arg2[%dma_start3A_19, %dma_start3A_20] : memref<10000x128xf32, #tpu.memory_space<hbm>> -> memref<10000x128xf32, #tpu.memory_space<hbm>>
      tpu.enqueue_indirect_dma source(%dma_start3A_21 : memref<10000x128xf32, #tpu.memory_space<hbm>>) target(%arg9 : memref<128x128xf32, #tpu.memory_space<vmem>>) offsets(%dma_start3A_18 : memref<128xi32, #tpu.memory_space<vmem>>) semaphore(%arg12 : memref<!tpu.dma_semaphore, #tpu.memory_space<semaphore_mem>>)
      %scan3A = arith.constant 0 : i32
      %scan3A_22 = arith.constant 0 : i32
      %scan3A_23 = arith.constant 16 : i32
      %scan3A_24 = arith.addi %scan3A_22, %scan3A_23 : i32
      %scan3A_25 = arith.constant 1 : i32
      scf.for %scan3A_27 = %scan3A_22 to %scan3A_24 step %scan3A_25  : i32 {
        %mul3A_28 = arith.constant 2 : i32
        %mul3A_29 = arith.muli %mul3A_28, %scan3A_27 : i32
        %add3A_30 = arith.constant 1 : i32
        %add3A_31 = arith.addi %mul3A_29, %add3A_30 : i32
        %dma_start3A_32 = arith.constant 0 : i32
        %dma_start3A_33 = tpu.memref_slice %arg7[%add3A_31, %dma_start3A_32] : memref<32x128xi32, #tpu.memory_space<vmem>> -> memref<1x128xi32, #tpu.memory_space<vmem>>
        %dma_start3A_34 = tpu.memref_squeeze %dma_start3A_33 : memref<1x128xi32, #tpu.memory_space<vmem>> -> memref<128xi32, #tpu.memory_space<vmem>>
        %dma_start3A_35 = arith.constant 0 : i32
        %dma_start3A_36 = arith.constant 0 : i32
        %dma_start3A_37 = tpu.memref_slice %arg2[%dma_start3A_35, %dma_start3A_36] : memref<10000x128xf32, #tpu.memory_space<hbm>> -> memref<10000x128xf32, #tpu.memory_space<hbm>>
        tpu.enqueue_indirect_dma source(%dma_start3A_37 : memref<10000x128xf32, #tpu.memory_space<hbm>>) target(%arg10 : memref<128x128xf32, #tpu.memory_space<vmem>>) offsets(%dma_start3A_34 : memref<128xi32, #tpu.memory_space<vmem>>) semaphore(%arg13 : memref<!tpu.dma_semaphore, #tpu.memory_space<semaphore_mem>>)
        %dma_wait3A = arith.constant 0 : i32
        %dma_wait3A_38 = arith.constant 0 : i32
        %dma_wait3A_39 = tpu.memref_slice %arg7[%dma_wait3A, %dma_wait3A_38] : memref<32x128xi32, #tpu.memory_space<vmem>> -> memref<1x128xi32, #tpu.memory_space<vmem>>
        %dma_wait3A_40 = tpu.memref_squeeze %dma_wait3A_39 : memref<1x128xi32, #tpu.memory_space<vmem>> -> memref<128xi32, #tpu.memory_space<vmem>>
        %dma_wait3A_41 = arith.constant 0 : i32
        %dma_wait3A_42 = arith.constant 0 : i32
        %dma_wait3A_43 = tpu.memref_slice %arg2[%dma_wait3A_41, %dma_wait3A_42] : memref<10000x128xf32, #tpu.memory_space<hbm>> -> memref<10000x128xf32, #tpu.memory_space<hbm>>
        tpu.wait_indirect_dma semaphore(%arg12 : memref<!tpu.dma_semaphore, #tpu.memory_space<semaphore_mem>>) src(%dma_wait3A_43 : memref<10000x128xf32, #tpu.memory_space<hbm>>) dst(%arg9 : memref<128x128xf32, #tpu.memory_space<vmem>>)
        %mul3A_44 = arith.constant 2 : i32
        %mul3A_45 = arith.muli %mul3A_44, %scan3A_27 : i32
        "tpu.region"() ({
          %run_scoped3A = tpu.sem_alloc : memref<!tpu.dma_semaphore, #tpu.memory_space<semaphore_mem>>
          %dma_start3A_61 = arith.constant 0 : i32
          %dma_start3A_62 = tpu.memref_slice %arg8[%mul3A_45, %dma_start3A_61] : memref<32x128xi32, #tpu.memory_space<vmem>> -> memref<1x128xi32, #tpu.memory_space<vmem>>
          %dma_start3A_63 = tpu.memref_squeeze %dma_start3A_62 : memref<1x128xi32, #tpu.memory_space<vmem>> -> memref<128xi32, #tpu.memory_space<vmem>>
          %dma_start3A_64 = arith.constant 0 : i32
          %dma_start3A_65 = arith.constant 0 : i32
          %dma_start3A_66 = tpu.memref_slice %arg11[%dma_start3A_64, %dma_start3A_65] : memref<10240x128xf32, #tpu.memory_space<vmem_shared>> -> memref<10240x128xf32, #tpu.memory_space<vmem_shared>>
          tpu.enqueue_indirect_dma source(%arg9 : memref<128x128xf32, #tpu.memory_space<vmem>>) target(%dma_start3A_66 : memref<10240x128xf32, #tpu.memory_space<vmem_shared>>) offsets(%dma_start3A_63 : memref<128xi32, #tpu.memory_space<vmem>>) semaphore(%run_scoped3A : memref<!tpu.dma_semaphore, #tpu.memory_space<semaphore_mem>>) {add = true}
          %dma_wait3A_67 = arith.constant 0 : i32
          %dma_wait3A_68 = tpu.memref_slice %arg8[%mul3A_45, %dma_wait3A_67] : memref<32x128xi32, #tpu.memory_space<vmem>> -> memref<1x128xi32, #tpu.memory_space<vmem>>
          %dma_wait3A_69 = tpu.memref_squeeze %dma_wait3A_68 : memref<1x128xi32, #tpu.memory_space<vmem>> -> memref<128xi32, #tpu.memory_space<vmem>>
          %dma_wait3A_70 = arith.constant 0 : i32
          %dma_wait3A_71 = arith.constant 0 : i32
          %dma_wait3A_72 = tpu.memref_slice %arg11[%dma_wait3A_70, %dma_wait3A_71] : memref<10240x128xf32, #tpu.memory_space<vmem_shared>> -> memref<10240x128xf32, #tpu.memory_space<vmem_shared>>
          tpu.wait_indirect_dma semaphore(%run_scoped3A : memref<!tpu.dma_semaphore, #tpu.memory_space<semaphore_mem>>) src(%arg9 : memref<128x128xf32, #tpu.memory_space<vmem>>) dst(%dma_wait3A_72 : memref<10240x128xf32, #tpu.memory_space<vmem_shared>>)
          tpu.yield
        }) : () -> ()
        %lt3A = arith.constant 15 : i32
        %lt3A_46 = arith.cmpi slt, %scan3A_27, %lt3A : i32
        %convert_element_type3A_47 = arith.extui %lt3A_46 : i1 to i32
        %cond3A_48 = arith.constant 0 : i32
        %cond3A_49 = arith.cmpi ne, %convert_element_type3A_47, %cond3A_48 : i32
        scf.if %cond3A_49 {
          %mul3A_61 = arith.constant 2 : i32
          %mul3A_62 = arith.muli %mul3A_61, %scan3A_27 : i32
          %add3A_63 = arith.constant 2 : i32
          %add3A_64 = arith.addi %mul3A_62, %add3A_63 : i32
          %dma_start3A_65 = arith.constant 0 : i32
          %dma_start3A_66 = tpu.memref_slice %arg7[%add3A_64, %dma_start3A_65] : memref<32x128xi32, #tpu.memory_space<vmem>> -> memref<1x128xi32, #tpu.memory_space<vmem>>
          %dma_start3A_67 = tpu.memref_squeeze %dma_start3A_66 : memref<1x128xi32, #tpu.memory_space<vmem>> -> memref<128xi32, #tpu.memory_space<vmem>>
          %dma_start3A_68 = arith.constant 0 : i32
          %dma_start3A_69 = arith.constant 0 : i32
          %dma_start3A_70 = tpu.memref_slice %arg2[%dma_start3A_68, %dma_start3A_69] : memref<10000x128xf32, #tpu.memory_space<hbm>> -> memref<10000x128xf32, #tpu.memory_space<hbm>>
          tpu.enqueue_indirect_dma source(%dma_start3A_70 : memref<10000x128xf32, #tpu.memory_space<hbm>>) target(%arg9 : memref<128x128xf32, #tpu.memory_space<vmem>>) offsets(%dma_start3A_67 : memref<128xi32, #tpu.memory_space<vmem>>) semaphore(%arg12 : memref<!tpu.dma_semaphore, #tpu.memory_space<semaphore_mem>>)
        } else {
        }
        %dma_wait3A_50 = arith.constant 0 : i32
        %dma_wait3A_51 = arith.constant 0 : i32
        %dma_wait3A_52 = tpu.memref_slice %arg7[%dma_wait3A_50, %dma_wait3A_51] : memref<32x128xi32, #tpu.memory_space<vmem>> -> memref<1x128xi32, #tpu.memory_space<vmem>>
        %dma_wait3A_53 = tpu.memref_squeeze %dma_wait3A_52 : memref<1x128xi32, #tpu.memory_space<vmem>> -> memref<128xi32, #tpu.memory_space<vmem>>
        %dma_wait3A_54 = arith.constant 0 : i32
        %dma_wait3A_55 = arith.constant 0 : i32
        %dma_wait3A_56 = tpu.memref_slice %arg2[%dma_wait3A_54, %dma_wait3A_55] : memref<10000x128xf32, #tpu.memory_space<hbm>> -> memref<10000x128xf32, #tpu.memory_space<hbm>>
        tpu.wait_indirect_dma semaphore(%arg13 : memref<!tpu.dma_semaphore, #tpu.memory_space<semaphore_mem>>) src(%dma_wait3A_56 : memref<10000x128xf32, #tpu.memory_space<hbm>>) dst(%arg10 : memref<128x128xf32, #tpu.memory_space<vmem>>)
        %mul3A_57 = arith.constant 2 : i32
        %mul3A_58 = arith.muli %mul3A_57, %scan3A_27 : i32
        %add3A_59 = arith.constant 1 : i32
        %add3A_60 = arith.addi %mul3A_58, %add3A_59 : i32
        "tpu.region"() ({
          %run_scoped3A = tpu.sem_alloc : memref<!tpu.dma_semaphore, #tpu.memory_space<semaphore_mem>>
          %dma_start3A_61 = arith.constant 0 : i32
          %dma_start3A_62 = tpu.memref_slice %arg8[%add3A_60, %dma_start3A_61] : memref<32x128xi32, #tpu.memory_space<vmem>> -> memref<1x128xi32, #tpu.memory_space<vmem>>
          %dma_start3A_63 = tpu.memref_squeeze %dma_start3A_62 : memref<1x128xi32, #tpu.memory_space<vmem>> -> memref<128xi32, #tpu.memory_space<vmem>>
          %dma_start3A_64 = arith.constant 0 : i32
          %dma_start3A_65 = arith.constant 0 : i32
          %dma_start3A_66 = tpu.memref_slice %arg11[%dma_start3A_64, %dma_start3A_65] : memref<10240x128xf32, #tpu.memory_space<vmem_shared>> -> memref<10240x128xf32, #tpu.memory_space<vmem_shared>>
          tpu.enqueue_indirect_dma source(%arg10 : memref<128x128xf32, #tpu.memory_space<vmem>>) target(%dma_start3A_66 : memref<10240x128xf32, #tpu.memory_space<vmem_shared>>) offsets(%dma_start3A_63 : memref<128xi32, #tpu.memory_space<vmem>>) semaphore(%run_scoped3A : memref<!tpu.dma_semaphore, #tpu.memory_space<semaphore_mem>>) {add = true}
          %dma_wait3A_67 = arith.constant 0 : i32
          %dma_wait3A_68 = tpu.memref_slice %arg8[%add3A_60, %dma_wait3A_67] : memref<32x128xi32, #tpu.memory_space<vmem>> -> memref<1x128xi32, #tpu.memory_space<vmem>>
          %dma_wait3A_69 = tpu.memref_squeeze %dma_wait3A_68 : memref<1x128xi32, #tpu.memory_space<vmem>> -> memref<128xi32, #tpu.memory_space<vmem>>
          %dma_wait3A_70 = arith.constant 0 : i32
          %dma_wait3A_71 = arith.constant 0 : i32
          %dma_wait3A_72 = tpu.memref_slice %arg11[%dma_wait3A_70, %dma_wait3A_71] : memref<10240x128xf32, #tpu.memory_space<vmem_shared>> -> memref<10240x128xf32, #tpu.memory_space<vmem_shared>>
          tpu.wait_indirect_dma semaphore(%run_scoped3A : memref<!tpu.dma_semaphore, #tpu.memory_space<semaphore_mem>>) src(%arg10 : memref<128x128xf32, #tpu.memory_space<vmem>>) dst(%dma_wait3A_72 : memref<10240x128xf32, #tpu.memory_space<vmem_shared>>)
          tpu.yield
        }) : () -> ()
      }
      %scan3A_26 = arith.constant 16 : i32
    } else {
    }
    %barrier3A_8 = arith.constant 0 : index
    tpu.barrier barrier_id(%barrier3A_8)
    %mul3A_9 = arith.constant 640 : i32
    %mul3A_10 = arith.muli %arg1, %mul3A_9 : i32
    %mul3A_11 = arith.constant 640 : i32
    %mul3A_12 = arith.muli %arg1, %mul3A_11 : i32
    "tpu.region"() ({
      %run_scoped3A = tpu.sem_alloc : memref<!tpu.dma_semaphore, #tpu.memory_space<semaphore_mem>>
      %dma_start3A = arith.constant 0 : i32
      %dma_start3A_13 = tpu.memref_slice %arg6[%arg0, %mul3A_12, %dma_start3A] : memref<2x10240x128xf32, #tpu.memory_space<hbm>> -> memref<1x640x128xf32, #tpu.memory_space<hbm>>
      %dma_start3A_14 = tpu.memref_squeeze %dma_start3A_13 : memref<1x640x128xf32, #tpu.memory_space<hbm>> -> memref<640x128xf32, #tpu.memory_space<hbm>>
      %dma_start3A_15 = arith.constant 0 : i32
      %dma_start3A_16 = tpu.memref_slice %arg11[%mul3A_10, %dma_start3A_15] : memref<10240x128xf32, #tpu.memory_space<vmem_shared>> -> memref<640x128xf32, #tpu.memory_space<vmem_shared>>
      tpu.enqueue_dma source(%dma_start3A_16 : memref<640x128xf32, #tpu.memory_space<vmem_shared>>) target(%dma_start3A_14 : memref<640x128xf32, #tpu.memory_space<hbm>>) target_semaphore(%run_scoped3A : memref<!tpu.dma_semaphore, #tpu.memory_space<semaphore_mem>>)
      %dma_wait3A = arith.constant 0 : i32
      %dma_wait3A_17 = tpu.memref_slice %arg6[%arg0, %mul3A_12, %dma_wait3A] : memref<2x10240x128xf32, #tpu.memory_space<hbm>> -> memref<1x640x128xf32, #tpu.memory_space<hbm>>
      %dma_wait3A_18 = tpu.memref_squeeze %dma_wait3A_17 : memref<1x640x128xf32, #tpu.memory_space<hbm>> -> memref<640x128xf32, #tpu.memory_space<hbm>>
      %dma_wait3A_19 = arith.constant 0 : i32
      %dma_wait3A_20 = tpu.memref_slice %arg11[%mul3A_10, %dma_wait3A_19] : memref<10240x128xf32, #tpu.memory_space<vmem_shared>> -> memref<640x128xf32, #tpu.memory_space<vmem_shared>>
      tpu.wait_dma2 semaphore(%run_scoped3A : memref<!tpu.dma_semaphore, #tpu.memory_space<semaphore_mem>>) src(%dma_wait3A_20 : memref<640x128xf32, #tpu.memory_space<vmem_shared>>) dst(%dma_wait3A_18 : memref<640x128xf32, #tpu.memory_space<hbm>>)
      tpu.yield
    }) : () -> ()
    return
  }
}

#map = affine_map<(d0, d1) -> (0, 0)>
#map1 = affine_map<(d0, d1) -> (0, 0, 0)>
module attributes {stable_mosaic.version = 14 : i64} {
  func.func @_sc_agg(%arg0: i32, %arg1: i32, %arg2: memref<10000x128xf32, #tpu.memory_space<hbm>>, %arg3: memref<2560x128xi32, #tpu.memory_space<hbm>>, %arg4: memref<2560x128xi32, #tpu.memory_space<hbm>>, %arg5: memref<640x128xf32, #tpu.memory_space<hbm>>, %arg6: memref<2x10240x128xf32, #tpu.memory_space<hbm>>, %arg7: memref<32x128xi32, #tpu.memory_space<vmem>>, %arg8: memref<32x128xi32, #tpu.memory_space<vmem>>, %arg9: memref<128x128xf32, #tpu.memory_space<vmem>>, %arg10: memref<128x128xf32, #tpu.memory_space<vmem>>, %arg11: memref<10240x128xf32, #tpu.memory_space<vmem_shared>>, %arg12: memref<!tpu.dma_semaphore, #tpu.memory_space<semaphore_mem>>, %arg13: memref<!tpu.dma_semaphore, #tpu.memory_space<semaphore_mem>>) attributes {dimension_semantics = [#tpu.dimension_semantics<core_parallel>, #tpu.dimension_semantics<subcore_parallel>], iteration_bounds = array<i64: 2, 16>, scalar_prefetch = 0 : i64, scratch_operands = 7 : i64, tpu.core_type = #tpu.core_type<sc_vector_subcore>, window_params = [{transform_indices = #map}, {transform_indices = #map}, {transform_indices = #map}, {transform_indices = #map}, {transform_indices = #map1}]} {
    %mul3A = arith.constant 640 : i32
    %mul3A_0 = arith.muli %arg1, %mul3A : i32
    "tpu.region"() ({
      %run_scoped3A = tpu.sem_alloc : memref<!tpu.dma_semaphore, #tpu.memory_space<semaphore_mem>>
      %dma_start3A = arith.constant 0 : i32
      %dma_start3A_13 = tpu.memref_slice %arg11[%mul3A_0, %dma_start3A] : memref<10240x128xf32, #tpu.memory_space<vmem_shared>> -> memref<640x128xf32, #tpu.memory_space<vmem_shared>>
      tpu.enqueue_dma source(%arg5 : memref<640x128xf32, #tpu.memory_space<hbm>>) target(%dma_start3A_13 : memref<640x128xf32, #tpu.memory_space<vmem_shared>>) target_semaphore(%run_scoped3A : memref<!tpu.dma_semaphore, #tpu.memory_space<semaphore_mem>>)
      %dma_wait3A = arith.constant 0 : i32
      %dma_wait3A_14 = tpu.memref_slice %arg11[%mul3A_0, %dma_wait3A] : memref<10240x128xf32, #tpu.memory_space<vmem_shared>> -> memref<640x128xf32, #tpu.memory_space<vmem_shared>>
      tpu.wait_dma2 semaphore(%run_scoped3A : memref<!tpu.dma_semaphore, #tpu.memory_space<semaphore_mem>>) src(%arg5 : memref<640x128xf32, #tpu.memory_space<hbm>>) dst(%dma_wait3A_14 : memref<640x128xf32, #tpu.memory_space<vmem_shared>>)
      tpu.yield
    }) : () -> ()
    %barrier3A = arith.constant 0 : index
    tpu.barrier barrier_id(%barrier3A)
    %eq3A = arith.constant 0 : i32
    %eq3A_1 = arith.cmpi eq, %arg0, %eq3A : i32
    %convert_element_type3A = arith.extui %eq3A_1 : i1 to i32
    %cond3A = arith.constant 0 : i32
    %cond3A_2 = arith.cmpi ne, %convert_element_type3A, %cond3A : i32
    scf.if %cond3A_2 {
      %mul3A_13 = arith.constant 128 : i32
      %mul3A_14 = arith.muli %arg1, %mul3A_13 : i32
      %add3A = arith.constant 0 : i32
      %add3A_15 = arith.addi %mul3A_14, %add3A : i32
      "tpu.region"() ({
        %run_scoped3A = tpu.sem_alloc : memref<!tpu.dma_semaphore, #tpu.memory_space<semaphore_mem>>
        %dma_start3A_78 = arith.constant 0 : i32
        %dma_start3A_79 = arith.constant 0 : i32
        %dma_start3A_80 = tpu.memref_slice %arg7[%dma_start3A_78, %dma_start3A_79] : memref<32x128xi32, #tpu.memory_space<vmem>> -> memref<32x128xi32, #tpu.memory_space<vmem>>
        %dma_start3A_81 = arith.constant 0 : i32
        %dma_start3A_82 = tpu.memref_slice %arg3[%add3A_15, %dma_start3A_81] : memref<2560x128xi32, #tpu.memory_space<hbm>> -> memref<32x128xi32, #tpu.memory_space<hbm>>
        %dma_start3A_83 = arith.constant 0 : i32
        %dma_start3A_84 = arith.constant 0 : i32
        %dma_start3A_85 = tpu.memref_slice %arg7[%dma_start3A_83, %dma_start3A_84] : memref<32x128xi32, #tpu.memory_space<vmem>> -> memref<32x128xi32, #tpu.memory_space<vmem>>
        %dma_start3A_86 = arith.constant 0 : i32
        %dma_start3A_87 = tpu.memref_slice %arg3[%add3A_15, %dma_start3A_86] : memref<2560x128xi32, #tpu.memory_space<hbm>> -> memref<32x128xi32, #tpu.memory_space<hbm>>
        tpu.enqueue_dma source(%dma_start3A_87 : memref<32x128xi32, #tpu.memory_space<hbm>>) target(%dma_start3A_85 : memref<32x128xi32, #tpu.memory_space<vmem>>) target_semaphore(%run_scoped3A : memref<!tpu.dma_semaphore, #tpu.memory_space<semaphore_mem>>)
        %dma_wait3A = arith.constant 0 : i32
        %dma_wait3A_88 = arith.constant 0 : i32
        %dma_wait3A_89 = tpu.memref_slice %arg7[%dma_wait3A, %dma_wait3A_88] : memref<32x128xi32, #tpu.memory_space<vmem>> -> memref<32x128xi32, #tpu.memory_space<vmem>>
        %dma_wait3A_90 = arith.constant 0 : i32
        %dma_wait3A_91 = tpu.memref_slice %arg3[%add3A_15, %dma_wait3A_90] : memref<2560x128xi32, #tpu.memory_space<hbm>> -> memref<32x128xi32, #tpu.memory_space<hbm>>
        %dma_wait3A_92 = arith.constant 0 : i32
        %dma_wait3A_93 = arith.constant 0 : i32
        %dma_wait3A_94 = tpu.memref_slice %arg7[%dma_wait3A_92, %dma_wait3A_93] : memref<32x128xi32, #tpu.memory_space<vmem>> -> memref<32x128xi32, #tpu.memory_space<vmem>>
        %dma_wait3A_95 = arith.constant 0 : i32
        %dma_wait3A_96 = tpu.memref_slice %arg3[%add3A_15, %dma_wait3A_95] : memref<2560x128xi32, #tpu.memory_space<hbm>> -> memref<32x128xi32, #tpu.memory_space<hbm>>
        tpu.wait_dma2 semaphore(%run_scoped3A : memref<!tpu.dma_semaphore, #tpu.memory_space<semaphore_mem>>) src(%dma_wait3A_96 : memref<32x128xi32, #tpu.memory_space<hbm>>) dst(%dma_wait3A_94 : memref<32x128xi32, #tpu.memory_space<vmem>>)
        tpu.yield
      }) : () -> ()
      "tpu.region"() ({
        %run_scoped3A = tpu.sem_alloc : memref<!tpu.dma_semaphore, #tpu.memory_space<semaphore_mem>>
        %dma_start3A_78 = arith.constant 0 : i32
        %dma_start3A_79 = arith.constant 0 : i32
        %dma_start3A_80 = tpu.memref_slice %arg8[%dma_start3A_78, %dma_start3A_79] : memref<32x128xi32, #tpu.memory_space<vmem>> -> memref<32x128xi32, #tpu.memory_space<vmem>>
        %dma_start3A_81 = arith.constant 0 : i32
        %dma_start3A_82 = tpu.memref_slice %arg4[%add3A_15, %dma_start3A_81] : memref<2560x128xi32, #tpu.memory_space<hbm>> -> memref<32x128xi32, #tpu.memory_space<hbm>>
        %dma_start3A_83 = arith.constant 0 : i32
        %dma_start3A_84 = arith.constant 0 : i32
        %dma_start3A_85 = tpu.memref_slice %arg8[%dma_start3A_83, %dma_start3A_84] : memref<32x128xi32, #tpu.memory_space<vmem>> -> memref<32x128xi32, #tpu.memory_space<vmem>>
        %dma_start3A_86 = arith.constant 0 : i32
        %dma_start3A_87 = tpu.memref_slice %arg4[%add3A_15, %dma_start3A_86] : memref<2560x128xi32, #tpu.memory_space<hbm>> -> memref<32x128xi32, #tpu.memory_space<hbm>>
        tpu.enqueue_dma source(%dma_start3A_87 : memref<32x128xi32, #tpu.memory_space<hbm>>) target(%dma_start3A_85 : memref<32x128xi32, #tpu.memory_space<vmem>>) target_semaphore(%run_scoped3A : memref<!tpu.dma_semaphore, #tpu.memory_space<semaphore_mem>>)
        %dma_wait3A = arith.constant 0 : i32
        %dma_wait3A_88 = arith.constant 0 : i32
        %dma_wait3A_89 = tpu.memref_slice %arg8[%dma_wait3A, %dma_wait3A_88] : memref<32x128xi32, #tpu.memory_space<vmem>> -> memref<32x128xi32, #tpu.memory_space<vmem>>
        %dma_wait3A_90 = arith.constant 0 : i32
        %dma_wait3A_91 = tpu.memref_slice %arg4[%add3A_15, %dma_wait3A_90] : memref<2560x128xi32, #tpu.memory_space<hbm>> -> memref<32x128xi32, #tpu.memory_space<hbm>>
        %dma_wait3A_92 = arith.constant 0 : i32
        %dma_wait3A_93 = arith.constant 0 : i32
        %dma_wait3A_94 = tpu.memref_slice %arg8[%dma_wait3A_92, %dma_wait3A_93] : memref<32x128xi32, #tpu.memory_space<vmem>> -> memref<32x128xi32, #tpu.memory_space<vmem>>
        %dma_wait3A_95 = arith.constant 0 : i32
        %dma_wait3A_96 = tpu.memref_slice %arg4[%add3A_15, %dma_wait3A_95] : memref<2560x128xi32, #tpu.memory_space<hbm>> -> memref<32x128xi32, #tpu.memory_space<hbm>>
        tpu.wait_dma2 semaphore(%run_scoped3A : memref<!tpu.dma_semaphore, #tpu.memory_space<semaphore_mem>>) src(%dma_wait3A_96 : memref<32x128xi32, #tpu.memory_space<hbm>>) dst(%dma_wait3A_94 : memref<32x128xi32, #tpu.memory_space<vmem>>)
        tpu.yield
      }) : () -> ()
      %dma_start3A = arith.constant 0 : i32
      %dma_start3A_16 = arith.constant 0 : i32
      %dma_start3A_17 = tpu.memref_slice %arg7[%dma_start3A, %dma_start3A_16] : memref<32x128xi32, #tpu.memory_space<vmem>> -> memref<1x128xi32, #tpu.memory_space<vmem>>
      %dma_start3A_18 = tpu.memref_squeeze %dma_start3A_17 : memref<1x128xi32, #tpu.memory_space<vmem>> -> memref<128xi32, #tpu.memory_space<vmem>>
      %dma_start3A_19 = arith.constant 0 : i32
      %dma_start3A_20 = arith.constant 0 : i32
      %dma_start3A_21 = tpu.memref_slice %arg2[%dma_start3A_19, %dma_start3A_20] : memref<10000x128xf32, #tpu.memory_space<hbm>> -> memref<10000x128xf32, #tpu.memory_space<hbm>>
      tpu.enqueue_indirect_dma source(%dma_start3A_21 : memref<10000x128xf32, #tpu.memory_space<hbm>>) target(%arg9 : memref<128x128xf32, #tpu.memory_space<vmem>>) offsets(%dma_start3A_18 : memref<128xi32, #tpu.memory_space<vmem>>) semaphore(%arg12 : memref<!tpu.dma_semaphore, #tpu.memory_space<semaphore_mem>>)
      %scan3A = arith.constant 0 : i32
      %scan3A_22 = arith.constant 0 : i32
      %scan3A_23 = arith.constant 16 : i32
      %scan3A_24 = arith.addi %scan3A_22, %scan3A_23 : i32
      %scan3A_25 = arith.constant 1 : i32
      scf.for %scan3A_78 = %scan3A_22 to %scan3A_24 step %scan3A_25  : i32 {
        %mul3A_79 = arith.constant 2 : i32
        %mul3A_80 = arith.muli %mul3A_79, %scan3A_78 : i32
        %add3A_81 = arith.constant 1 : i32
        %add3A_82 = arith.addi %mul3A_80, %add3A_81 : i32
        %dma_start3A_83 = arith.constant 0 : i32
        %dma_start3A_84 = tpu.memref_slice %arg7[%add3A_82, %dma_start3A_83] : memref<32x128xi32, #tpu.memory_space<vmem>> -> memref<1x128xi32, #tpu.memory_space<vmem>>
        %dma_start3A_85 = tpu.memref_squeeze %dma_start3A_84 : memref<1x128xi32, #tpu.memory_space<vmem>> -> memref<128xi32, #tpu.memory_space<vmem>>
        %dma_start3A_86 = arith.constant 0 : i32
        %dma_start3A_87 = arith.constant 0 : i32
        %dma_start3A_88 = tpu.memref_slice %arg2[%dma_start3A_86, %dma_start3A_87] : memref<10000x128xf32, #tpu.memory_space<hbm>> -> memref<10000x128xf32, #tpu.memory_space<hbm>>
        tpu.enqueue_indirect_dma source(%dma_start3A_88 : memref<10000x128xf32, #tpu.memory_space<hbm>>) target(%arg10 : memref<128x128xf32, #tpu.memory_space<vmem>>) offsets(%dma_start3A_85 : memref<128xi32, #tpu.memory_space<vmem>>) semaphore(%arg13 : memref<!tpu.dma_semaphore, #tpu.memory_space<semaphore_mem>>)
        %dma_wait3A = arith.constant 0 : i32
        %dma_wait3A_89 = arith.constant 0 : i32
        %dma_wait3A_90 = tpu.memref_slice %arg7[%dma_wait3A, %dma_wait3A_89] : memref<32x128xi32, #tpu.memory_space<vmem>> -> memref<1x128xi32, #tpu.memory_space<vmem>>
        %dma_wait3A_91 = tpu.memref_squeeze %dma_wait3A_90 : memref<1x128xi32, #tpu.memory_space<vmem>> -> memref<128xi32, #tpu.memory_space<vmem>>
        %dma_wait3A_92 = arith.constant 0 : i32
        %dma_wait3A_93 = arith.constant 0 : i32
        %dma_wait3A_94 = tpu.memref_slice %arg2[%dma_wait3A_92, %dma_wait3A_93] : memref<10000x128xf32, #tpu.memory_space<hbm>> -> memref<10000x128xf32, #tpu.memory_space<hbm>>
        tpu.wait_indirect_dma semaphore(%arg12 : memref<!tpu.dma_semaphore, #tpu.memory_space<semaphore_mem>>) src(%dma_wait3A_94 : memref<10000x128xf32, #tpu.memory_space<hbm>>) dst(%arg9 : memref<128x128xf32, #tpu.memory_space<vmem>>)
        %mul3A_95 = arith.constant 2 : i32
        %mul3A_96 = arith.muli %mul3A_95, %scan3A_78 : i32
        "tpu.region"() ({
          %run_scoped3A = tpu.sem_alloc : memref<!tpu.dma_semaphore, #tpu.memory_space<semaphore_mem>>
          %dma_start3A_112 = arith.constant 0 : i32
          %dma_start3A_113 = tpu.memref_slice %arg8[%mul3A_96, %dma_start3A_112] : memref<32x128xi32, #tpu.memory_space<vmem>> -> memref<1x128xi32, #tpu.memory_space<vmem>>
          %dma_start3A_114 = tpu.memref_squeeze %dma_start3A_113 : memref<1x128xi32, #tpu.memory_space<vmem>> -> memref<128xi32, #tpu.memory_space<vmem>>
          %dma_start3A_115 = arith.constant 0 : i32
          %dma_start3A_116 = arith.constant 0 : i32
          %dma_start3A_117 = tpu.memref_slice %arg11[%dma_start3A_115, %dma_start3A_116] : memref<10240x128xf32, #tpu.memory_space<vmem_shared>> -> memref<10240x128xf32, #tpu.memory_space<vmem_shared>>
          tpu.enqueue_indirect_dma source(%arg9 : memref<128x128xf32, #tpu.memory_space<vmem>>) target(%dma_start3A_117 : memref<10240x128xf32, #tpu.memory_space<vmem_shared>>) offsets(%dma_start3A_114 : memref<128xi32, #tpu.memory_space<vmem>>) semaphore(%run_scoped3A : memref<!tpu.dma_semaphore, #tpu.memory_space<semaphore_mem>>) {add = true}
          %dma_wait3A_118 = arith.constant 0 : i32
          %dma_wait3A_119 = tpu.memref_slice %arg8[%mul3A_96, %dma_wait3A_118] : memref<32x128xi32, #tpu.memory_space<vmem>> -> memref<1x128xi32, #tpu.memory_space<vmem>>
          %dma_wait3A_120 = tpu.memref_squeeze %dma_wait3A_119 : memref<1x128xi32, #tpu.memory_space<vmem>> -> memref<128xi32, #tpu.memory_space<vmem>>
          %dma_wait3A_121 = arith.constant 0 : i32
          %dma_wait3A_122 = arith.constant 0 : i32
          %dma_wait3A_123 = tpu.memref_slice %arg11[%dma_wait3A_121, %dma_wait3A_122] : memref<10240x128xf32, #tpu.memory_space<vmem_shared>> -> memref<10240x128xf32, #tpu.memory_space<vmem_shared>>
          tpu.wait_indirect_dma semaphore(%run_scoped3A : memref<!tpu.dma_semaphore, #tpu.memory_space<semaphore_mem>>) src(%arg9 : memref<128x128xf32, #tpu.memory_space<vmem>>) dst(%dma_wait3A_123 : memref<10240x128xf32, #tpu.memory_space<vmem_shared>>)
          tpu.yield
        }) : () -> ()
        %lt3A = arith.constant 15 : i32
        %lt3A_97 = arith.cmpi slt, %scan3A_78, %lt3A : i32
        %convert_element_type3A_98 = arith.extui %lt3A_97 : i1 to i32
        %cond3A_99 = arith.constant 0 : i32
        %cond3A_100 = arith.cmpi ne, %convert_element_type3A_98, %cond3A_99 : i32
        scf.if %cond3A_100 {
          %mul3A_112 = arith.constant 2 : i32
          %mul3A_113 = arith.muli %mul3A_112, %scan3A_78 : i32
          %add3A_114 = arith.constant 2 : i32
          %add3A_115 = arith.addi %mul3A_113, %add3A_114 : i32
          %dma_start3A_116 = arith.constant 0 : i32
          %dma_start3A_117 = tpu.memref_slice %arg7[%add3A_115, %dma_start3A_116] : memref<32x128xi32, #tpu.memory_space<vmem>> -> memref<1x128xi32, #tpu.memory_space<vmem>>
          %dma_start3A_118 = tpu.memref_squeeze %dma_start3A_117 : memref<1x128xi32, #tpu.memory_space<vmem>> -> memref<128xi32, #tpu.memory_space<vmem>>
          %dma_start3A_119 = arith.constant 0 : i32
          %dma_start3A_120 = arith.constant 0 : i32
          %dma_start3A_121 = tpu.memref_slice %arg2[%dma_start3A_119, %dma_start3A_120] : memref<10000x128xf32, #tpu.memory_space<hbm>> -> memref<10000x128xf32, #tpu.memory_space<hbm>>
          tpu.enqueue_indirect_dma source(%dma_start3A_121 : memref<10000x128xf32, #tpu.memory_space<hbm>>) target(%arg9 : memref<128x128xf32, #tpu.memory_space<vmem>>) offsets(%dma_start3A_118 : memref<128xi32, #tpu.memory_space<vmem>>) semaphore(%arg12 : memref<!tpu.dma_semaphore, #tpu.memory_space<semaphore_mem>>)
        } else {
        }
        %dma_wait3A_101 = arith.constant 0 : i32
        %dma_wait3A_102 = arith.constant 0 : i32
        %dma_wait3A_103 = tpu.memref_slice %arg7[%dma_wait3A_101, %dma_wait3A_102] : memref<32x128xi32, #tpu.memory_space<vmem>> -> memref<1x128xi32, #tpu.memory_space<vmem>>
        %dma_wait3A_104 = tpu.memref_squeeze %dma_wait3A_103 : memref<1x128xi32, #tpu.memory_space<vmem>> -> memref<128xi32, #tpu.memory_space<vmem>>
        %dma_wait3A_105 = arith.constant 0 : i32
        %dma_wait3A_106 = arith.constant 0 : i32
        %dma_wait3A_107 = tpu.memref_slice %arg2[%dma_wait3A_105, %dma_wait3A_106] : memref<10000x128xf32, #tpu.memory_space<hbm>> -> memref<10000x128xf32, #tpu.memory_space<hbm>>
        tpu.wait_indirect_dma semaphore(%arg13 : memref<!tpu.dma_semaphore, #tpu.memory_space<semaphore_mem>>) src(%dma_wait3A_107 : memref<10000x128xf32, #tpu.memory_space<hbm>>) dst(%arg10 : memref<128x128xf32, #tpu.memory_space<vmem>>)
        %mul3A_108 = arith.constant 2 : i32
        %mul3A_109 = arith.muli %mul3A_108, %scan3A_78 : i32
        %add3A_110 = arith.constant 1 : i32
        %add3A_111 = arith.addi %mul3A_109, %add3A_110 : i32
        "tpu.region"() ({
          %run_scoped3A = tpu.sem_alloc : memref<!tpu.dma_semaphore, #tpu.memory_space<semaphore_mem>>
          %dma_start3A_112 = arith.constant 0 : i32
          %dma_start3A_113 = tpu.memref_slice %arg8[%add3A_111, %dma_start3A_112] : memref<32x128xi32, #tpu.memory_space<vmem>> -> memref<1x128xi32, #tpu.memory_space<vmem>>
          %dma_start3A_114 = tpu.memref_squeeze %dma_start3A_113 : memref<1x128xi32, #tpu.memory_space<vmem>> -> memref<128xi32, #tpu.memory_space<vmem>>
          %dma_start3A_115 = arith.constant 0 : i32
          %dma_start3A_116 = arith.constant 0 : i32
          %dma_start3A_117 = tpu.memref_slice %arg11[%dma_start3A_115, %dma_start3A_116] : memref<10240x128xf32, #tpu.memory_space<vmem_shared>> -> memref<10240x128xf32, #tpu.memory_space<vmem_shared>>
          tpu.enqueue_indirect_dma source(%arg10 : memref<128x128xf32, #tpu.memory_space<vmem>>) target(%dma_start3A_117 : memref<10240x128xf32, #tpu.memory_space<vmem_shared>>) offsets(%dma_start3A_114 : memref<128xi32, #tpu.memory_space<vmem>>) semaphore(%run_scoped3A : memref<!tpu.dma_semaphore, #tpu.memory_space<semaphore_mem>>) {add = true}
          %dma_wait3A_118 = arith.constant 0 : i32
          %dma_wait3A_119 = tpu.memref_slice %arg8[%add3A_111, %dma_wait3A_118] : memref<32x128xi32, #tpu.memory_space<vmem>> -> memref<1x128xi32, #tpu.memory_space<vmem>>
          %dma_wait3A_120 = tpu.memref_squeeze %dma_wait3A_119 : memref<1x128xi32, #tpu.memory_space<vmem>> -> memref<128xi32, #tpu.memory_space<vmem>>
          %dma_wait3A_121 = arith.constant 0 : i32
          %dma_wait3A_122 = arith.constant 0 : i32
          %dma_wait3A_123 = tpu.memref_slice %arg11[%dma_wait3A_121, %dma_wait3A_122] : memref<10240x128xf32, #tpu.memory_space<vmem_shared>> -> memref<10240x128xf32, #tpu.memory_space<vmem_shared>>
          tpu.wait_indirect_dma semaphore(%run_scoped3A : memref<!tpu.dma_semaphore, #tpu.memory_space<semaphore_mem>>) src(%arg10 : memref<128x128xf32, #tpu.memory_space<vmem>>) dst(%dma_wait3A_123 : memref<10240x128xf32, #tpu.memory_space<vmem_shared>>)
          tpu.yield
        }) : () -> ()
      }
      %scan3A_26 = arith.constant 16 : i32
      %mul3A_27 = arith.constant 128 : i32
      %mul3A_28 = arith.muli %arg1, %mul3A_27 : i32
      %add3A_29 = arith.constant 32 : i32
      %add3A_30 = arith.addi %mul3A_28, %add3A_29 : i32
      "tpu.region"() ({
        %run_scoped3A = tpu.sem_alloc : memref<!tpu.dma_semaphore, #tpu.memory_space<semaphore_mem>>
        %dma_start3A_78 = arith.constant 0 : i32
        %dma_start3A_79 = arith.constant 0 : i32
        %dma_start3A_80 = tpu.memref_slice %arg7[%dma_start3A_78, %dma_start3A_79] : memref<32x128xi32, #tpu.memory_space<vmem>> -> memref<32x128xi32, #tpu.memory_space<vmem>>
        %dma_start3A_81 = arith.constant 0 : i32
        %dma_start3A_82 = tpu.memref_slice %arg3[%add3A_30, %dma_start3A_81] : memref<2560x128xi32, #tpu.memory_space<hbm>> -> memref<32x128xi32, #tpu.memory_space<hbm>>
        %dma_start3A_83 = arith.constant 0 : i32
        %dma_start3A_84 = arith.constant 0 : i32
        %dma_start3A_85 = tpu.memref_slice %arg7[%dma_start3A_83, %dma_start3A_84] : memref<32x128xi32, #tpu.memory_space<vmem>> -> memref<32x128xi32, #tpu.memory_space<vmem>>
        %dma_start3A_86 = arith.constant 0 : i32
        %dma_start3A_87 = tpu.memref_slice %arg3[%add3A_30, %dma_start3A_86] : memref<2560x128xi32, #tpu.memory_space<hbm>> -> memref<32x128xi32, #tpu.memory_space<hbm>>
        tpu.enqueue_dma source(%dma_start3A_87 : memref<32x128xi32, #tpu.memory_space<hbm>>) target(%dma_start3A_85 : memref<32x128xi32, #tpu.memory_space<vmem>>) target_semaphore(%run_scoped3A : memref<!tpu.dma_semaphore, #tpu.memory_space<semaphore_mem>>)
        %dma_wait3A = arith.constant 0 : i32
        %dma_wait3A_88 = arith.constant 0 : i32
        %dma_wait3A_89 = tpu.memref_slice %arg7[%dma_wait3A, %dma_wait3A_88] : memref<32x128xi32, #tpu.memory_space<vmem>> -> memref<32x128xi32, #tpu.memory_space<vmem>>
        %dma_wait3A_90 = arith.constant 0 : i32
        %dma_wait3A_91 = tpu.memref_slice %arg3[%add3A_30, %dma_wait3A_90] : memref<2560x128xi32, #tpu.memory_space<hbm>> -> memref<32x128xi32, #tpu.memory_space<hbm>>
        %dma_wait3A_92 = arith.constant 0 : i32
        %dma_wait3A_93 = arith.constant 0 : i32
        %dma_wait3A_94 = tpu.memref_slice %arg7[%dma_wait3A_92, %dma_wait3A_93] : memref<32x128xi32, #tpu.memory_space<vmem>> -> memref<32x128xi32, #tpu.memory_space<vmem>>
        %dma_wait3A_95 = arith.constant 0 : i32
        %dma_wait3A_96 = tpu.memref_slice %arg3[%add3A_30, %dma_wait3A_95] : memref<2560x128xi32, #tpu.memory_space<hbm>> -> memref<32x128xi32, #tpu.memory_space<hbm>>
        tpu.wait_dma2 semaphore(%run_scoped3A : memref<!tpu.dma_semaphore, #tpu.memory_space<semaphore_mem>>) src(%dma_wait3A_96 : memref<32x128xi32, #tpu.memory_space<hbm>>) dst(%dma_wait3A_94 : memref<32x128xi32, #tpu.memory_space<vmem>>)
        tpu.yield
      }) : () -> ()
      "tpu.region"() ({
        %run_scoped3A = tpu.sem_alloc : memref<!tpu.dma_semaphore, #tpu.memory_space<semaphore_mem>>
        %dma_start3A_78 = arith.constant 0 : i32
        %dma_start3A_79 = arith.constant 0 : i32
        %dma_start3A_80 = tpu.memref_slice %arg8[%dma_start3A_78, %dma_start3A_79] : memref<32x128xi32, #tpu.memory_space<vmem>> -> memref<32x128xi32, #tpu.memory_space<vmem>>
        %dma_start3A_81 = arith.constant 0 : i32
        %dma_start3A_82 = tpu.memref_slice %arg4[%add3A_30, %dma_start3A_81] : memref<2560x128xi32, #tpu.memory_space<hbm>> -> memref<32x128xi32, #tpu.memory_space<hbm>>
        %dma_start3A_83 = arith.constant 0 : i32
        %dma_start3A_84 = arith.constant 0 : i32
        %dma_start3A_85 = tpu.memref_slice %arg8[%dma_start3A_83, %dma_start3A_84] : memref<32x128xi32, #tpu.memory_space<vmem>> -> memref<32x128xi32, #tpu.memory_space<vmem>>
        %dma_start3A_86 = arith.constant 0 : i32
        %dma_start3A_87 = tpu.memref_slice %arg4[%add3A_30, %dma_start3A_86] : memref<2560x128xi32, #tpu.memory_space<hbm>> -> memref<32x128xi32, #tpu.memory_space<hbm>>
        tpu.enqueue_dma source(%dma_start3A_87 : memref<32x128xi32, #tpu.memory_space<hbm>>) target(%dma_start3A_85 : memref<32x128xi32, #tpu.memory_space<vmem>>) target_semaphore(%run_scoped3A : memref<!tpu.dma_semaphore, #tpu.memory_space<semaphore_mem>>)
        %dma_wait3A = arith.constant 0 : i32
        %dma_wait3A_88 = arith.constant 0 : i32
        %dma_wait3A_89 = tpu.memref_slice %arg8[%dma_wait3A, %dma_wait3A_88] : memref<32x128xi32, #tpu.memory_space<vmem>> -> memref<32x128xi32, #tpu.memory_space<vmem>>
        %dma_wait3A_90 = arith.constant 0 : i32
        %dma_wait3A_91 = tpu.memref_slice %arg4[%add3A_30, %dma_wait3A_90] : memref<2560x128xi32, #tpu.memory_space<hbm>> -> memref<32x128xi32, #tpu.memory_space<hbm>>
        %dma_wait3A_92 = arith.constant 0 : i32
        %dma_wait3A_93 = arith.constant 0 : i32
        %dma_wait3A_94 = tpu.memref_slice %arg8[%dma_wait3A_92, %dma_wait3A_93] : memref<32x128xi32, #tpu.memory_space<vmem>> -> memref<32x128xi32, #tpu.memory_space<vmem>>
        %dma_wait3A_95 = arith.constant 0 : i32
        %dma_wait3A_96 = tpu.memref_slice %arg4[%add3A_30, %dma_wait3A_95] : memref<2560x128xi32, #tpu.memory_space<hbm>> -> memref<32x128xi32, #tpu.memory_space<hbm>>
        tpu.wait_dma2 semaphore(%run_scoped3A : memref<!tpu.dma_semaphore, #tpu.memory_space<semaphore_mem>>) src(%dma_wait3A_96 : memref<32x128xi32, #tpu.memory_space<hbm>>) dst(%dma_wait3A_94 : memref<32x128xi32, #tpu.memory_space<vmem>>)
        tpu.yield
      }) : () -> ()
      %dma_start3A_31 = arith.constant 0 : i32
      %dma_start3A_32 = arith.constant 0 : i32
      %dma_start3A_33 = tpu.memref_slice %arg7[%dma_start3A_31, %dma_start3A_32] : memref<32x128xi32, #tpu.memory_space<vmem>> -> memref<1x128xi32, #tpu.memory_space<vmem>>
      %dma_start3A_34 = tpu.memref_squeeze %dma_start3A_33 : memref<1x128xi32, #tpu.memory_space<vmem>> -> memref<128xi32, #tpu.memory_space<vmem>>
      %dma_start3A_35 = arith.constant 0 : i32
      %dma_start3A_36 = arith.constant 0 : i32
      %dma_start3A_37 = tpu.memref_slice %arg2[%dma_start3A_35, %dma_start3A_36] : memref<10000x128xf32, #tpu.memory_space<hbm>> -> memref<10000x128xf32, #tpu.memory_space<hbm>>
      tpu.enqueue_indirect_dma source(%dma_start3A_37 : memref<10000x128xf32, #tpu.memory_space<hbm>>) target(%arg9 : memref<128x128xf32, #tpu.memory_space<vmem>>) offsets(%dma_start3A_34 : memref<128xi32, #tpu.memory_space<vmem>>) semaphore(%arg12 : memref<!tpu.dma_semaphore, #tpu.memory_space<semaphore_mem>>)
      %scan3A_38 = arith.constant 0 : i32
      %scan3A_39 = arith.constant 0 : i32
      %scan3A_40 = arith.constant 16 : i32
      %scan3A_41 = arith.addi %scan3A_39, %scan3A_40 : i32
      %scan3A_42 = arith.constant 1 : i32
      scf.for %scan3A_78 = %scan3A_39 to %scan3A_41 step %scan3A_42  : i32 {
        %mul3A_79 = arith.constant 2 : i32
        %mul3A_80 = arith.muli %mul3A_79, %scan3A_78 : i32
        %add3A_81 = arith.constant 1 : i32
        %add3A_82 = arith.addi %mul3A_80, %add3A_81 : i32
        %dma_start3A_83 = arith.constant 0 : i32
        %dma_start3A_84 = tpu.memref_slice %arg7[%add3A_82, %dma_start3A_83] : memref<32x128xi32, #tpu.memory_space<vmem>> -> memref<1x128xi32, #tpu.memory_space<vmem>>
        %dma_start3A_85 = tpu.memref_squeeze %dma_start3A_84 : memref<1x128xi32, #tpu.memory_space<vmem>> -> memref<128xi32, #tpu.memory_space<vmem>>
        %dma_start3A_86 = arith.constant 0 : i32
        %dma_start3A_87 = arith.constant 0 : i32
        %dma_start3A_88 = tpu.memref_slice %arg2[%dma_start3A_86, %dma_start3A_87] : memref<10000x128xf32, #tpu.memory_space<hbm>> -> memref<10000x128xf32, #tpu.memory_space<hbm>>
        tpu.enqueue_indirect_dma source(%dma_start3A_88 : memref<10000x128xf32, #tpu.memory_space<hbm>>) target(%arg10 : memref<128x128xf32, #tpu.memory_space<vmem>>) offsets(%dma_start3A_85 : memref<128xi32, #tpu.memory_space<vmem>>) semaphore(%arg13 : memref<!tpu.dma_semaphore, #tpu.memory_space<semaphore_mem>>)
        %dma_wait3A = arith.constant 0 : i32
        %dma_wait3A_89 = arith.constant 0 : i32
        %dma_wait3A_90 = tpu.memref_slice %arg7[%dma_wait3A, %dma_wait3A_89] : memref<32x128xi32, #tpu.memory_space<vmem>> -> memref<1x128xi32, #tpu.memory_space<vmem>>
        %dma_wait3A_91 = tpu.memref_squeeze %dma_wait3A_90 : memref<1x128xi32, #tpu.memory_space<vmem>> -> memref<128xi32, #tpu.memory_space<vmem>>
        %dma_wait3A_92 = arith.constant 0 : i32
        %dma_wait3A_93 = arith.constant 0 : i32
        %dma_wait3A_94 = tpu.memref_slice %arg2[%dma_wait3A_92, %dma_wait3A_93] : memref<10000x128xf32, #tpu.memory_space<hbm>> -> memref<10000x128xf32, #tpu.memory_space<hbm>>
        tpu.wait_indirect_dma semaphore(%arg12 : memref<!tpu.dma_semaphore, #tpu.memory_space<semaphore_mem>>) src(%dma_wait3A_94 : memref<10000x128xf32, #tpu.memory_space<hbm>>) dst(%arg9 : memref<128x128xf32, #tpu.memory_space<vmem>>)
        %mul3A_95 = arith.constant 2 : i32
        %mul3A_96 = arith.muli %mul3A_95, %scan3A_78 : i32
        "tpu.region"() ({
          %run_scoped3A = tpu.sem_alloc : memref<!tpu.dma_semaphore, #tpu.memory_space<semaphore_mem>>
          %dma_start3A_112 = arith.constant 0 : i32
          %dma_start3A_113 = tpu.memref_slice %arg8[%mul3A_96, %dma_start3A_112] : memref<32x128xi32, #tpu.memory_space<vmem>> -> memref<1x128xi32, #tpu.memory_space<vmem>>
          %dma_start3A_114 = tpu.memref_squeeze %dma_start3A_113 : memref<1x128xi32, #tpu.memory_space<vmem>> -> memref<128xi32, #tpu.memory_space<vmem>>
          %dma_start3A_115 = arith.constant 0 : i32
          %dma_start3A_116 = arith.constant 0 : i32
          %dma_start3A_117 = tpu.memref_slice %arg11[%dma_start3A_115, %dma_start3A_116] : memref<10240x128xf32, #tpu.memory_space<vmem_shared>> -> memref<10240x128xf32, #tpu.memory_space<vmem_shared>>
          tpu.enqueue_indirect_dma source(%arg9 : memref<128x128xf32, #tpu.memory_space<vmem>>) target(%dma_start3A_117 : memref<10240x128xf32, #tpu.memory_space<vmem_shared>>) offsets(%dma_start3A_114 : memref<128xi32, #tpu.memory_space<vmem>>) semaphore(%run_scoped3A : memref<!tpu.dma_semaphore, #tpu.memory_space<semaphore_mem>>) {add = true}
          %dma_wait3A_118 = arith.constant 0 : i32
          %dma_wait3A_119 = tpu.memref_slice %arg8[%mul3A_96, %dma_wait3A_118] : memref<32x128xi32, #tpu.memory_space<vmem>> -> memref<1x128xi32, #tpu.memory_space<vmem>>
          %dma_wait3A_120 = tpu.memref_squeeze %dma_wait3A_119 : memref<1x128xi32, #tpu.memory_space<vmem>> -> memref<128xi32, #tpu.memory_space<vmem>>
          %dma_wait3A_121 = arith.constant 0 : i32
          %dma_wait3A_122 = arith.constant 0 : i32
          %dma_wait3A_123 = tpu.memref_slice %arg11[%dma_wait3A_121, %dma_wait3A_122] : memref<10240x128xf32, #tpu.memory_space<vmem_shared>> -> memref<10240x128xf32, #tpu.memory_space<vmem_shared>>
          tpu.wait_indirect_dma semaphore(%run_scoped3A : memref<!tpu.dma_semaphore, #tpu.memory_space<semaphore_mem>>) src(%arg9 : memref<128x128xf32, #tpu.memory_space<vmem>>) dst(%dma_wait3A_123 : memref<10240x128xf32, #tpu.memory_space<vmem_shared>>)
          tpu.yield
        }) : () -> ()
        %lt3A = arith.constant 15 : i32
        %lt3A_97 = arith.cmpi slt, %scan3A_78, %lt3A : i32
        %convert_element_type3A_98 = arith.extui %lt3A_97 : i1 to i32
        %cond3A_99 = arith.constant 0 : i32
        %cond3A_100 = arith.cmpi ne, %convert_element_type3A_98, %cond3A_99 : i32
        scf.if %cond3A_100 {
          %mul3A_112 = arith.constant 2 : i32
          %mul3A_113 = arith.muli %mul3A_112, %scan3A_78 : i32
          %add3A_114 = arith.constant 2 : i32
          %add3A_115 = arith.addi %mul3A_113, %add3A_114 : i32
          %dma_start3A_116 = arith.constant 0 : i32
          %dma_start3A_117 = tpu.memref_slice %arg7[%add3A_115, %dma_start3A_116] : memref<32x128xi32, #tpu.memory_space<vmem>> -> memref<1x128xi32, #tpu.memory_space<vmem>>
          %dma_start3A_118 = tpu.memref_squeeze %dma_start3A_117 : memref<1x128xi32, #tpu.memory_space<vmem>> -> memref<128xi32, #tpu.memory_space<vmem>>
          %dma_start3A_119 = arith.constant 0 : i32
          %dma_start3A_120 = arith.constant 0 : i32
          %dma_start3A_121 = tpu.memref_slice %arg2[%dma_start3A_119, %dma_start3A_120] : memref<10000x128xf32, #tpu.memory_space<hbm>> -> memref<10000x128xf32, #tpu.memory_space<hbm>>
          tpu.enqueue_indirect_dma source(%dma_start3A_121 : memref<10000x128xf32, #tpu.memory_space<hbm>>) target(%arg9 : memref<128x128xf32, #tpu.memory_space<vmem>>) offsets(%dma_start3A_118 : memref<128xi32, #tpu.memory_space<vmem>>) semaphore(%arg12 : memref<!tpu.dma_semaphore, #tpu.memory_space<semaphore_mem>>)
        } else {
        }
        %dma_wait3A_101 = arith.constant 0 : i32
        %dma_wait3A_102 = arith.constant 0 : i32
        %dma_wait3A_103 = tpu.memref_slice %arg7[%dma_wait3A_101, %dma_wait3A_102] : memref<32x128xi32, #tpu.memory_space<vmem>> -> memref<1x128xi32, #tpu.memory_space<vmem>>
        %dma_wait3A_104 = tpu.memref_squeeze %dma_wait3A_103 : memref<1x128xi32, #tpu.memory_space<vmem>> -> memref<128xi32, #tpu.memory_space<vmem>>
        %dma_wait3A_105 = arith.constant 0 : i32
        %dma_wait3A_106 = arith.constant 0 : i32
        %dma_wait3A_107 = tpu.memref_slice %arg2[%dma_wait3A_105, %dma_wait3A_106] : memref<10000x128xf32, #tpu.memory_space<hbm>> -> memref<10000x128xf32, #tpu.memory_space<hbm>>
        tpu.wait_indirect_dma semaphore(%arg13 : memref<!tpu.dma_semaphore, #tpu.memory_space<semaphore_mem>>) src(%dma_wait3A_107 : memref<10000x128xf32, #tpu.memory_space<hbm>>) dst(%arg10 : memref<128x128xf32, #tpu.memory_space<vmem>>)
        %mul3A_108 = arith.constant 2 : i32
        %mul3A_109 = arith.muli %mul3A_108, %scan3A_78 : i32
        %add3A_110 = arith.constant 1 : i32
        %add3A_111 = arith.addi %mul3A_109, %add3A_110 : i32
        "tpu.region"() ({
          %run_scoped3A = tpu.sem_alloc : memref<!tpu.dma_semaphore, #tpu.memory_space<semaphore_mem>>
          %dma_start3A_112 = arith.constant 0 : i32
          %dma_start3A_113 = tpu.memref_slice %arg8[%add3A_111, %dma_start3A_112] : memref<32x128xi32, #tpu.memory_space<vmem>> -> memref<1x128xi32, #tpu.memory_space<vmem>>
          %dma_start3A_114 = tpu.memref_squeeze %dma_start3A_113 : memref<1x128xi32, #tpu.memory_space<vmem>> -> memref<128xi32, #tpu.memory_space<vmem>>
          %dma_start3A_115 = arith.constant 0 : i32
          %dma_start3A_116 = arith.constant 0 : i32
          %dma_start3A_117 = tpu.memref_slice %arg11[%dma_start3A_115, %dma_start3A_116] : memref<10240x128xf32, #tpu.memory_space<vmem_shared>> -> memref<10240x128xf32, #tpu.memory_space<vmem_shared>>
          tpu.enqueue_indirect_dma source(%arg10 : memref<128x128xf32, #tpu.memory_space<vmem>>) target(%dma_start3A_117 : memref<10240x128xf32, #tpu.memory_space<vmem_shared>>) offsets(%dma_start3A_114 : memref<128xi32, #tpu.memory_space<vmem>>) semaphore(%run_scoped3A : memref<!tpu.dma_semaphore, #tpu.memory_space<semaphore_mem>>) {add = true}
          %dma_wait3A_118 = arith.constant 0 : i32
          %dma_wait3A_119 = tpu.memref_slice %arg8[%add3A_111, %dma_wait3A_118] : memref<32x128xi32, #tpu.memory_space<vmem>> -> memref<1x128xi32, #tpu.memory_space<vmem>>
          %dma_wait3A_120 = tpu.memref_squeeze %dma_wait3A_119 : memref<1x128xi32, #tpu.memory_space<vmem>> -> memref<128xi32, #tpu.memory_space<vmem>>
          %dma_wait3A_121 = arith.constant 0 : i32
          %dma_wait3A_122 = arith.constant 0 : i32
          %dma_wait3A_123 = tpu.memref_slice %arg11[%dma_wait3A_121, %dma_wait3A_122] : memref<10240x128xf32, #tpu.memory_space<vmem_shared>> -> memref<10240x128xf32, #tpu.memory_space<vmem_shared>>
          tpu.wait_indirect_dma semaphore(%run_scoped3A : memref<!tpu.dma_semaphore, #tpu.memory_space<semaphore_mem>>) src(%arg10 : memref<128x128xf32, #tpu.memory_space<vmem>>) dst(%dma_wait3A_123 : memref<10240x128xf32, #tpu.memory_space<vmem_shared>>)
          tpu.yield
        }) : () -> ()
      }
      %scan3A_43 = arith.constant 16 : i32
      %mul3A_44 = arith.constant 128 : i32
      %mul3A_45 = arith.muli %arg1, %mul3A_44 : i32
      %add3A_46 = arith.constant 64 : i32
      %add3A_47 = arith.addi %mul3A_45, %add3A_46 : i32
      "tpu.region"() ({
        %run_scoped3A = tpu.sem_alloc : memref<!tpu.dma_semaphore, #tpu.memory_space<semaphore_mem>>
        %dma_start3A_78 = arith.constant 0 : i32
        %dma_start3A_79 = arith.constant 0 : i32
        %dma_start3A_80 = tpu.memref_slice %arg7[%dma_start3A_78, %dma_start3A_79] : memref<32x128xi32, #tpu.memory_space<vmem>> -> memref<32x128xi32, #tpu.memory_space<vmem>>
        %dma_start3A_81 = arith.constant 0 : i32
        %dma_start3A_82 = tpu.memref_slice %arg3[%add3A_47, %dma_start3A_81] : memref<2560x128xi32, #tpu.memory_space<hbm>> -> memref<32x128xi32, #tpu.memory_space<hbm>>
        %dma_start3A_83 = arith.constant 0 : i32
        %dma_start3A_84 = arith.constant 0 : i32
        %dma_start3A_85 = tpu.memref_slice %arg7[%dma_start3A_83, %dma_start3A_84] : memref<32x128xi32, #tpu.memory_space<vmem>> -> memref<32x128xi32, #tpu.memory_space<vmem>>
        %dma_start3A_86 = arith.constant 0 : i32
        %dma_start3A_87 = tpu.memref_slice %arg3[%add3A_47, %dma_start3A_86] : memref<2560x128xi32, #tpu.memory_space<hbm>> -> memref<32x128xi32, #tpu.memory_space<hbm>>
        tpu.enqueue_dma source(%dma_start3A_87 : memref<32x128xi32, #tpu.memory_space<hbm>>) target(%dma_start3A_85 : memref<32x128xi32, #tpu.memory_space<vmem>>) target_semaphore(%run_scoped3A : memref<!tpu.dma_semaphore, #tpu.memory_space<semaphore_mem>>)
        %dma_wait3A = arith.constant 0 : i32
        %dma_wait3A_88 = arith.constant 0 : i32
        %dma_wait3A_89 = tpu.memref_slice %arg7[%dma_wait3A, %dma_wait3A_88] : memref<32x128xi32, #tpu.memory_space<vmem>> -> memref<32x128xi32, #tpu.memory_space<vmem>>
        %dma_wait3A_90 = arith.constant 0 : i32
        %dma_wait3A_91 = tpu.memref_slice %arg3[%add3A_47, %dma_wait3A_90] : memref<2560x128xi32, #tpu.memory_space<hbm>> -> memref<32x128xi32, #tpu.memory_space<hbm>>
        %dma_wait3A_92 = arith.constant 0 : i32
        %dma_wait3A_93 = arith.constant 0 : i32
        %dma_wait3A_94 = tpu.memref_slice %arg7[%dma_wait3A_92, %dma_wait3A_93] : memref<32x128xi32, #tpu.memory_space<vmem>> -> memref<32x128xi32, #tpu.memory_space<vmem>>
        %dma_wait3A_95 = arith.constant 0 : i32
        %dma_wait3A_96 = tpu.memref_slice %arg3[%add3A_47, %dma_wait3A_95] : memref<2560x128xi32, #tpu.memory_space<hbm>> -> memref<32x128xi32, #tpu.memory_space<hbm>>
        tpu.wait_dma2 semaphore(%run_scoped3A : memref<!tpu.dma_semaphore, #tpu.memory_space<semaphore_mem>>) src(%dma_wait3A_96 : memref<32x128xi32, #tpu.memory_space<hbm>>) dst(%dma_wait3A_94 : memref<32x128xi32, #tpu.memory_space<vmem>>)
        tpu.yield
      }) : () -> ()
      "tpu.region"() ({
        %run_scoped3A = tpu.sem_alloc : memref<!tpu.dma_semaphore, #tpu.memory_space<semaphore_mem>>
        %dma_start3A_78 = arith.constant 0 : i32
        %dma_start3A_79 = arith.constant 0 : i32
        %dma_start3A_80 = tpu.memref_slice %arg8[%dma_start3A_78, %dma_start3A_79] : memref<32x128xi32, #tpu.memory_space<vmem>> -> memref<32x128xi32, #tpu.memory_space<vmem>>
        %dma_start3A_81 = arith.constant 0 : i32
        %dma_start3A_82 = tpu.memref_slice %arg4[%add3A_47, %dma_start3A_81] : memref<2560x128xi32, #tpu.memory_space<hbm>> -> memref<32x128xi32, #tpu.memory_space<hbm>>
        %dma_start3A_83 = arith.constant 0 : i32
        %dma_start3A_84 = arith.constant 0 : i32
        %dma_start3A_85 = tpu.memref_slice %arg8[%dma_start3A_83, %dma_start3A_84] : memref<32x128xi32, #tpu.memory_space<vmem>> -> memref<32x128xi32, #tpu.memory_space<vmem>>
        %dma_start3A_86 = arith.constant 0 : i32
        %dma_start3A_87 = tpu.memref_slice %arg4[%add3A_47, %dma_start3A_86] : memref<2560x128xi32, #tpu.memory_space<hbm>> -> memref<32x128xi32, #tpu.memory_space<hbm>>
        tpu.enqueue_dma source(%dma_start3A_87 : memref<32x128xi32, #tpu.memory_space<hbm>>) target(%dma_start3A_85 : memref<32x128xi32, #tpu.memory_space<vmem>>) target_semaphore(%run_scoped3A : memref<!tpu.dma_semaphore, #tpu.memory_space<semaphore_mem>>)
        %dma_wait3A = arith.constant 0 : i32
        %dma_wait3A_88 = arith.constant 0 : i32
        %dma_wait3A_89 = tpu.memref_slice %arg8[%dma_wait3A, %dma_wait3A_88] : memref<32x128xi32, #tpu.memory_space<vmem>> -> memref<32x128xi32, #tpu.memory_space<vmem>>
        %dma_wait3A_90 = arith.constant 0 : i32
        %dma_wait3A_91 = tpu.memref_slice %arg4[%add3A_47, %dma_wait3A_90] : memref<2560x128xi32, #tpu.memory_space<hbm>> -> memref<32x128xi32, #tpu.memory_space<hbm>>
        %dma_wait3A_92 = arith.constant 0 : i32
        %dma_wait3A_93 = arith.constant 0 : i32
        %dma_wait3A_94 = tpu.memref_slice %arg8[%dma_wait3A_92, %dma_wait3A_93] : memref<32x128xi32, #tpu.memory_space<vmem>> -> memref<32x128xi32, #tpu.memory_space<vmem>>
        %dma_wait3A_95 = arith.constant 0 : i32
        %dma_wait3A_96 = tpu.memref_slice %arg4[%add3A_47, %dma_wait3A_95] : memref<2560x128xi32, #tpu.memory_space<hbm>> -> memref<32x128xi32, #tpu.memory_space<hbm>>
        tpu.wait_dma2 semaphore(%run_scoped3A : memref<!tpu.dma_semaphore, #tpu.memory_space<semaphore_mem>>) src(%dma_wait3A_96 : memref<32x128xi32, #tpu.memory_space<hbm>>) dst(%dma_wait3A_94 : memref<32x128xi32, #tpu.memory_space<vmem>>)
        tpu.yield
      }) : () -> ()
      %dma_start3A_48 = arith.constant 0 : i32
      %dma_start3A_49 = arith.constant 0 : i32
      %dma_start3A_50 = tpu.memref_slice %arg7[%dma_start3A_48, %dma_start3A_49] : memref<32x128xi32, #tpu.memory_space<vmem>> -> memref<1x128xi32, #tpu.memory_space<vmem>>
      %dma_start3A_51 = tpu.memref_squeeze %dma_start3A_50 : memref<1x128xi32, #tpu.memory_space<vmem>> -> memref<128xi32, #tpu.memory_space<vmem>>
      %dma_start3A_52 = arith.constant 0 : i32
      %dma_start3A_53 = arith.constant 0 : i32
      %dma_start3A_54 = tpu.memref_slice %arg2[%dma_start3A_52, %dma_start3A_53] : memref<10000x128xf32, #tpu.memory_space<hbm>> -> memref<10000x128xf32, #tpu.memory_space<hbm>>
      tpu.enqueue_indirect_dma source(%dma_start3A_54 : memref<10000x128xf32, #tpu.memory_space<hbm>>) target(%arg9 : memref<128x128xf32, #tpu.memory_space<vmem>>) offsets(%dma_start3A_51 : memref<128xi32, #tpu.memory_space<vmem>>) semaphore(%arg12 : memref<!tpu.dma_semaphore, #tpu.memory_space<semaphore_mem>>)
      %scan3A_55 = arith.constant 0 : i32
      %scan3A_56 = arith.constant 0 : i32
      %scan3A_57 = arith.constant 16 : i32
      %scan3A_58 = arith.addi %scan3A_56, %scan3A_57 : i32
      %scan3A_59 = arith.constant 1 : i32
      scf.for %scan3A_78 = %scan3A_56 to %scan3A_58 step %scan3A_59  : i32 {
        %mul3A_79 = arith.constant 2 : i32
        %mul3A_80 = arith.muli %mul3A_79, %scan3A_78 : i32
        %add3A_81 = arith.constant 1 : i32
        %add3A_82 = arith.addi %mul3A_80, %add3A_81 : i32
        %dma_start3A_83 = arith.constant 0 : i32
        %dma_start3A_84 = tpu.memref_slice %arg7[%add3A_82, %dma_start3A_83] : memref<32x128xi32, #tpu.memory_space<vmem>> -> memref<1x128xi32, #tpu.memory_space<vmem>>
        %dma_start3A_85 = tpu.memref_squeeze %dma_start3A_84 : memref<1x128xi32, #tpu.memory_space<vmem>> -> memref<128xi32, #tpu.memory_space<vmem>>
        %dma_start3A_86 = arith.constant 0 : i32
        %dma_start3A_87 = arith.constant 0 : i32
        %dma_start3A_88 = tpu.memref_slice %arg2[%dma_start3A_86, %dma_start3A_87] : memref<10000x128xf32, #tpu.memory_space<hbm>> -> memref<10000x128xf32, #tpu.memory_space<hbm>>
        tpu.enqueue_indirect_dma source(%dma_start3A_88 : memref<10000x128xf32, #tpu.memory_space<hbm>>) target(%arg10 : memref<128x128xf32, #tpu.memory_space<vmem>>) offsets(%dma_start3A_85 : memref<128xi32, #tpu.memory_space<vmem>>) semaphore(%arg13 : memref<!tpu.dma_semaphore, #tpu.memory_space<semaphore_mem>>)
        %dma_wait3A = arith.constant 0 : i32
        %dma_wait3A_89 = arith.constant 0 : i32
        %dma_wait3A_90 = tpu.memref_slice %arg7[%dma_wait3A, %dma_wait3A_89] : memref<32x128xi32, #tpu.memory_space<vmem>> -> memref<1x128xi32, #tpu.memory_space<vmem>>
        %dma_wait3A_91 = tpu.memref_squeeze %dma_wait3A_90 : memref<1x128xi32, #tpu.memory_space<vmem>> -> memref<128xi32, #tpu.memory_space<vmem>>
        %dma_wait3A_92 = arith.constant 0 : i32
        %dma_wait3A_93 = arith.constant 0 : i32
        %dma_wait3A_94 = tpu.memref_slice %arg2[%dma_wait3A_92, %dma_wait3A_93] : memref<10000x128xf32, #tpu.memory_space<hbm>> -> memref<10000x128xf32, #tpu.memory_space<hbm>>
        tpu.wait_indirect_dma semaphore(%arg12 : memref<!tpu.dma_semaphore, #tpu.memory_space<semaphore_mem>>) src(%dma_wait3A_94 : memref<10000x128xf32, #tpu.memory_space<hbm>>) dst(%arg9 : memref<128x128xf32, #tpu.memory_space<vmem>>)
        %mul3A_95 = arith.constant 2 : i32
        %mul3A_96 = arith.muli %mul3A_95, %scan3A_78 : i32
        "tpu.region"() ({
          %run_scoped3A = tpu.sem_alloc : memref<!tpu.dma_semaphore, #tpu.memory_space<semaphore_mem>>
          %dma_start3A_112 = arith.constant 0 : i32
          %dma_start3A_113 = tpu.memref_slice %arg8[%mul3A_96, %dma_start3A_112] : memref<32x128xi32, #tpu.memory_space<vmem>> -> memref<1x128xi32, #tpu.memory_space<vmem>>
          %dma_start3A_114 = tpu.memref_squeeze %dma_start3A_113 : memref<1x128xi32, #tpu.memory_space<vmem>> -> memref<128xi32, #tpu.memory_space<vmem>>
          %dma_start3A_115 = arith.constant 0 : i32
          %dma_start3A_116 = arith.constant 0 : i32
          %dma_start3A_117 = tpu.memref_slice %arg11[%dma_start3A_115, %dma_start3A_116] : memref<10240x128xf32, #tpu.memory_space<vmem_shared>> -> memref<10240x128xf32, #tpu.memory_space<vmem_shared>>
          tpu.enqueue_indirect_dma source(%arg9 : memref<128x128xf32, #tpu.memory_space<vmem>>) target(%dma_start3A_117 : memref<10240x128xf32, #tpu.memory_space<vmem_shared>>) offsets(%dma_start3A_114 : memref<128xi32, #tpu.memory_space<vmem>>) semaphore(%run_scoped3A : memref<!tpu.dma_semaphore, #tpu.memory_space<semaphore_mem>>) {add = true}
          %dma_wait3A_118 = arith.constant 0 : i32
          %dma_wait3A_119 = tpu.memref_slice %arg8[%mul3A_96, %dma_wait3A_118] : memref<32x128xi32, #tpu.memory_space<vmem>> -> memref<1x128xi32, #tpu.memory_space<vmem>>
          %dma_wait3A_120 = tpu.memref_squeeze %dma_wait3A_119 : memref<1x128xi32, #tpu.memory_space<vmem>> -> memref<128xi32, #tpu.memory_space<vmem>>
          %dma_wait3A_121 = arith.constant 0 : i32
          %dma_wait3A_122 = arith.constant 0 : i32
          %dma_wait3A_123 = tpu.memref_slice %arg11[%dma_wait3A_121, %dma_wait3A_122] : memref<10240x128xf32, #tpu.memory_space<vmem_shared>> -> memref<10240x128xf32, #tpu.memory_space<vmem_shared>>
          tpu.wait_indirect_dma semaphore(%run_scoped3A : memref<!tpu.dma_semaphore, #tpu.memory_space<semaphore_mem>>) src(%arg9 : memref<128x128xf32, #tpu.memory_space<vmem>>) dst(%dma_wait3A_123 : memref<10240x128xf32, #tpu.memory_space<vmem_shared>>)
          tpu.yield
        }) : () -> ()
        %lt3A = arith.constant 15 : i32
        %lt3A_97 = arith.cmpi slt, %scan3A_78, %lt3A : i32
        %convert_element_type3A_98 = arith.extui %lt3A_97 : i1 to i32
        %cond3A_99 = arith.constant 0 : i32
        %cond3A_100 = arith.cmpi ne, %convert_element_type3A_98, %cond3A_99 : i32
        scf.if %cond3A_100 {
          %mul3A_112 = arith.constant 2 : i32
          %mul3A_113 = arith.muli %mul3A_112, %scan3A_78 : i32
          %add3A_114 = arith.constant 2 : i32
          %add3A_115 = arith.addi %mul3A_113, %add3A_114 : i32
          %dma_start3A_116 = arith.constant 0 : i32
          %dma_start3A_117 = tpu.memref_slice %arg7[%add3A_115, %dma_start3A_116] : memref<32x128xi32, #tpu.memory_space<vmem>> -> memref<1x128xi32, #tpu.memory_space<vmem>>
          %dma_start3A_118 = tpu.memref_squeeze %dma_start3A_117 : memref<1x128xi32, #tpu.memory_space<vmem>> -> memref<128xi32, #tpu.memory_space<vmem>>
          %dma_start3A_119 = arith.constant 0 : i32
          %dma_start3A_120 = arith.constant 0 : i32
          %dma_start3A_121 = tpu.memref_slice %arg2[%dma_start3A_119, %dma_start3A_120] : memref<10000x128xf32, #tpu.memory_space<hbm>> -> memref<10000x128xf32, #tpu.memory_space<hbm>>
          tpu.enqueue_indirect_dma source(%dma_start3A_121 : memref<10000x128xf32, #tpu.memory_space<hbm>>) target(%arg9 : memref<128x128xf32, #tpu.memory_space<vmem>>) offsets(%dma_start3A_118 : memref<128xi32, #tpu.memory_space<vmem>>) semaphore(%arg12 : memref<!tpu.dma_semaphore, #tpu.memory_space<semaphore_mem>>)
        } else {
        }
        %dma_wait3A_101 = arith.constant 0 : i32
        %dma_wait3A_102 = arith.constant 0 : i32
        %dma_wait3A_103 = tpu.memref_slice %arg7[%dma_wait3A_101, %dma_wait3A_102] : memref<32x128xi32, #tpu.memory_space<vmem>> -> memref<1x128xi32, #tpu.memory_space<vmem>>
        %dma_wait3A_104 = tpu.memref_squeeze %dma_wait3A_103 : memref<1x128xi32, #tpu.memory_space<vmem>> -> memref<128xi32, #tpu.memory_space<vmem>>
        %dma_wait3A_105 = arith.constant 0 : i32
        %dma_wait3A_106 = arith.constant 0 : i32
        %dma_wait3A_107 = tpu.memref_slice %arg2[%dma_wait3A_105, %dma_wait3A_106] : memref<10000x128xf32, #tpu.memory_space<hbm>> -> memref<10000x128xf32, #tpu.memory_space<hbm>>
        tpu.wait_indirect_dma semaphore(%arg13 : memref<!tpu.dma_semaphore, #tpu.memory_space<semaphore_mem>>) src(%dma_wait3A_107 : memref<10000x128xf32, #tpu.memory_space<hbm>>) dst(%arg10 : memref<128x128xf32, #tpu.memory_space<vmem>>)
        %mul3A_108 = arith.constant 2 : i32
        %mul3A_109 = arith.muli %mul3A_108, %scan3A_78 : i32
        %add3A_110 = arith.constant 1 : i32
        %add3A_111 = arith.addi %mul3A_109, %add3A_110 : i32
        "tpu.region"() ({
          %run_scoped3A = tpu.sem_alloc : memref<!tpu.dma_semaphore, #tpu.memory_space<semaphore_mem>>
          %dma_start3A_112 = arith.constant 0 : i32
          %dma_start3A_113 = tpu.memref_slice %arg8[%add3A_111, %dma_start3A_112] : memref<32x128xi32, #tpu.memory_space<vmem>> -> memref<1x128xi32, #tpu.memory_space<vmem>>
          %dma_start3A_114 = tpu.memref_squeeze %dma_start3A_113 : memref<1x128xi32, #tpu.memory_space<vmem>> -> memref<128xi32, #tpu.memory_space<vmem>>
          %dma_start3A_115 = arith.constant 0 : i32
          %dma_start3A_116 = arith.constant 0 : i32
          %dma_start3A_117 = tpu.memref_slice %arg11[%dma_start3A_115, %dma_start3A_116] : memref<10240x128xf32, #tpu.memory_space<vmem_shared>> -> memref<10240x128xf32, #tpu.memory_space<vmem_shared>>
          tpu.enqueue_indirect_dma source(%arg10 : memref<128x128xf32, #tpu.memory_space<vmem>>) target(%dma_start3A_117 : memref<10240x128xf32, #tpu.memory_space<vmem_shared>>) offsets(%dma_start3A_114 : memref<128xi32, #tpu.memory_space<vmem>>) semaphore(%run_scoped3A : memref<!tpu.dma_semaphore, #tpu.memory_space<semaphore_mem>>) {add = true}
          %dma_wait3A_118 = arith.constant 0 : i32
          %dma_wait3A_119 = tpu.memref_slice %arg8[%add3A_111, %dma_wait3A_118] : memref<32x128xi32, #tpu.memory_space<vmem>> -> memref<1x128xi32, #tpu.memory_space<vmem>>
          %dma_wait3A_120 = tpu.memref_squeeze %dma_wait3A_119 : memref<1x128xi32, #tpu.memory_space<vmem>> -> memref<128xi32, #tpu.memory_space<vmem>>
          %dma_wait3A_121 = arith.constant 0 : i32
          %dma_wait3A_122 = arith.constant 0 : i32
          %dma_wait3A_123 = tpu.memref_slice %arg11[%dma_wait3A_121, %dma_wait3A_122] : memref<10240x128xf32, #tpu.memory_space<vmem_shared>> -> memref<10240x128xf32, #tpu.memory_space<vmem_shared>>
          tpu.wait_indirect_dma semaphore(%run_scoped3A : memref<!tpu.dma_semaphore, #tpu.memory_space<semaphore_mem>>) src(%arg10 : memref<128x128xf32, #tpu.memory_space<vmem>>) dst(%dma_wait3A_123 : memref<10240x128xf32, #tpu.memory_space<vmem_shared>>)
          tpu.yield
        }) : () -> ()
      }
      %scan3A_60 = arith.constant 16 : i32
      %mul3A_61 = arith.constant 128 : i32
      %mul3A_62 = arith.muli %arg1, %mul3A_61 : i32
      %add3A_63 = arith.constant 96 : i32
      %add3A_64 = arith.addi %mul3A_62, %add3A_63 : i32
      "tpu.region"() ({
        %run_scoped3A = tpu.sem_alloc : memref<!tpu.dma_semaphore, #tpu.memory_space<semaphore_mem>>
        %dma_start3A_78 = arith.constant 0 : i32
        %dma_start3A_79 = arith.constant 0 : i32
        %dma_start3A_80 = tpu.memref_slice %arg7[%dma_start3A_78, %dma_start3A_79] : memref<32x128xi32, #tpu.memory_space<vmem>> -> memref<32x128xi32, #tpu.memory_space<vmem>>
        %dma_start3A_81 = arith.constant 0 : i32
        %dma_start3A_82 = tpu.memref_slice %arg3[%add3A_64, %dma_start3A_81] : memref<2560x128xi32, #tpu.memory_space<hbm>> -> memref<32x128xi32, #tpu.memory_space<hbm>>
        %dma_start3A_83 = arith.constant 0 : i32
        %dma_start3A_84 = arith.constant 0 : i32
        %dma_start3A_85 = tpu.memref_slice %arg7[%dma_start3A_83, %dma_start3A_84] : memref<32x128xi32, #tpu.memory_space<vmem>> -> memref<32x128xi32, #tpu.memory_space<vmem>>
        %dma_start3A_86 = arith.constant 0 : i32
        %dma_start3A_87 = tpu.memref_slice %arg3[%add3A_64, %dma_start3A_86] : memref<2560x128xi32, #tpu.memory_space<hbm>> -> memref<32x128xi32, #tpu.memory_space<hbm>>
        tpu.enqueue_dma source(%dma_start3A_87 : memref<32x128xi32, #tpu.memory_space<hbm>>) target(%dma_start3A_85 : memref<32x128xi32, #tpu.memory_space<vmem>>) target_semaphore(%run_scoped3A : memref<!tpu.dma_semaphore, #tpu.memory_space<semaphore_mem>>)
        %dma_wait3A = arith.constant 0 : i32
        %dma_wait3A_88 = arith.constant 0 : i32
        %dma_wait3A_89 = tpu.memref_slice %arg7[%dma_wait3A, %dma_wait3A_88] : memref<32x128xi32, #tpu.memory_space<vmem>> -> memref<32x128xi32, #tpu.memory_space<vmem>>
        %dma_wait3A_90 = arith.constant 0 : i32
        %dma_wait3A_91 = tpu.memref_slice %arg3[%add3A_64, %dma_wait3A_90] : memref<2560x128xi32, #tpu.memory_space<hbm>> -> memref<32x128xi32, #tpu.memory_space<hbm>>
        %dma_wait3A_92 = arith.constant 0 : i32
        %dma_wait3A_93 = arith.constant 0 : i32
        %dma_wait3A_94 = tpu.memref_slice %arg7[%dma_wait3A_92, %dma_wait3A_93] : memref<32x128xi32, #tpu.memory_space<vmem>> -> memref<32x128xi32, #tpu.memory_space<vmem>>
        %dma_wait3A_95 = arith.constant 0 : i32
        %dma_wait3A_96 = tpu.memref_slice %arg3[%add3A_64, %dma_wait3A_95] : memref<2560x128xi32, #tpu.memory_space<hbm>> -> memref<32x128xi32, #tpu.memory_space<hbm>>
        tpu.wait_dma2 semaphore(%run_scoped3A : memref<!tpu.dma_semaphore, #tpu.memory_space<semaphore_mem>>) src(%dma_wait3A_96 : memref<32x128xi32, #tpu.memory_space<hbm>>) dst(%dma_wait3A_94 : memref<32x128xi32, #tpu.memory_space<vmem>>)
        tpu.yield
      }) : () -> ()
      "tpu.region"() ({
        %run_scoped3A = tpu.sem_alloc : memref<!tpu.dma_semaphore, #tpu.memory_space<semaphore_mem>>
        %dma_start3A_78 = arith.constant 0 : i32
        %dma_start3A_79 = arith.constant 0 : i32
        %dma_start3A_80 = tpu.memref_slice %arg8[%dma_start3A_78, %dma_start3A_79] : memref<32x128xi32, #tpu.memory_space<vmem>> -> memref<32x128xi32, #tpu.memory_space<vmem>>
        %dma_start3A_81 = arith.constant 0 : i32
        %dma_start3A_82 = tpu.memref_slice %arg4[%add3A_64, %dma_start3A_81] : memref<2560x128xi32, #tpu.memory_space<hbm>> -> memref<32x128xi32, #tpu.memory_space<hbm>>
        %dma_start3A_83 = arith.constant 0 : i32
        %dma_start3A_84 = arith.constant 0 : i32
        %dma_start3A_85 = tpu.memref_slice %arg8[%dma_start3A_83, %dma_start3A_84] : memref<32x128xi32, #tpu.memory_space<vmem>> -> memref<32x128xi32, #tpu.memory_space<vmem>>
        %dma_start3A_86 = arith.constant 0 : i32
        %dma_start3A_87 = tpu.memref_slice %arg4[%add3A_64, %dma_start3A_86] : memref<2560x128xi32, #tpu.memory_space<hbm>> -> memref<32x128xi32, #tpu.memory_space<hbm>>
        tpu.enqueue_dma source(%dma_start3A_87 : memref<32x128xi32, #tpu.memory_space<hbm>>) target(%dma_start3A_85 : memref<32x128xi32, #tpu.memory_space<vmem>>) target_semaphore(%run_scoped3A : memref<!tpu.dma_semaphore, #tpu.memory_space<semaphore_mem>>)
        %dma_wait3A = arith.constant 0 : i32
        %dma_wait3A_88 = arith.constant 0 : i32
        %dma_wait3A_89 = tpu.memref_slice %arg8[%dma_wait3A, %dma_wait3A_88] : memref<32x128xi32, #tpu.memory_space<vmem>> -> memref<32x128xi32, #tpu.memory_space<vmem>>
        %dma_wait3A_90 = arith.constant 0 : i32
        %dma_wait3A_91 = tpu.memref_slice %arg4[%add3A_64, %dma_wait3A_90] : memref<2560x128xi32, #tpu.memory_space<hbm>> -> memref<32x128xi32, #tpu.memory_space<hbm>>
        %dma_wait3A_92 = arith.constant 0 : i32
        %dma_wait3A_93 = arith.constant 0 : i32
        %dma_wait3A_94 = tpu.memref_slice %arg8[%dma_wait3A_92, %dma_wait3A_93] : memref<32x128xi32, #tpu.memory_space<vmem>> -> memref<32x128xi32, #tpu.memory_space<vmem>>
        %dma_wait3A_95 = arith.constant 0 : i32
        %dma_wait3A_96 = tpu.memref_slice %arg4[%add3A_64, %dma_wait3A_95] : memref<2560x128xi32, #tpu.memory_space<hbm>> -> memref<32x128xi32, #tpu.memory_space<hbm>>
        tpu.wait_dma2 semaphore(%run_scoped3A : memref<!tpu.dma_semaphore, #tpu.memory_space<semaphore_mem>>) src(%dma_wait3A_96 : memref<32x128xi32, #tpu.memory_space<hbm>>) dst(%dma_wait3A_94 : memref<32x128xi32, #tpu.memory_space<vmem>>)
        tpu.yield
      }) : () -> ()
      %dma_start3A_65 = arith.constant 0 : i32
      %dma_start3A_66 = arith.constant 0 : i32
      %dma_start3A_67 = tpu.memref_slice %arg7[%dma_start3A_65, %dma_start3A_66] : memref<32x128xi32, #tpu.memory_space<vmem>> -> memref<1x128xi32, #tpu.memory_space<vmem>>
      %dma_start3A_68 = tpu.memref_squeeze %dma_start3A_67 : memref<1x128xi32, #tpu.memory_space<vmem>> -> memref<128xi32, #tpu.memory_space<vmem>>
      %dma_start3A_69 = arith.constant 0 : i32
      %dma_start3A_70 = arith.constant 0 : i32
      %dma_start3A_71 = tpu.memref_slice %arg2[%dma_start3A_69, %dma_start3A_70] : memref<10000x128xf32, #tpu.memory_space<hbm>> -> memref<10000x128xf32, #tpu.memory_space<hbm>>
      tpu.enqueue_indirect_dma source(%dma_start3A_71 : memref<10000x128xf32, #tpu.memory_space<hbm>>) target(%arg9 : memref<128x128xf32, #tpu.memory_space<vmem>>) offsets(%dma_start3A_68 : memref<128xi32, #tpu.memory_space<vmem>>) semaphore(%arg12 : memref<!tpu.dma_semaphore, #tpu.memory_space<semaphore_mem>>)
      %scan3A_72 = arith.constant 0 : i32
      %scan3A_73 = arith.constant 0 : i32
      %scan3A_74 = arith.constant 16 : i32
      %scan3A_75 = arith.addi %scan3A_73, %scan3A_74 : i32
      %scan3A_76 = arith.constant 1 : i32
      scf.for %scan3A_78 = %scan3A_73 to %scan3A_75 step %scan3A_76  : i32 {
        %mul3A_79 = arith.constant 2 : i32
        %mul3A_80 = arith.muli %mul3A_79, %scan3A_78 : i32
        %add3A_81 = arith.constant 1 : i32
        %add3A_82 = arith.addi %mul3A_80, %add3A_81 : i32
        %dma_start3A_83 = arith.constant 0 : i32
        %dma_start3A_84 = tpu.memref_slice %arg7[%add3A_82, %dma_start3A_83] : memref<32x128xi32, #tpu.memory_space<vmem>> -> memref<1x128xi32, #tpu.memory_space<vmem>>
        %dma_start3A_85 = tpu.memref_squeeze %dma_start3A_84 : memref<1x128xi32, #tpu.memory_space<vmem>> -> memref<128xi32, #tpu.memory_space<vmem>>
        %dma_start3A_86 = arith.constant 0 : i32
        %dma_start3A_87 = arith.constant 0 : i32
        %dma_start3A_88 = tpu.memref_slice %arg2[%dma_start3A_86, %dma_start3A_87] : memref<10000x128xf32, #tpu.memory_space<hbm>> -> memref<10000x128xf32, #tpu.memory_space<hbm>>
        tpu.enqueue_indirect_dma source(%dma_start3A_88 : memref<10000x128xf32, #tpu.memory_space<hbm>>) target(%arg10 : memref<128x128xf32, #tpu.memory_space<vmem>>) offsets(%dma_start3A_85 : memref<128xi32, #tpu.memory_space<vmem>>) semaphore(%arg13 : memref<!tpu.dma_semaphore, #tpu.memory_space<semaphore_mem>>)
        %dma_wait3A = arith.constant 0 : i32
        %dma_wait3A_89 = arith.constant 0 : i32
        %dma_wait3A_90 = tpu.memref_slice %arg7[%dma_wait3A, %dma_wait3A_89] : memref<32x128xi32, #tpu.memory_space<vmem>> -> memref<1x128xi32, #tpu.memory_space<vmem>>
        %dma_wait3A_91 = tpu.memref_squeeze %dma_wait3A_90 : memref<1x128xi32, #tpu.memory_space<vmem>> -> memref<128xi32, #tpu.memory_space<vmem>>
        %dma_wait3A_92 = arith.constant 0 : i32
        %dma_wait3A_93 = arith.constant 0 : i32
        %dma_wait3A_94 = tpu.memref_slice %arg2[%dma_wait3A_92, %dma_wait3A_93] : memref<10000x128xf32, #tpu.memory_space<hbm>> -> memref<10000x128xf32, #tpu.memory_space<hbm>>
        tpu.wait_indirect_dma semaphore(%arg12 : memref<!tpu.dma_semaphore, #tpu.memory_space<semaphore_mem>>) src(%dma_wait3A_94 : memref<10000x128xf32, #tpu.memory_space<hbm>>) dst(%arg9 : memref<128x128xf32, #tpu.memory_space<vmem>>)
        %mul3A_95 = arith.constant 2 : i32
        %mul3A_96 = arith.muli %mul3A_95, %scan3A_78 : i32
        "tpu.region"() ({
          %run_scoped3A = tpu.sem_alloc : memref<!tpu.dma_semaphore, #tpu.memory_space<semaphore_mem>>
          %dma_start3A_112 = arith.constant 0 : i32
          %dma_start3A_113 = tpu.memref_slice %arg8[%mul3A_96, %dma_start3A_112] : memref<32x128xi32, #tpu.memory_space<vmem>> -> memref<1x128xi32, #tpu.memory_space<vmem>>
          %dma_start3A_114 = tpu.memref_squeeze %dma_start3A_113 : memref<1x128xi32, #tpu.memory_space<vmem>> -> memref<128xi32, #tpu.memory_space<vmem>>
          %dma_start3A_115 = arith.constant 0 : i32
          %dma_start3A_116 = arith.constant 0 : i32
          %dma_start3A_117 = tpu.memref_slice %arg11[%dma_start3A_115, %dma_start3A_116] : memref<10240x128xf32, #tpu.memory_space<vmem_shared>> -> memref<10240x128xf32, #tpu.memory_space<vmem_shared>>
          tpu.enqueue_indirect_dma source(%arg9 : memref<128x128xf32, #tpu.memory_space<vmem>>) target(%dma_start3A_117 : memref<10240x128xf32, #tpu.memory_space<vmem_shared>>) offsets(%dma_start3A_114 : memref<128xi32, #tpu.memory_space<vmem>>) semaphore(%run_scoped3A : memref<!tpu.dma_semaphore, #tpu.memory_space<semaphore_mem>>) {add = true}
          %dma_wait3A_118 = arith.constant 0 : i32
          %dma_wait3A_119 = tpu.memref_slice %arg8[%mul3A_96, %dma_wait3A_118] : memref<32x128xi32, #tpu.memory_space<vmem>> -> memref<1x128xi32, #tpu.memory_space<vmem>>
          %dma_wait3A_120 = tpu.memref_squeeze %dma_wait3A_119 : memref<1x128xi32, #tpu.memory_space<vmem>> -> memref<128xi32, #tpu.memory_space<vmem>>
          %dma_wait3A_121 = arith.constant 0 : i32
          %dma_wait3A_122 = arith.constant 0 : i32
          %dma_wait3A_123 = tpu.memref_slice %arg11[%dma_wait3A_121, %dma_wait3A_122] : memref<10240x128xf32, #tpu.memory_space<vmem_shared>> -> memref<10240x128xf32, #tpu.memory_space<vmem_shared>>
          tpu.wait_indirect_dma semaphore(%run_scoped3A : memref<!tpu.dma_semaphore, #tpu.memory_space<semaphore_mem>>) src(%arg9 : memref<128x128xf32, #tpu.memory_space<vmem>>) dst(%dma_wait3A_123 : memref<10240x128xf32, #tpu.memory_space<vmem_shared>>)
          tpu.yield
        }) : () -> ()
        %lt3A = arith.constant 15 : i32
        %lt3A_97 = arith.cmpi slt, %scan3A_78, %lt3A : i32
        %convert_element_type3A_98 = arith.extui %lt3A_97 : i1 to i32
        %cond3A_99 = arith.constant 0 : i32
        %cond3A_100 = arith.cmpi ne, %convert_element_type3A_98, %cond3A_99 : i32
        scf.if %cond3A_100 {
          %mul3A_112 = arith.constant 2 : i32
          %mul3A_113 = arith.muli %mul3A_112, %scan3A_78 : i32
          %add3A_114 = arith.constant 2 : i32
          %add3A_115 = arith.addi %mul3A_113, %add3A_114 : i32
          %dma_start3A_116 = arith.constant 0 : i32
          %dma_start3A_117 = tpu.memref_slice %arg7[%add3A_115, %dma_start3A_116] : memref<32x128xi32, #tpu.memory_space<vmem>> -> memref<1x128xi32, #tpu.memory_space<vmem>>
          %dma_start3A_118 = tpu.memref_squeeze %dma_start3A_117 : memref<1x128xi32, #tpu.memory_space<vmem>> -> memref<128xi32, #tpu.memory_space<vmem>>
          %dma_start3A_119 = arith.constant 0 : i32
          %dma_start3A_120 = arith.constant 0 : i32
          %dma_start3A_121 = tpu.memref_slice %arg2[%dma_start3A_119, %dma_start3A_120] : memref<10000x128xf32, #tpu.memory_space<hbm>> -> memref<10000x128xf32, #tpu.memory_space<hbm>>
          tpu.enqueue_indirect_dma source(%dma_start3A_121 : memref<10000x128xf32, #tpu.memory_space<hbm>>) target(%arg9 : memref<128x128xf32, #tpu.memory_space<vmem>>) offsets(%dma_start3A_118 : memref<128xi32, #tpu.memory_space<vmem>>) semaphore(%arg12 : memref<!tpu.dma_semaphore, #tpu.memory_space<semaphore_mem>>)
        } else {
        }
        %dma_wait3A_101 = arith.constant 0 : i32
        %dma_wait3A_102 = arith.constant 0 : i32
        %dma_wait3A_103 = tpu.memref_slice %arg7[%dma_wait3A_101, %dma_wait3A_102] : memref<32x128xi32, #tpu.memory_space<vmem>> -> memref<1x128xi32, #tpu.memory_space<vmem>>
        %dma_wait3A_104 = tpu.memref_squeeze %dma_wait3A_103 : memref<1x128xi32, #tpu.memory_space<vmem>> -> memref<128xi32, #tpu.memory_space<vmem>>
        %dma_wait3A_105 = arith.constant 0 : i32
        %dma_wait3A_106 = arith.constant 0 : i32
        %dma_wait3A_107 = tpu.memref_slice %arg2[%dma_wait3A_105, %dma_wait3A_106] : memref<10000x128xf32, #tpu.memory_space<hbm>> -> memref<10000x128xf32, #tpu.memory_space<hbm>>
        tpu.wait_indirect_dma semaphore(%arg13 : memref<!tpu.dma_semaphore, #tpu.memory_space<semaphore_mem>>) src(%dma_wait3A_107 : memref<10000x128xf32, #tpu.memory_space<hbm>>) dst(%arg10 : memref<128x128xf32, #tpu.memory_space<vmem>>)
        %mul3A_108 = arith.constant 2 : i32
        %mul3A_109 = arith.muli %mul3A_108, %scan3A_78 : i32
        %add3A_110 = arith.constant 1 : i32
        %add3A_111 = arith.addi %mul3A_109, %add3A_110 : i32
        "tpu.region"() ({
          %run_scoped3A = tpu.sem_alloc : memref<!tpu.dma_semaphore, #tpu.memory_space<semaphore_mem>>
          %dma_start3A_112 = arith.constant 0 : i32
          %dma_start3A_113 = tpu.memref_slice %arg8[%add3A_111, %dma_start3A_112] : memref<32x128xi32, #tpu.memory_space<vmem>> -> memref<1x128xi32, #tpu.memory_space<vmem>>
          %dma_start3A_114 = tpu.memref_squeeze %dma_start3A_113 : memref<1x128xi32, #tpu.memory_space<vmem>> -> memref<128xi32, #tpu.memory_space<vmem>>
          %dma_start3A_115 = arith.constant 0 : i32
          %dma_start3A_116 = arith.constant 0 : i32
          %dma_start3A_117 = tpu.memref_slice %arg11[%dma_start3A_115, %dma_start3A_116] : memref<10240x128xf32, #tpu.memory_space<vmem_shared>> -> memref<10240x128xf32, #tpu.memory_space<vmem_shared>>
          tpu.enqueue_indirect_dma source(%arg10 : memref<128x128xf32, #tpu.memory_space<vmem>>) target(%dma_start3A_117 : memref<10240x128xf32, #tpu.memory_space<vmem_shared>>) offsets(%dma_start3A_114 : memref<128xi32, #tpu.memory_space<vmem>>) semaphore(%run_scoped3A : memref<!tpu.dma_semaphore, #tpu.memory_space<semaphore_mem>>) {add = true}
          %dma_wait3A_118 = arith.constant 0 : i32
          %dma_wait3A_119 = tpu.memref_slice %arg8[%add3A_111, %dma_wait3A_118] : memref<32x128xi32, #tpu.memory_space<vmem>> -> memref<1x128xi32, #tpu.memory_space<vmem>>
          %dma_wait3A_120 = tpu.memref_squeeze %dma_wait3A_119 : memref<1x128xi32, #tpu.memory_space<vmem>> -> memref<128xi32, #tpu.memory_space<vmem>>
          %dma_wait3A_121 = arith.constant 0 : i32
          %dma_wait3A_122 = arith.constant 0 : i32
          %dma_wait3A_123 = tpu.memref_slice %arg11[%dma_wait3A_121, %dma_wait3A_122] : memref<10240x128xf32, #tpu.memory_space<vmem_shared>> -> memref<10240x128xf32, #tpu.memory_space<vmem_shared>>
          tpu.wait_indirect_dma semaphore(%run_scoped3A : memref<!tpu.dma_semaphore, #tpu.memory_space<semaphore_mem>>) src(%arg10 : memref<128x128xf32, #tpu.memory_space<vmem>>) dst(%dma_wait3A_123 : memref<10240x128xf32, #tpu.memory_space<vmem_shared>>)
          tpu.yield
        }) : () -> ()
      }
      %scan3A_77 = arith.constant 16 : i32
    } else {
    }
    %eq3A_3 = arith.constant 1 : i32
    %eq3A_4 = arith.cmpi eq, %arg0, %eq3A_3 : i32
    %convert_element_type3A_5 = arith.extui %eq3A_4 : i1 to i32
    %cond3A_6 = arith.constant 0 : i32
    %cond3A_7 = arith.cmpi ne, %convert_element_type3A_5, %cond3A_6 : i32
    scf.if %cond3A_7 {
      %mul3A_13 = arith.constant 32 : i32
      %mul3A_14 = arith.muli %arg1, %mul3A_13 : i32
      %add3A = arith.constant 2048 : i32
      %add3A_15 = arith.addi %add3A, %mul3A_14 : i32
      "tpu.region"() ({
        %run_scoped3A = tpu.sem_alloc : memref<!tpu.dma_semaphore, #tpu.memory_space<semaphore_mem>>
        %dma_start3A_27 = arith.constant 0 : i32
        %dma_start3A_28 = arith.constant 0 : i32
        %dma_start3A_29 = tpu.memref_slice %arg7[%dma_start3A_27, %dma_start3A_28] : memref<32x128xi32, #tpu.memory_space<vmem>> -> memref<32x128xi32, #tpu.memory_space<vmem>>
        %dma_start3A_30 = arith.constant 0 : i32
        %dma_start3A_31 = tpu.memref_slice %arg3[%add3A_15, %dma_start3A_30] : memref<2560x128xi32, #tpu.memory_space<hbm>> -> memref<32x128xi32, #tpu.memory_space<hbm>>
        %dma_start3A_32 = arith.constant 0 : i32
        %dma_start3A_33 = arith.constant 0 : i32
        %dma_start3A_34 = tpu.memref_slice %arg7[%dma_start3A_32, %dma_start3A_33] : memref<32x128xi32, #tpu.memory_space<vmem>> -> memref<32x128xi32, #tpu.memory_space<vmem>>
        %dma_start3A_35 = arith.constant 0 : i32
        %dma_start3A_36 = tpu.memref_slice %arg3[%add3A_15, %dma_start3A_35] : memref<2560x128xi32, #tpu.memory_space<hbm>> -> memref<32x128xi32, #tpu.memory_space<hbm>>
        tpu.enqueue_dma source(%dma_start3A_36 : memref<32x128xi32, #tpu.memory_space<hbm>>) target(%dma_start3A_34 : memref<32x128xi32, #tpu.memory_space<vmem>>) target_semaphore(%run_scoped3A : memref<!tpu.dma_semaphore, #tpu.memory_space<semaphore_mem>>)
        %dma_wait3A = arith.constant 0 : i32
        %dma_wait3A_37 = arith.constant 0 : i32
        %dma_wait3A_38 = tpu.memref_slice %arg7[%dma_wait3A, %dma_wait3A_37] : memref<32x128xi32, #tpu.memory_space<vmem>> -> memref<32x128xi32, #tpu.memory_space<vmem>>
        %dma_wait3A_39 = arith.constant 0 : i32
        %dma_wait3A_40 = tpu.memref_slice %arg3[%add3A_15, %dma_wait3A_39] : memref<2560x128xi32, #tpu.memory_space<hbm>> -> memref<32x128xi32, #tpu.memory_space<hbm>>
        %dma_wait3A_41 = arith.constant 0 : i32
        %dma_wait3A_42 = arith.constant 0 : i32
        %dma_wait3A_43 = tpu.memref_slice %arg7[%dma_wait3A_41, %dma_wait3A_42] : memref<32x128xi32, #tpu.memory_space<vmem>> -> memref<32x128xi32, #tpu.memory_space<vmem>>
        %dma_wait3A_44 = arith.constant 0 : i32
        %dma_wait3A_45 = tpu.memref_slice %arg3[%add3A_15, %dma_wait3A_44] : memref<2560x128xi32, #tpu.memory_space<hbm>> -> memref<32x128xi32, #tpu.memory_space<hbm>>
        tpu.wait_dma2 semaphore(%run_scoped3A : memref<!tpu.dma_semaphore, #tpu.memory_space<semaphore_mem>>) src(%dma_wait3A_45 : memref<32x128xi32, #tpu.memory_space<hbm>>) dst(%dma_wait3A_43 : memref<32x128xi32, #tpu.memory_space<vmem>>)
        tpu.yield
      }) : () -> ()
      "tpu.region"() ({
        %run_scoped3A = tpu.sem_alloc : memref<!tpu.dma_semaphore, #tpu.memory_space<semaphore_mem>>
        %dma_start3A_27 = arith.constant 0 : i32
        %dma_start3A_28 = arith.constant 0 : i32
        %dma_start3A_29 = tpu.memref_slice %arg8[%dma_start3A_27, %dma_start3A_28] : memref<32x128xi32, #tpu.memory_space<vmem>> -> memref<32x128xi32, #tpu.memory_space<vmem>>
        %dma_start3A_30 = arith.constant 0 : i32
        %dma_start3A_31 = tpu.memref_slice %arg4[%add3A_15, %dma_start3A_30] : memref<2560x128xi32, #tpu.memory_space<hbm>> -> memref<32x128xi32, #tpu.memory_space<hbm>>
        %dma_start3A_32 = arith.constant 0 : i32
        %dma_start3A_33 = arith.constant 0 : i32
        %dma_start3A_34 = tpu.memref_slice %arg8[%dma_start3A_32, %dma_start3A_33] : memref<32x128xi32, #tpu.memory_space<vmem>> -> memref<32x128xi32, #tpu.memory_space<vmem>>
        %dma_start3A_35 = arith.constant 0 : i32
        %dma_start3A_36 = tpu.memref_slice %arg4[%add3A_15, %dma_start3A_35] : memref<2560x128xi32, #tpu.memory_space<hbm>> -> memref<32x128xi32, #tpu.memory_space<hbm>>
        tpu.enqueue_dma source(%dma_start3A_36 : memref<32x128xi32, #tpu.memory_space<hbm>>) target(%dma_start3A_34 : memref<32x128xi32, #tpu.memory_space<vmem>>) target_semaphore(%run_scoped3A : memref<!tpu.dma_semaphore, #tpu.memory_space<semaphore_mem>>)
        %dma_wait3A = arith.constant 0 : i32
        %dma_wait3A_37 = arith.constant 0 : i32
        %dma_wait3A_38 = tpu.memref_slice %arg8[%dma_wait3A, %dma_wait3A_37] : memref<32x128xi32, #tpu.memory_space<vmem>> -> memref<32x128xi32, #tpu.memory_space<vmem>>
        %dma_wait3A_39 = arith.constant 0 : i32
        %dma_wait3A_40 = tpu.memref_slice %arg4[%add3A_15, %dma_wait3A_39] : memref<2560x128xi32, #tpu.memory_space<hbm>> -> memref<32x128xi32, #tpu.memory_space<hbm>>
        %dma_wait3A_41 = arith.constant 0 : i32
        %dma_wait3A_42 = arith.constant 0 : i32
        %dma_wait3A_43 = tpu.memref_slice %arg8[%dma_wait3A_41, %dma_wait3A_42] : memref<32x128xi32, #tpu.memory_space<vmem>> -> memref<32x128xi32, #tpu.memory_space<vmem>>
        %dma_wait3A_44 = arith.constant 0 : i32
        %dma_wait3A_45 = tpu.memref_slice %arg4[%add3A_15, %dma_wait3A_44] : memref<2560x128xi32, #tpu.memory_space<hbm>> -> memref<32x128xi32, #tpu.memory_space<hbm>>
        tpu.wait_dma2 semaphore(%run_scoped3A : memref<!tpu.dma_semaphore, #tpu.memory_space<semaphore_mem>>) src(%dma_wait3A_45 : memref<32x128xi32, #tpu.memory_space<hbm>>) dst(%dma_wait3A_43 : memref<32x128xi32, #tpu.memory_space<vmem>>)
        tpu.yield
      }) : () -> ()
      %dma_start3A = arith.constant 0 : i32
      %dma_start3A_16 = arith.constant 0 : i32
      %dma_start3A_17 = tpu.memref_slice %arg7[%dma_start3A, %dma_start3A_16] : memref<32x128xi32, #tpu.memory_space<vmem>> -> memref<1x128xi32, #tpu.memory_space<vmem>>
      %dma_start3A_18 = tpu.memref_squeeze %dma_start3A_17 : memref<1x128xi32, #tpu.memory_space<vmem>> -> memref<128xi32, #tpu.memory_space<vmem>>
      %dma_start3A_19 = arith.constant 0 : i32
      %dma_start3A_20 = arith.constant 0 : i32
      %dma_start3A_21 = tpu.memref_slice %arg2[%dma_start3A_19, %dma_start3A_20] : memref<10000x128xf32, #tpu.memory_space<hbm>> -> memref<10000x128xf32, #tpu.memory_space<hbm>>
      tpu.enqueue_indirect_dma source(%dma_start3A_21 : memref<10000x128xf32, #tpu.memory_space<hbm>>) target(%arg9 : memref<128x128xf32, #tpu.memory_space<vmem>>) offsets(%dma_start3A_18 : memref<128xi32, #tpu.memory_space<vmem>>) semaphore(%arg12 : memref<!tpu.dma_semaphore, #tpu.memory_space<semaphore_mem>>)
      %scan3A = arith.constant 0 : i32
      %scan3A_22 = arith.constant 0 : i32
      %scan3A_23 = arith.constant 16 : i32
      %scan3A_24 = arith.addi %scan3A_22, %scan3A_23 : i32
      %scan3A_25 = arith.constant 1 : i32
      scf.for %scan3A_27 = %scan3A_22 to %scan3A_24 step %scan3A_25  : i32 {
        %mul3A_28 = arith.constant 2 : i32
        %mul3A_29 = arith.muli %mul3A_28, %scan3A_27 : i32
        %add3A_30 = arith.constant 1 : i32
        %add3A_31 = arith.addi %mul3A_29, %add3A_30 : i32
        %dma_start3A_32 = arith.constant 0 : i32
        %dma_start3A_33 = tpu.memref_slice %arg7[%add3A_31, %dma_start3A_32] : memref<32x128xi32, #tpu.memory_space<vmem>> -> memref<1x128xi32, #tpu.memory_space<vmem>>
        %dma_start3A_34 = tpu.memref_squeeze %dma_start3A_33 : memref<1x128xi32, #tpu.memory_space<vmem>> -> memref<128xi32, #tpu.memory_space<vmem>>
        %dma_start3A_35 = arith.constant 0 : i32
        %dma_start3A_36 = arith.constant 0 : i32
        %dma_start3A_37 = tpu.memref_slice %arg2[%dma_start3A_35, %dma_start3A_36] : memref<10000x128xf32, #tpu.memory_space<hbm>> -> memref<10000x128xf32, #tpu.memory_space<hbm>>
        tpu.enqueue_indirect_dma source(%dma_start3A_37 : memref<10000x128xf32, #tpu.memory_space<hbm>>) target(%arg10 : memref<128x128xf32, #tpu.memory_space<vmem>>) offsets(%dma_start3A_34 : memref<128xi32, #tpu.memory_space<vmem>>) semaphore(%arg13 : memref<!tpu.dma_semaphore, #tpu.memory_space<semaphore_mem>>)
        %dma_wait3A = arith.constant 0 : i32
        %dma_wait3A_38 = arith.constant 0 : i32
        %dma_wait3A_39 = tpu.memref_slice %arg7[%dma_wait3A, %dma_wait3A_38] : memref<32x128xi32, #tpu.memory_space<vmem>> -> memref<1x128xi32, #tpu.memory_space<vmem>>
        %dma_wait3A_40 = tpu.memref_squeeze %dma_wait3A_39 : memref<1x128xi32, #tpu.memory_space<vmem>> -> memref<128xi32, #tpu.memory_space<vmem>>
        %dma_wait3A_41 = arith.constant 0 : i32
        %dma_wait3A_42 = arith.constant 0 : i32
        %dma_wait3A_43 = tpu.memref_slice %arg2[%dma_wait3A_41, %dma_wait3A_42] : memref<10000x128xf32, #tpu.memory_space<hbm>> -> memref<10000x128xf32, #tpu.memory_space<hbm>>
        tpu.wait_indirect_dma semaphore(%arg12 : memref<!tpu.dma_semaphore, #tpu.memory_space<semaphore_mem>>) src(%dma_wait3A_43 : memref<10000x128xf32, #tpu.memory_space<hbm>>) dst(%arg9 : memref<128x128xf32, #tpu.memory_space<vmem>>)
        %mul3A_44 = arith.constant 2 : i32
        %mul3A_45 = arith.muli %mul3A_44, %scan3A_27 : i32
        "tpu.region"() ({
          %run_scoped3A = tpu.sem_alloc : memref<!tpu.dma_semaphore, #tpu.memory_space<semaphore_mem>>
          %dma_start3A_61 = arith.constant 0 : i32
          %dma_start3A_62 = tpu.memref_slice %arg8[%mul3A_45, %dma_start3A_61] : memref<32x128xi32, #tpu.memory_space<vmem>> -> memref<1x128xi32, #tpu.memory_space<vmem>>
          %dma_start3A_63 = tpu.memref_squeeze %dma_start3A_62 : memref<1x128xi32, #tpu.memory_space<vmem>> -> memref<128xi32, #tpu.memory_space<vmem>>
          %dma_start3A_64 = arith.constant 0 : i32
          %dma_start3A_65 = arith.constant 0 : i32
          %dma_start3A_66 = tpu.memref_slice %arg11[%dma_start3A_64, %dma_start3A_65] : memref<10240x128xf32, #tpu.memory_space<vmem_shared>> -> memref<10240x128xf32, #tpu.memory_space<vmem_shared>>
          tpu.enqueue_indirect_dma source(%arg9 : memref<128x128xf32, #tpu.memory_space<vmem>>) target(%dma_start3A_66 : memref<10240x128xf32, #tpu.memory_space<vmem_shared>>) offsets(%dma_start3A_63 : memref<128xi32, #tpu.memory_space<vmem>>) semaphore(%run_scoped3A : memref<!tpu.dma_semaphore, #tpu.memory_space<semaphore_mem>>) {add = true}
          %dma_wait3A_67 = arith.constant 0 : i32
          %dma_wait3A_68 = tpu.memref_slice %arg8[%mul3A_45, %dma_wait3A_67] : memref<32x128xi32, #tpu.memory_space<vmem>> -> memref<1x128xi32, #tpu.memory_space<vmem>>
          %dma_wait3A_69 = tpu.memref_squeeze %dma_wait3A_68 : memref<1x128xi32, #tpu.memory_space<vmem>> -> memref<128xi32, #tpu.memory_space<vmem>>
          %dma_wait3A_70 = arith.constant 0 : i32
          %dma_wait3A_71 = arith.constant 0 : i32
          %dma_wait3A_72 = tpu.memref_slice %arg11[%dma_wait3A_70, %dma_wait3A_71] : memref<10240x128xf32, #tpu.memory_space<vmem_shared>> -> memref<10240x128xf32, #tpu.memory_space<vmem_shared>>
          tpu.wait_indirect_dma semaphore(%run_scoped3A : memref<!tpu.dma_semaphore, #tpu.memory_space<semaphore_mem>>) src(%arg9 : memref<128x128xf32, #tpu.memory_space<vmem>>) dst(%dma_wait3A_72 : memref<10240x128xf32, #tpu.memory_space<vmem_shared>>)
          tpu.yield
        }) : () -> ()
        %lt3A = arith.constant 15 : i32
        %lt3A_46 = arith.cmpi slt, %scan3A_27, %lt3A : i32
        %convert_element_type3A_47 = arith.extui %lt3A_46 : i1 to i32
        %cond3A_48 = arith.constant 0 : i32
        %cond3A_49 = arith.cmpi ne, %convert_element_type3A_47, %cond3A_48 : i32
        scf.if %cond3A_49 {
          %mul3A_61 = arith.constant 2 : i32
          %mul3A_62 = arith.muli %mul3A_61, %scan3A_27 : i32
          %add3A_63 = arith.constant 2 : i32
          %add3A_64 = arith.addi %mul3A_62, %add3A_63 : i32
          %dma_start3A_65 = arith.constant 0 : i32
          %dma_start3A_66 = tpu.memref_slice %arg7[%add3A_64, %dma_start3A_65] : memref<32x128xi32, #tpu.memory_space<vmem>> -> memref<1x128xi32, #tpu.memory_space<vmem>>
          %dma_start3A_67 = tpu.memref_squeeze %dma_start3A_66 : memref<1x128xi32, #tpu.memory_space<vmem>> -> memref<128xi32, #tpu.memory_space<vmem>>
          %dma_start3A_68 = arith.constant 0 : i32
          %dma_start3A_69 = arith.constant 0 : i32
          %dma_start3A_70 = tpu.memref_slice %arg2[%dma_start3A_68, %dma_start3A_69] : memref<10000x128xf32, #tpu.memory_space<hbm>> -> memref<10000x128xf32, #tpu.memory_space<hbm>>
          tpu.enqueue_indirect_dma source(%dma_start3A_70 : memref<10000x128xf32, #tpu.memory_space<hbm>>) target(%arg9 : memref<128x128xf32, #tpu.memory_space<vmem>>) offsets(%dma_start3A_67 : memref<128xi32, #tpu.memory_space<vmem>>) semaphore(%arg12 : memref<!tpu.dma_semaphore, #tpu.memory_space<semaphore_mem>>)
        } else {
        }
        %dma_wait3A_50 = arith.constant 0 : i32
        %dma_wait3A_51 = arith.constant 0 : i32
        %dma_wait3A_52 = tpu.memref_slice %arg7[%dma_wait3A_50, %dma_wait3A_51] : memref<32x128xi32, #tpu.memory_space<vmem>> -> memref<1x128xi32, #tpu.memory_space<vmem>>
        %dma_wait3A_53 = tpu.memref_squeeze %dma_wait3A_52 : memref<1x128xi32, #tpu.memory_space<vmem>> -> memref<128xi32, #tpu.memory_space<vmem>>
        %dma_wait3A_54 = arith.constant 0 : i32
        %dma_wait3A_55 = arith.constant 0 : i32
        %dma_wait3A_56 = tpu.memref_slice %arg2[%dma_wait3A_54, %dma_wait3A_55] : memref<10000x128xf32, #tpu.memory_space<hbm>> -> memref<10000x128xf32, #tpu.memory_space<hbm>>
        tpu.wait_indirect_dma semaphore(%arg13 : memref<!tpu.dma_semaphore, #tpu.memory_space<semaphore_mem>>) src(%dma_wait3A_56 : memref<10000x128xf32, #tpu.memory_space<hbm>>) dst(%arg10 : memref<128x128xf32, #tpu.memory_space<vmem>>)
        %mul3A_57 = arith.constant 2 : i32
        %mul3A_58 = arith.muli %mul3A_57, %scan3A_27 : i32
        %add3A_59 = arith.constant 1 : i32
        %add3A_60 = arith.addi %mul3A_58, %add3A_59 : i32
        "tpu.region"() ({
          %run_scoped3A = tpu.sem_alloc : memref<!tpu.dma_semaphore, #tpu.memory_space<semaphore_mem>>
          %dma_start3A_61 = arith.constant 0 : i32
          %dma_start3A_62 = tpu.memref_slice %arg8[%add3A_60, %dma_start3A_61] : memref<32x128xi32, #tpu.memory_space<vmem>> -> memref<1x128xi32, #tpu.memory_space<vmem>>
          %dma_start3A_63 = tpu.memref_squeeze %dma_start3A_62 : memref<1x128xi32, #tpu.memory_space<vmem>> -> memref<128xi32, #tpu.memory_space<vmem>>
          %dma_start3A_64 = arith.constant 0 : i32
          %dma_start3A_65 = arith.constant 0 : i32
          %dma_start3A_66 = tpu.memref_slice %arg11[%dma_start3A_64, %dma_start3A_65] : memref<10240x128xf32, #tpu.memory_space<vmem_shared>> -> memref<10240x128xf32, #tpu.memory_space<vmem_shared>>
          tpu.enqueue_indirect_dma source(%arg10 : memref<128x128xf32, #tpu.memory_space<vmem>>) target(%dma_start3A_66 : memref<10240x128xf32, #tpu.memory_space<vmem_shared>>) offsets(%dma_start3A_63 : memref<128xi32, #tpu.memory_space<vmem>>) semaphore(%run_scoped3A : memref<!tpu.dma_semaphore, #tpu.memory_space<semaphore_mem>>) {add = true}
          %dma_wait3A_67 = arith.constant 0 : i32
          %dma_wait3A_68 = tpu.memref_slice %arg8[%add3A_60, %dma_wait3A_67] : memref<32x128xi32, #tpu.memory_space<vmem>> -> memref<1x128xi32, #tpu.memory_space<vmem>>
          %dma_wait3A_69 = tpu.memref_squeeze %dma_wait3A_68 : memref<1x128xi32, #tpu.memory_space<vmem>> -> memref<128xi32, #tpu.memory_space<vmem>>
          %dma_wait3A_70 = arith.constant 0 : i32
          %dma_wait3A_71 = arith.constant 0 : i32
          %dma_wait3A_72 = tpu.memref_slice %arg11[%dma_wait3A_70, %dma_wait3A_71] : memref<10240x128xf32, #tpu.memory_space<vmem_shared>> -> memref<10240x128xf32, #tpu.memory_space<vmem_shared>>
          tpu.wait_indirect_dma semaphore(%run_scoped3A : memref<!tpu.dma_semaphore, #tpu.memory_space<semaphore_mem>>) src(%arg10 : memref<128x128xf32, #tpu.memory_space<vmem>>) dst(%dma_wait3A_72 : memref<10240x128xf32, #tpu.memory_space<vmem_shared>>)
          tpu.yield
        }) : () -> ()
      }
      %scan3A_26 = arith.constant 16 : i32
    } else {
    }
    %barrier3A_8 = arith.constant 0 : index
    tpu.barrier barrier_id(%barrier3A_8)
    %mul3A_9 = arith.constant 640 : i32
    %mul3A_10 = arith.muli %arg1, %mul3A_9 : i32
    %mul3A_11 = arith.constant 640 : i32
    %mul3A_12 = arith.muli %arg1, %mul3A_11 : i32
    "tpu.region"() ({
      %run_scoped3A = tpu.sem_alloc : memref<!tpu.dma_semaphore, #tpu.memory_space<semaphore_mem>>
      %dma_start3A = arith.constant 0 : i32
      %dma_start3A_13 = tpu.memref_slice %arg6[%arg0, %mul3A_12, %dma_start3A] : memref<2x10240x128xf32, #tpu.memory_space<hbm>> -> memref<1x640x128xf32, #tpu.memory_space<hbm>>
      %dma_start3A_14 = tpu.memref_squeeze %dma_start3A_13 : memref<1x640x128xf32, #tpu.memory_space<hbm>> -> memref<640x128xf32, #tpu.memory_space<hbm>>
      %dma_start3A_15 = arith.constant 0 : i32
      %dma_start3A_16 = tpu.memref_slice %arg11[%mul3A_10, %dma_start3A_15] : memref<10240x128xf32, #tpu.memory_space<vmem_shared>> -> memref<640x128xf32, #tpu.memory_space<vmem_shared>>
      tpu.enqueue_dma source(%dma_start3A_16 : memref<640x128xf32, #tpu.memory_space<vmem_shared>>) target(%dma_start3A_14 : memref<640x128xf32, #tpu.memory_space<hbm>>) target_semaphore(%run_scoped3A : memref<!tpu.dma_semaphore, #tpu.memory_space<semaphore_mem>>)
      %dma_wait3A = arith.constant 0 : i32
      %dma_wait3A_17 = tpu.memref_slice %arg6[%arg0, %mul3A_12, %dma_wait3A] : memref<2x10240x128xf32, #tpu.memory_space<hbm>> -> memref<1x640x128xf32, #tpu.memory_space<hbm>>
      %dma_wait3A_18 = tpu.memref_squeeze %dma_wait3A_17 : memref<1x640x128xf32, #tpu.memory_space<hbm>> -> memref<640x128xf32, #tpu.memory_space<hbm>>
      %dma_wait3A_19 = arith.constant 0 : i32
      %dma_wait3A_20 = tpu.memref_slice %arg11[%mul3A_10, %dma_wait3A_19] : memref<10240x128xf32, #tpu.memory_space<vmem_shared>> -> memref<640x128xf32, #tpu.memory_space<vmem_shared>>
      tpu.wait_dma2 semaphore(%run_scoped3A : memref<!tpu.dma_semaphore, #tpu.memory_space<semaphore_mem>>) src(%dma_wait3A_20 : memref<640x128xf32, #tpu.memory_space<vmem_shared>>) dst(%dma_wait3A_18 : memref<640x128xf32, #tpu.memory_space<hbm>>)
      tpu.yield
    }) : () -> ()
    return
  }
}

module attributes {stable_mosaic.version = 14 : i64} {
  func.func @_proj_body(%arg0: i32, %arg1: memref<2000x128xf32, #tpu.memory_space<vmem>>, %arg2: memref<128x128xf32, #tpu.memory_space<vmem>>, %arg3: memref<1x128xf32, #tpu.memory_space<vmem>>, %arg4: memref<2000x128xf32, #tpu.memory_space<vmem>>) attributes {dimension_semantics = [#tpu.dimension_semantics<arbitrary>], iteration_bounds = array<i64: 5>, scalar_prefetch = 0 : i64, scratch_operands = 0 : i64, tpu.core_type = #tpu.core_type<tc>, window_params = [{transform_indices = @transform_0, window_bounds = array<i64: 2000, 128>}, {pipeline_mode = #tpu.pipeline_mode<synchronous>, transform_indices = @transform_1, window_bounds = array<i64: 128, 128>}, {pipeline_mode = #tpu.pipeline_mode<synchronous>, transform_indices = @transform_2, window_bounds = array<i64: 1, 128>}, {transform_indices = @transform_3, window_bounds = array<i64: 2000, 128>}]} {
    %get3A = arith.constant 0 : index
    %get3A_0 = arith.constant 0 : index
    %get3A_1 = vector.load %arg1[%get3A, %get3A_0] : memref<2000x128xf32, #tpu.memory_space<vmem>>, vector<2000x128xf32>
    %get3A_2 = arith.constant 0 : index
    %get3A_3 = arith.constant 0 : index
    %get3A_4 = vector.load %arg2[%get3A_2, %get3A_3] : memref<128x128xf32, #tpu.memory_space<vmem>>, vector<128x128xf32>
    %dot_general3A = arith.constant dense<0.000000e+00> : vector<2000x128xf32>
    %dot_general3A_5 = tpu.matmul %get3A_1, %get3A_4, %dot_general3A {dimension_numbers = #tpu.dot_dimension_numbers<[1], [0], [0], [1], [0, 0, 1, 1], [], []>, transpose_lhs_hint = false} : vector<2000x128xf32>, vector<128x128xf32>, vector<2000x128xf32> -> vector<2000x128xf32>
    %get3A_6 = arith.constant 0 : index
    %get3A_7 = arith.constant 0 : index
    %get3A_8 = vector.load %arg3[%get3A_6, %get3A_7] : memref<1x128xf32, #tpu.memory_space<vmem>>, vector<1x128xf32>
    %add3A = vector.broadcast %get3A_8 : vector<1x128xf32> to vector<2000x128xf32>
    %add3A_9 = arith.addf %dot_general3A_5, %add3A : vector<2000x128xf32>
    %swap3A = arith.constant 0 : index
    %swap3A_10 = arith.constant 0 : index
    %swap3A_11 = vector.load %arg4[%swap3A, %swap3A_10] : memref<2000x128xf32, #tpu.memory_space<vmem>>, vector<2000x128xf32>
    tpu.vector_store %arg4[%swap3A, %swap3A_10], %add3A_9 {strides = array<i32>} : memref<2000x128xf32, #tpu.memory_space<vmem>>, vector<2000x128xf32>,
    return
  }
  func.func @transform_0(%arg0: i32) -> (i32, i32) {
    %c0_i32 = arith.constant 0 : i32
    %c0_i32_0 = arith.constant 0 : i32
    return %arg0, %c0_i32 : i32, i32
  }
  func.func @transform_1(%arg0: i32) -> (i32, i32) {
    %c0_i32 = arith.constant 0 : i32
    %c0_i32_0 = arith.constant 0 : i32
    %c0_i32_1 = arith.constant 0 : i32
    return %c0_i32, %c0_i32_0 : i32, i32
  }
  func.func @transform_2(%arg0: i32) -> (i32, i32) {
    %c0_i32 = arith.constant 0 : i32
    %c0_i32_0 = arith.constant 0 : i32
    %c0_i32_1 = arith.constant 0 : i32
    return %c0_i32, %c0_i32_0 : i32, i32
  }
  func.func @transform_3(%arg0: i32) -> (i32, i32) {
    %c0_i32 = arith.constant 0 : i32
    %c0_i32_0 = arith.constant 0 : i32
    return %arg0, %c0_i32 : i32, i32
  }
}

module attributes {stable_mosaic.version = 14 : i64} {
  func.func @_cnt_body(%arg0: i32, %arg1: memref<2x2000x128xf32, #tpu.memory_space<vmem>>, %arg2: memref<2000x128xf32, #tpu.memory_space<vmem>>) attributes {dimension_semantics = [#tpu.dimension_semantics<arbitrary>], iteration_bounds = array<i64: 5>, scalar_prefetch = 0 : i64, scratch_operands = 0 : i64, tpu.core_type = #tpu.core_type<tc>, window_params = [{transform_indices = @transform_0, window_bounds = array<i64: 2, 2000, 128>}, {transform_indices = @transform_1, window_bounds = array<i64: 2000, 128>}]} {
    %get3A = arith.constant 0 : index
    %get3A_0 = arith.constant 0 : index
    %get3A_1 = arith.constant 0 : index
    %get3A_2 = vector.load %arg1[%get3A, %get3A_0, %get3A_1] : memref<2x2000x128xf32, #tpu.memory_space<vmem>>, vector<1x2000x128xf32>
    %get3A_3 = vector.shape_cast %get3A_2 : vector<1x2000x128xf32> to vector<2000x128xf32>
    %get3A_4 = arith.constant 1 : index
    %get3A_5 = arith.constant 0 : index
    %get3A_6 = arith.constant 0 : index
    %get3A_7 = vector.load %arg1[%get3A_4, %get3A_5, %get3A_6] : memref<2x2000x128xf32, #tpu.memory_space<vmem>>, vector<1x2000x128xf32>
    %get3A_8 = vector.shape_cast %get3A_7 : vector<1x2000x128xf32> to vector<2000x128xf32>
    %add3A = arith.addf %get3A_3, %get3A_8 : vector<2000x128xf32>
    %max3A = arith.constant 1.000000e+00 : f32
    %max3A_9 = vector.broadcast %max3A : f32 to vector<2000x128xf32>
    %max3A_10 = arith.maximumf %add3A, %max3A_9 : vector<2000x128xf32>
    %swap3A = arith.constant 0 : index
    %swap3A_11 = arith.constant 0 : index
    %swap3A_12 = vector.load %arg2[%swap3A, %swap3A_11] : memref<2000x128xf32, #tpu.memory_space<vmem>>, vector<2000x128xf32>
    tpu.vector_store %arg2[%swap3A, %swap3A_11], %max3A_10 {strides = array<i32>} : memref<2000x128xf32, #tpu.memory_space<vmem>>, vector<2000x128xf32>,
    return
  }
  func.func @transform_0(%arg0: i32) -> (i32, i32, i32) {
    %c0_i32 = arith.constant 0 : i32
    %c0_i32_0 = arith.constant 0 : i32
    %c0_i32_1 = arith.constant 0 : i32
    return %c0_i32, %arg0, %c0_i32_0 : i32, i32, i32
  }
  func.func @transform_1(%arg0: i32) -> (i32, i32) {
    %c0_i32 = arith.constant 0 : i32
    %c0_i32_0 = arith.constant 0 : i32
    return %arg0, %c0_i32 : i32, i32
  }
}

module attributes {stable_mosaic.version = 14 : i64} {
  func.func @_layer_body(%arg0: i32, %arg1: memref<2x2000x128xf32, #tpu.memory_space<vmem>>, %arg2: memref<2000x128xf32, #tpu.memory_space<vmem>>, %arg3: memref<2000x128xf32, #tpu.memory_space<vmem>>, %arg4: memref<128x128xf32, #tpu.memory_space<vmem>>, %arg5: memref<1x128xf32, #tpu.memory_space<vmem>>, %arg6: memref<128x128xf32, #tpu.memory_space<vmem>>, %arg7: memref<1x128xf32, #tpu.memory_space<vmem>>, %arg8: memref<1x128xf32, #tpu.memory_space<vmem>>, %arg9: memref<2000x128xf32, #tpu.memory_space<vmem>>) attributes {dimension_semantics = [#tpu.dimension_semantics<arbitrary>], iteration_bounds = array<i64: 5>, scalar_prefetch = 0 : i64, scratch_operands = 0 : i64, tpu.core_type = #tpu.core_type<tc>, window_params = [{transform_indices = @transform_0, window_bounds = array<i64: 2, 2000, 128>}, {transform_indices = @transform_1, window_bounds = array<i64: 2000, 128>}, {transform_indices = @transform_2, window_bounds = array<i64: 2000, 128>}, {pipeline_mode = #tpu.pipeline_mode<synchronous>, transform_indices = @transform_3, window_bounds = array<i64: 128, 128>}, {pipeline_mode = #tpu.pipeline_mode<synchronous>, transform_indices = @transform_4, window_bounds = array<i64: 1, 128>}, {pipeline_mode = #tpu.pipeline_mode<synchronous>, transform_indices = @transform_5, window_bounds = array<i64: 128, 128>}, {pipeline_mode = #tpu.pipeline_mode<synchronous>, transform_indices = @transform_6, window_bounds = array<i64: 1, 128>}, {pipeline_mode = #tpu.pipeline_mode<synchronous>, transform_indices = @transform_7, window_bounds = array<i64: 1, 128>}, {transform_indices = @transform_8, window_bounds = array<i64: 2000, 128>}]} {
    %get3A = arith.constant 0 : index
    %get3A_0 = arith.constant 0 : index
    %get3A_1 = arith.constant 0 : index
    %get3A_2 = vector.load %arg1[%get3A, %get3A_0, %get3A_1] : memref<2x2000x128xf32, #tpu.memory_space<vmem>>, vector<1x2000x128xf32>
    %get3A_3 = vector.shape_cast %get3A_2 : vector<1x2000x128xf32> to vector<2000x128xf32>
    %get3A_4 = arith.constant 1 : index
    %get3A_5 = arith.constant 0 : index
    %get3A_6 = arith.constant 0 : index
    %get3A_7 = vector.load %arg1[%get3A_4, %get3A_5, %get3A_6] : memref<2x2000x128xf32, #tpu.memory_space<vmem>>, vector<1x2000x128xf32>
    %get3A_8 = vector.shape_cast %get3A_7 : vector<1x2000x128xf32> to vector<2000x128xf32>
    %add3A = arith.addf %get3A_3, %get3A_8 : vector<2000x128xf32>
    %get3A_9 = arith.constant 0 : index
    %get3A_10 = arith.constant 0 : index
    %get3A_11 = vector.load %arg2[%get3A_9, %get3A_10] : memref<2000x128xf32, #tpu.memory_space<vmem>>, vector<2000x128xf32>
    %div3A = arith.divf %add3A, %get3A_11 : vector<2000x128xf32>
    %get3A_12 = arith.constant 0 : index
    %get3A_13 = arith.constant 0 : index
    %get3A_14 = vector.load %arg4[%get3A_12, %get3A_13] : memref<128x128xf32, #tpu.memory_space<vmem>>, vector<128x128xf32>
    %dot_general3A = arith.constant dense<0.000000e+00> : vector<2000x128xf32>
    %dot_general3A_15 = tpu.matmul %div3A, %get3A_14, %dot_general3A {dimension_numbers = #tpu.dot_dimension_numbers<[1], [0], [0], [1], [0, 0, 1, 1], [], []>, transpose_lhs_hint = false} : vector<2000x128xf32>, vector<128x128xf32>, vector<2000x128xf32> -> vector<2000x128xf32>
    %get3A_16 = arith.constant 0 : index
    %get3A_17 = arith.constant 0 : index
    %get3A_18 = vector.load %arg3[%get3A_16, %get3A_17] : memref<2000x128xf32, #tpu.memory_space<vmem>>, vector<2000x128xf32>
    %get3A_19 = arith.constant 0 : index
    %get3A_20 = arith.constant 0 : index
    %get3A_21 = vector.load %arg6[%get3A_19, %get3A_20] : memref<128x128xf32, #tpu.memory_space<vmem>>, vector<128x128xf32>
    %dot_general3A_22 = arith.constant dense<0.000000e+00> : vector<2000x128xf32>
    %dot_general3A_23 = tpu.matmul %get3A_18, %get3A_21, %dot_general3A_22 {dimension_numbers = #tpu.dot_dimension_numbers<[1], [0], [0], [1], [0, 0, 1, 1], [], []>, transpose_lhs_hint = false} : vector<2000x128xf32>, vector<128x128xf32>, vector<2000x128xf32> -> vector<2000x128xf32>
    %add3A_24 = arith.addf %dot_general3A_15, %dot_general3A_23 : vector<2000x128xf32>
    %get3A_25 = arith.constant 0 : index
    %get3A_26 = arith.constant 0 : index
    %get3A_27 = vector.load %arg5[%get3A_25, %get3A_26] : memref<1x128xf32, #tpu.memory_space<vmem>>, vector<1x128xf32>
    %add3A_28 = vector.broadcast %get3A_27 : vector<1x128xf32> to vector<2000x128xf32>
    %add3A_29 = arith.addf %add3A_24, %add3A_28 : vector<2000x128xf32>
    %get3A_30 = arith.constant 0 : index
    %get3A_31 = arith.constant 0 : index
    %get3A_32 = vector.load %arg7[%get3A_30, %get3A_31] : memref<1x128xf32, #tpu.memory_space<vmem>>, vector<1x128xf32>
    %mul3A = vector.broadcast %get3A_32 : vector<1x128xf32> to vector<2000x128xf32>
    %mul3A_33 = arith.mulf %add3A_29, %mul3A : vector<2000x128xf32>
    %get3A_34 = arith.constant 0 : index
    %get3A_35 = arith.constant 0 : index
    %get3A_36 = vector.load %arg8[%get3A_34, %get3A_35] : memref<1x128xf32, #tpu.memory_space<vmem>>, vector<1x128xf32>
    %add3A_37 = vector.broadcast %get3A_36 : vector<1x128xf32> to vector<2000x128xf32>
    %add3A_38 = arith.addf %mul3A_33, %add3A_37 : vector<2000x128xf32>
    %max3A = arith.constant 0.000000e+00 : f32
    %max3A_39 = vector.broadcast %max3A : f32 to vector<2000x128xf32>
    %max3A_40 = arith.maximumf %add3A_38, %max3A_39 : vector<2000x128xf32>
    %swap3A = arith.constant 0 : index
    %swap3A_41 = arith.constant 0 : index
    %swap3A_42 = vector.load %arg9[%swap3A, %swap3A_41] : memref<2000x128xf32, #tpu.memory_space<vmem>>, vector<2000x128xf32>
    tpu.vector_store %arg9[%swap3A, %swap3A_41], %max3A_40 {strides = array<i32>} : memref<2000x128xf32, #tpu.memory_space<vmem>>, vector<2000x128xf32>,
    return
  }
  func.func @transform_0(%arg0: i32) -> (i32, i32, i32) {
    %c0_i32 = arith.constant 0 : i32
    %c0_i32_0 = arith.constant 0 : i32
    %c0_i32_1 = arith.constant 0 : i32
    return %c0_i32, %arg0, %c0_i32_0 : i32, i32, i32
  }
  func.func @transform_1(%arg0: i32) -> (i32, i32) {
    %c0_i32 = arith.constant 0 : i32
    %c0_i32_0 = arith.constant 0 : i32
    return %arg0, %c0_i32 : i32, i32
  }
  func.func @transform_2(%arg0: i32) -> (i32, i32) {
    %c0_i32 = arith.constant 0 : i32
    %c0_i32_0 = arith.constant 0 : i32
    return %arg0, %c0_i32 : i32, i32
  }
  func.func @transform_3(%arg0: i32) -> (i32, i32) {
    %c0_i32 = arith.constant 0 : i32
    %c0_i32_0 = arith.constant 0 : i32
    %c0_i32_1 = arith.constant 0 : i32
    return %c0_i32, %c0_i32_0 : i32, i32
  }
  func.func @transform_4(%arg0: i32) -> (i32, i32) {
    %c0_i32 = arith.constant 0 : i32
    %c0_i32_0 = arith.constant 0 : i32
    %c0_i32_1 = arith.constant 0 : i32
    return %c0_i32, %c0_i32_0 : i32, i32
  }
  func.func @transform_5(%arg0: i32) -> (i32, i32) {
    %c0_i32 = arith.constant 0 : i32
    %c0_i32_0 = arith.constant 0 : i32
    %c0_i32_1 = arith.constant 0 : i32
    return %c0_i32, %c0_i32_0 : i32, i32
  }
  func.func @transform_6(%arg0: i32) -> (i32, i32) {
    %c0_i32 = arith.constant 0 : i32
    %c0_i32_0 = arith.constant 0 : i32
    %c0_i32_1 = arith.constant 0 : i32
    return %c0_i32, %c0_i32_0 : i32, i32
  }
  func.func @transform_7(%arg0: i32) -> (i32, i32) {
    %c0_i32 = arith.constant 0 : i32
    %c0_i32_0 = arith.constant 0 : i32
    %c0_i32_1 = arith.constant 0 : i32
    return %c0_i32, %c0_i32_0 : i32, i32
  }
  func.func @transform_8(%arg0: i32) -> (i32, i32) {
    %c0_i32 = arith.constant 0 : i32
    %c0_i32_0 = arith.constant 0 : i32
    return %arg0, %c0_i32 : i32, i32
  }
}

module attributes {stable_mosaic.version = 14 : i64} {
  func.func @_final_body(%arg0: i32, %arg1: memref<2x2000x128xf32, #tpu.memory_space<vmem>>, %arg2: memref<2000x128xf32, #tpu.memory_space<vmem>>, %arg3: memref<2000x128xf32, #tpu.memory_space<vmem>>, %arg4: memref<128x128xf32, #tpu.memory_space<vmem>>, %arg5: memref<1x128xf32, #tpu.memory_space<vmem>>, %arg6: memref<128x128xf32, #tpu.memory_space<vmem>>, %arg7: memref<1x128xf32, #tpu.memory_space<vmem>>, %arg8: memref<1x128xf32, #tpu.memory_space<vmem>>, %arg9: memref<256x128xf32, #tpu.memory_space<vmem>>, %arg10: memref<1x128xf32, #tpu.memory_space<vmem>>, %arg11: memref<128x2xf32, #tpu.memory_space<vmem>>, %arg12: memref<1x2xf32, #tpu.memory_space<vmem>>, %arg13: memref<1x2xf32, #tpu.memory_space<vmem>>, %arg14: memref<1x128xf32, #tpu.memory_space<vmem>>, %arg15: memref<1x128xf32, #tpu.memory_space<vmem>>) attributes {dimension_semantics = [#tpu.dimension_semantics<arbitrary>], iteration_bounds = array<i64: 5>, scalar_prefetch = 0 : i64, scratch_operands = 2 : i64, tpu.core_type = #tpu.core_type<tc>, window_params = [{transform_indices = @transform_0, window_bounds = array<i64: 2, 2000, 128>}, {transform_indices = @transform_1, window_bounds = array<i64: 2000, 128>}, {transform_indices = @transform_2, window_bounds = array<i64: 2000, 128>}, {pipeline_mode = #tpu.pipeline_mode<synchronous>, transform_indices = @transform_3, window_bounds = array<i64: 128, 128>}, {pipeline_mode = #tpu.pipeline_mode<synchronous>, transform_indices = @transform_4, window_bounds = array<i64: 1, 128>}, {pipeline_mode = #tpu.pipeline_mode<synchronous>, transform_indices = @transform_5, window_bounds = array<i64: 128, 128>}, {pipeline_mode = #tpu.pipeline_mode<synchronous>, transform_indices = @transform_6, window_bounds = array<i64: 1, 128>}, {pipeline_mode = #tpu.pipeline_mode<synchronous>, transform_indices = @transform_7, window_bounds = array<i64: 1, 128>}, {pipeline_mode = #tpu.pipeline_mode<synchronous>, transform_indices = @transform_8, window_bounds = array<i64: 256, 128>}, {pipeline_mode = #tpu.pipeline_mode<synchronous>, transform_indices = @transform_9, window_bounds = array<i64: 1, 128>}, {pipeline_mode = #tpu.pipeline_mode<synchronous>, transform_indices = @transform_10, window_bounds = array<i64: 128, 2>}, {pipeline_mode = #tpu.pipeline_mode<synchronous>, transform_indices = @transform_11, window_bounds = array<i64: 1, 2>}, {pipeline_mode = #tpu.pipeline_mode<synchronous>, transform_indices = @transform_12, window_bounds = array<i64: 1, 2>}]} {
    %get3A = arith.constant 0 : index
    %get3A_0 = arith.constant 0 : index
    %get3A_1 = arith.constant 0 : index
    %get3A_2 = vector.load %arg1[%get3A, %get3A_0, %get3A_1] : memref<2x2000x128xf32, #tpu.memory_space<vmem>>, vector<1x2000x128xf32>
    %get3A_3 = vector.shape_cast %get3A_2 : vector<1x2000x128xf32> to vector<2000x128xf32>
    %get3A_4 = arith.constant 1 : index
    %get3A_5 = arith.constant 0 : index
    %get3A_6 = arith.constant 0 : index
    %get3A_7 = vector.load %arg1[%get3A_4, %get3A_5, %get3A_6] : memref<2x2000x128xf32, #tpu.memory_space<vmem>>, vector<1x2000x128xf32>
    %get3A_8 = vector.shape_cast %get3A_7 : vector<1x2000x128xf32> to vector<2000x128xf32>
    %add3A = arith.addf %get3A_3, %get3A_8 : vector<2000x128xf32>
    %get3A_9 = arith.constant 0 : index
    %get3A_10 = arith.constant 0 : index
    %get3A_11 = vector.load %arg2[%get3A_9, %get3A_10] : memref<2000x128xf32, #tpu.memory_space<vmem>>, vector<2000x128xf32>
    %div3A = arith.divf %add3A, %get3A_11 : vector<2000x128xf32>
    %get3A_12 = arith.constant 0 : index
    %get3A_13 = arith.constant 0 : index
    %get3A_14 = vector.load %arg4[%get3A_12, %get3A_13] : memref<128x128xf32, #tpu.memory_space<vmem>>, vector<128x128xf32>
    %dot_general3A = arith.constant dense<0.000000e+00> : vector<2000x128xf32>
    %dot_general3A_15 = tpu.matmul %div3A, %get3A_14, %dot_general3A {dimension_numbers = #tpu.dot_dimension_numbers<[1], [0], [0], [1], [0, 0, 1, 1], [], []>, transpose_lhs_hint = false} : vector<2000x128xf32>, vector<128x128xf32>, vector<2000x128xf32> -> vector<2000x128xf32>
    %get3A_16 = arith.constant 0 : index
    %get3A_17 = arith.constant 0 : index
    %get3A_18 = vector.load %arg3[%get3A_16, %get3A_17] : memref<2000x128xf32, #tpu.memory_space<vmem>>, vector<2000x128xf32>
    %get3A_19 = arith.constant 0 : index
    %get3A_20 = arith.constant 0 : index
    %get3A_21 = vector.load %arg6[%get3A_19, %get3A_20] : memref<128x128xf32, #tpu.memory_space<vmem>>, vector<128x128xf32>
    %dot_general3A_22 = arith.constant dense<0.000000e+00> : vector<2000x128xf32>
    %dot_general3A_23 = tpu.matmul %get3A_18, %get3A_21, %dot_general3A_22 {dimension_numbers = #tpu.dot_dimension_numbers<[1], [0], [0], [1], [0, 0, 1, 1], [], []>, transpose_lhs_hint = false} : vector<2000x128xf32>, vector<128x128xf32>, vector<2000x128xf32> -> vector<2000x128xf32>
    %add3A_24 = arith.addf %dot_general3A_15, %dot_general3A_23 : vector<2000x128xf32>
    %get3A_25 = arith.constant 0 : index
    %get3A_26 = arith.constant 0 : index
    %get3A_27 = vector.load %arg5[%get3A_25, %get3A_26] : memref<1x128xf32, #tpu.memory_space<vmem>>, vector<1x128xf32>
    %add3A_28 = vector.broadcast %get3A_27 : vector<1x128xf32> to vector<2000x128xf32>
    %add3A_29 = arith.addf %add3A_24, %add3A_28 : vector<2000x128xf32>
    %get3A_30 = arith.constant 0 : index
    %get3A_31 = arith.constant 0 : index
    %get3A_32 = vector.load %arg7[%get3A_30, %get3A_31] : memref<1x128xf32, #tpu.memory_space<vmem>>, vector<1x128xf32>
    %mul3A = vector.broadcast %get3A_32 : vector<1x128xf32> to vector<2000x128xf32>
    %mul3A_33 = arith.mulf %add3A_29, %mul3A : vector<2000x128xf32>
    %get3A_34 = arith.constant 0 : index
    %get3A_35 = arith.constant 0 : index
    %get3A_36 = vector.load %arg8[%get3A_34, %get3A_35] : memref<1x128xf32, #tpu.memory_space<vmem>>, vector<1x128xf32>
    %add3A_37 = vector.broadcast %get3A_36 : vector<1x128xf32> to vector<2000x128xf32>
    %add3A_38 = arith.addf %mul3A_33, %add3A_37 : vector<2000x128xf32>
    %max3A = arith.constant 0.000000e+00 : f32
    %max3A_39 = vector.broadcast %max3A : f32 to vector<2000x128xf32>
    %max3A_40 = arith.maximumf %add3A_38, %max3A_39 : vector<2000x128xf32>
    %reduce_sum3A = arith.constant dense<0.000000e+00> : vector<128xf32>
    %reduce_sum3A_41 = vector.multi_reduction <add>, %max3A_40, %reduce_sum3A [0] : vector<2000x128xf32> to vector<128xf32>
    %broadcast_in_dim3A = vector.shape_cast %reduce_sum3A_41 : vector<128xf32> to vector<1x128xf32>
    %reduce_max3A = arith.constant dense<0xFF800000> : vector<128xf32>
    %reduce_max3A_42 = vector.multi_reduction <maximumf>, %max3A_40, %reduce_max3A [0] : vector<2000x128xf32> to vector<128xf32>
    %broadcast_in_dim3A_43 = vector.shape_cast %reduce_max3A_42 : vector<128xf32> to vector<1x128xf32>
    %eq3A = arith.constant 0 : i32
    %eq3A_44 = arith.cmpi eq, %arg0, %eq3A : i32
    %convert_element_type3A = arith.extui %eq3A_44 : i1 to i32
    %cond3A = arith.constant 0 : i32
    %cond3A_45 = arith.cmpi ne, %convert_element_type3A, %cond3A : i32
    scf.if %cond3A_45 {
      %swap3A = arith.constant 0 : index
      %swap3A_55 = arith.constant 0 : index
      %swap3A_56 = vector.load %arg14[%swap3A, %swap3A_55] : memref<1x128xf32, #tpu.memory_space<vmem>>, vector<1x128xf32>
      tpu.vector_store %arg14[%swap3A, %swap3A_55], %broadcast_in_dim3A {strides = array<i32>} : memref<1x128xf32, #tpu.memory_space<vmem>>, vector<1x128xf32>,
      %swap3A_57 = arith.constant 0 : index
      %swap3A_58 = arith.constant 0 : index
      %swap3A_59 = vector.load %arg15[%swap3A_57, %swap3A_58] : memref<1x128xf32, #tpu.memory_space<vmem>>, vector<1x128xf32>
      tpu.vector_store %arg15[%swap3A_57, %swap3A_58], %broadcast_in_dim3A_43 {strides = array<i32>} : memref<1x128xf32, #tpu.memory_space<vmem>>, vector<1x128xf32>,
    } else {
    }
    %gt3A = arith.constant 0 : i32
    %gt3A_46 = arith.cmpi sgt, %arg0, %gt3A : i32
    %convert_element_type3A_47 = arith.extui %gt3A_46 : i1 to i32
    %cond3A_48 = arith.constant 0 : i32
    %cond3A_49 = arith.cmpi ne, %convert_element_type3A_47, %cond3A_48 : i32
    scf.if %cond3A_49 {
      %get3A_55 = arith.constant 0 : index
      %get3A_56 = arith.constant 0 : index
      %get3A_57 = vector.load %arg14[%get3A_55, %get3A_56] : memref<1x128xf32, #tpu.memory_space<vmem>>, vector<1x128xf32>
      %add3A_58 = arith.addf %get3A_57, %broadcast_in_dim3A : vector<1x128xf32>
      %swap3A = arith.constant 0 : index
      %swap3A_59 = arith.constant 0 : index
      %swap3A_60 = vector.load %arg14[%swap3A, %swap3A_59] : memref<1x128xf32, #tpu.memory_space<vmem>>, vector<1x128xf32>
      tpu.vector_store %arg14[%swap3A, %swap3A_59], %add3A_58 {strides = array<i32>} : memref<1x128xf32, #tpu.memory_space<vmem>>, vector<1x128xf32>,
      %get3A_61 = arith.constant 0 : index
      %get3A_62 = arith.constant 0 : index
      %get3A_63 = vector.load %arg15[%get3A_61, %get3A_62] : memref<1x128xf32, #tpu.memory_space<vmem>>, vector<1x128xf32>
      %max3A_64 = arith.maximumf %get3A_63, %broadcast_in_dim3A_43 : vector<1x128xf32>
      %swap3A_65 = arith.constant 0 : index
      %swap3A_66 = arith.constant 0 : index
      %swap3A_67 = vector.load %arg15[%swap3A_65, %swap3A_66] : memref<1x128xf32, #tpu.memory_space<vmem>>, vector<1x128xf32>
      tpu.vector_store %arg15[%swap3A_65, %swap3A_66], %max3A_64 {strides = array<i32>} : memref<1x128xf32, #tpu.memory_space<vmem>>, vector<1x128xf32>,
    } else {
    }
    %eq3A_50 = arith.constant 4 : i32
    %eq3A_51 = arith.cmpi eq, %arg0, %eq3A_50 : i32
    %convert_element_type3A_52 = arith.extui %eq3A_51 : i1 to i32
    %cond3A_53 = arith.constant 0 : i32
    %cond3A_54 = arith.cmpi ne, %convert_element_type3A_52, %cond3A_53 : i32
    scf.if %cond3A_54 {
      %get3A_55 = arith.constant 0 : index
      %get3A_56 = arith.constant 0 : index
      %get3A_57 = vector.load %arg14[%get3A_55, %get3A_56] : memref<1x128xf32, #tpu.memory_space<vmem>>, vector<1x128xf32>
      %mul3A_58 = arith.constant 9.99999974E-5 : f32
      %mul3A_59 = vector.broadcast %mul3A_58 : f32 to vector<1x128xf32>
      %mul3A_60 = arith.mulf %get3A_57, %mul3A_59 : vector<1x128xf32>
      %get3A_61 = arith.constant 0 : index
      %get3A_62 = arith.constant 0 : index
      %get3A_63 = vector.load %arg15[%get3A_61, %get3A_62] : memref<1x128xf32, #tpu.memory_space<vmem>>, vector<1x128xf32>
      %concatenate3A = tpu.concatenate %mul3A_60, %get3A_63 in 1 : vector<1x128xf32>, vector<1x128xf32> -> vector<1x256xf32>
      %get3A_64 = arith.constant 0 : index
      %get3A_65 = arith.constant 0 : index
      %get3A_66 = vector.load %arg9[%get3A_64, %get3A_65] : memref<256x128xf32, #tpu.memory_space<vmem>>, vector<256x128xf32>
      %dot_general3A_67 = arith.constant dense<0.000000e+00> : vector<1x128xf32>
      %dot_general3A_68 = tpu.matmul %concatenate3A, %get3A_66, %dot_general3A_67 {dimension_numbers = #tpu.dot_dimension_numbers<[1], [0], [0], [1], [0, 0, 1, 1], [], []>, transpose_lhs_hint = false} : vector<1x256xf32>, vector<256x128xf32>, vector<1x128xf32> -> vector<1x128xf32>
      %get3A_69 = arith.constant 0 : index
      %get3A_70 = arith.constant 0 : index
      %get3A_71 = vector.load %arg10[%get3A_69, %get3A_70] : memref<1x128xf32, #tpu.memory_space<vmem>>, vector<1x128xf32>
      %add3A_72 = arith.addf %dot_general3A_68, %get3A_71 : vector<1x128xf32>
      %max3A_73 = arith.constant 0.000000e+00 : f32
      %max3A_74 = vector.broadcast %max3A_73 : f32 to vector<1x128xf32>
      %max3A_75 = arith.maximumf %add3A_72, %max3A_74 : vector<1x128xf32>
      %get3A_76 = arith.constant 0 : index
      %get3A_77 = arith.constant 0 : index
      %get3A_78 = vector.load %arg11[%get3A_76, %get3A_77] : memref<128x2xf32, #tpu.memory_space<vmem>>, vector<128x2xf32>
      %dot_general3A_79 = arith.constant dense<0.000000e+00> : vector<1x2xf32>
      %dot_general3A_80 = tpu.matmul %max3A_75, %get3A_78, %dot_general3A_79 {dimension_numbers = #tpu.dot_dimension_numbers<[1], [0], [0], [1], [0, 0, 1, 1], [], []>, transpose_lhs_hint = false} : vector<1x128xf32>, vector<128x2xf32>, vector<1x2xf32> -> vector<1x2xf32>
      %get3A_81 = arith.constant 0 : index
      %get3A_82 = arith.constant 0 : index
      %get3A_83 = vector.load %arg12[%get3A_81, %get3A_82] : memref<1x2xf32, #tpu.memory_space<vmem>>, vector<1x2xf32>
      %add3A_84 = arith.addf %dot_general3A_80, %get3A_83 : vector<1x2xf32>
      %swap3A = arith.constant 0 : index
      %swap3A_85 = arith.constant 0 : index
      %swap3A_86 = vector.load %arg13[%swap3A, %swap3A_85] : memref<1x2xf32, #tpu.memory_space<vmem>>, vector<1x2xf32>
      tpu.vector_store %arg13[%swap3A, %swap3A_85], %add3A_84 {strides = array<i32>} : memref<1x2xf32, #tpu.memory_space<vmem>>, vector<1x2xf32>,
    } else {
    }
    return
  }
  func.func @transform_0(%arg0: i32) -> (i32, i32, i32) {
    %c0_i32 = arith.constant 0 : i32
    %c0_i32_0 = arith.constant 0 : i32
    %c0_i32_1 = arith.constant 0 : i32
    return %c0_i32, %arg0, %c0_i32_0 : i32, i32, i32
  }
  func.func @transform_1(%arg0: i32) -> (i32, i32) {
    %c0_i32 = arith.constant 0 : i32
    %c0_i32_0 = arith.constant 0 : i32
    return %arg0, %c0_i32 : i32, i32
  }
  func.func @transform_2(%arg0: i32) -> (i32, i32) {
    %c0_i32 = arith.constant 0 : i32
    %c0_i32_0 = arith.constant 0 : i32
    return %arg0, %c0_i32 : i32, i32
  }
  func.func @transform_3(%arg0: i32) -> (i32, i32) {
    %c0_i32 = arith.constant 0 : i32
    %c0_i32_0 = arith.constant 0 : i32
    %c0_i32_1 = arith.constant 0 : i32
    return %c0_i32, %c0_i32_0 : i32, i32
  }
  func.func @transform_4(%arg0: i32) -> (i32, i32) {
    %c0_i32 = arith.constant 0 : i32
    %c0_i32_0 = arith.constant 0 : i32
    %c0_i32_1 = arith.constant 0 : i32
    return %c0_i32, %c0_i32_0 : i32, i32
  }
  func.func @transform_5(%arg0: i32) -> (i32, i32) {
    %c0_i32 = arith.constant 0 : i32
    %c0_i32_0 = arith.constant 0 : i32
    %c0_i32_1 = arith.constant 0 : i32
    return %c0_i32, %c0_i32_0 : i32, i32
  }
  func.func @transform_6(%arg0: i32) -> (i32, i32) {
    %c0_i32 = arith.constant 0 : i32
    %c0_i32_0 = arith.constant 0 : i32
    %c0_i32_1 = arith.constant 0 : i32
    return %c0_i32, %c0_i32_0 : i32, i32
  }
  func.func @transform_7(%arg0: i32) -> (i32, i32) {
    %c0_i32 = arith.constant 0 : i32
    %c0_i32_0 = arith.constant 0 : i32
    %c0_i32_1 = arith.constant 0 : i32
    return %c0_i32, %c0_i32_0 : i32, i32
  }
  func.func @transform_8(%arg0: i32) -> (i32, i32) {
    %c0_i32 = arith.constant 0 : i32
    %c0_i32_0 = arith.constant 0 : i32
    %c0_i32_1 = arith.constant 0 : i32
    return %c0_i32, %c0_i32_0 : i32, i32
  }
  func.func @transform_9(%arg0: i32) -> (i32, i32) {
    %c0_i32 = arith.constant 0 : i32
    %c0_i32_0 = arith.constant 0 : i32
    %c0_i32_1 = arith.constant 0 : i32
    return %c0_i32, %c0_i32_0 : i32, i32
  }
  func.func @transform_10(%arg0: i32) -> (i32, i32) {
    %c0_i32 = arith.constant 0 : i32
    %c0_i32_0 = arith.constant 0 : i32
    %c0_i32_1 = arith.constant 0 : i32
    return %c0_i32, %c0_i32_0 : i32, i32
  }
  func.func @transform_11(%arg0: i32) -> (i32, i32) {
    %c0_i32 = arith.constant 0 : i32
    %c0_i32_0 = arith.constant 0 : i32
    %c0_i32_1 = arith.constant 0 : i32
    return %c0_i32, %c0_i32_0 : i32, i32
  }
  func.func @transform_12(%arg0: i32) -> (i32, i32) {
    %c0_i32 = arith.constant 0 : i32
    %c0_i32_0 = arith.constant 0 : i32
    %c0_i32_1 = arith.constant 0 : i32
    return %c0_i32, %c0_i32_0 : i32, i32
  }
}

</mosaic_0001>

<sc_bundles>
// kernel: kernel.11.cloned.1.call-start
scs
__scs_entry_jumppad:
0x0: {  	(pc) =	sbr.rel $0x88, $3  }
0x1: {  	(tag) =	ssettag $0x0;
	lr =	simm.s32 $0x1  }
0x2: {  	[smem:$0x3F8A] =	sst lr;
	_ =	strace $0xD0000000  }
0x3: {  	_ = 	snop  }
0x4: {  	_ = 	snop  }
0x5: {  	_ = 	snop  }
0x6: {  	_ = 	snop  }
0x7: {  	_ = 	snop  }
__scs_overlays_trampoline_lowered:
0x8: {  	[smem:$0x3F99] =	sst s0  }
0x9: {  	[smem:$0x3F9A] =	sst s1  }
0xa: {  	[smem:$0x3F9B] =	sst s2  }
0xb: {  	[smem:$0x3F9C] =	sst s3  }
0xc: {  	[smem:$0x3F9D] =	sst s4  }
0xd: {  	[smem:$0x3F9E] =	sst s5  }
0xe: {  	[smem:$0x3F9F] =	sst s6  }
0xf: {  	[smem:$0x3FA0] =	sst s7  }
0x10: {  	[smem:$0x3FA1] =	sst s8  }
0x11: {  	[smem:$0x3FA2] =	sst s9;
	s0 =	simm.s32 @!p0 $0x0  }
0x12: {  	s1 =	sld [smem:$0x3F88];
	s0 =	simm.s32 @p0 $0x1  }
0x13: {  	[smem:$0x3FA3] =	sst s0;
	s0 =	simm.s32 @!p1 $0x0  }
0x14: {  	s2 =	sld [smem:$0x3F87];
	s0 =	simm.s32 @p1 $0x1  }
0x15: {  	[smem:$0x3FA4] =	sst s0;
	s0 =	simm.s32 @!p2 $0x0  }
0x16: {  	s3 =	sld [smem:$0x3FDB];
	s0 =	simm.s32 @p2 $0x1  }
0x17: {  	s4 =	simm.s32 $0x1BF5;
	[smem:$0x3FA6] =	sst s0  }
0x18: {  	s0 =	sld [smem:$0x3F89];
	_ =	swait.ge [sflag:s4], $0x0  }
0x19: {  	s7 =	sld [smem:$0x3F8A]  }
0x1a: {  	s8 =	sadd.s32 $0xFFFFE003, lr  }
0x1b: {  	s9 =	sadd.s32 $0xFFFFFEF7, lr;
	s5 =	simm.s32 $0xFFFFFFFF;
	p2 =	slt.u32 s8, $0xFFFFF086  }
0x1c: {  	p1 =	slt.u32 s9, $0xF7A;
	s5 =	simm.s32 @!p2 $0x0  }
0x1d: {  	s5 =	simm.s32 @p1 $0x1;
	p0 =	seq.s32 s7, s2  }
0x1e: {  	s7 =	smul.u32 @!p0 $0xF7A, s2;
	p2 =	seq.s32 @!p0 s5, $0x0  }
0x1f: {  	s9 =	smul.u32 $0xF7A, s1;
	s8 =	simm.s32 @!p0 $0x1BF5;
	p2 =	por !p2, p0  }
0x20: {  	[sflag:s8] =	ssyncset.s32 @!p0 $0xFFFFF086;
	s6 =	sadd.s32 @!p0 s3, s7;
	s7 =	simm.s32 @!p0 $0x108  }
0x21: {  	s3 =	sadd.s32 s3, s9;
	s6 =	sadd.s32 @!p0 $0x88, s6;
	s7 =	simm.s32 @p2 $0x1082  }
0x22: {  	[simem:s7], [sflag:s8] =	dma.local @!p0 [hbm:s6], $0xF7A  }
0x23: {  	s9 =	sor.u32 $0xD0000000, s2;
	s6 =	simm.s32 $0x108;
	_ =	swait.ge @!p0 [sflag:s8], $0x0  }
0x24: {  	s3 =	sadd.s32 $0x88, s3;
	s6 =	simm.s32 @!p1 $0x1082;
	[sflag:s4] =	ssyncset.s32 $0xFFFFF086  }
0x25: {  	[simem:s6], [sflag:s4] =	dma.local [hbm:s3], $0xF7A  }
0x26: {  	[smem:$0x3F8A] =	sst s1;
	(tag) =	ssettag s2;
	_ =	strace s9  }
0x27: {  	s1 =	sld [smem:$0x3F9A]  }
0x28: {  	s2 =	sld [smem:$0x3F9B]  }
0x29: {  	s4 =	sld [smem:$0x3F9D]  }
0x2a: {  	p0 =	seq.s32 s5, $0x0;
	s5 =	sld [smem:$0x3F9E]  }
0x2b: {  	s6 =	sld [smem:$0x3F9F]  }
0x2c: {  	s7 =	sld [smem:$0x3FA0]  }
0x2d: {  	s3 =	simm.s32 $0x108;
	s8 =	sld [smem:$0x3FA1]  }
0x2e: {  	s3 =	simm.s32 @!p0 $0x1082;
	s9 =	sld [smem:$0x3FA2]  }
0x2f: {  	lr =	sadd.s32 s0, s3;
	s0 =	sld [smem:$0x3F99]  }
0x30: {  	s3 =	sld [smem:$0x3F9C]  }
0x31: {  	[smem:$0x3FA5] =	sst s10  }
0x32: {  	s10 =	sld [smem:$0x3FA3];
	_ =	sdelay $0x3  }
0x33: {  	p0 =	seq.s32 s10, $0x1;
	s10 =	sld [smem:$0x3FA5];
	_ =	sdelay $0x3  }
0x34: {  	[smem:$0x3FA5] =	sst s10  }
0x35: {  	s10 =	sld [smem:$0x3FA4];
	_ =	sdelay $0x3  }
0x36: {  	p1 =	seq.s32 s10, $0x1;
	s10 =	sld [smem:$0x3FA5];
	_ =	sdelay $0x3  }
0x37: {  	[smem:$0x3FA5] =	sst s10  }
0x38: {  	s10 =	sld [smem:$0x3FA6]  }
0x39: {  	_ = 	snop;
	(pc) =	sbr.ind lr, $3  }
0x3a: {  	_ = 	snop  }
0x3b: {  	_ = 	snop  }
0x3c: {  	p2 =	seq.s32 s10, $0x1;
	s10 =	sld [smem:$0x3FA5]  }
0x3d: {  	_ =	shalt  }
0x3e: {  	_ =	shalt  }
0x3f: {  	_ =	shalt  }
0x40: {  	_ =	shalt  }
0x41: {  	_ =	shalt  }
0x42: {  	_ =	shalt  }
0x43: {  	_ =	shalt  }
0x44: {  	_ =	shalt  }
0x45: {  	_ =	shalt  }
0x46: {  	_ =	shalt  }
0x47: {  	_ =	shalt  }
0x48: {  	_ =	shalt  }
0x49: {  	_ =	shalt  }
0x4a: {  	_ =	shalt  }
0x4b: {  	_ =	shalt  }
0x4c: {  	_ =	shalt  }
0x4d: {  	_ =	shalt  }
0x4e: {  	_ =	shalt  }
0x4f: {  	_ =	shalt  }
0x50: {  	_ =	shalt  }
0x51: {  	_ =	shalt  }
0x52: {  	_ =	shalt  }
0x53: {  	_ =	shalt  }
0x54: {  	_ =	shalt  }
0x55: {  	_ =	shalt  }
0x56: {  	_ =	shalt  }
0x57: {  	_ =	shalt  }
0x58: {  	_ =	shalt  }
0x59: {  	_ =	shalt  }
0x5a: {  	_ =	shalt  }
0x5b: {  	_ =	shalt  }
0x5c: {  	_ =	shalt  }
0x5d: {  	_ =	shalt  }
0x5e: {  	_ =	shalt  }
0x5f: {  	_ =	shalt  }
0x60: {  	_ =	shalt  }
0x61: {  	_ =	shalt  }
0x62: {  	_ =	shalt  }
0x63: {  	_ =	shalt  }
0x64: {  	_ =	shalt  }
0x65: {  	_ =	shalt  }
0x66: {  	_ =	shalt  }
0x67: {  	_ =	shalt  }
0x68: {  	_ =	shalt  }
0x69: {  	_ =	shalt  }
0x6a: {  	_ =	shalt  }
0x6b: {  	_ =	shalt  }
0x6c: {  	_ =	shalt  }
0x6d: {  	_ =	shalt  }
0x6e: {  	_ =	shalt  }
0x6f: {  	_ =	shalt  }
0x70: {  	_ =	shalt  }
0x71: {  	_ =	shalt  }
0x72: {  	_ =	shalt  }
0x73: {  	_ =	shalt  }
0x74: {  	_ =	shalt  }
0x75: {  	_ =	shalt  }
0x76: {  	_ =	shalt  }
0x77: {  	_ =	shalt  }
0x78: {  	_ =	shalt  }
0x79: {  	_ =	shalt  }
0x7a: {  	_ =	shalt  }
0x7b: {  	_ =	shalt  }
0x7c: {  	_ =	shalt  }
0x7d: {  	_ =	shalt  }
0x7e: {  	_ =	shalt  }
0x7f: {  	_ =	shalt  }
0x80: {  	_ =	shalt  }
0x81: {  	_ =	shalt  }
0x82: {  	_ =	shalt  }
0x83: {  	_ =	shalt  }
0x84: {  	_ =	shalt  }
0x85: {  	_ =	shalt  }
0x86: {  	_ =	shalt  }
0x87: {  	_ =	shalt  }
.Lfunc_end0:
.L_simem_size_0:
called_computation_lowered:
.L_overlay_start_0:
0x88: {  	s2 =	sld [smem:$0x3FD9]  }
0x89: {  	s3 =	sld [smem:$0x3FFE];
	_ =	sdelay $0x1  }
0x8a: {  	s1 =	srdreg.scid  }
0x8b: {  	s0 =	sand.u32 $0x1, s1  }
0x8c: {  	s16 =	sshll.u32 s0, $0xA;
	s2 =	sadd.s32 s3, s2  }
0x8d: {  	s2 =	sadd.s32 s2, s16  }
0x8e: {  	[smem:$0x3FB1] =	sst s2  }
0x8f: {  	_ = 	snop  }
0x90: {  	(tm) =	ssettm $0x1  }
0x91: {  	s17 =	sld [smem:$0x3FFB];
	_ =	sdelay $0x3  }
0x92: {  	_ =	strace s17  }
0x93: {  	s2 =	sld [smem:$0x3FFC];
	_ =	sdelay $0x3  }
0x94: {  	_ =	strace s2  }
0x95: {  	s2 =	sld [smem:$0x3FFD];
	_ =	sdelay $0x3  }
0x96: {  	_ =	strace s2  }
0x97: {  	_ =	strace $0x8FFFFFFF  }
0x98: {  	s18 =	sld [smem:$0x3FDB];
	_ =	sdelay $0x1  }
0x99: {  	s19 =	simm.s32 $_scs_section_size  }
0x9a: {  	s4 =	simm.s32 $_size__tile_overlayer_lowered;
	s5 =	simm.s32 $_tile_overlayer_lowered  }
0x9b: {  	s22 =	simm.s32 $0x1BFF;
	s21 =	sshll.u32 s5, $0x1;
	s2 =	sadd.s32 s19, s18  }
0x9c: {  	s6 =	simm.s32 $0x0;
	s20 =	sshll.u32 s4, $0x1;
	s4 =	sadd.s32 s21, s2  }
0x9d: {  	[timem:s6], [sflag:s22] =	dma.local [hbm:s4], s20  }
0x9e: {  	_ =	swait.ge [sflag:s22], s20  }
0x9f: {  	s3 =	ssub.s32 $0x0, s20;
	[sflag:s22] =	ssyncset.done $0x0  }
0xa0: {  	[sflag:s22] =	ssyncadd.s32 s3;
	_ =	sdelay $0x1  }
0xa1: {  	s23 =	simm.s32 $0x1B8B  }
0xa2: {  	_ =	swait.ge [sflag:s23], $0x1  }
0xa3: {  	[sflag:s23] =	ssyncset.done $0x0  }
0xa4: {  	s25 =	simm.s32 $0x1B8E;
	s24 =	sld [smem:$0x3FFE];
	[sflag:s23] =	ssyncadd.s32 $0xFFFFFFFF  }
0xa5: {  	s26 =	simm.s32 $execute0_lowered;
	[smem:$0x3FD2] =	sst s25  }
0xa6: {  	s4 =	sshll.u32 s26, $0x1;
	_ =	strace $0x80000046;
	[dreg:$0x1] =	wrdreg $0xFFFFFFFF  }
0xa7: {  	s28 =	simm.s32 $_size_execute0_lowered;
	s2 =	sadd.s32 s2, s4;
	[dreg:$0x0] =	wrdreg $0x0  }
0xa8: {  	s4 =	sshll.u32 s28, $0x1;
	[dreg:$0x2] =	wrdreg s2  }
0xa9: {  	[dreg:$0x3] =	wrdreg s4  }
0xaa: {  	[dreg:$0x4] =	wrdreg $0xC0  }
0xab: {  	_ =	task [dreg:s6], $0x5FFFF  }
0xac: {  	[dreg:$0x1] =	wrdreg $0xFFFFFFFF  }
0xad: {  	[dreg:$0x0] =	wrdreg $0x60  }
0xae: {  	[dreg:$0x2] =	wrdreg s24  }
0xaf: {  	[dreg:$0x3] =	wrdreg $0x68000  }
0xb0: {  	[dreg:$0x4] =	wrdreg $0x9  }
0xb1: {  	_ =	task.clear_ibuf [dreg:s6], $0x5FFFF;
	_ =	strace $0x90000046  }
0xb2: {  	s29 =	simm.s32 $0x9;
	_ =	strace $0x80000048  }
0xb3: {  	_ =	swait.ge [sflag:s29], $0x1  }
0xb4: {  	[sflag:s29] =	ssyncadd.s32 $0xFFFFFFFF  }
0xb5: {  	_ =	strace $0x90000048  }
0xb6: {  	_ =	sfence  }
0xb7: {  	s30 =	sld [smem:$0x0];
	_ =	sdelay $0x2  }
0xb8: {  	s31 =	sshll.u32 s1, $0xD;
	s1 =	sshrl.u32 s1, $0x2  }
0xb9: {  	s3 =	sand.u32 $0x4000, s31;
	s1 =	sadd.s32 s1, s30  }
0xba: {  	s0 =	sor.u32 s3, s0;
	s1 =	sshll.u32 s1, $0x11  }
0xbb: {  	s0 =	sor.u32 s1, s0  }
0xbc: {  	s0 =	sadd.s32 $0x8F2B, s0  }
0xbd: {  	[sflag:s0] =	ssyncadd.remote.s32 $0x1  }
0xbe: {  	_ =	sfence.sel $0xFFFF  }
0xbf: {  	[dreg:$0x0] =	wrdreg $0xFFFFFFFF;
	(pc) =	sbr.abs _section_cstart, $3  }
0xc0: {  	[dreg:$0x1] =	wrdreg $0xFFFFFFFF  }
0xc1: {  	_ =	task.clear_ibuf [dreg:s6], $0x2FFFF;
	_ =	strace $0x9FFFFFFF  }
0xc2: {  	(tm) =	ssettm $0x7FFFFFFF  }
0xc3: {  	_ =	shalt  }
tec
execute0_lowered:
.L_overlay_start_1:
0x0: {  	(tag) =	ssettag $0x1  }
0x1: {  	s1 =	srdreg.scid;
	s6 =	rddreg [dreg:$0x0]  }
0x2: {  	s0 =	stileid.u32;
	s2 =	rddreg [dreg:$0x1];
	s3 =	simm.s32 $0x0  }
0x3: {  	s11 =	simm.s32 $0x80;
	s12 =	simm.s32 $0x2800;
	s13 =	simm.s32 $0x0  }
0x4: {  	s5 =	sand.u32 $0x1, s1;
	s28 =	sshll.u32 s0, $0x1;
	s8 =	smul.u32 $0x14000, s0  }
0x5: {  	[smem:$0x7FF] =	sst s3;
	s29 =	smul.u32 $0x50000, s0;
	s31 =	sshll.u32 s0, $0x6  }
0x6: {  	s1 =	sor.u32 s5, s28;
	s7 =	smul.u32 $0x140000, s5;
	s5 =	ssub.s32 $0x2, s5  }
0x7: {  	s4 =	smul.u32 $0x500, s1;
	s1 =	rddreg [dreg:$0x2];
	_ =	strace $0x80000047  }
0x8: {  	s30 =	sshrl.u32 s5, $0x1;
	s7 =	sadd.s32 s8, s7;
	s8 =	sshrl.u32 s29, $0x2  }
0x9: {  	s9 =	sadd.s32 s4, s6;
	s4 =	sadd.s32 $0x19200, s6;
	s7 =	sshrl.u32 s7, $0x3  }
0xa: {  	s10 =	sadd.s32 s8, s2;
	s8 =	simm.s32 $0x1;
	s6 =	sadd.s32 s7, s6  }
0xb: {  	s7 =	ssub.s32 s5, s30;
	s5 =	sadd.s32 $0x5200, s9;
	s9 =	sor.u32 $0x1C01, s31  }
0xc: {  	v0 =	vimm.f32 $1.000000000e+00;
	s10 =	sshrl.u32 s10, $0x3;
	s6 =	sadd.s32 $0x1BA00, s6;
	s7 =	smax.u32 s7, $0x1  }
.LBB2_1:
0xd: {  	[tilespmem:s3], [sflag:$0x1] =	stream.linear.gather [hbm4b:s5+s3], $0x2800, $0x38;
	[tilespmem:$0x1A800] =	vst v63  }
0xe: {  	s14 =	sand.u32 $0xFE00, s3;
	s15 =	sand.u32 $0x70, s3;
	_ =	swait.ge [sflag:s8], $0x2800  }
0xf: {  	s16 =	sshrl.u32 s14, $0x2;
	s14 =	simm.s32 $0x40;
	[sflag:s8] =	ssyncset.done $0x0  }
0x10: {  	s16 =	sor.u32 s15, s16;
	s15 =	simm.s32 $0x0;
	[sflag:s8] =	ssyncadd.s32 $0xFFFFD800  }
.LBB2_2:
0x11: {  	p0 =	sne.s32 s14, $0xFFC0  }
0x12: {  	[tilespmem:s16+$0x2800] =	vst v0;
	s15 =	sadd.s32 $0x10, s15;
	s16 =	smov.u32 s14;
	s14 =	sadd.s32 $0x40, s14  }
.Ltmp0:
0x13: {  	(pc) =	sbr.rel @p0 .LBB2_2-.Ltmp0, $4  }
0x14: {  	_ = 	snop  }
0x15: {  	s16 =	sand.u32 $0xFE00, s16  }
0x16: {  	s17 =	sand.u32 $0x70, s15;
	s16 =	sshrl.u32 s16, $0x2  }
0x17: {  	s16 =	sor.u32 s17, s16  }
0x18: {  	[tilespmem:s16+$0x2800] =	vst v0  }
0x19: {  	[spmem:s10], [sflag:s9] =	dma.local [hbm:s4], $0x2800  }
0x1a: {  	_ =	swait.ge [sflag:s8], $0x2800  }
0x1b: {  	[sflag:s8] =	ssyncset.done $0x0  }
0x1c: {  	[sflag:s8] =	ssyncadd.s32 $0xFFFFD800  }
0x1d: {  	s14 =	simm.s32 $0x0;
	[bflag:$0x0] =	sbarrier.arrive $0xFFFF  }
0x1e: {  	[spmem:s2] =	stream.indirect.scatter.add.f32 [tilespmem:s12], [sflag:$0x1], $0x80, s14, s11, $0xb8;
	[tilespmem:$0x1A800] =	vst v63  }
0x1f: {  	_ =	swait.ge [sflag:s8], $0x4000  }
0x20: {  	s14 =	simm.s32 $0x200;
	[sflag:s8] =	ssyncset.done $0x0  }
.LBB2_4:
0x21: {  	s15 =	sshra.s32 s14, $0x2;
	[sflag:s8] =	ssyncadd.s32 $0xFFFFC000;
	p0 =	sne.s32 s14, $0x9E00  }
0x22: {  	[spmem:s2] =	stream.indirect.scatter.add.f32 [tilespmem:s12], [sflag:$0x1], $0x80, s15, s11, $0xb8;
	[tilespmem:$0x1A800] =	vst v63  }
.Ltmp1:
0x23: {  	_ = 	snop;
	(pc) =	sbr.rel @p0 .LBB2_4-.Ltmp1, $4  }
0x24: {  	_ = 	snop  }
0x25: {  	s14 =	sadd.s32 $0x200, s14  }
0x26: {  	_ =	swait.ge [sflag:s8], $0x4000  }
0x27: {  	[sflag:s8] =	ssyncset.done $0x0  }
0x28: {  	s13 =	sadd.s32 $0x1, s13  }
0x29: {  	[sflag:s8] =	ssyncadd.s32 $0xFFFFC000;
	p0 =	sne.s32 s13, s7  }
.Ltmp2:
0x2a: {  	[bflag:$0x0] =	sbarrier.arrive $0xFFFF;
	(pc) =	sbr.rel @p0 .LBB2_1-.Ltmp2, $4  }
0x2b: {  	[hbm:s6], [sflag:s9] =	dma.local [spmem:s10], $0x2800  }
0x2c: {  	_ =	swait.ge [sflag:s8], $0x2800  }
0x2d: {  	[sflag:s8] =	ssyncset.done $0x0  }
0x2e: {  	[sflag:s8] =	ssyncadd.s32 $0xFFFFD800  }
0x2f: {  	_ =	sfence.sel $0x180000  }
0x30: {  	[bflag:$0x0] =	sbarrier.arrive $0xFFFF  }
0x31: {  	p0 =	sne.s32 s0, $0x0;
	_ =	strace $0x90000047  }
0x32: {  	s0 =	sadd.s32 @!p0 $0x100000, s1;
	[bflag:$0x2] =	sbarrier.arrive $0xFFFF  }
0x33: {  	[sflag:s0] =	ssyncadd.tile.s32 @!p0 $0x1;
	_ =	shalt  }
.Lfunc_end2:
_tile_overlayer_lowered:
.L_overlay_start_2:
0x34: {  	(tag) =	ssettag $0x2  }
0x35: {  	s0 =	rddreg [dreg:$0x0];
	s2 =	stileid.u32  }
0x36: {  	s1 =	rddreg [dreg:$0x1];
	p0 =	sne.s32 s2, $0x0  }
0x37: {  	s3 =	rddreg [dreg:$0x2];
	[bflag:$0x3] =	sbarrier.arrive $0xFFFF;
	s2 =	simm.s32 @!p0 $0x1C01  }
0x38: {  	[timem:s3], [sflag:s2] =	dma.local @!p0 [hbm:s0], s1  }
0x39: {  	s0 =	simm.s32 @!p0 $0x1  }
0x3a: {  	_ =	swait.ge @!p0 [sflag:s0], s1  }
0x3b: {  	s1 =	ssub.s32 @!p0 $0x0, s1;
	[sflag:s0] =	ssyncset.done @!p0 $0x0  }
0x3c: {  	[sflag:s0] =	ssyncadd.s32 @!p0 s1  }
0x3d: {  	[bflag:$0x3] =	sbarrier.arrive $0xFFFF  }
0x3e: {  	_ =	shalt  }

// kernel: kernel.14.cloned.1.call-start
scs
__scs_entry_jumppad:
0x0: {  	(pc) =	sbr.rel $0x88, $3  }
0x1: {  	(tag) =	ssettag $0x0;
	lr =	simm.s32 $0x1  }
0x2: {  	[smem:$0x3F8A] =	sst lr;
	_ =	strace $0xD0000000  }
0x3: {  	_ = 	snop  }
0x4: {  	_ = 	snop  }
0x5: {  	_ = 	snop  }
0x6: {  	_ = 	snop  }
0x7: {  	_ = 	snop  }
__scs_overlays_trampoline_lowered:
0x8: {  	[smem:$0x3F99] =	sst s0  }
0x9: {  	[smem:$0x3F9A] =	sst s1  }
0xa: {  	[smem:$0x3F9B] =	sst s2  }
0xb: {  	[smem:$0x3F9C] =	sst s3  }
0xc: {  	[smem:$0x3F9D] =	sst s4  }
0xd: {  	[smem:$0x3F9E] =	sst s5  }
0xe: {  	[smem:$0x3F9F] =	sst s6  }
0xf: {  	[smem:$0x3FA0] =	sst s7  }
0x10: {  	[smem:$0x3FA1] =	sst s8  }
0x11: {  	[smem:$0x3FA2] =	sst s9;
	s0 =	simm.s32 @!p0 $0x0  }
0x12: {  	s1 =	sld [smem:$0x3F88];
	s0 =	simm.s32 @p0 $0x1  }
0x13: {  	[smem:$0x3FA3] =	sst s0;
	s0 =	simm.s32 @!p1 $0x0  }
0x14: {  	s2 =	sld [smem:$0x3F87];
	s0 =	simm.s32 @p1 $0x1  }
0x15: {  	[smem:$0x3FA4] =	sst s0;
	s0 =	simm.s32 @!p2 $0x0  }
0x16: {  	s3 =	sld [smem:$0x3FDB];
	s0 =	simm.s32 @p2 $0x1  }
0x17: {  	s4 =	simm.s32 $0x1BF5;
	[smem:$0x3FA6] =	sst s0  }
0x18: {  	s0 =	sld [smem:$0x3F89];
	_ =	swait.ge [sflag:s4], $0x0  }
0x19: {  	s7 =	sld [smem:$0x3F8A]  }
0x1a: {  	s8 =	sadd.s32 $0xFFFFE003, lr  }
0x1b: {  	s9 =	sadd.s32 $0xFFFFFEF7, lr;
	s5 =	simm.s32 $0xFFFFFFFF;
	p2 =	slt.u32 s8, $0xFFFFF086  }
0x1c: {  	p1 =	slt.u32 s9, $0xF7A;
	s5 =	simm.s32 @!p2 $0x0  }
0x1d: {  	s5 =	simm.s32 @p1 $0x1;
	p0 =	seq.s32 s7, s2  }
0x1e: {  	s7 =	smul.u32 @!p0 $0xF7A, s2;
	p2 =	seq.s32 @!p0 s5, $0x0  }
0x1f: {  	s9 =	smul.u32 $0xF7A, s1;
	s8 =	simm.s32 @!p0 $0x1BF5;
	p2 =	por !p2, p0  }
0x20: {  	[sflag:s8] =	ssyncset.s32 @!p0 $0xFFFFF086;
	s6 =	sadd.s32 @!p0 s3, s7;
	s7 =	simm.s32 @!p0 $0x108  }
0x21: {  	s3 =	sadd.s32 s3, s9;
	s6 =	sadd.s32 @!p0 $0x88, s6;
	s7 =	simm.s32 @p2 $0x1082  }
0x22: {  	[simem:s7], [sflag:s8] =	dma.local @!p0 [hbm:s6], $0xF7A  }
0x23: {  	s9 =	sor.u32 $0xD0000000, s2;
	s6 =	simm.s32 $0x108;
	_ =	swait.ge @!p0 [sflag:s8], $0x0  }
0x24: {  	s3 =	sadd.s32 $0x88, s3;
	s6 =	simm.s32 @!p1 $0x1082;
	[sflag:s4] =	ssyncset.s32 $0xFFFFF086  }
0x25: {  	[simem:s6], [sflag:s4] =	dma.local [hbm:s3], $0xF7A  }
0x26: {  	[smem:$0x3F8A] =	sst s1;
	(tag) =	ssettag s2;
	_ =	strace s9  }
0x27: {  	s1 =	sld [smem:$0x3F9A]  }
0x28: {  	s2 =	sld [smem:$0x3F9B]  }
0x29: {  	s4 =	sld [smem:$0x3F9D]  }
0x2a: {  	p0 =	seq.s32 s5, $0x0;
	s5 =	sld [smem:$0x3F9E]  }
0x2b: {  	s6 =	sld [smem:$0x3F9F]  }
0x2c: {  	s7 =	sld [smem:$0x3FA0]  }
0x2d: {  	s3 =	simm.s32 $0x108;
	s8 =	sld [smem:$0x3FA1]  }
0x2e: {  	s3 =	simm.s32 @!p0 $0x1082;
	s9 =	sld [smem:$0x3FA2]  }
0x2f: {  	lr =	sadd.s32 s0, s3;
	s0 =	sld [smem:$0x3F99]  }
0x30: {  	s3 =	sld [smem:$0x3F9C]  }
0x31: {  	[smem:$0x3FA5] =	sst s10  }
0x32: {  	s10 =	sld [smem:$0x3FA3];
	_ =	sdelay $0x3  }
0x33: {  	p0 =	seq.s32 s10, $0x1;
	s10 =	sld [smem:$0x3FA5];
	_ =	sdelay $0x3  }
0x34: {  	[smem:$0x3FA5] =	sst s10  }
0x35: {  	s10 =	sld [smem:$0x3FA4];
	_ =	sdelay $0x3  }
0x36: {  	p1 =	seq.s32 s10, $0x1;
	s10 =	sld [smem:$0x3FA5];
	_ =	sdelay $0x3  }
0x37: {  	[smem:$0x3FA5] =	sst s10  }
0x38: {  	s10 =	sld [smem:$0x3FA6]  }
0x39: {  	_ = 	snop;
	(pc) =	sbr.ind lr, $3  }
0x3a: {  	_ = 	snop  }
0x3b: {  	_ = 	snop  }
0x3c: {  	p2 =	seq.s32 s10, $0x1;
	s10 =	sld [smem:$0x3FA5]  }
0x3d: {  	_ =	shalt  }
0x3e: {  	_ =	shalt  }
0x3f: {  	_ =	shalt  }
0x40: {  	_ =	shalt  }
0x41: {  	_ =	shalt  }
0x42: {  	_ =	shalt  }
0x43: {  	_ =	shalt  }
0x44: {  	_ =	shalt  }
0x45: {  	_ =	shalt  }
0x46: {  	_ =	shalt  }
0x47: {  	_ =	shalt  }
0x48: {  	_ =	shalt  }
0x49: {  	_ =	shalt  }
0x4a: {  	_ =	shalt  }
0x4b: {  	_ =	shalt  }
0x4c: {  	_ =	shalt  }
0x4d: {  	_ =	shalt  }
0x4e: {  	_ =	shalt  }
0x4f: {  	_ =	shalt  }
0x50: {  	_ =	shalt  }
0x51: {  	_ =	shalt  }
0x52: {  	_ =	shalt  }
0x53: {  	_ =	shalt  }
0x54: {  	_ =	shalt  }
0x55: {  	_ =	shalt  }
0x56: {  	_ =	shalt  }
0x57: {  	_ =	shalt  }
0x58: {  	_ =	shalt  }
0x59: {  	_ =	shalt  }
0x5a: {  	_ =	shalt  }
0x5b: {  	_ =	shalt  }
0x5c: {  	_ =	shalt  }
0x5d: {  	_ =	shalt  }
0x5e: {  	_ =	shalt  }
0x5f: {  	_ =	shalt  }
0x60: {  	_ =	shalt  }
0x61: {  	_ =	shalt  }
0x62: {  	_ =	shalt  }
0x63: {  	_ =	shalt  }
0x64: {  	_ =	shalt  }
0x65: {  	_ =	shalt  }
0x66: {  	_ =	shalt  }
0x67: {  	_ =	shalt  }
0x68: {  	_ =	shalt  }
0x69: {  	_ =	shalt  }
0x6a: {  	_ =	shalt  }
0x6b: {  	_ =	shalt  }
0x6c: {  	_ =	shalt  }
0x6d: {  	_ =	shalt  }
0x6e: {  	_ =	shalt  }
0x6f: {  	_ =	shalt  }
0x70: {  	_ =	shalt  }
0x71: {  	_ =	shalt  }
0x72: {  	_ =	shalt  }
0x73: {  	_ =	shalt  }
0x74: {  	_ =	shalt  }
0x75: {  	_ =	shalt  }
0x76: {  	_ =	shalt  }
0x77: {  	_ =	shalt  }
0x78: {  	_ =	shalt  }
0x79: {  	_ =	shalt  }
0x7a: {  	_ =	shalt  }
0x7b: {  	_ =	shalt  }
0x7c: {  	_ =	shalt  }
0x7d: {  	_ =	shalt  }
0x7e: {  	_ =	shalt  }
0x7f: {  	_ =	shalt  }
0x80: {  	_ =	shalt  }
0x81: {  	_ =	shalt  }
0x82: {  	_ =	shalt  }
0x83: {  	_ =	shalt  }
0x84: {  	_ =	shalt  }
0x85: {  	_ =	shalt  }
0x86: {  	_ =	shalt  }
0x87: {  	_ =	shalt  }
.Lfunc_end0:
.L_simem_size_0:
called_computation.1_lowered:
.L_overlay_start_0:
0x88: {  	s2 =	sld [smem:$0x3FD9]  }
0x89: {  	s3 =	sld [smem:$0x3FFE];
	_ =	sdelay $0x1  }
0x8a: {  	s1 =	srdreg.scid  }
0x8b: {  	s0 =	sand.u32 $0x1, s1  }
0x8c: {  	s17 =	sshll.u32 s0, $0xA;
	s2 =	sadd.s32 s3, s2  }
0x8d: {  	s2 =	sadd.s32 s2, s17  }
0x8e: {  	[smem:$0x3FB1] =	sst s2  }
0x8f: {  	_ = 	snop  }
0x90: {  	(tm) =	ssettm $0x1  }
0x91: {  	s18 =	sld [smem:$0x3FFB];
	_ =	sdelay $0x3  }
0x92: {  	_ =	strace s18  }
0x93: {  	s2 =	sld [smem:$0x3FFC];
	_ =	sdelay $0x3  }
0x94: {  	_ =	strace s2  }
0x95: {  	s2 =	sld [smem:$0x3FFD];
	_ =	sdelay $0x3  }
0x96: {  	_ =	strace s2  }
0x97: {  	_ =	strace $0x8FFFFFFF  }
0x98: {  	s19 =	sld [smem:$0x3FDB];
	_ =	sdelay $0x1  }
0x99: {  	s20 =	simm.s32 $_scs_section_size  }
0x9a: {  	s4 =	simm.s32 $_size__tile_overlayer_lowered;
	s5 =	simm.s32 $_tile_overlayer_lowered  }
0x9b: {  	s6 =	simm.s32 $0x1BFF;
	s21 =	sshll.u32 s5, $0x1;
	s3 =	sadd.s32 s20, s19  }
0x9c: {  	s22 =	simm.s32 $0x0;
	s4 =	sshll.u32 s4, $0x1;
	s5 =	sadd.s32 s21, s3  }
0x9d: {  	[timem:s22], [sflag:s6] =	dma.local [hbm:s5], s4  }
0x9e: {  	_ =	swait.ge [sflag:s6], s4  }
0x9f: {  	s4 =	ssub.s32 $0x0, s4;
	[sflag:s6] =	ssyncset.done $0x0  }
0xa0: {  	[sflag:s6] =	ssyncadd.s32 s4;
	_ =	sdelay $0x1  }
0xa1: {  	s23 =	simm.s32 $0x1B8B  }
0xa2: {  	_ =	swait.ge [sflag:s23], $0x1  }
0xa3: {  	[sflag:s23] =	ssyncset.done $0x0  }
0xa4: {  	[sflag:s23] =	ssyncadd.s32 $0xFFFFFFFF  }
0xa5: {  	s4 =	sld [smem:$0x0]  }
0xa6: {  	s5 =	sand.u32 $0xFFFFFFFE, s1  }
0xa7: {  	p0 =	sne.s32 s1, s5  }
0xa8: {  	s5 =	sshll.u32 @p0 s5, $0xE  }
0xa9: {  	s5 =	sadd.s32 @p0 $0x11B8D, s5;
	s6 =	sshll.u32 @p0 s4, $0x11  }
0xaa: {  	s5 =	sor.u32 @p0 s6, s5  }
0xab: {  	[sflag:s5] =	ssyncadd.remote.s32 @p0 $0x1;
	_ =	sdelay $0x1  }
0xac: {  	s5 =	simm.s32 @p0 $0x1B8D  }
0xad: {  	_ =	swait.eq @p0 [sflag:s5], $0x1  }
0xae: {  	[sflag:s5] =	ssyncadd.s32 @p0 $0xFFFFFFFF  }
0xaf: {  	s6 =	sshll.u32 @!p0 s1, $0xE  }
0xb0: {  	s6 =	sor.u32 @!p0 $0x4000, s6;
	s5 =	simm.s32 @!p0 $0x1B8D  }
0xb1: {  	s4 =	sshll.u32 @!p0 s4, $0x11;
	s6 =	sadd.s32 @!p0 $0x11B8D, s6;
	_ =	swait.eq @!p0 [sflag:s5], $0x1  }
0xb2: {  	s4 =	sor.u32 @!p0 s4, s6;
	[sflag:s5] =	ssyncadd.s32 @!p0 $0xFFFFFFFF  }
0xb3: {  	s25 =	simm.s32 $0x1B8E;
	s24 =	sld [smem:$0x3FFE];
	[sflag:s4] =	ssyncadd.remote.s32 @!p0 $0x1  }
0xb4: {  	s26 =	simm.s32 $execute0_lowered;
	[smem:$0x3FD2] =	sst s25  }
0xb5: {  	s5 =	sshll.u32 s26, $0x1;
	_ =	strace $0x80000049;
	[dreg:$0x1] =	wrdreg $0xFFFFFFFF  }
0xb6: {  	s28 =	simm.s32 $_size_execute0_lowered;
	s3 =	sadd.s32 s3, s5;
	[dreg:$0x0] =	wrdreg $0x0  }
0xb7: {  	s5 =	sshll.u32 s28, $0x1;
	[dreg:$0x2] =	wrdreg s3  }
0xb8: {  	[dreg:$0x3] =	wrdreg s5  }
0xb9: {  	[dreg:$0x4] =	wrdreg $0xC0  }
0xba: {  	_ =	task [dreg:s22], $0x5FFFF  }
0xbb: {  	[dreg:$0x1] =	wrdreg $0xFFFFFFFF  }
0xbc: {  	[dreg:$0x0] =	wrdreg $0x60  }
0xbd: {  	[dreg:$0x2] =	wrdreg s24  }
0xbe: {  	[dreg:$0x3] =	wrdreg $0xA0000  }
0xbf: {  	[dreg:$0x4] =	wrdreg $0xA  }
0xc0: {  	_ =	task.clear_ibuf [dreg:s22], $0x5FFFF;
	_ =	strace $0x90000049  }
0xc1: {  	s29 =	simm.s32 $0xA;
	_ =	strace $0x8000004B  }
0xc2: {  	_ =	swait.ge [sflag:s29], $0x1  }
0xc3: {  	[sflag:s29] =	ssyncadd.s32 $0xFFFFFFFF  }
0xc4: {  	_ =	strace $0x9000004B  }
0xc5: {  	_ =	sfence  }
0xc6: {  	s30 =	sld [smem:$0x0];
	_ =	sdelay $0x2  }
0xc7: {  	s31 =	sshll.u32 s1, $0xD;
	s1 =	sshrl.u32 s1, $0x2  }
0xc8: {  	s4 =	sand.u32 $0x4000, s31;
	s1 =	sadd.s32 s1, s30  }
0xc9: {  	s0 =	sor.u32 s4, s0;
	s1 =	sshll.u32 s1, $0x11  }
0xca: {  	s0 =	sor.u32 s1, s0  }
0xcb: {  	s0 =	sadd.s32 $0x8F2B, s0  }
0xcc: {  	[sflag:s0] =	ssyncadd.remote.s32 $0x1  }
0xcd: {  	_ =	sfence.sel $0xFFFF  }
0xce: {  	[dreg:$0x0] =	wrdreg $0xFFFFFFFF;
	(pc) =	sbr.abs _section_cstart, $3  }
0xcf: {  	[dreg:$0x1] =	wrdreg $0xFFFFFFFF  }
0xd0: {  	_ =	task.clear_ibuf [dreg:s22], $0x2FFFF;
	_ =	strace $0x9FFFFFFF  }
0xd1: {  	(tm) =	ssettm $0x7FFFFFFF  }
tec
execute0_lowered:
.L_overlay_start_1:
0x0: {  	(tag) =	ssettag $0x1  }
0x1: {  	s0 =	rddreg [dreg:$0x0]  }
0x2: {  	s1 =	rddreg [dreg:$0x1];
	s2 =	srdreg.scid;
	s3 =	simm.s32 $0x0  }
0x3: {  	s9 =	stileid.u32;
	s20 =	simm.s32 $0x3;
	s21 =	simm.s32 $0x1000  }
0x4: {  	s28 =	simm.s32 $0xF80;
	s29 =	simm.s32 $0x1F00;
	s30 =	simm.s32 $0x1F80  }
0x5: {  	s2 =	sand.u32 $0x1, s2;
	[smem:$0x7FF] =	sst s3;
	s6 =	smul.u32 $0x14000, s9  }
0x6: {  	s4 =	sadd.s32 $0x6BA00, s0;
	s16 =	sadd.s32 $0x92C00, s0;
	s17 =	sadd.s32 $0xF200, s0  }
0x7: {  	s7 =	smul.u32 $0x50000, s9;
	s23 =	sshll.u32 s9, $0x6;
	s24 =	sshll.u32 s9, $0xB  }
0x8: {  	s15 =	sshll.u32 s9, $0x9;
	s5 =	smul.u32 $0x140000, s2;
	_ =	strace $0x8000004A  }
0x9: {  	s8 =	ssub.s32 $0x2, s2;
	p0 =	seq.s32 s2, $0x1;
	s25 =	sadd.s32 s16, s24  }
0xa: {  	s26 =	sadd.s32 s17, s24;
	s11 =	sor.u32 $0x200, s24;
	s13 =	sor.u32 $0x400, s24  }
0xb: {  	s2 =	sor.u32 $0x600, s24;
	s18 =	sor.u32 $0x8000, s15;
	s24 =	simm.s32 $0x6000  }
0xc: {  	s22 =	sshrl.u32 s8, $0x1;
	s7 =	sshrl.u32 s7, $0x2;
	[dreg:$0x3] =	wrdreg s25  }
0xd: {  	[dreg:$0x4] =	wrdreg s26;
	s31 =	sadd.s32 s16, s11;
	s11 =	sadd.s32 s17, s11  }
0xe: {  	s12 =	sadd.s32 s16, s13;
	s13 =	sadd.s32 s17, s13;
	s14 =	sadd.s32 s16, s2  }
0xf: {  	s15 =	sadd.s32 s17, s2;
	s16 =	sadd.s32 s16, s18;
	s17 =	sadd.s32 s17, s18  }
.Ltmp0:
0x10: {  	s25 =	simm.s32 $0x1;
	s26 =	simm.s32 $0x2;
	(pc) =	sbr.rel .LBB2_1-.Ltmp0, $4  }
0x11: {  	s6 =	sadd.s32 s6, s5;
	s5 =	sadd.s32 $0x19200, s0;
	s19 =	ssub.s32 s8, s22  }
0x12: {  	[dreg:$0x5] =	wrdreg s31;
	s22 =	simm.s32 $0x80;
	s6 =	sshrl.u32 s6, $0x3  }
0x13: {  	s19 =	smax.u32 s19, $0x1;
	s0 =	sadd.s32 s6, s0;
	s6 =	sadd.s32 s7, s1  }
0x14: {  	s7 =	sor.u32 $0x1C03, s23;
	s23 =	simm.s32 $0x2000;
	s18 =	sadd.s32 $0x9CC00, s0  }
.LBB2_13:
0x15: {  	s2 =	sadd.s32 $0x80, s0;
	[sflag:s20] =	ssyncadd.s32 $0xFFFFC000  }
0x16: {  	[tilespmem:s24], [sflag:$0x2] =	stream.indirect.gather [hbm4b:s4+s22], $0x80, s2, s22, $0xb8;
	[tilespmem:$0x1E000] =	vst v63  }
0x17: {  	_ =	swait.ge [sflag:s25], $0x4000  }
0x18: {  	[sflag:s25] =	ssyncset.done $0x0  }
0x19: {  	s8 =	sadd.s32 $0x1000, s0;
	[sflag:s25] =	ssyncadd.s32 $0xFFFFC000  }
0x1a: {  	[spmem:s1] =	stream.indirect.scatter.add.f32 [tilespmem:s23], [sflag:$0x3], $0x80, s8, s22, $0xb8;
	[tilespmem:$0x1E000] =	vst v63  }
0x1b: {  	_ =	swait.ge [sflag:s20], $0x4000  }
0x1c: {  	[sflag:s20] =	ssyncset.done $0x0  }
0x1d: {  	s9 =	sadd.s32 $0x100, s0;
	[sflag:s20] =	ssyncadd.s32 $0xFFFFC000  }
0x1e: {  	[tilespmem:s23], [sflag:$0x1] =	stream.indirect.gather [hbm4b:s4+s22], $0x80, s9, s22, $0xb8;
	[tilespmem:$0x1E000] =	vst v63  }
0x1f: {  	_ =	swait.ge [sflag:s26], $0x4000  }
0x20: {  	[sflag:s26] =	ssyncset.done $0x0  }
0x21: {  	s10 =	sadd.s32 $0x1080, s0;
	[sflag:s26] =	ssyncadd.s32 $0xFFFFC000  }
0x22: {  	[spmem:s1] =	stream.indirect.scatter.add.f32 [tilespmem:s24], [sflag:$0x3], $0x80, s10, s22, $0xb8;
	[tilespmem:$0x1E000] =	vst v63  }
0x23: {  	_ =	swait.ge [sflag:s20], $0x4000  }
0x24: {  	[sflag:s20] =	ssyncset.done $0x0  }
0x25: {  	[sflag:s20] =	ssyncadd.s32 $0xFFFFC000  }
.LBB2_14:
0x26: {  	[tilespmem:s24], [sflag:$0x2] =	stream.indirect.gather [hbm4b:s4+s22], $0x80, s28, s22, $0xb8;
	[tilespmem:$0x1E000] =	vst v63  }
0x27: {  	_ =	swait.ge [sflag:s25], $0x4000  }
0x28: {  	[sflag:s25] =	ssyncset.done $0x0  }
0x29: {  	[sflag:s25] =	ssyncadd.s32 $0xFFFFC000  }
0x2a: {  	[spmem:s1] =	stream.indirect.scatter.add.f32 [tilespmem:s23], [sflag:$0x3], $0x80, s29, s22, $0xb8;
	[tilespmem:$0x1E000] =	vst v63  }
0x2b: {  	_ =	swait.ge [sflag:s20], $0x4000  }
0x2c: {  	[sflag:s20] =	ssyncset.done $0x0  }
0x2d: {  	[sflag:s20] =	ssyncadd.s32 $0xFFFFC000  }
0x2e: {  	_ =	swait.ge [sflag:s26], $0x4000  }
0x2f: {  	[sflag:s26] =	ssyncset.done $0x0  }
0x30: {  	[sflag:s26] =	ssyncadd.s32 $0xFFFFC000  }
0x31: {  	[spmem:s1] =	stream.indirect.scatter.add.f32 [tilespmem:s24], [sflag:$0x3], $0x80, s30, s22, $0xb8;
	[tilespmem:$0x1E000] =	vst v63  }
0x32: {  	_ =	swait.ge [sflag:s20], $0x4000  }
0x33: {  	s3 =	sadd.s32 $0x1, s3;
	[sflag:s20] =	ssyncset.done $0x0  }
0x34: {  	p1 =	sne.s32 s3, s19;
	[sflag:s20] =	ssyncadd.s32 $0xFFFFC000  }
.Ltmp1:
0x35: {  	[bflag:$0x0] =	sbarrier.arrive $0xFFFF;
	(pc) =	sbr.rel @!p1 .LBB2_15-.Ltmp1, $4  }
0x36: {  	[hbm:s18], [sflag:s7] =	dma.local [spmem:s31], $0x2800  }
0x37: {  	_ =	swait.ge [sflag:s20], $0x2800  }
0x38: {  	[sflag:s20] =	ssyncset.done $0x0  }
0x39: {  	[sflag:s20] =	ssyncadd.s32 $0xFFFFD800  }
.LBB2_1:
0x3a: {  	s31 =	sshrl.u32 s6, $0x3  }
0x3b: {  	[spmem:s31], [sflag:s7] =	dma.local [hbm:s5], $0x2800  }
.Ltmp2:
0x3c: {  	_ =	swait.ge [sflag:s20], $0x2800;
	(pc) =	sbr.rel @!p0 .LBB2_2-.Ltmp2, $4  }
0x3d: {  	[sflag:s20] =	ssyncset.done $0x0  }
0x3e: {  	[sflag:s20] =	ssyncadd.s32 $0xFFFFD800  }
0x3f: {  	[bflag:$0x0] =	sbarrier.arrive $0xFFFF  }
0x40: {  	s0 =	simm.s32 $0x0  }
0x41: {  	[tilespmem:s0], [sflag:$0x3] =	stream.linear.gather [hbm4b:s16+s0], $0x1000, $0x38;
	[tilespmem:$0x1E000] =	vst v63  }
0x42: {  	_ =	swait.ge [sflag:s20], $0x1000  }
0x43: {  	[sflag:s20] =	ssyncset.done $0x0  }
0x44: {  	[sflag:s20] =	ssyncadd.s32 $0xFFFFF000  }
0x45: {  	[tilespmem:s21], [sflag:$0x3] =	stream.linear.gather [hbm4b:s17+s0], $0x1000, $0x38;
	[tilespmem:$0x1E000] =	vst v63  }
0x46: {  	_ =	swait.ge [sflag:s20], $0x1000  }
0x47: {  	[sflag:s20] =	ssyncset.done $0x0  }
0x48: {  	[sflag:s20] =	ssyncadd.s32 $0xFFFFF000  }
0x49: {  	[tilespmem:s23], [sflag:$0x1] =	stream.indirect.gather [hbm4b:s4+s22], $0x80, s0, s22, $0xb8;
	[tilespmem:$0x1E000] =	vst v63  }
0x4a: {  	s2 =	simm.s32 $0x80  }
0x4b: {  	[tilespmem:s24], [sflag:$0x2] =	stream.indirect.gather [hbm4b:s4+s22], $0x80, s2, s22, $0xb8;
	[tilespmem:$0x1E000] =	vst v63  }
0x4c: {  	_ =	swait.ge [sflag:s25], $0x4000  }
0x4d: {  	[sflag:s25] =	ssyncset.done $0x0  }
0x4e: {  	s8 =	simm.s32 $0x1000;
	[sflag:s25] =	ssyncadd.s32 $0xFFFFC000  }
0x4f: {  	[spmem:s1] =	stream.indirect.scatter.add.f32 [tilespmem:s23], [sflag:$0x3], $0x80, s8, s22, $0xb8;
	[tilespmem:$0x1E000] =	vst v63  }
0x50: {  	_ =	swait.ge [sflag:s20], $0x4000  }
0x51: {  	[sflag:s20] =	ssyncset.done $0x0  }
0x52: {  	s9 =	simm.s32 $0x100;
	[sflag:s20] =	ssyncadd.s32 $0xFFFFC000  }
0x53: {  	[tilespmem:s23], [sflag:$0x1] =	stream.indirect.gather [hbm4b:s4+s22], $0x80, s9, s22, $0xb8;
	[tilespmem:$0x1E000] =	vst v63  }
0x54: {  	_ =	swait.ge [sflag:s26], $0x4000  }
0x55: {  	[sflag:s26] =	ssyncset.done $0x0  }
0x56: {  	s10 =	simm.s32 $0x1080;
	[sflag:s26] =	ssyncadd.s32 $0xFFFFC000  }
0x57: {  	[spmem:s1] =	stream.indirect.scatter.add.f32 [tilespmem:s24], [sflag:$0x3], $0x80, s10, s22, $0xb8;
	[tilespmem:$0x1E000] =	vst v63  }
0x58: {  	_ =	swait.ge [sflag:s20], $0x4000  }
0x59: {  	s0 =	simm.s32 $0x100;
	s2 =	simm.s32 $0x800;
	[sflag:s20] =	ssyncset.done $0x0  }
.LBB2_12:
0x5a: {  	s8 =	sadd.s32 $0x80, s0  }
0x5b: {  	[sflag:s20] =	ssyncadd.s32 $0xFFFFC000;
	s9 =	smov.u32 s2;
	s10 =	sadd.s32 $0x400, s2  }
0x5c: {  	[tilespmem:s24], [sflag:$0x2] =	stream.indirect.gather [hbm4b:s4+s22], $0x80, s8, s22, $0xb8;
	[tilespmem:$0x1E000] =	vst v63  }
0x5d: {  	p1 =	sne.s32 s2, $0x3800;
	_ =	swait.ge [sflag:s25], $0x4000  }
0x5e: {  	[sflag:s25] =	ssyncset.done $0x0  }
0x5f: {  	s2 =	sadd.s32 $0x1000, s0;
	[sflag:s25] =	ssyncadd.s32 $0xFFFFC000  }
0x60: {  	[spmem:s1] =	stream.indirect.scatter.add.f32 [tilespmem:s23], [sflag:$0x3], $0x80, s2, s22, $0xb8;
	[tilespmem:$0x1E000] =	vst v63  }
0x61: {  	_ =	swait.ge [sflag:s20], $0x4000  }
0x62: {  	[sflag:s20] =	ssyncset.done $0x0  }
0x63: {  	s2 =	sadd.s32 $0x100, s0;
	[sflag:s20] =	ssyncadd.s32 $0xFFFFC000  }
0x64: {  	[tilespmem:s23], [sflag:$0x1] =	stream.indirect.gather [hbm4b:s4+s22], $0x80, s2, s22, $0xb8;
	[tilespmem:$0x1E000] =	vst v63  }
0x65: {  	_ =	swait.ge [sflag:s26], $0x4000  }
.Ltmp3:
0x66: {  	[sflag:s26] =	ssyncset.done $0x0;
	(pc) =	sbr.rel @p1 .LBB2_12-.Ltmp3, $4  }
0x67: {  	s0 =	sadd.s32 $0x1080, s0;
	[sflag:s26] =	ssyncadd.s32 $0xFFFFC000  }
0x68: {  	[spmem:s1] =	stream.indirect.scatter.add.f32 [tilespmem:s24], [sflag:$0x3], $0x80, s0, s22, $0xb8;
	[tilespmem:$0x1E000] =	vst v63  }
0x69: {  	_ =	swait.ge [sflag:s20], $0x4000  }
0x6a: {  	s2 =	smov.u32 s10;
	s0 =	sshra.s32 s9, $0x2;
	[sflag:s20] =	ssyncset.done $0x0  }
.Ltmp4:
0x6b: {  	_ = 	snop;
	(pc) =	sbr.rel .LBB2_13-.Ltmp4, $1  }
0x6c: {  	_ =	sdelay $0x3  }
.LBB2_2:
0x6d: {  	s2 =	rddreg [dreg:$0x3]  }
0x6e: {  	[tilespmem:s0], [sflag:$0x3] =	stream.linear.gather [hbm4b:s2+s0], $0x1000, $0x38;
	[tilespmem:$0x1E000] =	vst v63  }
0x6f: {  	_ =	swait.ge [sflag:s20], $0x1000  }
0x70: {  	[sflag:s20] =	ssyncset.done $0x0  }
0x71: {  	s10 =	rddreg [dreg:$0x4];
	[sflag:s20] =	ssyncadd.s32 $0xFFFFF000  }
0x72: {  	[tilespmem:s21], [sflag:$0x3] =	stream.linear.gather [hbm4b:s10+s0], $0x1000, $0x38;
	[tilespmem:$0x1E000] =	vst v63  }
0x73: {  	_ =	swait.ge [sflag:s20], $0x1000  }
0x74: {  	[sflag:s20] =	ssyncset.done $0x0  }
0x75: {  	[sflag:s20] =	ssyncadd.s32 $0xFFFFF000  }
0x76: {  	[tilespmem:s23], [sflag:$0x1] =	stream.indirect.gather [hbm4b:s4+s22], $0x80, s0, s22, $0xb8;
	[tilespmem:$0x1E000] =	vst v63  }
0x77: {  	s2 =	simm.s32 $0x80  }
0x78: {  	[tilespmem:s24], [sflag:$0x2] =	stream.indirect.gather [hbm4b:s4+s22], $0x80, s2, s22, $0xb8;
	[tilespmem:$0x1E000] =	vst v63  }
0x79: {  	_ =	swait.ge [sflag:s25], $0x4000  }
0x7a: {  	[sflag:s25] =	ssyncset.done $0x0  }
0x7b: {  	s8 =	simm.s32 $0x1000;
	[sflag:s25] =	ssyncadd.s32 $0xFFFFC000  }
0x7c: {  	[spmem:s1] =	stream.indirect.scatter.add.f32 [tilespmem:s23], [sflag:$0x3], $0x80, s8, s22, $0xb8;
	[tilespmem:$0x1E000] =	vst v63  }
0x7d: {  	_ =	swait.ge [sflag:s20], $0x4000  }
0x7e: {  	[sflag:s20] =	ssyncset.done $0x0  }
0x7f: {  	s9 =	simm.s32 $0x100;
	[sflag:s20] =	ssyncadd.s32 $0xFFFFC000  }
0x80: {  	[tilespmem:s23], [sflag:$0x1] =	stream.indirect.gather [hbm4b:s4+s22], $0x80, s9, s22, $0xb8;
	[tilespmem:$0x1E000] =	vst v63  }
0x81: {  	_ =	swait.ge [sflag:s26], $0x4000  }
0x82: {  	[sflag:s26] =	ssyncset.done $0x0  }
0x83: {  	s10 =	simm.s32 $0x1080;
	[sflag:s26] =	ssyncadd.s32 $0xFFFFC000  }
0x84: {  	[spmem:s1] =	stream.indirect.scatter.add.f32 [tilespmem:s24], [sflag:$0x3], $0x80, s10, s22, $0xb8;
	[tilespmem:$0x1E000] =	vst v63  }
0x85: {  	_ =	swait.ge [sflag:s20], $0x4000  }
0x86: {  	s0 =	simm.s32 $0x100;
	s2 =	simm.s32 $0x800;
	[sflag:s20] =	ssyncset.done $0x0  }
.LBB2_3:
0x87: {  	s8 =	sadd.s32 $0x80, s0  }
0x88: {  	[sflag:s20] =	ssyncadd.s32 $0xFFFFC000;
	s9 =	smov.u32 s2;
	s10 =	sadd.s32 $0x400, s2  }
0x89: {  	[tilespmem:s24], [sflag:$0x2] =	stream.indirect.gather [hbm4b:s4+s22], $0x80, s8, s22, $0xb8;
	[tilespmem:$0x1E000] =	vst v63  }
0x8a: {  	p1 =	sne.s32 s2, $0x3800;
	_ =	swait.ge [sflag:s25], $0x4000  }
0x8b: {  	[sflag:s25] =	ssyncset.done $0x0  }
0x8c: {  	s2 =	sadd.s32 $0x1000, s0;
	[sflag:s25] =	ssyncadd.s32 $0xFFFFC000  }
0x8d: {  	[spmem:s1] =	stream.indirect.scatter.add.f32 [tilespmem:s23], [sflag:$0x3], $0x80, s2, s22, $0xb8;
	[tilespmem:$0x1E000] =	vst v63  }
0x8e: {  	_ =	swait.ge [sflag:s20], $0x4000  }
0x8f: {  	[sflag:s20] =	ssyncset.done $0x0  }
0x90: {  	s2 =	sadd.s32 $0x100, s0;
	[sflag:s20] =	ssyncadd.s32 $0xFFFFC000  }
0x91: {  	[tilespmem:s23], [sflag:$0x1] =	stream.indirect.gather [hbm4b:s4+s22], $0x80, s2, s22, $0xb8;
	[tilespmem:$0x1E000] =	vst v63  }
0x92: {  	_ =	swait.ge [sflag:s26], $0x4000  }
.Ltmp5:
0x93: {  	[sflag:s26] =	ssyncset.done $0x0;
	(pc) =	sbr.rel @p1 .LBB2_3-.Ltmp5, $4  }
0x94: {  	s0 =	sadd.s32 $0x1080, s0;
	[sflag:s26] =	ssyncadd.s32 $0xFFFFC000  }
0x95: {  	[spmem:s1] =	stream.indirect.scatter.add.f32 [tilespmem:s24], [sflag:$0x3], $0x80, s0, s22, $0xb8;
	[tilespmem:$0x1E000] =	vst v63  }
0x96: {  	_ =	swait.ge [sflag:s20], $0x4000  }
0x97: {  	s2 =	smov.u32 s10;
	s0 =	sshra.s32 s9, $0x2;
	[sflag:s20] =	ssyncset.done $0x0  }
0x98: {  	s2 =	sadd.s32 $0x80, s0;
	[sflag:s20] =	ssyncadd.s32 $0xFFFFC000  }
0x99: {  	[tilespmem:s24], [sflag:$0x2] =	stream.indirect.gather [hbm4b:s4+s22], $0x80, s2, s22, $0xb8;
	[tilespmem:$0x1E000] =	vst v63  }
0x9a: {  	_ =	swait.ge [sflag:s25], $0x4000  }
0x9b: {  	[sflag:s25] =	ssyncset.done $0x0  }
0x9c: {  	s9 =	sadd.s32 $0x1000, s0;
	[sflag:s25] =	ssyncadd.s32 $0xFFFFC000  }
0x9d: {  	[spmem:s1] =	stream.indirect.scatter.add.f32 [tilespmem:s23], [sflag:$0x3], $0x80, s9, s22, $0xb8;
	[tilespmem:$0x1E000] =	vst v63  }
0x9e: {  	_ =	swait.ge [sflag:s20], $0x4000  }
0x9f: {  	[sflag:s20] =	ssyncset.done $0x0  }
0xa0: {  	s10 =	sadd.s32 $0x100, s0;
	[sflag:s20] =	ssyncadd.s32 $0xFFFFC000  }
0xa1: {  	[tilespmem:s23], [sflag:$0x1] =	stream.indirect.gather [hbm4b:s4+s22], $0x80, s10, s22, $0xb8;
	[tilespmem:$0x1E000] =	vst v63  }
0xa2: {  	_ =	swait.ge [sflag:s26], $0x4000  }
0xa3: {  	[sflag:s26] =	ssyncset.done $0x0  }
0xa4: {  	s8 =	sadd.s32 $0x1080, s0;
	[sflag:s26] =	ssyncadd.s32 $0xFFFFC000  }
0xa5: {  	[spmem:s1] =	stream.indirect.scatter.add.f32 [tilespmem:s24], [sflag:$0x3], $0x80, s8, s22, $0xb8;
	[tilespmem:$0x1E000] =	vst v63  }
0xa6: {  	_ =	swait.ge [sflag:s20], $0x4000  }
0xa7: {  	[sflag:s20] =	ssyncset.done $0x0  }
0xa8: {  	[sflag:s20] =	ssyncadd.s32 $0xFFFFC000  }
0xa9: {  	[tilespmem:s24], [sflag:$0x2] =	stream.indirect.gather [hbm4b:s4+s22], $0x80, s28, s22, $0xb8;
	[tilespmem:$0x1E000] =	vst v63  }
0xaa: {  	_ =	swait.ge [sflag:s25], $0x4000  }
0xab: {  	[sflag:s25] =	ssyncset.done $0x0  }
0xac: {  	[sflag:s25] =	ssyncadd.s32 $0xFFFFC000  }
0xad: {  	[spmem:s1] =	stream.indirect.scatter.add.f32 [tilespmem:s23], [sflag:$0x3], $0x80, s29, s22, $0xb8;
	[tilespmem:$0x1E000] =	vst v63  }
0xae: {  	_ =	swait.ge [sflag:s20], $0x4000  }
0xaf: {  	[sflag:s20] =	ssyncset.done $0x0  }
0xb0: {  	[sflag:s20] =	ssyncadd.s32 $0xFFFFC000  }
0xb1: {  	_ =	swait.ge [sflag:s26], $0x4000  }
0xb2: {  	[sflag:s26] =	ssyncset.done $0x0  }
0xb3: {  	[sflag:s26] =	ssyncadd.s32 $0xFFFFC000  }
0xb4: {  	[spmem:s1] =	stream.indirect.scatter.add.f32 [tilespmem:s24], [sflag:$0x3], $0x80, s30, s22, $0xb8;
	[tilespmem:$0x1E000] =	vst v63  }
0xb5: {  	_ =	swait.ge [sflag:s20], $0x4000  }
0xb6: {  	[sflag:s20] =	ssyncset.done $0x0  }
0xb7: {  	s9 =	simm.s32 $0x0;
	s10 =	rddreg [dreg:$0x5];
	[sflag:s20] =	ssyncadd.s32 $0xFFFFC000  }
0xb8: {  	[tilespmem:s9], [sflag:$0x3] =	stream.linear.gather [hbm4b:s10+s9], $0x1000, $0x38;
	[tilespmem:$0x1E000] =	vst v63  }
0xb9: {  	_ =	swait.ge [sflag:s20], $0x1000  }
0xba: {  	[sflag:s20] =	ssyncset.done $0x0  }
0xbb: {  	[sflag:s20] =	ssyncadd.s32 $0xFFFFF000  }
0xbc: {  	[tilespmem:s21], [sflag:$0x3] =	stream.linear.gather [hbm4b:s11+s9], $0x1000, $0x38;
	[tilespmem:$0x1E000] =	vst v63  }
0xbd: {  	_ =	swait.ge [sflag:s20], $0x1000  }
0xbe: {  	[sflag:s20] =	ssyncset.done $0x0  }
0xbf: {  	[sflag:s20] =	ssyncadd.s32 $0xFFFFF000  }
0xc0: {  	[tilespmem:s23], [sflag:$0x1] =	stream.indirect.gather [hbm4b:s4+s22], $0x80, s9, s22, $0xb8;
	[tilespmem:$0x1E000] =	vst v63  }
0xc1: {  	s2 =	simm.s32 $0x80  }
0xc2: {  	[tilespmem:s24], [sflag:$0x2] =	stream.indirect.gather [hbm4b:s4+s22], $0x80, s2, s22, $0xb8;
	[tilespmem:$0x1E000] =	vst v63  }
0xc3: {  	_ =	swait.ge [sflag:s25], $0x4000  }
0xc4: {  	[sflag:s25] =	ssyncset.done $0x0  }
0xc5: {  	s8 =	simm.s32 $0x1000;
	[sflag:s25] =	ssyncadd.s32 $0xFFFFC000  }
0xc6: {  	[spmem:s1] =	stream.indirect.scatter.add.f32 [tilespmem:s23], [sflag:$0x3], $0x80, s8, s22, $0xb8;
	[tilespmem:$0x1E000] =	vst v63  }
0xc7: {  	_ =	swait.ge [sflag:s20], $0x4000  }
0xc8: {  	[sflag:s20] =	ssyncset.done $0x0  }
0xc9: {  	s9 =	simm.s32 $0x100;
	[sflag:s20] =	ssyncadd.s32 $0xFFFFC000  }
0xca: {  	[tilespmem:s23], [sflag:$0x1] =	stream.indirect.gather [hbm4b:s4+s22], $0x80, s9, s22, $0xb8;
	[tilespmem:$0x1E000] =	vst v63  }
0xcb: {  	_ =	swait.ge [sflag:s26], $0x4000  }
0xcc: {  	[sflag:s26] =	ssyncset.done $0x0  }
0xcd: {  	s10 =	simm.s32 $0x1080;
	[sflag:s26] =	ssyncadd.s32 $0xFFFFC000  }
0xce: {  	[spmem:s1] =	stream.indirect.scatter.add.f32 [tilespmem:s24], [sflag:$0x3], $0x80, s10, s22, $0xb8;
	[tilespmem:$0x1E000] =	vst v63  }
0xcf: {  	_ =	swait.ge [sflag:s20], $0x4000  }
0xd0: {  	s0 =	simm.s32 $0x100;
	s2 =	simm.s32 $0x800;
	[sflag:s20] =	ssyncset.done $0x0  }
.LBB2_5:
0xd1: {  	s8 =	sadd.s32 $0x80, s0  }
0xd2: {  	[sflag:s20] =	ssyncadd.s32 $0xFFFFC000;
	s9 =	smov.u32 s2;
	s10 =	sadd.s32 $0x400, s2  }
0xd3: {  	[tilespmem:s24], [sflag:$0x2] =	stream.indirect.gather [hbm4b:s4+s22], $0x80, s8, s22, $0xb8;
	[tilespmem:$0x1E000] =	vst v63  }
0xd4: {  	p1 =	sne.s32 s2, $0x3800;
	_ =	swait.ge [sflag:s25], $0x4000  }
0xd5: {  	[sflag:s25] =	ssyncset.done $0x0  }
0xd6: {  	s2 =	sadd.s32 $0x1000, s0;
	[sflag:s25] =	ssyncadd.s32 $0xFFFFC000  }
0xd7: {  	[spmem:s1] =	stream.indirect.scatter.add.f32 [tilespmem:s23], [sflag:$0x3], $0x80, s2, s22, $0xb8;
	[tilespmem:$0x1E000] =	vst v63  }
0xd8: {  	_ =	swait.ge [sflag:s20], $0x4000  }
0xd9: {  	[sflag:s20] =	ssyncset.done $0x0  }
0xda: {  	s2 =	sadd.s32 $0x100, s0;
	[sflag:s20] =	ssyncadd.s32 $0xFFFFC000  }
0xdb: {  	[tilespmem:s23], [sflag:$0x1] =	stream.indirect.gather [hbm4b:s4+s22], $0x80, s2, s22, $0xb8;
	[tilespmem:$0x1E000] =	vst v63  }
0xdc: {  	_ =	swait.ge [sflag:s26], $0x4000  }
.Ltmp6:
0xdd: {  	[sflag:s26] =	ssyncset.done $0x0;
	(pc) =	sbr.rel @p1 .LBB2_5-.Ltmp6, $4  }
0xde: {  	s0 =	sadd.s32 $0x1080, s0;
	[sflag:s26] =	ssyncadd.s32 $0xFFFFC000  }
0xdf: {  	[spmem:s1] =	stream.indirect.scatter.add.f32 [tilespmem:s24], [sflag:$0x3], $0x80, s0, s22, $0xb8;
	[tilespmem:$0x1E000] =	vst v63  }
0xe0: {  	_ =	swait.ge [sflag:s20], $0x4000  }
0xe1: {  	s2 =	smov.u32 s10;
	s0 =	sshra.s32 s9, $0x2;
	[sflag:s20] =	ssyncset.done $0x0  }
0xe2: {  	s2 =	sadd.s32 $0x80, s0;
	[sflag:s20] =	ssyncadd.s32 $0xFFFFC000  }
0xe3: {  	[tilespmem:s24], [sflag:$0x2] =	stream.indirect.gather [hbm4b:s4+s22], $0x80, s2, s22, $0xb8;
	[tilespmem:$0x1E000] =	vst v63  }
0xe4: {  	_ =	swait.ge [sflag:s25], $0x4000  }
0xe5: {  	[sflag:s25] =	ssyncset.done $0x0  }
0xe6: {  	s10 =	sadd.s32 $0x1000, s0;
	[sflag:s25] =	ssyncadd.s32 $0xFFFFC000  }
0xe7: {  	[spmem:s1] =	stream.indirect.scatter.add.f32 [tilespmem:s23], [sflag:$0x3], $0x80, s10, s22, $0xb8;
	[tilespmem:$0x1E000] =	vst v63  }
0xe8: {  	_ =	swait.ge [sflag:s20], $0x4000  }
0xe9: {  	[sflag:s20] =	ssyncset.done $0x0  }
0xea: {  	s8 =	sadd.s32 $0x100, s0;
	[sflag:s20] =	ssyncadd.s32 $0xFFFFC000  }
0xeb: {  	[tilespmem:s23], [sflag:$0x1] =	stream.indirect.gather [hbm4b:s4+s22], $0x80, s8, s22, $0xb8;
	[tilespmem:$0x1E000] =	vst v63  }
0xec: {  	_ =	swait.ge [sflag:s26], $0x4000  }
0xed: {  	[sflag:s26] =	ssyncset.done $0x0  }
0xee: {  	s9 =	sadd.s32 $0x1080, s0;
	[sflag:s26] =	ssyncadd.s32 $0xFFFFC000  }
0xef: {  	[spmem:s1] =	stream.indirect.scatter.add.f32 [tilespmem:s24], [sflag:$0x3], $0x80, s9, s22, $0xb8;
	[tilespmem:$0x1E000] =	vst v63  }
0xf0: {  	_ =	swait.ge [sflag:s20], $0x4000  }
0xf1: {  	[sflag:s20] =	ssyncset.done $0x0  }
0xf2: {  	[sflag:s20] =	ssyncadd.s32 $0xFFFFC000  }
0xf3: {  	[tilespmem:s24], [sflag:$0x2] =	stream.indirect.gather [hbm4b:s4+s22], $0x80, s28, s22, $0xb8;
	[tilespmem:$0x1E000] =	vst v63  }
0xf4: {  	_ =	swait.ge [sflag:s25], $0x4000  }
0xf5: {  	[sflag:s25] =	ssyncset.done $0x0  }
0xf6: {  	[sflag:s25] =	ssyncadd.s32 $0xFFFFC000  }
0xf7: {  	[spmem:s1] =	stream.indirect.scatter.add.f32 [tilespmem:s23], [sflag:$0x3], $0x80, s29, s22, $0xb8;
	[tilespmem:$0x1E000] =	vst v63  }
0xf8: {  	_ =	swait.ge [sflag:s20], $0x4000  }
0xf9: {  	[sflag:s20] =	ssyncset.done $0x0  }
0xfa: {  	[sflag:s20] =	ssyncadd.s32 $0xFFFFC000  }
0xfb: {  	_ =	swait.ge [sflag:s26], $0x4000  }
0xfc: {  	[sflag:s26] =	ssyncset.done $0x0  }
0xfd: {  	[sflag:s26] =	ssyncadd.s32 $0xFFFFC000  }
0xfe: {  	[spmem:s1] =	stream.indirect.scatter.add.f32 [tilespmem:s24], [sflag:$0x3], $0x80, s30, s22, $0xb8;
	[tilespmem:$0x1E000] =	vst v63  }
0xff: {  	_ =	swait.ge [sflag:s20], $0x4000  }
0x100: {  	[sflag:s20] =	ssyncset.done $0x0  }
0x101: {  	s10 =	simm.s32 $0x0;
	[sflag:s20] =	ssyncadd.s32 $0xFFFFC000  }
0x102: {  	[tilespmem:s10], [sflag:$0x3] =	stream.linear.gather [hbm4b:s12+s10], $0x1000, $0x38;
	[tilespmem:$0x1E000] =	vst v63  }
0x103: {  	_ =	swait.ge [sflag:s20], $0x1000  }
0x104: {  	[sflag:s20] =	ssyncset.done $0x0  }
0x105: {  	[sflag:s20] =	ssyncadd.s32 $0xFFFFF000  }
0x106: {  	[tilespmem:s21], [sflag:$0x3] =	stream.linear.gather [hbm4b:s13+s10], $0x1000, $0x38;
	[tilespmem:$0x1E000] =	vst v63  }
0x107: {  	_ =	swait.ge [sflag:s20], $0x1000  }
0x108: {  	[sflag:s20] =	ssyncset.done $0x0  }
0x109: {  	[sflag:s20] =	ssyncadd.s32 $0xFFFFF000  }
0x10a: {  	[tilespmem:s23], [sflag:$0x1] =	stream.indirect.gather [hbm4b:s4+s22], $0x80, s10, s22, $0xb8;
	[tilespmem:$0x1E000] =	vst v63  }
0x10b: {  	s2 =	simm.s32 $0x80  }
0x10c: {  	[tilespmem:s24], [sflag:$0x2] =	stream.indirect.gather [hbm4b:s4+s22], $0x80, s2, s22, $0xb8;
	[tilespmem:$0x1E000] =	vst v63  }
0x10d: {  	_ =	swait.ge [sflag:s25], $0x4000  }
0x10e: {  	[sflag:s25] =	ssyncset.done $0x0  }
0x10f: {  	s8 =	simm.s32 $0x1000;
	[sflag:s25] =	ssyncadd.s32 $0xFFFFC000  }
0x110: {  	[spmem:s1] =	stream.indirect.scatter.add.f32 [tilespmem:s23], [sflag:$0x3], $0x80, s8, s22, $0xb8;
	[tilespmem:$0x1E000] =	vst v63  }
0x111: {  	_ =	swait.ge [sflag:s20], $0x4000  }
0x112: {  	[sflag:s20] =	ssyncset.done $0x0  }
0x113: {  	s9 =	simm.s32 $0x100;
	[sflag:s20] =	ssyncadd.s32 $0xFFFFC000  }
0x114: {  	[tilespmem:s23], [sflag:$0x1] =	stream.indirect.gather [hbm4b:s4+s22], $0x80, s9, s22, $0xb8;
	[tilespmem:$0x1E000] =	vst v63  }
0x115: {  	_ =	swait.ge [sflag:s26], $0x4000  }
0x116: {  	[sflag:s26] =	ssyncset.done $0x0  }
0x117: {  	s10 =	simm.s32 $0x1080;
	[sflag:s26] =	ssyncadd.s32 $0xFFFFC000  }
0x118: {  	[spmem:s1] =	stream.indirect.scatter.add.f32 [tilespmem:s24], [sflag:$0x3], $0x80, s10, s22, $0xb8;
	[tilespmem:$0x1E000] =	vst v63  }
0x119: {  	_ =	swait.ge [sflag:s20], $0x4000  }
0x11a: {  	s0 =	simm.s32 $0x100;
	s2 =	simm.s32 $0x800;
	[sflag:s20] =	ssyncset.done $0x0  }
.LBB2_7:
0x11b: {  	s8 =	sadd.s32 $0x80, s0  }
0x11c: {  	[sflag:s20] =	ssyncadd.s32 $0xFFFFC000;
	s9 =	smov.u32 s2;
	s10 =	sadd.s32 $0x400, s2  }
0x11d: {  	[tilespmem:s24], [sflag:$0x2] =	stream.indirect.gather [hbm4b:s4+s22], $0x80, s8, s22, $0xb8;
	[tilespmem:$0x1E000] =	vst v63  }
0x11e: {  	p1 =	sne.s32 s2, $0x3800;
	_ =	swait.ge [sflag:s25], $0x4000  }
0x11f: {  	[sflag:s25] =	ssyncset.done $0x0  }
0x120: {  	s2 =	sadd.s32 $0x1000, s0;
	[sflag:s25] =	ssyncadd.s32 $0xFFFFC000  }
0x121: {  	[spmem:s1] =	stream.indirect.scatter.add.f32 [tilespmem:s23], [sflag:$0x3], $0x80, s2, s22, $0xb8;
	[tilespmem:$0x1E000] =	vst v63  }
0x122: {  	_ =	swait.ge [sflag:s20], $0x4000  }
0x123: {  	[sflag:s20] =	ssyncset.done $0x0  }
0x124: {  	s2 =	sadd.s32 $0x100, s0;
	[sflag:s20] =	ssyncadd.s32 $0xFFFFC000  }
0x125: {  	[tilespmem:s23], [sflag:$0x1] =	stream.indirect.gather [hbm4b:s4+s22], $0x80, s2, s22, $0xb8;
	[tilespmem:$0x1E000] =	vst v63  }
0x126: {  	_ =	swait.ge [sflag:s26], $0x4000  }
.Ltmp7:
0x127: {  	[sflag:s26] =	ssyncset.done $0x0;
	(pc) =	sbr.rel @p1 .LBB2_7-.Ltmp7, $4  }
0x128: {  	s0 =	sadd.s32 $0x1080, s0;
	[sflag:s26] =	ssyncadd.s32 $0xFFFFC000  }
0x129: {  	[spmem:s1] =	stream.indirect.scatter.add.f32 [tilespmem:s24], [sflag:$0x3], $0x80, s0, s22, $0xb8;
	[tilespmem:$0x1E000] =	vst v63  }
0x12a: {  	_ =	swait.ge [sflag:s20], $0x4000  }
0x12b: {  	s2 =	smov.u32 s10;
	s0 =	sshra.s32 s9, $0x2;
	[sflag:s20] =	ssyncset.done $0x0  }
0x12c: {  	s2 =	sadd.s32 $0x80, s0;
	[sflag:s20] =	ssyncadd.s32 $0xFFFFC000  }
0x12d: {  	[tilespmem:s24], [sflag:$0x2] =	stream.indirect.gather [hbm4b:s4+s22], $0x80, s2, s22, $0xb8;
	[tilespmem:$0x1E000] =	vst v63  }
0x12e: {  	_ =	swait.ge [sflag:s25], $0x4000  }
0x12f: {  	[sflag:s25] =	ssyncset.done $0x0  }
0x130: {  	s10 =	sadd.s32 $0x1000, s0;
	[sflag:s25] =	ssyncadd.s32 $0xFFFFC000  }
0x131: {  	[spmem:s1] =	stream.indirect.scatter.add.f32 [tilespmem:s23], [sflag:$0x3], $0x80, s10, s22, $0xb8;
	[tilespmem:$0x1E000] =	vst v63  }
0x132: {  	_ =	swait.ge [sflag:s20], $0x4000  }
0x133: {  	[sflag:s20] =	ssyncset.done $0x0  }
0x134: {  	s8 =	sadd.s32 $0x100, s0;
	[sflag:s20] =	ssyncadd.s32 $0xFFFFC000  }
0x135: {  	[tilespmem:s23], [sflag:$0x1] =	stream.indirect.gather [hbm4b:s4+s22], $0x80, s8, s22, $0xb8;
	[tilespmem:$0x1E000] =	vst v63  }
0x136: {  	_ =	swait.ge [sflag:s26], $0x4000  }
0x137: {  	[sflag:s26] =	ssyncset.done $0x0  }
0x138: {  	s9 =	sadd.s32 $0x1080, s0;
	[sflag:s26] =	ssyncadd.s32 $0xFFFFC000  }
0x139: {  	[spmem:s1] =	stream.indirect.scatter.add.f32 [tilespmem:s24], [sflag:$0x3], $0x80, s9, s22, $0xb8;
	[tilespmem:$0x1E000] =	vst v63  }
0x13a: {  	_ =	swait.ge [sflag:s20], $0x4000  }
0x13b: {  	[sflag:s20] =	ssyncset.done $0x0  }
0x13c: {  	[sflag:s20] =	ssyncadd.s32 $0xFFFFC000  }
0x13d: {  	[tilespmem:s24], [sflag:$0x2] =	stream.indirect.gather [hbm4b:s4+s22], $0x80, s28, s22, $0xb8;
	[tilespmem:$0x1E000] =	vst v63  }
0x13e: {  	_ =	swait.ge [sflag:s25], $0x4000  }
0x13f: {  	[sflag:s25] =	ssyncset.done $0x0  }
0x140: {  	[sflag:s25] =	ssyncadd.s32 $0xFFFFC000  }
0x141: {  	[spmem:s1] =	stream.indirect.scatter.add.f32 [tilespmem:s23], [sflag:$0x3], $0x80, s29, s22, $0xb8;
	[tilespmem:$0x1E000] =	vst v63  }
0x142: {  	_ =	swait.ge [sflag:s20], $0x4000  }
0x143: {  	[sflag:s20] =	ssyncset.done $0x0  }
0x144: {  	[sflag:s20] =	ssyncadd.s32 $0xFFFFC000  }
0x145: {  	_ =	swait.ge [sflag:s26], $0x4000  }
0x146: {  	[sflag:s26] =	ssyncset.done $0x0  }
0x147: {  	[sflag:s26] =	ssyncadd.s32 $0xFFFFC000  }
0x148: {  	[spmem:s1] =	stream.indirect.scatter.add.f32 [tilespmem:s24], [sflag:$0x3], $0x80, s30, s22, $0xb8;
	[tilespmem:$0x1E000] =	vst v63  }
0x149: {  	_ =	swait.ge [sflag:s20], $0x4000  }
0x14a: {  	[sflag:s20] =	ssyncset.done $0x0  }
0x14b: {  	s10 =	simm.s32 $0x0;
	[sflag:s20] =	ssyncadd.s32 $0xFFFFC000  }
0x14c: {  	[tilespmem:s10], [sflag:$0x3] =	stream.linear.gather [hbm4b:s14+s10], $0x1000, $0x38;
	[tilespmem:$0x1E000] =	vst v63  }
0x14d: {  	_ =	swait.ge [sflag:s20], $0x1000  }
0x14e: {  	[sflag:s20] =	ssyncset.done $0x0  }
0x14f: {  	[sflag:s20] =	ssyncadd.s32 $0xFFFFF000  }
0x150: {  	[tilespmem:s21], [sflag:$0x3] =	stream.linear.gather [hbm4b:s15+s10], $0x1000, $0x38;
	[tilespmem:$0x1E000] =	vst v63  }
0x151: {  	_ =	swait.ge [sflag:s20], $0x1000  }
0x152: {  	[sflag:s20] =	ssyncset.done $0x0  }
0x153: {  	[sflag:s20] =	ssyncadd.s32 $0xFFFFF000  }
0x154: {  	[tilespmem:s23], [sflag:$0x1] =	stream.indirect.gather [hbm4b:s4+s22], $0x80, s10, s22, $0xb8;
	[tilespmem:$0x1E000] =	vst v63  }
0x155: {  	s2 =	simm.s32 $0x80  }
0x156: {  	[tilespmem:s24], [sflag:$0x2] =	stream.indirect.gather [hbm4b:s4+s22], $0x80, s2, s22, $0xb8;
	[tilespmem:$0x1E000] =	vst v63  }
0x157: {  	_ =	swait.ge [sflag:s25], $0x4000  }
0x158: {  	[sflag:s25] =	ssyncset.done $0x0  }
0x159: {  	s8 =	simm.s32 $0x1000;
	[sflag:s25] =	ssyncadd.s32 $0xFFFFC000  }
0x15a: {  	[spmem:s1] =	stream.indirect.scatter.add.f32 [tilespmem:s23], [sflag:$0x3], $0x80, s8, s22, $0xb8;
	[tilespmem:$0x1E000] =	vst v63  }
0x15b: {  	_ =	swait.ge [sflag:s20], $0x4000  }
0x15c: {  	[sflag:s20] =	ssyncset.done $0x0  }
0x15d: {  	s9 =	simm.s32 $0x100;
	[sflag:s20] =	ssyncadd.s32 $0xFFFFC000  }
0x15e: {  	[tilespmem:s23], [sflag:$0x1] =	stream.indirect.gather [hbm4b:s4+s22], $0x80, s9, s22, $0xb8;
	[tilespmem:$0x1E000] =	vst v63  }
0x15f: {  	_ =	swait.ge [sflag:s26], $0x4000  }
0x160: {  	[sflag:s26] =	ssyncset.done $0x0  }
0x161: {  	s10 =	simm.s32 $0x1080;
	[sflag:s26] =	ssyncadd.s32 $0xFFFFC000  }
0x162: {  	[spmem:s1] =	stream.indirect.scatter.add.f32 [tilespmem:s24], [sflag:$0x3], $0x80, s10, s22, $0xb8;
	[tilespmem:$0x1E000] =	vst v63  }
0x163: {  	_ =	swait.ge [sflag:s20], $0x4000  }
0x164: {  	s0 =	simm.s32 $0x100;
	s2 =	simm.s32 $0x800;
	[sflag:s20] =	ssyncset.done $0x0  }
.LBB2_9:
0x165: {  	s8 =	sadd.s32 $0x80, s0  }
0x166: {  	[sflag:s20] =	ssyncadd.s32 $0xFFFFC000;
	s9 =	smov.u32 s2;
	s10 =	sadd.s32 $0x400, s2  }
0x167: {  	[tilespmem:s24], [sflag:$0x2] =	stream.indirect.gather [hbm4b:s4+s22], $0x80, s8, s22, $0xb8;
	[tilespmem:$0x1E000] =	vst v63  }
0x168: {  	p1 =	seq.s32 s2, $0x3800;
	_ =	swait.ge [sflag:s25], $0x4000  }
0x169: {  	[sflag:s25] =	ssyncset.done $0x0  }
0x16a: {  	s2 =	sadd.s32 $0x1000, s0;
	[sflag:s25] =	ssyncadd.s32 $0xFFFFC000  }
0x16b: {  	[spmem:s1] =	stream.indirect.scatter.add.f32 [tilespmem:s23], [sflag:$0x3], $0x80, s2, s22, $0xb8;
	[tilespmem:$0x1E000] =	vst v63  }
0x16c: {  	_ =	swait.ge [sflag:s20], $0x4000  }
0x16d: {  	[sflag:s20] =	ssyncset.done $0x0  }
0x16e: {  	s2 =	sadd.s32 $0x100, s0;
	[sflag:s20] =	ssyncadd.s32 $0xFFFFC000  }
0x16f: {  	[tilespmem:s23], [sflag:$0x1] =	stream.indirect.gather [hbm4b:s4+s22], $0x80, s2, s22, $0xb8;
	[tilespmem:$0x1E000] =	vst v63  }
0x170: {  	_ =	swait.ge [sflag:s26], $0x4000  }
.Ltmp8:
0x171: {  	[sflag:s26] =	ssyncset.done $0x0;
	(pc) =	sbr.rel @!p1 .LBB2_9-.Ltmp8, $4  }
0x172: {  	s0 =	sadd.s32 $0x1080, s0;
	[sflag:s26] =	ssyncadd.s32 $0xFFFFC000  }
0x173: {  	[spmem:s1] =	stream.indirect.scatter.add.f32 [tilespmem:s24], [sflag:$0x3], $0x80, s0, s22, $0xb8;
	[tilespmem:$0x1E000] =	vst v63  }
0x174: {  	_ =	swait.ge [sflag:s20], $0x4000  }
0x175: {  	s2 =	smov.u32 s10;
	s0 =	sshra.s32 s9, $0x2;
	[sflag:s20] =	ssyncset.done $0x0  }
0x176: {  	s2 =	sadd.s32 $0x80, s0;
	[sflag:s20] =	ssyncadd.s32 $0xFFFFC000  }
0x177: {  	[tilespmem:s24], [sflag:$0x2] =	stream.indirect.gather [hbm4b:s4+s22], $0x80, s2, s22, $0xb8;
	[tilespmem:$0x1E000] =	vst v63  }
0x178: {  	_ =	swait.ge [sflag:s25], $0x4000  }
0x179: {  	[sflag:s25] =	ssyncset.done $0x0  }
0x17a: {  	s8 =	sadd.s32 $0x1000, s0;
	[sflag:s25] =	ssyncadd.s32 $0xFFFFC000  }
0x17b: {  	[spmem:s1] =	stream.indirect.scatter.add.f32 [tilespmem:s23], [sflag:$0x3], $0x80, s8, s22, $0xb8;
	[tilespmem:$0x1E000] =	vst v63  }
0x17c: {  	_ =	swait.ge [sflag:s20], $0x4000  }
0x17d: {  	[sflag:s20] =	ssyncset.done $0x0  }
0x17e: {  	s9 =	sadd.s32 $0x100, s0;
	[sflag:s20] =	ssyncadd.s32 $0xFFFFC000  }
0x17f: {  	[tilespmem:s23], [sflag:$0x1] =	stream.indirect.gather [hbm4b:s4+s22], $0x80, s9, s22, $0xb8;
	[tilespmem:$0x1E000] =	vst v63  }
0x180: {  	_ =	swait.ge [sflag:s26], $0x4000  }
0x181: {  	[sflag:s26] =	ssyncset.done $0x0  }
.Ltmp9:
0x182: {  	s10 =	sadd.s32 $0x1080, s0;
	[sflag:s26] =	ssyncadd.s32 $0xFFFFC000;
	(pc) =	sbr.rel .LBB2_14-.Ltmp9, $4  }
0x183: {  	[spmem:s1] =	stream.indirect.scatter.add.f32 [tilespmem:s24], [sflag:$0x3], $0x80, s10, s22, $0xb8;
	[tilespmem:$0x1E000] =	vst v63  }
0x184: {  	_ =	swait.ge [sflag:s20], $0x4000  }
0x185: {  	[sflag:s20] =	ssyncset.done $0x0  }
0x186: {  	[sflag:s20] =	ssyncadd.s32 $0xFFFFC000  }
.LBB2_15:
0x187: {  	_ =	sfence.sel $0x180000  }
0x188: {  	[bflag:$0x0] =	sbarrier.arrive $0xFFFF  }
0x189: {  	_ =	strace $0x9000004A  }
0x18a: {  	s0 =	stileid.u32;
	[bflag:$0x2] =	sbarrier.arrive $0xFFFF  }
0x18b: {  	p0 =	sne.s32 s0, $0x0;
	s0 =	rddreg [dreg:$0x2]  }
0x18c: {  	s0 =	sadd.s32 @!p0 $0x100000, s0  }
0x18d: {  	[sflag:s0] =	ssyncadd.tile.s32 @!p0 $0x1;
	_ =	shalt  }
.Lfunc_end2:
_tile_overlayer_lowered:
.L_overlay_start_2:
0x18e: {  	(tag) =	ssettag $0x2  }
0x18f: {  	s0 =	rddreg [dreg:$0x0];
	s2 =	stileid.u32  }
0x190: {  	s1 =	rddreg [dreg:$0x1];
	p0 =	sne.s32 s2, $0x0  }
0x191: {  	s3 =	rddreg [dreg:$0x2];
	[bflag:$0x3] =	sbarrier.arrive $0xFFFF;
	s2 =	simm.s32 @!p0 $0x1C03  }
0x192: {  	[timem:s3], [sflag:s2] =	dma.local @!p0 [hbm:s0], s1  }
0x193: {  	s0 =	simm.s32 @!p0 $0x3  }
0x194: {  	_ =	swait.ge @!p0 [sflag:s0], s1  }
0x195: {  	s1 =	ssub.s32 @!p0 $0x0, s1;
	[sflag:s0] =	ssyncset.done @!p0 $0x0  }
0x196: {  	[sflag:s0] =	ssyncadd.s32 @!p0 s1  }
0x197: {  	[bflag:$0x3] =	sbarrier.arrive $0xFFFF  }
0x198: {  	_ =	shalt  }

// kernel: kernel.17.cloned.1.call-start
scs
__scs_entry_jumppad:
0x0: {  	(pc) =	sbr.rel $0x88, $3  }
0x1: {  	(tag) =	ssettag $0x0;
	lr =	simm.s32 $0x1  }
0x2: {  	[smem:$0x3F8A] =	sst lr;
	_ =	strace $0xD0000000  }
0x3: {  	_ = 	snop  }
0x4: {  	_ = 	snop  }
0x5: {  	_ = 	snop  }
0x6: {  	_ = 	snop  }
0x7: {  	_ = 	snop  }
__scs_overlays_trampoline_lowered:
0x8: {  	[smem:$0x3F99] =	sst s0  }
0x9: {  	[smem:$0x3F9A] =	sst s1  }
0xa: {  	[smem:$0x3F9B] =	sst s2  }
0xb: {  	[smem:$0x3F9C] =	sst s3  }
0xc: {  	[smem:$0x3F9D] =	sst s4  }
0xd: {  	[smem:$0x3F9E] =	sst s5  }
0xe: {  	[smem:$0x3F9F] =	sst s6  }
0xf: {  	[smem:$0x3FA0] =	sst s7  }
0x10: {  	[smem:$0x3FA1] =	sst s8  }
0x11: {  	[smem:$0x3FA2] =	sst s9;
	s0 =	simm.s32 @!p0 $0x0  }
0x12: {  	s1 =	sld [smem:$0x3F88];
	s0 =	simm.s32 @p0 $0x1  }
0x13: {  	[smem:$0x3FA3] =	sst s0;
	s0 =	simm.s32 @!p1 $0x0  }
0x14: {  	s2 =	sld [smem:$0x3F87];
	s0 =	simm.s32 @p1 $0x1  }
0x15: {  	[smem:$0x3FA4] =	sst s0;
	s0 =	simm.s32 @!p2 $0x0  }
0x16: {  	s3 =	sld [smem:$0x3FDB];
	s0 =	simm.s32 @p2 $0x1  }
0x17: {  	s4 =	simm.s32 $0x1BF5;
	[smem:$0x3FA6] =	sst s0  }
0x18: {  	s0 =	sld [smem:$0x3F89];
	_ =	swait.ge [sflag:s4], $0x0  }
0x19: {  	s7 =	sld [smem:$0x3F8A]  }
0x1a: {  	s8 =	sadd.s32 $0xFFFFE003, lr  }
0x1b: {  	s9 =	sadd.s32 $0xFFFFFEF7, lr;
	s5 =	simm.s32 $0xFFFFFFFF;
	p2 =	slt.u32 s8, $0xFFFFF086  }
0x1c: {  	p1 =	slt.u32 s9, $0xF7A;
	s5 =	simm.s32 @!p2 $0x0  }
0x1d: {  	s5 =	simm.s32 @p1 $0x1;
	p0 =	seq.s32 s7, s2  }
0x1e: {  	s7 =	smul.u32 @!p0 $0xF7A, s2;
	p2 =	seq.s32 @!p0 s5, $0x0  }
0x1f: {  	s9 =	smul.u32 $0xF7A, s1;
	s8 =	simm.s32 @!p0 $0x1BF5;
	p2 =	por !p2, p0  }
0x20: {  	[sflag:s8] =	ssyncset.s32 @!p0 $0xFFFFF086;
	s6 =	sadd.s32 @!p0 s3, s7;
	s7 =	simm.s32 @!p0 $0x108  }
0x21: {  	s3 =	sadd.s32 s3, s9;
	s6 =	sadd.s32 @!p0 $0x88, s6;
	s7 =	simm.s32 @p2 $0x1082  }
0x22: {  	[simem:s7], [sflag:s8] =	dma.local @!p0 [hbm:s6], $0xF7A  }
0x23: {  	s9 =	sor.u32 $0xD0000000, s2;
	s6 =	simm.s32 $0x108;
	_ =	swait.ge @!p0 [sflag:s8], $0x0  }
0x24: {  	s3 =	sadd.s32 $0x88, s3;
	s6 =	simm.s32 @!p1 $0x1082;
	[sflag:s4] =	ssyncset.s32 $0xFFFFF086  }
0x25: {  	[simem:s6], [sflag:s4] =	dma.local [hbm:s3], $0xF7A  }
0x26: {  	[smem:$0x3F8A] =	sst s1;
	(tag) =	ssettag s2;
	_ =	strace s9  }
0x27: {  	s1 =	sld [smem:$0x3F9A]  }
0x28: {  	s2 =	sld [smem:$0x3F9B]  }
0x29: {  	s4 =	sld [smem:$0x3F9D]  }
0x2a: {  	p0 =	seq.s32 s5, $0x0;
	s5 =	sld [smem:$0x3F9E]  }
0x2b: {  	s6 =	sld [smem:$0x3F9F]  }
0x2c: {  	s7 =	sld [smem:$0x3FA0]  }
0x2d: {  	s3 =	simm.s32 $0x108;
	s8 =	sld [smem:$0x3FA1]  }
0x2e: {  	s3 =	simm.s32 @!p0 $0x1082;
	s9 =	sld [smem:$0x3FA2]  }
0x2f: {  	lr =	sadd.s32 s0, s3;
	s0 =	sld [smem:$0x3F99]  }
0x30: {  	s3 =	sld [smem:$0x3F9C]  }
0x31: {  	[smem:$0x3FA5] =	sst s10  }
0x32: {  	s10 =	sld [smem:$0x3FA3];
	_ =	sdelay $0x3  }
0x33: {  	p0 =	seq.s32 s10, $0x1;
	s10 =	sld [smem:$0x3FA5];
	_ =	sdelay $0x3  }
0x34: {  	[smem:$0x3FA5] =	sst s10  }
0x35: {  	s10 =	sld [smem:$0x3FA4];
	_ =	sdelay $0x3  }
0x36: {  	p1 =	seq.s32 s10, $0x1;
	s10 =	sld [smem:$0x3FA5];
	_ =	sdelay $0x3  }
0x37: {  	[smem:$0x3FA5] =	sst s10  }
0x38: {  	s10 =	sld [smem:$0x3FA6]  }
0x39: {  	_ = 	snop;
	(pc) =	sbr.ind lr, $3  }
0x3a: {  	_ = 	snop  }
0x3b: {  	_ = 	snop  }
0x3c: {  	p2 =	seq.s32 s10, $0x1;
	s10 =	sld [smem:$0x3FA5]  }
0x3d: {  	_ =	shalt  }
0x3e: {  	_ =	shalt  }
0x3f: {  	_ =	shalt  }
0x40: {  	_ =	shalt  }
0x41: {  	_ =	shalt  }
0x42: {  	_ =	shalt  }
0x43: {  	_ =	shalt  }
0x44: {  	_ =	shalt  }
0x45: {  	_ =	shalt  }
0x46: {  	_ =	shalt  }
0x47: {  	_ =	shalt  }
0x48: {  	_ =	shalt  }
0x49: {  	_ =	shalt  }
0x4a: {  	_ =	shalt  }
0x4b: {  	_ =	shalt  }
0x4c: {  	_ =	shalt  }
0x4d: {  	_ =	shalt  }
0x4e: {  	_ =	shalt  }
0x4f: {  	_ =	shalt  }
0x50: {  	_ =	shalt  }
0x51: {  	_ =	shalt  }
0x52: {  	_ =	shalt  }
0x53: {  	_ =	shalt  }
0x54: {  	_ =	shalt  }
0x55: {  	_ =	shalt  }
0x56: {  	_ =	shalt  }
0x57: {  	_ =	shalt  }
0x58: {  	_ =	shalt  }
0x59: {  	_ =	shalt  }
0x5a: {  	_ =	shalt  }
0x5b: {  	_ =	shalt  }
0x5c: {  	_ =	shalt  }
0x5d: {  	_ =	shalt  }
0x5e: {  	_ =	shalt  }
0x5f: {  	_ =	shalt  }
0x60: {  	_ =	shalt  }
0x61: {  	_ =	shalt  }
0x62: {  	_ =	shalt  }
0x63: {  	_ =	shalt  }
0x64: {  	_ =	shalt  }
0x65: {  	_ =	shalt  }
0x66: {  	_ =	shalt  }
0x67: {  	_ =	shalt  }
0x68: {  	_ =	shalt  }
0x69: {  	_ =	shalt  }
0x6a: {  	_ =	shalt  }
0x6b: {  	_ =	shalt  }
0x6c: {  	_ =	shalt  }
0x6d: {  	_ =	shalt  }
0x6e: {  	_ =	shalt  }
0x6f: {  	_ =	shalt  }
0x70: {  	_ =	shalt  }
0x71: {  	_ =	shalt  }
0x72: {  	_ =	shalt  }
0x73: {  	_ =	shalt  }
0x74: {  	_ =	shalt  }
0x75: {  	_ =	shalt  }
0x76: {  	_ =	shalt  }
0x77: {  	_ =	shalt  }
0x78: {  	_ =	shalt  }
0x79: {  	_ =	shalt  }
0x7a: {  	_ =	shalt  }
0x7b: {  	_ =	shalt  }
0x7c: {  	_ =	shalt  }
0x7d: {  	_ =	shalt  }
0x7e: {  	_ =	shalt  }
0x7f: {  	_ =	shalt  }
0x80: {  	_ =	shalt  }
0x81: {  	_ =	shalt  }
0x82: {  	_ =	shalt  }
0x83: {  	_ =	shalt  }
0x84: {  	_ =	shalt  }
0x85: {  	_ =	shalt  }
0x86: {  	_ =	shalt  }
0x87: {  	_ =	shalt  }
.Lfunc_end0:
.L_simem_size_0:
called_computation.2_lowered:
.L_overlay_start_0:
0x88: {  	s2 =	sld [smem:$0x3FD9]  }
0x89: {  	s3 =	sld [smem:$0x3FFE];
	_ =	sdelay $0x1  }
0x8a: {  	s1 =	srdreg.scid  }
0x8b: {  	s0 =	sand.u32 $0x1, s1  }
0x8c: {  	s16 =	sshll.u32 s0, $0xA;
	s2 =	sadd.s32 s3, s2  }
0x8d: {  	s2 =	sadd.s32 s2, s16  }
0x8e: {  	[smem:$0x3FB1] =	sst s2  }
0x8f: {  	_ = 	snop  }
0x90: {  	(tm) =	ssettm $0x1  }
0x91: {  	s17 =	sld [smem:$0x3FFB];
	_ =	sdelay $0x3  }
0x92: {  	_ =	strace s17  }
0x93: {  	s2 =	sld [smem:$0x3FFC];
	_ =	sdelay $0x3  }
0x94: {  	_ =	strace s2  }
0x95: {  	s2 =	sld [smem:$0x3FFD];
	_ =	sdelay $0x3  }
0x96: {  	_ =	strace s2  }
0x97: {  	_ =	strace $0x8FFFFFFF  }
0x98: {  	s18 =	sld [smem:$0x3FDB];
	_ =	sdelay $0x1  }
0x99: {  	s19 =	simm.s32 $_scs_section_size  }
0x9a: {  	s4 =	simm.s32 $_size__tile_overlayer_lowered;
	s5 =	simm.s32 $_tile_overlayer_lowered  }
0x9b: {  	s22 =	simm.s32 $0x1BFF;
	s21 =	sshll.u32 s5, $0x1;
	s2 =	sadd.s32 s19, s18  }
0x9c: {  	s6 =	simm.s32 $0x0;
	s20 =	sshll.u32 s4, $0x1;
	s4 =	sadd.s32 s21, s2  }
0x9d: {  	[timem:s6], [sflag:s22] =	dma.local [hbm:s4], s20  }
0x9e: {  	_ =	swait.ge [sflag:s22], s20  }
0x9f: {  	s3 =	ssub.s32 $0x0, s20;
	[sflag:s22] =	ssyncset.done $0x0  }
0xa0: {  	[sflag:s22] =	ssyncadd.s32 s3;
	_ =	sdelay $0x1  }
0xa1: {  	s23 =	simm.s32 $0x1B8B  }
0xa2: {  	_ =	swait.ge [sflag:s23], $0x1  }
0xa3: {  	[sflag:s23] =	ssyncset.done $0x0  }
0xa4: {  	s25 =	simm.s32 $0x1B8E;
	s24 =	sld [smem:$0x3FFE];
	[sflag:s23] =	ssyncadd.s32 $0xFFFFFFFF  }
0xa5: {  	s26 =	simm.s32 $execute0_lowered;
	[smem:$0x3FD2] =	sst s25  }
0xa6: {  	s4 =	sshll.u32 s26, $0x1;
	_ =	strace $0x8000004C;
	[dreg:$0x1] =	wrdreg $0xFFFFFFFF  }
0xa7: {  	s28 =	simm.s32 $_size_execute0_lowered;
	s2 =	sadd.s32 s2, s4;
	[dreg:$0x0] =	wrdreg $0x0  }
0xa8: {  	s4 =	sshll.u32 s28, $0x1;
	[dreg:$0x2] =	wrdreg s2  }
0xa9: {  	[dreg:$0x3] =	wrdreg s4  }
0xaa: {  	[dreg:$0x4] =	wrdreg $0xC0  }
0xab: {  	_ =	task [dreg:s6], $0x5FFFF  }
0xac: {  	[dreg:$0x1] =	wrdreg $0xFFFFFFFF  }
0xad: {  	[dreg:$0x0] =	wrdreg $0x60  }
0xae: {  	[dreg:$0x2] =	wrdreg s24  }
0xaf: {  	[dreg:$0x3] =	wrdreg $0xA0000  }
0xb0: {  	[dreg:$0x4] =	wrdreg $0x9  }
0xb1: {  	_ =	task.clear_ibuf [dreg:s6], $0x5FFFF;
	_ =	strace $0x9000004C  }
0xb2: {  	s29 =	simm.s32 $0x9;
	_ =	strace $0x8000004E  }
0xb3: {  	_ =	swait.ge [sflag:s29], $0x1  }
0xb4: {  	[sflag:s29] =	ssyncadd.s32 $0xFFFFFFFF  }
0xb5: {  	_ =	strace $0x9000004E  }
0xb6: {  	_ =	sfence  }
0xb7: {  	s30 =	sld [smem:$0x0];
	_ =	sdelay $0x2  }
0xb8: {  	s31 =	sshll.u32 s1, $0xD;
	s1 =	sshrl.u32 s1, $0x2  }
0xb9: {  	s3 =	sand.u32 $0x4000, s31;
	s1 =	sadd.s32 s1, s30  }
0xba: {  	s0 =	sor.u32 s3, s0;
	s1 =	sshll.u32 s1, $0x11  }
0xbb: {  	s0 =	sor.u32 s1, s0  }
0xbc: {  	s0 =	sadd.s32 $0x8F2B, s0  }
0xbd: {  	[sflag:s0] =	ssyncadd.remote.s32 $0x1  }
0xbe: {  	_ =	sfence.sel $0xFFFF  }
0xbf: {  	[dreg:$0x0] =	wrdreg $0xFFFFFFFF;
	(pc) =	sbr.abs _section_cstart, $3  }
0xc0: {  	[dreg:$0x1] =	wrdreg $0xFFFFFFFF  }
0xc1: {  	_ =	task.clear_ibuf [dreg:s6], $0x2FFFF;
	_ =	strace $0x9FFFFFFF  }
0xc2: {  	(tm) =	ssettm $0x7FFFFFFF  }
0xc3: {  	_ =	shalt  }
tec
execute0_lowered:
.L_overlay_start_1:
0x0: {  	(tag) =	ssettag $0x1  }
0x1: {  	s0 =	rddreg [dreg:$0x0]  }
0x2: {  	s1 =	rddreg [dreg:$0x1];
	s2 =	srdreg.scid;
	s3 =	simm.s32 $0x0  }
0x3: {  	s9 =	stileid.u32;
	s20 =	simm.s32 $0x3;
	s21 =	simm.s32 $0x1000  }
0x4: {  	s28 =	simm.s32 $0xF80;
	s29 =	simm.s32 $0x1F00;
	s30 =	simm.s32 $0x1F80  }
0x5: {  	s2 =	sand.u32 $0x1, s2;
	[smem:$0x7FF] =	sst s3;
	s6 =	smul.u32 $0x14000, s9  }
0x6: {  	s4 =	sadd.s32 $0x1BA00, s0;
	s16 =	sadd.s32 $0x92C00, s0;
	s17 =	sadd.s32 $0xF200, s0  }
0x7: {  	s7 =	smul.u32 $0x50000, s9;
	s23 =	sshll.u32 s9, $0x6;
	s24 =	sshll.u32 s9, $0xB  }
0x8: {  	s15 =	sshll.u32 s9, $0x9;
	s5 =	smul.u32 $0x140000, s2;
	_ =	strace $0x8000004D  }
0x9: {  	s8 =	ssub.s32 $0x2, s2;
	p0 =	seq.s32 s2, $0x1;
	s25 =	sadd.s32 s16, s24  }
0xa: {  	s26 =	sadd.s32 s17, s24;
	s11 =	sor.u32 $0x200, s24;
	s13 =	sor.u32 $0x400, s24  }
0xb: {  	s2 =	sor.u32 $0x600, s24;
	s18 =	sor.u32 $0x8000, s15;
	s24 =	simm.s32 $0x6000  }
0xc: {  	s22 =	sshrl.u32 s8, $0x1;
	s7 =	sshrl.u32 s7, $0x2;
	[dreg:$0x3] =	wrdreg s25  }
0xd: {  	[dreg:$0x4] =	wrdreg s26;
	s31 =	sadd.s32 s16, s11;
	s11 =	sadd.s32 s17, s11  }
0xe: {  	s12 =	sadd.s32 s16, s13;
	s13 =	sadd.s32 s17, s13;
	s14 =	sadd.s32 s16, s2  }
0xf: {  	s15 =	sadd.s32 s17, s2;
	s16 =	sadd.s32 s16, s18;
	s17 =	sadd.s32 s17, s18  }
.Ltmp0:
0x10: {  	s25 =	simm.s32 $0x1;
	s26 =	simm.s32 $0x2;
	(pc) =	sbr.rel .LBB2_1-.Ltmp0, $4  }
0x11: {  	s6 =	sadd.s32 s6, s5;
	s5 =	sadd.s32 $0x19200, s0;
	s19 =	ssub.s32 s8, s22  }
0x12: {  	[dreg:$0x5] =	wrdreg s31;
	s22 =	simm.s32 $0x80;
	s6 =	sshrl.u32 s6, $0x3  }
0x13: {  	s19 =	smax.u32 s19, $0x1;
	s0 =	sadd.s32 s6, s0;
	s6 =	sadd.s32 s7, s1  }
0x14: {  	s7 =	sor.u32 $0x1C03, s23;
	s23 =	simm.s32 $0x2000;
	s18 =	sadd.s32 $0x9CC00, s0  }
.LBB2_13:
0x15: {  	s2 =	sadd.s32 $0x80, s0;
	[sflag:s20] =	ssyncadd.s32 $0xFFFFC000  }
0x16: {  	[tilespmem:s24], [sflag:$0x2] =	stream.indirect.gather [hbm4b:s4+s22], $0x80, s2, s22, $0xb8;
	[tilespmem:$0x1E000] =	vst v63  }
0x17: {  	_ =	swait.ge [sflag:s25], $0x4000  }
0x18: {  	[sflag:s25] =	ssyncset.done $0x0  }
0x19: {  	s8 =	sadd.s32 $0x1000, s0;
	[sflag:s25] =	ssyncadd.s32 $0xFFFFC000  }
0x1a: {  	[spmem:s1] =	stream.indirect.scatter.add.f32 [tilespmem:s23], [sflag:$0x3], $0x80, s8, s22, $0xb8;
	[tilespmem:$0x1E000] =	vst v63  }
0x1b: {  	_ =	swait.ge [sflag:s20], $0x4000  }
0x1c: {  	[sflag:s20] =	ssyncset.done $0x0  }
0x1d: {  	s9 =	sadd.s32 $0x100, s0;
	[sflag:s20] =	ssyncadd.s32 $0xFFFFC000  }
0x1e: {  	[tilespmem:s23], [sflag:$0x1] =	stream.indirect.gather [hbm4b:s4+s22], $0x80, s9, s22, $0xb8;
	[tilespmem:$0x1E000] =	vst v63  }
0x1f: {  	_ =	swait.ge [sflag:s26], $0x4000  }
0x20: {  	[sflag:s26] =	ssyncset.done $0x0  }
0x21: {  	s10 =	sadd.s32 $0x1080, s0;
	[sflag:s26] =	ssyncadd.s32 $0xFFFFC000  }
0x22: {  	[spmem:s1] =	stream.indirect.scatter.add.f32 [tilespmem:s24], [sflag:$0x3], $0x80, s10, s22, $0xb8;
	[tilespmem:$0x1E000] =	vst v63  }
0x23: {  	_ =	swait.ge [sflag:s20], $0x4000  }
0x24: {  	[sflag:s20] =	ssyncset.done $0x0  }
0x25: {  	[sflag:s20] =	ssyncadd.s32 $0xFFFFC000  }
.LBB2_14:
0x26: {  	[tilespmem:s24], [sflag:$0x2] =	stream.indirect.gather [hbm4b:s4+s22], $0x80, s28, s22, $0xb8;
	[tilespmem:$0x1E000] =	vst v63  }
0x27: {  	_ =	swait.ge [sflag:s25], $0x4000  }
0x28: {  	[sflag:s25] =	ssyncset.done $0x0  }
0x29: {  	[sflag:s25] =	ssyncadd.s32 $0xFFFFC000  }
0x2a: {  	[spmem:s1] =	stream.indirect.scatter.add.f32 [tilespmem:s23], [sflag:$0x3], $0x80, s29, s22, $0xb8;
	[tilespmem:$0x1E000] =	vst v63  }
0x2b: {  	_ =	swait.ge [sflag:s20], $0x4000  }
0x2c: {  	[sflag:s20] =	ssyncset.done $0x0  }
0x2d: {  	[sflag:s20] =	ssyncadd.s32 $0xFFFFC000  }
0x2e: {  	_ =	swait.ge [sflag:s26], $0x4000  }
0x2f: {  	[sflag:s26] =	ssyncset.done $0x0  }
0x30: {  	[sflag:s26] =	ssyncadd.s32 $0xFFFFC000  }
0x31: {  	[spmem:s1] =	stream.indirect.scatter.add.f32 [tilespmem:s24], [sflag:$0x3], $0x80, s30, s22, $0xb8;
	[tilespmem:$0x1E000] =	vst v63  }
0x32: {  	_ =	swait.ge [sflag:s20], $0x4000  }
0x33: {  	s3 =	sadd.s32 $0x1, s3;
	[sflag:s20] =	ssyncset.done $0x0  }
0x34: {  	p1 =	sne.s32 s3, s19;
	[sflag:s20] =	ssyncadd.s32 $0xFFFFC000  }
.Ltmp1:
0x35: {  	[bflag:$0x0] =	sbarrier.arrive $0xFFFF;
	(pc) =	sbr.rel @!p1 .LBB2_15-.Ltmp1, $4  }
0x36: {  	[hbm:s18], [sflag:s7] =	dma.local [spmem:s31], $0x2800  }
0x37: {  	_ =	swait.ge [sflag:s20], $0x2800  }
0x38: {  	[sflag:s20] =	ssyncset.done $0x0  }
0x39: {  	[sflag:s20] =	ssyncadd.s32 $0xFFFFD800  }
.LBB2_1:
0x3a: {  	s31 =	sshrl.u32 s6, $0x3  }
0x3b: {  	[spmem:s31], [sflag:s7] =	dma.local [hbm:s5], $0x2800  }
.Ltmp2:
0x3c: {  	_ =	swait.ge [sflag:s20], $0x2800;
	(pc) =	sbr.rel @!p0 .LBB2_2-.Ltmp2, $4  }
0x3d: {  	[sflag:s20] =	ssyncset.done $0x0  }
0x3e: {  	[sflag:s20] =	ssyncadd.s32 $0xFFFFD800  }
0x3f: {  	[bflag:$0x0] =	sbarrier.arrive $0xFFFF  }
0x40: {  	s0 =	simm.s32 $0x0  }
0x41: {  	[tilespmem:s0], [sflag:$0x3] =	stream.linear.gather [hbm4b:s16+s0], $0x1000, $0x38;
	[tilespmem:$0x1E000] =	vst v63  }
0x42: {  	_ =	swait.ge [sflag:s20], $0x1000  }
0x43: {  	[sflag:s20] =	ssyncset.done $0x0  }
0x44: {  	[sflag:s20] =	ssyncadd.s32 $0xFFFFF000  }
0x45: {  	[tilespmem:s21], [sflag:$0x3] =	stream.linear.gather [hbm4b:s17+s0], $0x1000, $0x38;
	[tilespmem:$0x1E000] =	vst v63  }
0x46: {  	_ =	swait.ge [sflag:s20], $0x1000  }
0x47: {  	[sflag:s20] =	ssyncset.done $0x0  }
0x48: {  	[sflag:s20] =	ssyncadd.s32 $0xFFFFF000  }
0x49: {  	[tilespmem:s23], [sflag:$0x1] =	stream.indirect.gather [hbm4b:s4+s22], $0x80, s0, s22, $0xb8;
	[tilespmem:$0x1E000] =	vst v63  }
0x4a: {  	s2 =	simm.s32 $0x80  }
0x4b: {  	[tilespmem:s24], [sflag:$0x2] =	stream.indirect.gather [hbm4b:s4+s22], $0x80, s2, s22, $0xb8;
	[tilespmem:$0x1E000] =	vst v63  }
0x4c: {  	_ =	swait.ge [sflag:s25], $0x4000  }
0x4d: {  	[sflag:s25] =	ssyncset.done $0x0  }
0x4e: {  	s8 =	simm.s32 $0x1000;
	[sflag:s25] =	ssyncadd.s32 $0xFFFFC000  }
0x4f: {  	[spmem:s1] =	stream.indirect.scatter.add.f32 [tilespmem:s23], [sflag:$0x3], $0x80, s8, s22, $0xb8;
	[tilespmem:$0x1E000] =	vst v63  }
0x50: {  	_ =	swait.ge [sflag:s20], $0x4000  }
0x51: {  	[sflag:s20] =	ssyncset.done $0x0  }
0x52: {  	s9 =	simm.s32 $0x100;
	[sflag:s20] =	ssyncadd.s32 $0xFFFFC000  }
0x53: {  	[tilespmem:s23], [sflag:$0x1] =	stream.indirect.gather [hbm4b:s4+s22], $0x80, s9, s22, $0xb8;
	[tilespmem:$0x1E000] =	vst v63  }
0x54: {  	_ =	swait.ge [sflag:s26], $0x4000  }
0x55: {  	[sflag:s26] =	ssyncset.done $0x0  }
0x56: {  	s10 =	simm.s32 $0x1080;
	[sflag:s26] =	ssyncadd.s32 $0xFFFFC000  }
0x57: {  	[spmem:s1] =	stream.indirect.scatter.add.f32 [tilespmem:s24], [sflag:$0x3], $0x80, s10, s22, $0xb8;
	[tilespmem:$0x1E000] =	vst v63  }
0x58: {  	_ =	swait.ge [sflag:s20], $0x4000  }
0x59: {  	s0 =	simm.s32 $0x100;
	s2 =	simm.s32 $0x800;
	[sflag:s20] =	ssyncset.done $0x0  }
.LBB2_12:
0x5a: {  	s8 =	sadd.s32 $0x80, s0  }
0x5b: {  	[sflag:s20] =	ssyncadd.s32 $0xFFFFC000;
	s9 =	smov.u32 s2;
	s10 =	sadd.s32 $0x400, s2  }
0x5c: {  	[tilespmem:s24], [sflag:$0x2] =	stream.indirect.gather [hbm4b:s4+s22], $0x80, s8, s22, $0xb8;
	[tilespmem:$0x1E000] =	vst v63  }
0x5d: {  	p1 =	sne.s32 s2, $0x3800;
	_ =	swait.ge [sflag:s25], $0x4000  }
0x5e: {  	[sflag:s25] =	ssyncset.done $0x0  }
0x5f: {  	s2 =	sadd.s32 $0x1000, s0;
	[sflag:s25] =	ssyncadd.s32 $0xFFFFC000  }
0x60: {  	[spmem:s1] =	stream.indirect.scatter.add.f32 [tilespmem:s23], [sflag:$0x3], $0x80, s2, s22, $0xb8;
	[tilespmem:$0x1E000] =	vst v63  }
0x61: {  	_ =	swait.ge [sflag:s20], $0x4000  }
0x62: {  	[sflag:s20] =	ssyncset.done $0x0  }
0x63: {  	s2 =	sadd.s32 $0x100, s0;
	[sflag:s20] =	ssyncadd.s32 $0xFFFFC000  }
0x64: {  	[tilespmem:s23], [sflag:$0x1] =	stream.indirect.gather [hbm4b:s4+s22], $0x80, s2, s22, $0xb8;
	[tilespmem:$0x1E000] =	vst v63  }
0x65: {  	_ =	swait.ge [sflag:s26], $0x4000  }
.Ltmp3:
0x66: {  	[sflag:s26] =	ssyncset.done $0x0;
	(pc) =	sbr.rel @p1 .LBB2_12-.Ltmp3, $4  }
0x67: {  	s0 =	sadd.s32 $0x1080, s0;
	[sflag:s26] =	ssyncadd.s32 $0xFFFFC000  }
0x68: {  	[spmem:s1] =	stream.indirect.scatter.add.f32 [tilespmem:s24], [sflag:$0x3], $0x80, s0, s22, $0xb8;
	[tilespmem:$0x1E000] =	vst v63  }
0x69: {  	_ =	swait.ge [sflag:s20], $0x4000  }
0x6a: {  	s2 =	smov.u32 s10;
	s0 =	sshra.s32 s9, $0x2;
	[sflag:s20] =	ssyncset.done $0x0  }
.Ltmp4:
0x6b: {  	_ = 	snop;
	(pc) =	sbr.rel .LBB2_13-.Ltmp4, $1  }
0x6c: {  	_ =	sdelay $0x3  }
.LBB2_2:
0x6d: {  	s2 =	rddreg [dreg:$0x3]  }
0x6e: {  	[tilespmem:s0], [sflag:$0x3] =	stream.linear.gather [hbm4b:s2+s0], $0x1000, $0x38;
	[tilespmem:$0x1E000] =	vst v63  }
0x6f: {  	_ =	swait.ge [sflag:s20], $0x1000  }
0x70: {  	[sflag:s20] =	ssyncset.done $0x0  }
0x71: {  	s10 =	rddreg [dreg:$0x4];
	[sflag:s20] =	ssyncadd.s32 $0xFFFFF000  }
0x72: {  	[tilespmem:s21], [sflag:$0x3] =	stream.linear.gather [hbm4b:s10+s0], $0x1000, $0x38;
	[tilespmem:$0x1E000] =	vst v63  }
0x73: {  	_ =	swait.ge [sflag:s20], $0x1000  }
0x74: {  	[sflag:s20] =	ssyncset.done $0x0  }
0x75: {  	[sflag:s20] =	ssyncadd.s32 $0xFFFFF000  }
0x76: {  	[tilespmem:s23], [sflag:$0x1] =	stream.indirect.gather [hbm4b:s4+s22], $0x80, s0, s22, $0xb8;
	[tilespmem:$0x1E000] =	vst v63  }
0x77: {  	s2 =	simm.s32 $0x80  }
0x78: {  	[tilespmem:s24], [sflag:$0x2] =	stream.indirect.gather [hbm4b:s4+s22], $0x80, s2, s22, $0xb8;
	[tilespmem:$0x1E000] =	vst v63  }
0x79: {  	_ =	swait.ge [sflag:s25], $0x4000  }
0x7a: {  	[sflag:s25] =	ssyncset.done $0x0  }
0x7b: {  	s8 =	simm.s32 $0x1000;
	[sflag:s25] =	ssyncadd.s32 $0xFFFFC000  }
0x7c: {  	[spmem:s1] =	stream.indirect.scatter.add.f32 [tilespmem:s23], [sflag:$0x3], $0x80, s8, s22, $0xb8;
	[tilespmem:$0x1E000] =	vst v63  }
0x7d: {  	_ =	swait.ge [sflag:s20], $0x4000  }
0x7e: {  	[sflag:s20] =	ssyncset.done $0x0  }
0x7f: {  	s9 =	simm.s32 $0x100;
	[sflag:s20] =	ssyncadd.s32 $0xFFFFC000  }
0x80: {  	[tilespmem:s23], [sflag:$0x1] =	stream.indirect.gather [hbm4b:s4+s22], $0x80, s9, s22, $0xb8;
	[tilespmem:$0x1E000] =	vst v63  }
0x81: {  	_ =	swait.ge [sflag:s26], $0x4000  }
0x82: {  	[sflag:s26] =	ssyncset.done $0x0  }
0x83: {  	s10 =	simm.s32 $0x1080;
	[sflag:s26] =	ssyncadd.s32 $0xFFFFC000  }
0x84: {  	[spmem:s1] =	stream.indirect.scatter.add.f32 [tilespmem:s24], [sflag:$0x3], $0x80, s10, s22, $0xb8;
	[tilespmem:$0x1E000] =	vst v63  }
0x85: {  	_ =	swait.ge [sflag:s20], $0x4000  }
0x86: {  	s0 =	simm.s32 $0x100;
	s2 =	simm.s32 $0x800;
	[sflag:s20] =	ssyncset.done $0x0  }
.LBB2_3:
0x87: {  	s8 =	sadd.s32 $0x80, s0  }
0x88: {  	[sflag:s20] =	ssyncadd.s32 $0xFFFFC000;
	s9 =	smov.u32 s2;
	s10 =	sadd.s32 $0x400, s2  }
0x89: {  	[tilespmem:s24], [sflag:$0x2] =	stream.indirect.gather [hbm4b:s4+s22], $0x80, s8, s22, $0xb8;
	[tilespmem:$0x1E000] =	vst v63  }
0x8a: {  	p1 =	sne.s32 s2, $0x3800;
	_ =	swait.ge [sflag:s25], $0x4000  }
0x8b: {  	[sflag:s25] =	ssyncset.done $0x0  }
0x8c: {  	s2 =	sadd.s32 $0x1000, s0;
	[sflag:s25] =	ssyncadd.s32 $0xFFFFC000  }
0x8d: {  	[spmem:s1] =	stream.indirect.scatter.add.f32 [tilespmem:s23], [sflag:$0x3], $0x80, s2, s22, $0xb8;
	[tilespmem:$0x1E000] =	vst v63  }
0x8e: {  	_ =	swait.ge [sflag:s20], $0x4000  }
0x8f: {  	[sflag:s20] =	ssyncset.done $0x0  }
0x90: {  	s2 =	sadd.s32 $0x100, s0;
	[sflag:s20] =	ssyncadd.s32 $0xFFFFC000  }
0x91: {  	[tilespmem:s23], [sflag:$0x1] =	stream.indirect.gather [hbm4b:s4+s22], $0x80, s2, s22, $0xb8;
	[tilespmem:$0x1E000] =	vst v63  }
0x92: {  	_ =	swait.ge [sflag:s26], $0x4000  }
.Ltmp5:
0x93: {  	[sflag:s26] =	ssyncset.done $0x0;
	(pc) =	sbr.rel @p1 .LBB2_3-.Ltmp5, $4  }
0x94: {  	s0 =	sadd.s32 $0x1080, s0;
	[sflag:s26] =	ssyncadd.s32 $0xFFFFC000  }
0x95: {  	[spmem:s1] =	stream.indirect.scatter.add.f32 [tilespmem:s24], [sflag:$0x3], $0x80, s0, s22, $0xb8;
	[tilespmem:$0x1E000] =	vst v63  }
0x96: {  	_ =	swait.ge [sflag:s20], $0x4000  }
0x97: {  	s2 =	smov.u32 s10;
	s0 =	sshra.s32 s9, $0x2;
	[sflag:s20] =	ssyncset.done $0x0  }
0x98: {  	s2 =	sadd.s32 $0x80, s0;
	[sflag:s20] =	ssyncadd.s32 $0xFFFFC000  }
0x99: {  	[tilespmem:s24], [sflag:$0x2] =	stream.indirect.gather [hbm4b:s4+s22], $0x80, s2, s22, $0xb8;
	[tilespmem:$0x1E000] =	vst v63  }
0x9a: {  	_ =	swait.ge [sflag:s25], $0x4000  }
0x9b: {  	[sflag:s25] =	ssyncset.done $0x0  }
0x9c: {  	s9 =	sadd.s32 $0x1000, s0;
	[sflag:s25] =	ssyncadd.s32 $0xFFFFC000  }
0x9d: {  	[spmem:s1] =	stream.indirect.scatter.add.f32 [tilespmem:s23], [sflag:$0x3], $0x80, s9, s22, $0xb8;
	[tilespmem:$0x1E000] =	vst v63  }
0x9e: {  	_ =	swait.ge [sflag:s20], $0x4000  }
0x9f: {  	[sflag:s20] =	ssyncset.done $0x0  }
0xa0: {  	s10 =	sadd.s32 $0x100, s0;
	[sflag:s20] =	ssyncadd.s32 $0xFFFFC000  }
0xa1: {  	[tilespmem:s23], [sflag:$0x1] =	stream.indirect.gather [hbm4b:s4+s22], $0x80, s10, s22, $0xb8;
	[tilespmem:$0x1E000] =	vst v63  }
0xa2: {  	_ =	swait.ge [sflag:s26], $0x4000  }
0xa3: {  	[sflag:s26] =	ssyncset.done $0x0  }
0xa4: {  	s8 =	sadd.s32 $0x1080, s0;
	[sflag:s26] =	ssyncadd.s32 $0xFFFFC000  }
0xa5: {  	[spmem:s1] =	stream.indirect.scatter.add.f32 [tilespmem:s24], [sflag:$0x3], $0x80, s8, s22, $0xb8;
	[tilespmem:$0x1E000] =	vst v63  }
0xa6: {  	_ =	swait.ge [sflag:s20], $0x4000  }
0xa7: {  	[sflag:s20] =	ssyncset.done $0x0  }
0xa8: {  	[sflag:s20] =	ssyncadd.s32 $0xFFFFC000  }
0xa9: {  	[tilespmem:s24], [sflag:$0x2] =	stream.indirect.gather [hbm4b:s4+s22], $0x80, s28, s22, $0xb8;
	[tilespmem:$0x1E000] =	vst v63  }
0xaa: {  	_ =	swait.ge [sflag:s25], $0x4000  }
0xab: {  	[sflag:s25] =	ssyncset.done $0x0  }
0xac: {  	[sflag:s25] =	ssyncadd.s32 $0xFFFFC000  }
0xad: {  	[spmem:s1] =	stream.indirect.scatter.add.f32 [tilespmem:s23], [sflag:$0x3], $0x80, s29, s22, $0xb8;
	[tilespmem:$0x1E000] =	vst v63  }
0xae: {  	_ =	swait.ge [sflag:s20], $0x4000  }
0xaf: {  	[sflag:s20] =	ssyncset.done $0x0  }
0xb0: {  	[sflag:s20] =	ssyncadd.s32 $0xFFFFC000  }
0xb1: {  	_ =	swait.ge [sflag:s26], $0x4000  }
0xb2: {  	[sflag:s26] =	ssyncset.done $0x0  }
0xb3: {  	[sflag:s26] =	ssyncadd.s32 $0xFFFFC000  }
0xb4: {  	[spmem:s1] =	stream.indirect.scatter.add.f32 [tilespmem:s24], [sflag:$0x3], $0x80, s30, s22, $0xb8;
	[tilespmem:$0x1E000] =	vst v63  }
0xb5: {  	_ =	swait.ge [sflag:s20], $0x4000  }
0xb6: {  	[sflag:s20] =	ssyncset.done $0x0  }
0xb7: {  	s9 =	simm.s32 $0x0;
	s10 =	rddreg [dreg:$0x5];
	[sflag:s20] =	ssyncadd.s32 $0xFFFFC000  }
0xb8: {  	[tilespmem:s9], [sflag:$0x3] =	stream.linear.gather [hbm4b:s10+s9], $0x1000, $0x38;
	[tilespmem:$0x1E000] =	vst v63  }
0xb9: {  	_ =	swait.ge [sflag:s20], $0x1000  }
0xba: {  	[sflag:s20] =	ssyncset.done $0x0  }
0xbb: {  	[sflag:s20] =	ssyncadd.s32 $0xFFFFF000  }
0xbc: {  	[tilespmem:s21], [sflag:$0x3] =	stream.linear.gather [hbm4b:s11+s9], $0x1000, $0x38;
	[tilespmem:$0x1E000] =	vst v63  }
0xbd: {  	_ =	swait.ge [sflag:s20], $0x1000  }
0xbe: {  	[sflag:s20] =	ssyncset.done $0x0  }
0xbf: {  	[sflag:s20] =	ssyncadd.s32 $0xFFFFF000  }
0xc0: {  	[tilespmem:s23], [sflag:$0x1] =	stream.indirect.gather [hbm4b:s4+s22], $0x80, s9, s22, $0xb8;
	[tilespmem:$0x1E000] =	vst v63  }
0xc1: {  	s2 =	simm.s32 $0x80  }
0xc2: {  	[tilespmem:s24], [sflag:$0x2] =	stream.indirect.gather [hbm4b:s4+s22], $0x80, s2, s22, $0xb8;
	[tilespmem:$0x1E000] =	vst v63  }
0xc3: {  	_ =	swait.ge [sflag:s25], $0x4000  }
0xc4: {  	[sflag:s25] =	ssyncset.done $0x0  }
0xc5: {  	s8 =	simm.s32 $0x1000;
	[sflag:s25] =	ssyncadd.s32 $0xFFFFC000  }
0xc6: {  	[spmem:s1] =	stream.indirect.scatter.add.f32 [tilespmem:s23], [sflag:$0x3], $0x80, s8, s22, $0xb8;
	[tilespmem:$0x1E000] =	vst v63  }
0xc7: {  	_ =	swait.ge [sflag:s20], $0x4000  }
0xc8: {  	[sflag:s20] =	ssyncset.done $0x0  }
0xc9: {  	s9 =	simm.s32 $0x100;
	[sflag:s20] =	ssyncadd.s32 $0xFFFFC000  }
0xca: {  	[tilespmem:s23], [sflag:$0x1] =	stream.indirect.gather [hbm4b:s4+s22], $0x80, s9, s22, $0xb8;
	[tilespmem:$0x1E000] =	vst v63  }
0xcb: {  	_ =	swait.ge [sflag:s26], $0x4000  }
0xcc: {  	[sflag:s26] =	ssyncset.done $0x0  }
0xcd: {  	s10 =	simm.s32 $0x1080;
	[sflag:s26] =	ssyncadd.s32 $0xFFFFC000  }
0xce: {  	[spmem:s1] =	stream.indirect.scatter.add.f32 [tilespmem:s24], [sflag:$0x3], $0x80, s10, s22, $0xb8;
	[tilespmem:$0x1E000] =	vst v63  }
0xcf: {  	_ =	swait.ge [sflag:s20], $0x4000  }
0xd0: {  	s0 =	simm.s32 $0x100;
	s2 =	simm.s32 $0x800;
	[sflag:s20] =	ssyncset.done $0x0  }
.LBB2_5:
0xd1: {  	s8 =	sadd.s32 $0x80, s0  }
0xd2: {  	[sflag:s20] =	ssyncadd.s32 $0xFFFFC000;
	s9 =	smov.u32 s2;
	s10 =	sadd.s32 $0x400, s2  }
0xd3: {  	[tilespmem:s24], [sflag:$0x2] =	stream.indirect.gather [hbm4b:s4+s22], $0x80, s8, s22, $0xb8;
	[tilespmem:$0x1E000] =	vst v63  }
0xd4: {  	p1 =	sne.s32 s2, $0x3800;
	_ =	swait.ge [sflag:s25], $0x4000  }
0xd5: {  	[sflag:s25] =	ssyncset.done $0x0  }
0xd6: {  	s2 =	sadd.s32 $0x1000, s0;
	[sflag:s25] =	ssyncadd.s32 $0xFFFFC000  }
0xd7: {  	[spmem:s1] =	stream.indirect.scatter.add.f32 [tilespmem:s23], [sflag:$0x3], $0x80, s2, s22, $0xb8;
	[tilespmem:$0x1E000] =	vst v63  }
0xd8: {  	_ =	swait.ge [sflag:s20], $0x4000  }
0xd9: {  	[sflag:s20] =	ssyncset.done $0x0  }
0xda: {  	s2 =	sadd.s32 $0x100, s0;
	[sflag:s20] =	ssyncadd.s32 $0xFFFFC000  }
0xdb: {  	[tilespmem:s23], [sflag:$0x1] =	stream.indirect.gather [hbm4b:s4+s22], $0x80, s2, s22, $0xb8;
	[tilespmem:$0x1E000] =	vst v63  }
0xdc: {  	_ =	swait.ge [sflag:s26], $0x4000  }
.Ltmp6:
0xdd: {  	[sflag:s26] =	ssyncset.done $0x0;
	(pc) =	sbr.rel @p1 .LBB2_5-.Ltmp6, $4  }
0xde: {  	s0 =	sadd.s32 $0x1080, s0;
	[sflag:s26] =	ssyncadd.s32 $0xFFFFC000  }
0xdf: {  	[spmem:s1] =	stream.indirect.scatter.add.f32 [tilespmem:s24], [sflag:$0x3], $0x80, s0, s22, $0xb8;
	[tilespmem:$0x1E000] =	vst v63  }
0xe0: {  	_ =	swait.ge [sflag:s20], $0x4000  }
0xe1: {  	s2 =	smov.u32 s10;
	s0 =	sshra.s32 s9, $0x2;
	[sflag:s20] =	ssyncset.done $0x0  }
0xe2: {  	s2 =	sadd.s32 $0x80, s0;
	[sflag:s20] =	ssyncadd.s32 $0xFFFFC000  }
0xe3: {  	[tilespmem:s24], [sflag:$0x2] =	stream.indirect.gather [hbm4b:s4+s22], $0x80, s2, s22, $0xb8;
	[tilespmem:$0x1E000] =	vst v63  }
0xe4: {  	_ =	swait.ge [sflag:s25], $0x4000  }
0xe5: {  	[sflag:s25] =	ssyncset.done $0x0  }
0xe6: {  	s10 =	sadd.s32 $0x1000, s0;
	[sflag:s25] =	ssyncadd.s32 $0xFFFFC000  }
0xe7: {  	[spmem:s1] =	stream.indirect.scatter.add.f32 [tilespmem:s23], [sflag:$0x3], $0x80, s10, s22, $0xb8;
	[tilespmem:$0x1E000] =	vst v63  }
0xe8: {  	_ =	swait.ge [sflag:s20], $0x4000  }
0xe9: {  	[sflag:s20] =	ssyncset.done $0x0  }
0xea: {  	s8 =	sadd.s32 $0x100, s0;
	[sflag:s20] =	ssyncadd.s32 $0xFFFFC000  }
0xeb: {  	[tilespmem:s23], [sflag:$0x1] =	stream.indirect.gather [hbm4b:s4+s22], $0x80, s8, s22, $0xb8;
	[tilespmem:$0x1E000] =	vst v63  }
0xec: {  	_ =	swait.ge [sflag:s26], $0x4000  }
0xed: {  	[sflag:s26] =	ssyncset.done $0x0  }
0xee: {  	s9 =	sadd.s32 $0x1080, s0;
	[sflag:s26] =	ssyncadd.s32 $0xFFFFC000  }
0xef: {  	[spmem:s1] =	stream.indirect.scatter.add.f32 [tilespmem:s24], [sflag:$0x3], $0x80, s9, s22, $0xb8;
	[tilespmem:$0x1E000] =	vst v63  }
0xf0: {  	_ =	swait.ge [sflag:s20], $0x4000  }
0xf1: {  	[sflag:s20] =	ssyncset.done $0x0  }
0xf2: {  	[sflag:s20] =	ssyncadd.s32 $0xFFFFC000  }
0xf3: {  	[tilespmem:s24], [sflag:$0x2] =	stream.indirect.gather [hbm4b:s4+s22], $0x80, s28, s22, $0xb8;
	[tilespmem:$0x1E000] =	vst v63  }
0xf4: {  	_ =	swait.ge [sflag:s25], $0x4000  }
0xf5: {  	[sflag:s25] =	ssyncset.done $0x0  }
0xf6: {  	[sflag:s25] =	ssyncadd.s32 $0xFFFFC000  }
0xf7: {  	[spmem:s1] =	stream.indirect.scatter.add.f32 [tilespmem:s23], [sflag:$0x3], $0x80, s29, s22, $0xb8;
	[tilespmem:$0x1E000] =	vst v63  }
0xf8: {  	_ =	swait.ge [sflag:s20], $0x4000  }
0xf9: {  	[sflag:s20] =	ssyncset.done $0x0  }
0xfa: {  	[sflag:s20] =	ssyncadd.s32 $0xFFFFC000  }
0xfb: {  	_ =	swait.ge [sflag:s26], $0x4000  }
0xfc: {  	[sflag:s26] =	ssyncset.done $0x0  }
0xfd: {  	[sflag:s26] =	ssyncadd.s32 $0xFFFFC000  }
0xfe: {  	[spmem:s1] =	stream.indirect.scatter.add.f32 [tilespmem:s24], [sflag:$0x3], $0x80, s30, s22, $0xb8;
	[tilespmem:$0x1E000] =	vst v63  }
0xff: {  	_ =	swait.ge [sflag:s20], $0x4000  }
0x100: {  	[sflag:s20] =	ssyncset.done $0x0  }
0x101: {  	s10 =	simm.s32 $0x0;
	[sflag:s20] =	ssyncadd.s32 $0xFFFFC000  }
0x102: {  	[tilespmem:s10], [sflag:$0x3] =	stream.linear.gather [hbm4b:s12+s10], $0x1000, $0x38;
	[tilespmem:$0x1E000] =	vst v63  }
0x103: {  	_ =	swait.ge [sflag:s20], $0x1000  }
0x104: {  	[sflag:s20] =	ssyncset.done $0x0  }
0x105: {  	[sflag:s20] =	ssyncadd.s32 $0xFFFFF000  }
0x106: {  	[tilespmem:s21], [sflag:$0x3] =	stream.linear.gather [hbm4b:s13+s10], $0x1000, $0x38;
	[tilespmem:$0x1E000] =	vst v63  }
0x107: {  	_ =	swait.ge [sflag:s20], $0x1000  }
0x108: {  	[sflag:s20] =	ssyncset.done $0x0  }
0x109: {  	[sflag:s20] =	ssyncadd.s32 $0xFFFFF000  }
0x10a: {  	[tilespmem:s23], [sflag:$0x1] =	stream.indirect.gather [hbm4b:s4+s22], $0x80, s10, s22, $0xb8;
	[tilespmem:$0x1E000] =	vst v63  }
0x10b: {  	s2 =	simm.s32 $0x80  }
0x10c: {  	[tilespmem:s24], [sflag:$0x2] =	stream.indirect.gather [hbm4b:s4+s22], $0x80, s2, s22, $0xb8;
	[tilespmem:$0x1E000] =	vst v63  }
0x10d: {  	_ =	swait.ge [sflag:s25], $0x4000  }
0x10e: {  	[sflag:s25] =	ssyncset.done $0x0  }
0x10f: {  	s8 =	simm.s32 $0x1000;
	[sflag:s25] =	ssyncadd.s32 $0xFFFFC000  }
0x110: {  	[spmem:s1] =	stream.indirect.scatter.add.f32 [tilespmem:s23], [sflag:$0x3], $0x80, s8, s22, $0xb8;
	[tilespmem:$0x1E000] =	vst v63  }
0x111: {  	_ =	swait.ge [sflag:s20], $0x4000  }
0x112: {  	[sflag:s20] =	ssyncset.done $0x0  }
0x113: {  	s9 =	simm.s32 $0x100;
	[sflag:s20] =	ssyncadd.s32 $0xFFFFC000  }
0x114: {  	[tilespmem:s23], [sflag:$0x1] =	stream.indirect.gather [hbm4b:s4+s22], $0x80, s9, s22, $0xb8;
	[tilespmem:$0x1E000] =	vst v63  }
0x115: {  	_ =	swait.ge [sflag:s26], $0x4000  }
0x116: {  	[sflag:s26] =	ssyncset.done $0x0  }
0x117: {  	s10 =	simm.s32 $0x1080;
	[sflag:s26] =	ssyncadd.s32 $0xFFFFC000  }
0x118: {  	[spmem:s1] =	stream.indirect.scatter.add.f32 [tilespmem:s24], [sflag:$0x3], $0x80, s10, s22, $0xb8;
	[tilespmem:$0x1E000] =	vst v63  }
0x119: {  	_ =	swait.ge [sflag:s20], $0x4000  }
0x11a: {  	s0 =	simm.s32 $0x100;
	s2 =	simm.s32 $0x800;
	[sflag:s20] =	ssyncset.done $0x0  }
.LBB2_7:
0x11b: {  	s8 =	sadd.s32 $0x80, s0  }
0x11c: {  	[sflag:s20] =	ssyncadd.s32 $0xFFFFC000;
	s9 =	smov.u32 s2;
	s10 =	sadd.s32 $0x400, s2  }
0x11d: {  	[tilespmem:s24], [sflag:$0x2] =	stream.indirect.gather [hbm4b:s4+s22], $0x80, s8, s22, $0xb8;
	[tilespmem:$0x1E000] =	vst v63  }
0x11e: {  	p1 =	sne.s32 s2, $0x3800;
	_ =	swait.ge [sflag:s25], $0x4000  }
0x11f: {  	[sflag:s25] =	ssyncset.done $0x0  }
0x120: {  	s2 =	sadd.s32 $0x1000, s0;
	[sflag:s25] =	ssyncadd.s32 $0xFFFFC000  }
0x121: {  	[spmem:s1] =	stream.indirect.scatter.add.f32 [tilespmem:s23], [sflag:$0x3], $0x80, s2, s22, $0xb8;
	[tilespmem:$0x1E000] =	vst v63  }
0x122: {  	_ =	swait.ge [sflag:s20], $0x4000  }
0x123: {  	[sflag:s20] =	ssyncset.done $0x0  }
0x124: {  	s2 =	sadd.s32 $0x100, s0;
	[sflag:s20] =	ssyncadd.s32 $0xFFFFC000  }
0x125: {  	[tilespmem:s23], [sflag:$0x1] =	stream.indirect.gather [hbm4b:s4+s22], $0x80, s2, s22, $0xb8;
	[tilespmem:$0x1E000] =	vst v63  }
0x126: {  	_ =	swait.ge [sflag:s26], $0x4000  }
.Ltmp7:
0x127: {  	[sflag:s26] =	ssyncset.done $0x0;
	(pc) =	sbr.rel @p1 .LBB2_7-.Ltmp7, $4  }
0x128: {  	s0 =	sadd.s32 $0x1080, s0;
	[sflag:s26] =	ssyncadd.s32 $0xFFFFC000  }
0x129: {  	[spmem:s1] =	stream.indirect.scatter.add.f32 [tilespmem:s24], [sflag:$0x3], $0x80, s0, s22, $0xb8;
	[tilespmem:$0x1E000] =	vst v63  }
0x12a: {  	_ =	swait.ge [sflag:s20], $0x4000  }
0x12b: {  	s2 =	smov.u32 s10;
	s0 =	sshra.s32 s9, $0x2;
	[sflag:s20] =	ssyncset.done $0x0  }
0x12c: {  	s2 =	sadd.s32 $0x80, s0;
	[sflag:s20] =	ssyncadd.s32 $0xFFFFC000  }
0x12d: {  	[tilespmem:s24], [sflag:$0x2] =	stream.indirect.gather [hbm4b:s4+s22], $0x80, s2, s22, $0xb8;
	[tilespmem:$0x1E000] =	vst v63  }
0x12e: {  	_ =	swait.ge [sflag:s25], $0x4000  }
0x12f: {  	[sflag:s25] =	ssyncset.done $0x0  }
0x130: {  	s10 =	sadd.s32 $0x1000, s0;
	[sflag:s25] =	ssyncadd.s32 $0xFFFFC000  }
0x131: {  	[spmem:s1] =	stream.indirect.scatter.add.f32 [tilespmem:s23], [sflag:$0x3], $0x80, s10, s22, $0xb8;
	[tilespmem:$0x1E000] =	vst v63  }
0x132: {  	_ =	swait.ge [sflag:s20], $0x4000  }
0x133: {  	[sflag:s20] =	ssyncset.done $0x0  }
0x134: {  	s8 =	sadd.s32 $0x100, s0;
	[sflag:s20] =	ssyncadd.s32 $0xFFFFC000  }
0x135: {  	[tilespmem:s23], [sflag:$0x1] =	stream.indirect.gather [hbm4b:s4+s22], $0x80, s8, s22, $0xb8;
	[tilespmem:$0x1E000] =	vst v63  }
0x136: {  	_ =	swait.ge [sflag:s26], $0x4000  }
0x137: {  	[sflag:s26] =	ssyncset.done $0x0  }
0x138: {  	s9 =	sadd.s32 $0x1080, s0;
	[sflag:s26] =	ssyncadd.s32 $0xFFFFC000  }
0x139: {  	[spmem:s1] =	stream.indirect.scatter.add.f32 [tilespmem:s24], [sflag:$0x3], $0x80, s9, s22, $0xb8;
	[tilespmem:$0x1E000] =	vst v63  }
0x13a: {  	_ =	swait.ge [sflag:s20], $0x4000  }
0x13b: {  	[sflag:s20] =	ssyncset.done $0x0  }
0x13c: {  	[sflag:s20] =	ssyncadd.s32 $0xFFFFC000  }
0x13d: {  	[tilespmem:s24], [sflag:$0x2] =	stream.indirect.gather [hbm4b:s4+s22], $0x80, s28, s22, $0xb8;
	[tilespmem:$0x1E000] =	vst v63  }
0x13e: {  	_ =	swait.ge [sflag:s25], $0x4000  }
0x13f: {  	[sflag:s25] =	ssyncset.done $0x0  }
0x140: {  	[sflag:s25] =	ssyncadd.s32 $0xFFFFC000  }
0x141: {  	[spmem:s1] =	stream.indirect.scatter.add.f32 [tilespmem:s23], [sflag:$0x3], $0x80, s29, s22, $0xb8;
	[tilespmem:$0x1E000] =	vst v63  }
0x142: {  	_ =	swait.ge [sflag:s20], $0x4000  }
0x143: {  	[sflag:s20] =	ssyncset.done $0x0  }
0x144: {  	[sflag:s20] =	ssyncadd.s32 $0xFFFFC000  }
0x145: {  	_ =	swait.ge [sflag:s26], $0x4000  }
0x146: {  	[sflag:s26] =	ssyncset.done $0x0  }
0x147: {  	[sflag:s26] =	ssyncadd.s32 $0xFFFFC000  }
0x148: {  	[spmem:s1] =	stream.indirect.scatter.add.f32 [tilespmem:s24], [sflag:$0x3], $0x80, s30, s22, $0xb8;
	[tilespmem:$0x1E000] =	vst v63  }
0x149: {  	_ =	swait.ge [sflag:s20], $0x4000  }
0x14a: {  	[sflag:s20] =	ssyncset.done $0x0  }
0x14b: {  	s10 =	simm.s32 $0x0;
	[sflag:s20] =	ssyncadd.s32 $0xFFFFC000  }
0x14c: {  	[tilespmem:s10], [sflag:$0x3] =	stream.linear.gather [hbm4b:s14+s10], $0x1000, $0x38;
	[tilespmem:$0x1E000] =	vst v63  }
0x14d: {  	_ =	swait.ge [sflag:s20], $0x1000  }
0x14e: {  	[sflag:s20] =	ssyncset.done $0x0  }
0x14f: {  	[sflag:s20] =	ssyncadd.s32 $0xFFFFF000  }
0x150: {  	[tilespmem:s21], [sflag:$0x3] =	stream.linear.gather [hbm4b:s15+s10], $0x1000, $0x38;
	[tilespmem:$0x1E000] =	vst v63  }
0x151: {  	_ =	swait.ge [sflag:s20], $0x1000  }
0x152: {  	[sflag:s20] =	ssyncset.done $0x0  }
0x153: {  	[sflag:s20] =	ssyncadd.s32 $0xFFFFF000  }
0x154: {  	[tilespmem:s23], [sflag:$0x1] =	stream.indirect.gather [hbm4b:s4+s22], $0x80, s10, s22, $0xb8;
	[tilespmem:$0x1E000] =	vst v63  }
0x155: {  	s2 =	simm.s32 $0x80  }
0x156: {  	[tilespmem:s24], [sflag:$0x2] =	stream.indirect.gather [hbm4b:s4+s22], $0x80, s2, s22, $0xb8;
	[tilespmem:$0x1E000] =	vst v63  }
0x157: {  	_ =	swait.ge [sflag:s25], $0x4000  }
0x158: {  	[sflag:s25] =	ssyncset.done $0x0  }
0x159: {  	s8 =	simm.s32 $0x1000;
	[sflag:s25] =	ssyncadd.s32 $0xFFFFC000  }
0x15a: {  	[spmem:s1] =	stream.indirect.scatter.add.f32 [tilespmem:s23], [sflag:$0x3], $0x80, s8, s22, $0xb8;
	[tilespmem:$0x1E000] =	vst v63  }
0x15b: {  	_ =	swait.ge [sflag:s20], $0x4000  }
0x15c: {  	[sflag:s20] =	ssyncset.done $0x0  }
0x15d: {  	s9 =	simm.s32 $0x100;
	[sflag:s20] =	ssyncadd.s32 $0xFFFFC000  }
0x15e: {  	[tilespmem:s23], [sflag:$0x1] =	stream.indirect.gather [hbm4b:s4+s22], $0x80, s9, s22, $0xb8;
	[tilespmem:$0x1E000] =	vst v63  }
0x15f: {  	_ =	swait.ge [sflag:s26], $0x4000  }
0x160: {  	[sflag:s26] =	ssyncset.done $0x0  }
0x161: {  	s10 =	simm.s32 $0x1080;
	[sflag:s26] =	ssyncadd.s32 $0xFFFFC000  }
0x162: {  	[spmem:s1] =	stream.indirect.scatter.add.f32 [tilespmem:s24], [sflag:$0x3], $0x80, s10, s22, $0xb8;
	[tilespmem:$0x1E000] =	vst v63  }
0x163: {  	_ =	swait.ge [sflag:s20], $0x4000  }
0x164: {  	s0 =	simm.s32 $0x100;
	s2 =	simm.s32 $0x800;
	[sflag:s20] =	ssyncset.done $0x0  }
.LBB2_9:
0x165: {  	s8 =	sadd.s32 $0x80, s0  }
0x166: {  	[sflag:s20] =	ssyncadd.s32 $0xFFFFC000;
	s9 =	smov.u32 s2;
	s10 =	sadd.s32 $0x400, s2  }
0x167: {  	[tilespmem:s24], [sflag:$0x2] =	stream.indirect.gather [hbm4b:s4+s22], $0x80, s8, s22, $0xb8;
	[tilespmem:$0x1E000] =	vst v63  }
0x168: {  	p1 =	seq.s32 s2, $0x3800;
	_ =	swait.ge [sflag:s25], $0x4000  }
0x169: {  	[sflag:s25] =	ssyncset.done $0x0  }
0x16a: {  	s2 =	sadd.s32 $0x1000, s0;
	[sflag:s25] =	ssyncadd.s32 $0xFFFFC000  }
0x16b: {  	[spmem:s1] =	stream.indirect.scatter.add.f32 [tilespmem:s23], [sflag:$0x3], $0x80, s2, s22, $0xb8;
	[tilespmem:$0x1E000] =	vst v63  }
0x16c: {  	_ =	swait.ge [sflag:s20], $0x4000  }
0x16d: {  	[sflag:s20] =	ssyncset.done $0x0  }
0x16e: {  	s2 =	sadd.s32 $0x100, s0;
	[sflag:s20] =	ssyncadd.s32 $0xFFFFC000  }
0x16f: {  	[tilespmem:s23], [sflag:$0x1] =	stream.indirect.gather [hbm4b:s4+s22], $0x80, s2, s22, $0xb8;
	[tilespmem:$0x1E000] =	vst v63  }
0x170: {  	_ =	swait.ge [sflag:s26], $0x4000  }
.Ltmp8:
0x171: {  	[sflag:s26] =	ssyncset.done $0x0;
	(pc) =	sbr.rel @!p1 .LBB2_9-.Ltmp8, $4  }
0x172: {  	s0 =	sadd.s32 $0x1080, s0;
	[sflag:s26] =	ssyncadd.s32 $0xFFFFC000  }
0x173: {  	[spmem:s1] =	stream.indirect.scatter.add.f32 [tilespmem:s24], [sflag:$0x3], $0x80, s0, s22, $0xb8;
	[tilespmem:$0x1E000] =	vst v63  }
0x174: {  	_ =	swait.ge [sflag:s20], $0x4000  }
0x175: {  	s2 =	smov.u32 s10;
	s0 =	sshra.s32 s9, $0x2;
	[sflag:s20] =	ssyncset.done $0x0  }
0x176: {  	s2 =	sadd.s32 $0x80, s0;
	[sflag:s20] =	ssyncadd.s32 $0xFFFFC000  }
0x177: {  	[tilespmem:s24], [sflag:$0x2] =	stream.indirect.gather [hbm4b:s4+s22], $0x80, s2, s22, $0xb8;
	[tilespmem:$0x1E000] =	vst v63  }
0x178: {  	_ =	swait.ge [sflag:s25], $0x4000  }
0x179: {  	[sflag:s25] =	ssyncset.done $0x0  }
0x17a: {  	s8 =	sadd.s32 $0x1000, s0;
	[sflag:s25] =	ssyncadd.s32 $0xFFFFC000  }
0x17b: {  	[spmem:s1] =	stream.indirect.scatter.add.f32 [tilespmem:s23], [sflag:$0x3], $0x80, s8, s22, $0xb8;
	[tilespmem:$0x1E000] =	vst v63  }
0x17c: {  	_ =	swait.ge [sflag:s20], $0x4000  }
0x17d: {  	[sflag:s20] =	ssyncset.done $0x0  }
0x17e: {  	s9 =	sadd.s32 $0x100, s0;
	[sflag:s20] =	ssyncadd.s32 $0xFFFFC000  }
0x17f: {  	[tilespmem:s23], [sflag:$0x1] =	stream.indirect.gather [hbm4b:s4+s22], $0x80, s9, s22, $0xb8;
	[tilespmem:$0x1E000] =	vst v63  }
0x180: {  	_ =	swait.ge [sflag:s26], $0x4000  }
0x181: {  	[sflag:s26] =	ssyncset.done $0x0  }
.Ltmp9:
0x182: {  	s10 =	sadd.s32 $0x1080, s0;
	[sflag:s26] =	ssyncadd.s32 $0xFFFFC000;
	(pc) =	sbr.rel .LBB2_14-.Ltmp9, $4  }
0x183: {  	[spmem:s1] =	stream.indirect.scatter.add.f32 [tilespmem:s24], [sflag:$0x3], $0x80, s10, s22, $0xb8;
	[tilespmem:$0x1E000] =	vst v63  }
0x184: {  	_ =	swait.ge [sflag:s20], $0x4000  }
0x185: {  	[sflag:s20] =	ssyncset.done $0x0  }
0x186: {  	[sflag:s20] =	ssyncadd.s32 $0xFFFFC000  }
.LBB2_15:
0x187: {  	_ =	sfence.sel $0x180000  }
0x188: {  	[bflag:$0x0] =	sbarrier.arrive $0xFFFF  }
0x189: {  	_ =	strace $0x9000004D  }
0x18a: {  	s0 =	stileid.u32;
	[bflag:$0x2] =	sbarrier.arrive $0xFFFF  }
0x18b: {  	p0 =	sne.s32 s0, $0x0;
	s0 =	rddreg [dreg:$0x2]  }
0x18c: {  	s0 =	sadd.s32 @!p0 $0x100000, s0  }
0x18d: {  	[sflag:s0] =	ssyncadd.tile.s32 @!p0 $0x1;
	_ =	shalt  }
.Lfunc_end2:
_tile_overlayer_lowered:
.L_overlay_start_2:
0x18e: {  	(tag) =	ssettag $0x2  }
0x18f: {  	s0 =	rddreg [dreg:$0x0];
	s2 =	stileid.u32  }
0x190: {  	s1 =	rddreg [dreg:$0x1];
	p0 =	sne.s32 s2, $0x0  }
0x191: {  	s3 =	rddreg [dreg:$0x2];
	[bflag:$0x3] =	sbarrier.arrive $0xFFFF;
	s2 =	simm.s32 @!p0 $0x1C03  }
0x192: {  	[timem:s3], [sflag:s2] =	dma.local @!p0 [hbm:s0], s1  }
0x193: {  	s0 =	simm.s32 @!p0 $0x3  }
0x194: {  	_ =	swait.ge @!p0 [sflag:s0], s1  }
0x195: {  	s1 =	ssub.s32 @!p0 $0x0, s1;
	[sflag:s0] =	ssyncset.done @!p0 $0x0  }
0x196: {  	[sflag:s0] =	ssyncadd.s32 @!p0 s1  }
0x197: {  	[bflag:$0x3] =	sbarrier.arrive $0xFFFF  }
0x198: {  	_ =	shalt  }

// kernel: kernel.20.cloned.1.call-start
scs
__scs_entry_jumppad:
0x0: {  	(pc) =	sbr.rel $0x88, $3  }
0x1: {  	(tag) =	ssettag $0x0;
	lr =	simm.s32 $0x1  }
0x2: {  	[smem:$0x3F8A] =	sst lr;
	_ =	strace $0xD0000000  }
0x3: {  	_ = 	snop  }
0x4: {  	_ = 	snop  }
0x5: {  	_ = 	snop  }
0x6: {  	_ = 	snop  }
0x7: {  	_ = 	snop  }
__scs_overlays_trampoline_lowered:
0x8: {  	[smem:$0x3F99] =	sst s0  }
0x9: {  	[smem:$0x3F9A] =	sst s1  }
0xa: {  	[smem:$0x3F9B] =	sst s2  }
0xb: {  	[smem:$0x3F9C] =	sst s3  }
0xc: {  	[smem:$0x3F9D] =	sst s4  }
0xd: {  	[smem:$0x3F9E] =	sst s5  }
0xe: {  	[smem:$0x3F9F] =	sst s6  }
0xf: {  	[smem:$0x3FA0] =	sst s7  }
0x10: {  	[smem:$0x3FA1] =	sst s8  }
0x11: {  	[smem:$0x3FA2] =	sst s9;
	s0 =	simm.s32 @!p0 $0x0  }
0x12: {  	s1 =	sld [smem:$0x3F88];
	s0 =	simm.s32 @p0 $0x1  }
0x13: {  	[smem:$0x3FA3] =	sst s0;
	s0 =	simm.s32 @!p1 $0x0  }
0x14: {  	s2 =	sld [smem:$0x3F87];
	s0 =	simm.s32 @p1 $0x1  }
0x15: {  	[smem:$0x3FA4] =	sst s0;
	s0 =	simm.s32 @!p2 $0x0  }
0x16: {  	s3 =	sld [smem:$0x3FDB];
	s0 =	simm.s32 @p2 $0x1  }
0x17: {  	s4 =	simm.s32 $0x1BF5;
	[smem:$0x3FA6] =	sst s0  }
0x18: {  	s0 =	sld [smem:$0x3F89];
	_ =	swait.ge [sflag:s4], $0x0  }
0x19: {  	s7 =	sld [smem:$0x3F8A]  }
0x1a: {  	s8 =	sadd.s32 $0xFFFFE003, lr  }
0x1b: {  	s9 =	sadd.s32 $0xFFFFFEF7, lr;
	s5 =	simm.s32 $0xFFFFFFFF;
	p2 =	slt.u32 s8, $0xFFFFF086  }
0x1c: {  	p1 =	slt.u32 s9, $0xF7A;
	s5 =	simm.s32 @!p2 $0x0  }
0x1d: {  	s5 =	simm.s32 @p1 $0x1;
	p0 =	seq.s32 s7, s2  }
0x1e: {  	s7 =	smul.u32 @!p0 $0xF7A, s2;
	p2 =	seq.s32 @!p0 s5, $0x0  }
0x1f: {  	s9 =	smul.u32 $0xF7A, s1;
	s8 =	simm.s32 @!p0 $0x1BF5;
	p2 =	por !p2, p0  }
0x20: {  	[sflag:s8] =	ssyncset.s32 @!p0 $0xFFFFF086;
	s6 =	sadd.s32 @!p0 s3, s7;
	s7 =	simm.s32 @!p0 $0x108  }
0x21: {  	s3 =	sadd.s32 s3, s9;
	s6 =	sadd.s32 @!p0 $0x88, s6;
	s7 =	simm.s32 @p2 $0x1082  }
0x22: {  	[simem:s7], [sflag:s8] =	dma.local @!p0 [hbm:s6], $0xF7A  }
0x23: {  	s9 =	sor.u32 $0xD0000000, s2;
	s6 =	simm.s32 $0x108;
	_ =	swait.ge @!p0 [sflag:s8], $0x0  }
0x24: {  	s3 =	sadd.s32 $0x88, s3;
	s6 =	simm.s32 @!p1 $0x1082;
	[sflag:s4] =	ssyncset.s32 $0xFFFFF086  }
0x25: {  	[simem:s6], [sflag:s4] =	dma.local [hbm:s3], $0xF7A  }
0x26: {  	[smem:$0x3F8A] =	sst s1;
	(tag) =	ssettag s2;
	_ =	strace s9  }
0x27: {  	s1 =	sld [smem:$0x3F9A]  }
0x28: {  	s2 =	sld [smem:$0x3F9B]  }
0x29: {  	s4 =	sld [smem:$0x3F9D]  }
0x2a: {  	p0 =	seq.s32 s5, $0x0;
	s5 =	sld [smem:$0x3F9E]  }
0x2b: {  	s6 =	sld [smem:$0x3F9F]  }
0x2c: {  	s7 =	sld [smem:$0x3FA0]  }
0x2d: {  	s3 =	simm.s32 $0x108;
	s8 =	sld [smem:$0x3FA1]  }
0x2e: {  	s3 =	simm.s32 @!p0 $0x1082;
	s9 =	sld [smem:$0x3FA2]  }
0x2f: {  	lr =	sadd.s32 s0, s3;
	s0 =	sld [smem:$0x3F99]  }
0x30: {  	s3 =	sld [smem:$0x3F9C]  }
0x31: {  	[smem:$0x3FA5] =	sst s10  }
0x32: {  	s10 =	sld [smem:$0x3FA3];
	_ =	sdelay $0x3  }
0x33: {  	p0 =	seq.s32 s10, $0x1;
	s10 =	sld [smem:$0x3FA5];
	_ =	sdelay $0x3  }
0x34: {  	[smem:$0x3FA5] =	sst s10  }
0x35: {  	s10 =	sld [smem:$0x3FA4];
	_ =	sdelay $0x3  }
0x36: {  	p1 =	seq.s32 s10, $0x1;
	s10 =	sld [smem:$0x3FA5];
	_ =	sdelay $0x3  }
0x37: {  	[smem:$0x3FA5] =	sst s10  }
0x38: {  	s10 =	sld [smem:$0x3FA6]  }
0x39: {  	_ = 	snop;
	(pc) =	sbr.ind lr, $3  }
0x3a: {  	_ = 	snop  }
0x3b: {  	_ = 	snop  }
0x3c: {  	p2 =	seq.s32 s10, $0x1;
	s10 =	sld [smem:$0x3FA5]  }
0x3d: {  	_ =	shalt  }
0x3e: {  	_ =	shalt  }
0x3f: {  	_ =	shalt  }
0x40: {  	_ =	shalt  }
0x41: {  	_ =	shalt  }
0x42: {  	_ =	shalt  }
0x43: {  	_ =	shalt  }
0x44: {  	_ =	shalt  }
0x45: {  	_ =	shalt  }
0x46: {  	_ =	shalt  }
0x47: {  	_ =	shalt  }
0x48: {  	_ =	shalt  }
0x49: {  	_ =	shalt  }
0x4a: {  	_ =	shalt  }
0x4b: {  	_ =	shalt  }
0x4c: {  	_ =	shalt  }
0x4d: {  	_ =	shalt  }
0x4e: {  	_ =	shalt  }
0x4f: {  	_ =	shalt  }
0x50: {  	_ =	shalt  }
0x51: {  	_ =	shalt  }
0x52: {  	_ =	shalt  }
0x53: {  	_ =	shalt  }
0x54: {  	_ =	shalt  }
0x55: {  	_ =	shalt  }
0x56: {  	_ =	shalt  }
0x57: {  	_ =	shalt  }
0x58: {  	_ =	shalt  }
0x59: {  	_ =	shalt  }
0x5a: {  	_ =	shalt  }
0x5b: {  	_ =	shalt  }
0x5c: {  	_ =	shalt  }
0x5d: {  	_ =	shalt  }
0x5e: {  	_ =	shalt  }
0x5f: {  	_ =	shalt  }
0x60: {  	_ =	shalt  }
0x61: {  	_ =	shalt  }
0x62: {  	_ =	shalt  }
0x63: {  	_ =	shalt  }
0x64: {  	_ =	shalt  }
0x65: {  	_ =	shalt  }
0x66: {  	_ =	shalt  }
0x67: {  	_ =	shalt  }
0x68: {  	_ =	shalt  }
0x69: {  	_ =	shalt  }
0x6a: {  	_ =	shalt  }
0x6b: {  	_ =	shalt  }
0x6c: {  	_ =	shalt  }
0x6d: {  	_ =	shalt  }
0x6e: {  	_ =	shalt  }
0x6f: {  	_ =	shalt  }
0x70: {  	_ =	shalt  }
0x71: {  	_ =	shalt  }
0x72: {  	_ =	shalt  }
0x73: {  	_ =	shalt  }
0x74: {  	_ =	shalt  }
0x75: {  	_ =	shalt  }
0x76: {  	_ =	shalt  }
0x77: {  	_ =	shalt  }
0x78: {  	_ =	shalt  }
0x79: {  	_ =	shalt  }
0x7a: {  	_ =	shalt  }
0x7b: {  	_ =	shalt  }
0x7c: {  	_ =	shalt  }
0x7d: {  	_ =	shalt  }
0x7e: {  	_ =	shalt  }
0x7f: {  	_ =	shalt  }
0x80: {  	_ =	shalt  }
0x81: {  	_ =	shalt  }
0x82: {  	_ =	shalt  }
0x83: {  	_ =	shalt  }
0x84: {  	_ =	shalt  }
0x85: {  	_ =	shalt  }
0x86: {  	_ =	shalt  }
0x87: {  	_ =	shalt  }
.Lfunc_end0:
.L_simem_size_0:
called_computation.3_lowered:
.L_overlay_start_0:
0x88: {  	s2 =	sld [smem:$0x3FD9]  }
0x89: {  	s3 =	sld [smem:$0x3FFE];
	_ =	sdelay $0x1  }
0x8a: {  	s1 =	srdreg.scid  }
0x8b: {  	s0 =	sand.u32 $0x1, s1  }
0x8c: {  	s16 =	sshll.u32 s0, $0xA;
	s2 =	sadd.s32 s3, s2  }
0x8d: {  	s2 =	sadd.s32 s2, s16  }
0x8e: {  	[smem:$0x3FB1] =	sst s2  }
0x8f: {  	_ = 	snop  }
0x90: {  	(tm) =	ssettm $0x1  }
0x91: {  	s17 =	sld [smem:$0x3FFB];
	_ =	sdelay $0x3  }
0x92: {  	_ =	strace s17  }
0x93: {  	s2 =	sld [smem:$0x3FFC];
	_ =	sdelay $0x3  }
0x94: {  	_ =	strace s2  }
0x95: {  	s2 =	sld [smem:$0x3FFD];
	_ =	sdelay $0x3  }
0x96: {  	_ =	strace s2  }
0x97: {  	_ =	strace $0x8FFFFFFF  }
0x98: {  	s18 =	sld [smem:$0x3FDB];
	_ =	sdelay $0x1  }
0x99: {  	s19 =	simm.s32 $_scs_section_size  }
0x9a: {  	s4 =	simm.s32 $_size__tile_overlayer_lowered;
	s5 =	simm.s32 $_tile_overlayer_lowered  }
0x9b: {  	s22 =	simm.s32 $0x1BFF;
	s21 =	sshll.u32 s5, $0x1;
	s2 =	sadd.s32 s19, s18  }
0x9c: {  	s6 =	simm.s32 $0x0;
	s20 =	sshll.u32 s4, $0x1;
	s4 =	sadd.s32 s21, s2  }
0x9d: {  	[timem:s6], [sflag:s22] =	dma.local [hbm:s4], s20  }
0x9e: {  	_ =	swait.ge [sflag:s22], s20  }
0x9f: {  	s3 =	ssub.s32 $0x0, s20;
	[sflag:s22] =	ssyncset.done $0x0  }
0xa0: {  	[sflag:s22] =	ssyncadd.s32 s3;
	_ =	sdelay $0x1  }
0xa1: {  	s23 =	simm.s32 $0x1B8B  }
0xa2: {  	_ =	swait.ge [sflag:s23], $0x1  }
0xa3: {  	[sflag:s23] =	ssyncset.done $0x0  }
0xa4: {  	s25 =	simm.s32 $0x1B8E;
	s24 =	sld [smem:$0x3FFE];
	[sflag:s23] =	ssyncadd.s32 $0xFFFFFFFF  }
0xa5: {  	s26 =	simm.s32 $execute0_lowered;
	[smem:$0x3FD2] =	sst s25  }
0xa6: {  	s4 =	sshll.u32 s26, $0x1;
	_ =	strace $0x8000004F;
	[dreg:$0x1] =	wrdreg $0xFFFFFFFF  }
0xa7: {  	s28 =	simm.s32 $_size_execute0_lowered;
	s2 =	sadd.s32 s2, s4;
	[dreg:$0x0] =	wrdreg $0x0  }
0xa8: {  	s4 =	sshll.u32 s28, $0x1;
	[dreg:$0x2] =	wrdreg s2  }
0xa9: {  	[dreg:$0x3] =	wrdreg s4  }
0xaa: {  	[dreg:$0x4] =	wrdreg $0xC0  }
0xab: {  	_ =	task [dreg:s6], $0x5FFFF  }
0xac: {  	[dreg:$0x1] =	wrdreg $0xFFFFFFFF  }
0xad: {  	[dreg:$0x0] =	wrdreg $0x60  }
0xae: {  	[dreg:$0x2] =	wrdreg s24  }
0xaf: {  	[dreg:$0x3] =	wrdreg $0xA0000  }
0xb0: {  	[dreg:$0x4] =	wrdreg $0x9  }
0xb1: {  	_ =	task.clear_ibuf [dreg:s6], $0x5FFFF;
	_ =	strace $0x9000004F  }
0xb2: {  	s29 =	simm.s32 $0x9;
	_ =	strace $0x80000051  }
0xb3: {  	_ =	swait.ge [sflag:s29], $0x1  }
0xb4: {  	[sflag:s29] =	ssyncadd.s32 $0xFFFFFFFF  }
0xb5: {  	_ =	strace $0x90000051  }
0xb6: {  	_ =	sfence  }
0xb7: {  	s30 =	sld [smem:$0x0];
	_ =	sdelay $0x2  }
0xb8: {  	s31 =	sshll.u32 s1, $0xD;
	s1 =	sshrl.u32 s1, $0x2  }
0xb9: {  	s3 =	sand.u32 $0x4000, s31;
	s1 =	sadd.s32 s1, s30  }
0xba: {  	s0 =	sor.u32 s3, s0;
	s1 =	sshll.u32 s1, $0x11  }
0xbb: {  	s0 =	sor.u32 s1, s0  }
0xbc: {  	s0 =	sadd.s32 $0x8F2B, s0  }
0xbd: {  	[sflag:s0] =	ssyncadd.remote.s32 $0x1  }
0xbe: {  	_ =	sfence.sel $0xFFFF  }
0xbf: {  	[dreg:$0x0] =	wrdreg $0xFFFFFFFF;
	(pc) =	sbr.abs _section_cstart, $3  }
0xc0: {  	[dreg:$0x1] =	wrdreg $0xFFFFFFFF  }
0xc1: {  	_ =	task.clear_ibuf [dreg:s6], $0x2FFFF;
	_ =	strace $0x9FFFFFFF  }
0xc2: {  	(tm) =	ssettm $0x7FFFFFFF  }
0xc3: {  	_ =	shalt  }
tec
execute0_lowered:
.L_overlay_start_1:
0x0: {  	(tag) =	ssettag $0x1  }
0x1: {  	s0 =	rddreg [dreg:$0x0]  }
0x2: {  	s1 =	rddreg [dreg:$0x1];
	s2 =	srdreg.scid;
	s3 =	simm.s32 $0x0  }
0x3: {  	s9 =	stileid.u32;
	s20 =	simm.s32 $0x3;
	s21 =	simm.s32 $0x1000  }
0x4: {  	s28 =	simm.s32 $0xF80;
	s29 =	simm.s32 $0x1F00;
	s30 =	simm.s32 $0x1F80  }
0x5: {  	s2 =	sand.u32 $0x1, s2;
	[smem:$0x7FF] =	sst s3;
	s6 =	smul.u32 $0x14000, s9  }
0x6: {  	s4 =	sadd.s32 $0x1BA00, s0;
	s16 =	sadd.s32 $0x92C00, s0;
	s17 =	sadd.s32 $0xF200, s0  }
0x7: {  	s7 =	smul.u32 $0x50000, s9;
	s23 =	sshll.u32 s9, $0x6;
	s24 =	sshll.u32 s9, $0xB  }
0x8: {  	s15 =	sshll.u32 s9, $0x9;
	s5 =	smul.u32 $0x140000, s2;
	_ =	strace $0x80000050  }
0x9: {  	s8 =	ssub.s32 $0x2, s2;
	p0 =	seq.s32 s2, $0x1;
	s25 =	sadd.s32 s16, s24  }
0xa: {  	s26 =	sadd.s32 s17, s24;
	s11 =	sor.u32 $0x200, s24;
	s13 =	sor.u32 $0x400, s24  }
0xb: {  	s2 =	sor.u32 $0x600, s24;
	s18 =	sor.u32 $0x8000, s15;
	s24 =	simm.s32 $0x6000  }
0xc: {  	s22 =	sshrl.u32 s8, $0x1;
	s7 =	sshrl.u32 s7, $0x2;
	[dreg:$0x3] =	wrdreg s25  }
0xd: {  	[dreg:$0x4] =	wrdreg s26;
	s31 =	sadd.s32 s16, s11;
	s11 =	sadd.s32 s17, s11  }
0xe: {  	s12 =	sadd.s32 s16, s13;
	s13 =	sadd.s32 s17, s13;
	s14 =	sadd.s32 s16, s2  }
0xf: {  	s15 =	sadd.s32 s17, s2;
	s16 =	sadd.s32 s16, s18;
	s17 =	sadd.s32 s17, s18  }
.Ltmp0:
0x10: {  	s25 =	simm.s32 $0x1;
	s26 =	simm.s32 $0x2;
	(pc) =	sbr.rel .LBB2_1-.Ltmp0, $4  }
0x11: {  	s6 =	sadd.s32 s6, s5;
	s5 =	sadd.s32 $0x19200, s0;
	s19 =	ssub.s32 s8, s22  }
0x12: {  	[dreg:$0x5] =	wrdreg s31;
	s22 =	simm.s32 $0x80;
	s6 =	sshrl.u32 s6, $0x3  }
0x13: {  	s19 =	smax.u32 s19, $0x1;
	s0 =	sadd.s32 s6, s0;
	s6 =	sadd.s32 s7, s1  }
0x14: {  	s7 =	sor.u32 $0x1C03, s23;
	s23 =	simm.s32 $0x2000;
	s18 =	sadd.s32 $0x9CC00, s0  }
.LBB2_13:
0x15: {  	s2 =	sadd.s32 $0x80, s0;
	[sflag:s20] =	ssyncadd.s32 $0xFFFFC000  }
0x16: {  	[tilespmem:s24], [sflag:$0x2] =	stream.indirect.gather [hbm4b:s4+s22], $0x80, s2, s22, $0xb8;
	[tilespmem:$0x1E000] =	vst v63  }
0x17: {  	_ =	swait.ge [sflag:s25], $0x4000  }
0x18: {  	[sflag:s25] =	ssyncset.done $0x0  }
0x19: {  	s8 =	sadd.s32 $0x1000, s0;
	[sflag:s25] =	ssyncadd.s32 $0xFFFFC000  }
0x1a: {  	[spmem:s1] =	stream.indirect.scatter.add.f32 [tilespmem:s23], [sflag:$0x3], $0x80, s8, s22, $0xb8;
	[tilespmem:$0x1E000] =	vst v63  }
0x1b: {  	_ =	swait.ge [sflag:s20], $0x4000  }
0x1c: {  	[sflag:s20] =	ssyncset.done $0x0  }
0x1d: {  	s9 =	sadd.s32 $0x100, s0;
	[sflag:s20] =	ssyncadd.s32 $0xFFFFC000  }
0x1e: {  	[tilespmem:s23], [sflag:$0x1] =	stream.indirect.gather [hbm4b:s4+s22], $0x80, s9, s22, $0xb8;
	[tilespmem:$0x1E000] =	vst v63  }
0x1f: {  	_ =	swait.ge [sflag:s26], $0x4000  }
0x20: {  	[sflag:s26] =	ssyncset.done $0x0  }
0x21: {  	s10 =	sadd.s32 $0x1080, s0;
	[sflag:s26] =	ssyncadd.s32 $0xFFFFC000  }
0x22: {  	[spmem:s1] =	stream.indirect.scatter.add.f32 [tilespmem:s24], [sflag:$0x3], $0x80, s10, s22, $0xb8;
	[tilespmem:$0x1E000] =	vst v63  }
0x23: {  	_ =	swait.ge [sflag:s20], $0x4000  }
0x24: {  	[sflag:s20] =	ssyncset.done $0x0  }
0x25: {  	[sflag:s20] =	ssyncadd.s32 $0xFFFFC000  }
.LBB2_14:
0x26: {  	[tilespmem:s24], [sflag:$0x2] =	stream.indirect.gather [hbm4b:s4+s22], $0x80, s28, s22, $0xb8;
	[tilespmem:$0x1E000] =	vst v63  }
0x27: {  	_ =	swait.ge [sflag:s25], $0x4000  }
0x28: {  	[sflag:s25] =	ssyncset.done $0x0  }
0x29: {  	[sflag:s25] =	ssyncadd.s32 $0xFFFFC000  }
0x2a: {  	[spmem:s1] =	stream.indirect.scatter.add.f32 [tilespmem:s23], [sflag:$0x3], $0x80, s29, s22, $0xb8;
	[tilespmem:$0x1E000] =	vst v63  }
0x2b: {  	_ =	swait.ge [sflag:s20], $0x4000  }
0x2c: {  	[sflag:s20] =	ssyncset.done $0x0  }
0x2d: {  	[sflag:s20] =	ssyncadd.s32 $0xFFFFC000  }
0x2e: {  	_ =	swait.ge [sflag:s26], $0x4000  }
0x2f: {  	[sflag:s26] =	ssyncset.done $0x0  }
0x30: {  	[sflag:s26] =	ssyncadd.s32 $0xFFFFC000  }
0x31: {  	[spmem:s1] =	stream.indirect.scatter.add.f32 [tilespmem:s24], [sflag:$0x3], $0x80, s30, s22, $0xb8;
	[tilespmem:$0x1E000] =	vst v63  }
0x32: {  	_ =	swait.ge [sflag:s20], $0x4000  }
0x33: {  	s3 =	sadd.s32 $0x1, s3;
	[sflag:s20] =	ssyncset.done $0x0  }
0x34: {  	p1 =	sne.s32 s3, s19;
	[sflag:s20] =	ssyncadd.s32 $0xFFFFC000  }
.Ltmp1:
0x35: {  	[bflag:$0x0] =	sbarrier.arrive $0xFFFF;
	(pc) =	sbr.rel @!p1 .LBB2_15-.Ltmp1, $4  }
0x36: {  	[hbm:s18], [sflag:s7] =	dma.local [spmem:s31], $0x2800  }
0x37: {  	_ =	swait.ge [sflag:s20], $0x2800  }
0x38: {  	[sflag:s20] =	ssyncset.done $0x0  }
0x39: {  	[sflag:s20] =	ssyncadd.s32 $0xFFFFD800  }
.LBB2_1:
0x3a: {  	s31 =	sshrl.u32 s6, $0x3  }
0x3b: {  	[spmem:s31], [sflag:s7] =	dma.local [hbm:s5], $0x2800  }
.Ltmp2:
0x3c: {  	_ =	swait.ge [sflag:s20], $0x2800;
	(pc) =	sbr.rel @!p0 .LBB2_2-.Ltmp2, $4  }
0x3d: {  	[sflag:s20] =	ssyncset.done $0x0  }
0x3e: {  	[sflag:s20] =	ssyncadd.s32 $0xFFFFD800  }
0x3f: {  	[bflag:$0x0] =	sbarrier.arrive $0xFFFF  }
0x40: {  	s0 =	simm.s32 $0x0  }
0x41: {  	[tilespmem:s0], [sflag:$0x3] =	stream.linear.gather [hbm4b:s16+s0], $0x1000, $0x38;
	[tilespmem:$0x1E000] =	vst v63  }
0x42: {  	_ =	swait.ge [sflag:s20], $0x1000  }
0x43: {  	[sflag:s20] =	ssyncset.done $0x0  }
0x44: {  	[sflag:s20] =	ssyncadd.s32 $0xFFFFF000  }
0x45: {  	[tilespmem:s21], [sflag:$0x3] =	stream.linear.gather [hbm4b:s17+s0], $0x1000, $0x38;
	[tilespmem:$0x1E000] =	vst v63  }
0x46: {  	_ =	swait.ge [sflag:s20], $0x1000  }
0x47: {  	[sflag:s20] =	ssyncset.done $0x0  }
0x48: {  	[sflag:s20] =	ssyncadd.s32 $0xFFFFF000  }
0x49: {  	[tilespmem:s23], [sflag:$0x1] =	stream.indirect.gather [hbm4b:s4+s22], $0x80, s0, s22, $0xb8;
	[tilespmem:$0x1E000] =	vst v63  }
0x4a: {  	s2 =	simm.s32 $0x80  }
0x4b: {  	[tilespmem:s24], [sflag:$0x2] =	stream.indirect.gather [hbm4b:s4+s22], $0x80, s2, s22, $0xb8;
	[tilespmem:$0x1E000] =	vst v63  }
0x4c: {  	_ =	swait.ge [sflag:s25], $0x4000  }
0x4d: {  	[sflag:s25] =	ssyncset.done $0x0  }
0x4e: {  	s8 =	simm.s32 $0x1000;
	[sflag:s25] =	ssyncadd.s32 $0xFFFFC000  }
0x4f: {  	[spmem:s1] =	stream.indirect.scatter.add.f32 [tilespmem:s23], [sflag:$0x3], $0x80, s8, s22, $0xb8;
	[tilespmem:$0x1E000] =	vst v63  }
0x50: {  	_ =	swait.ge [sflag:s20], $0x4000  }
0x51: {  	[sflag:s20] =	ssyncset.done $0x0  }
0x52: {  	s9 =	simm.s32 $0x100;
	[sflag:s20] =	ssyncadd.s32 $0xFFFFC000  }
0x53: {  	[tilespmem:s23], [sflag:$0x1] =	stream.indirect.gather [hbm4b:s4+s22], $0x80, s9, s22, $0xb8;
	[tilespmem:$0x1E000] =	vst v63  }
0x54: {  	_ =	swait.ge [sflag:s26], $0x4000  }
0x55: {  	[sflag:s26] =	ssyncset.done $0x0  }
0x56: {  	s10 =	simm.s32 $0x1080;
	[sflag:s26] =	ssyncadd.s32 $0xFFFFC000  }
0x57: {  	[spmem:s1] =	stream.indirect.scatter.add.f32 [tilespmem:s24], [sflag:$0x3], $0x80, s10, s22, $0xb8;
	[tilespmem:$0x1E000] =	vst v63  }
0x58: {  	_ =	swait.ge [sflag:s20], $0x4000  }
0x59: {  	s0 =	simm.s32 $0x100;
	s2 =	simm.s32 $0x800;
	[sflag:s20] =	ssyncset.done $0x0  }
.LBB2_12:
0x5a: {  	s8 =	sadd.s32 $0x80, s0  }
0x5b: {  	[sflag:s20] =	ssyncadd.s32 $0xFFFFC000;
	s9 =	smov.u32 s2;
	s10 =	sadd.s32 $0x400, s2  }
0x5c: {  	[tilespmem:s24], [sflag:$0x2] =	stream.indirect.gather [hbm4b:s4+s22], $0x80, s8, s22, $0xb8;
	[tilespmem:$0x1E000] =	vst v63  }
0x5d: {  	p1 =	sne.s32 s2, $0x3800;
	_ =	swait.ge [sflag:s25], $0x4000  }
0x5e: {  	[sflag:s25] =	ssyncset.done $0x0  }
0x5f: {  	s2 =	sadd.s32 $0x1000, s0;
	[sflag:s25] =	ssyncadd.s32 $0xFFFFC000  }
0x60: {  	[spmem:s1] =	stream.indirect.scatter.add.f32 [tilespmem:s23], [sflag:$0x3], $0x80, s2, s22, $0xb8;
	[tilespmem:$0x1E000] =	vst v63  }
0x61: {  	_ =	swait.ge [sflag:s20], $0x4000  }
0x62: {  	[sflag:s20] =	ssyncset.done $0x0  }
0x63: {  	s2 =	sadd.s32 $0x100, s0;
	[sflag:s20] =	ssyncadd.s32 $0xFFFFC000  }
0x64: {  	[tilespmem:s23], [sflag:$0x1] =	stream.indirect.gather [hbm4b:s4+s22], $0x80, s2, s22, $0xb8;
	[tilespmem:$0x1E000] =	vst v63  }
0x65: {  	_ =	swait.ge [sflag:s26], $0x4000  }
.Ltmp3:
0x66: {  	[sflag:s26] =	ssyncset.done $0x0;
	(pc) =	sbr.rel @p1 .LBB2_12-.Ltmp3, $4  }
0x67: {  	s0 =	sadd.s32 $0x1080, s0;
	[sflag:s26] =	ssyncadd.s32 $0xFFFFC000  }
0x68: {  	[spmem:s1] =	stream.indirect.scatter.add.f32 [tilespmem:s24], [sflag:$0x3], $0x80, s0, s22, $0xb8;
	[tilespmem:$0x1E000] =	vst v63  }
0x69: {  	_ =	swait.ge [sflag:s20], $0x4000  }
0x6a: {  	s2 =	smov.u32 s10;
	s0 =	sshra.s32 s9, $0x2;
	[sflag:s20] =	ssyncset.done $0x0  }
.Ltmp4:
0x6b: {  	_ = 	snop;
	(pc) =	sbr.rel .LBB2_13-.Ltmp4, $1  }
0x6c: {  	_ =	sdelay $0x3  }
.LBB2_2:
0x6d: {  	s2 =	rddreg [dreg:$0x3]  }
0x6e: {  	[tilespmem:s0], [sflag:$0x3] =	stream.linear.gather [hbm4b:s2+s0], $0x1000, $0x38;
	[tilespmem:$0x1E000] =	vst v63  }
0x6f: {  	_ =	swait.ge [sflag:s20], $0x1000  }
0x70: {  	[sflag:s20] =	ssyncset.done $0x0  }
0x71: {  	s10 =	rddreg [dreg:$0x4];
	[sflag:s20] =	ssyncadd.s32 $0xFFFFF000  }
0x72: {  	[tilespmem:s21], [sflag:$0x3] =	stream.linear.gather [hbm4b:s10+s0], $0x1000, $0x38;
	[tilespmem:$0x1E000] =	vst v63  }
0x73: {  	_ =	swait.ge [sflag:s20], $0x1000  }
0x74: {  	[sflag:s20] =	ssyncset.done $0x0  }
0x75: {  	[sflag:s20] =	ssyncadd.s32 $0xFFFFF000  }
0x76: {  	[tilespmem:s23], [sflag:$0x1] =	stream.indirect.gather [hbm4b:s4+s22], $0x80, s0, s22, $0xb8;
	[tilespmem:$0x1E000] =	vst v63  }
0x77: {  	s2 =	simm.s32 $0x80  }
0x78: {  	[tilespmem:s24], [sflag:$0x2] =	stream.indirect.gather [hbm4b:s4+s22], $0x80, s2, s22, $0xb8;
	[tilespmem:$0x1E000] =	vst v63  }
0x79: {  	_ =	swait.ge [sflag:s25], $0x4000  }
0x7a: {  	[sflag:s25] =	ssyncset.done $0x0  }
0x7b: {  	s8 =	simm.s32 $0x1000;
	[sflag:s25] =	ssyncadd.s32 $0xFFFFC000  }
0x7c: {  	[spmem:s1] =	stream.indirect.scatter.add.f32 [tilespmem:s23], [sflag:$0x3], $0x80, s8, s22, $0xb8;
	[tilespmem:$0x1E000] =	vst v63  }
0x7d: {  	_ =	swait.ge [sflag:s20], $0x4000  }
0x7e: {  	[sflag:s20] =	ssyncset.done $0x0  }
0x7f: {  	s9 =	simm.s32 $0x100;
	[sflag:s20] =	ssyncadd.s32 $0xFFFFC000  }
0x80: {  	[tilespmem:s23], [sflag:$0x1] =	stream.indirect.gather [hbm4b:s4+s22], $0x80, s9, s22, $0xb8;
	[tilespmem:$0x1E000] =	vst v63  }
0x81: {  	_ =	swait.ge [sflag:s26], $0x4000  }
0x82: {  	[sflag:s26] =	ssyncset.done $0x0  }
0x83: {  	s10 =	simm.s32 $0x1080;
	[sflag:s26] =	ssyncadd.s32 $0xFFFFC000  }
0x84: {  	[spmem:s1] =	stream.indirect.scatter.add.f32 [tilespmem:s24], [sflag:$0x3], $0x80, s10, s22, $0xb8;
	[tilespmem:$0x1E000] =	vst v63  }
0x85: {  	_ =	swait.ge [sflag:s20], $0x4000  }
0x86: {  	s0 =	simm.s32 $0x100;
	s2 =	simm.s32 $0x800;
	[sflag:s20] =	ssyncset.done $0x0  }
.LBB2_3:
0x87: {  	s8 =	sadd.s32 $0x80, s0  }
0x88: {  	[sflag:s20] =	ssyncadd.s32 $0xFFFFC000;
	s9 =	smov.u32 s2;
	s10 =	sadd.s32 $0x400, s2  }
0x89: {  	[tilespmem:s24], [sflag:$0x2] =	stream.indirect.gather [hbm4b:s4+s22], $0x80, s8, s22, $0xb8;
	[tilespmem:$0x1E000] =	vst v63  }
0x8a: {  	p1 =	sne.s32 s2, $0x3800;
	_ =	swait.ge [sflag:s25], $0x4000  }
0x8b: {  	[sflag:s25] =	ssyncset.done $0x0  }
0x8c: {  	s2 =	sadd.s32 $0x1000, s0;
	[sflag:s25] =	ssyncadd.s32 $0xFFFFC000  }
0x8d: {  	[spmem:s1] =	stream.indirect.scatter.add.f32 [tilespmem:s23], [sflag:$0x3], $0x80, s2, s22, $0xb8;
	[tilespmem:$0x1E000] =	vst v63  }
0x8e: {  	_ =	swait.ge [sflag:s20], $0x4000  }
0x8f: {  	[sflag:s20] =	ssyncset.done $0x0  }
0x90: {  	s2 =	sadd.s32 $0x100, s0;
	[sflag:s20] =	ssyncadd.s32 $0xFFFFC000  }
0x91: {  	[tilespmem:s23], [sflag:$0x1] =	stream.indirect.gather [hbm4b:s4+s22], $0x80, s2, s22, $0xb8;
	[tilespmem:$0x1E000] =	vst v63  }
0x92: {  	_ =	swait.ge [sflag:s26], $0x4000  }
.Ltmp5:
0x93: {  	[sflag:s26] =	ssyncset.done $0x0;
	(pc) =	sbr.rel @p1 .LBB2_3-.Ltmp5, $4  }
0x94: {  	s0 =	sadd.s32 $0x1080, s0;
	[sflag:s26] =	ssyncadd.s32 $0xFFFFC000  }
0x95: {  	[spmem:s1] =	stream.indirect.scatter.add.f32 [tilespmem:s24], [sflag:$0x3], $0x80, s0, s22, $0xb8;
	[tilespmem:$0x1E000] =	vst v63  }
0x96: {  	_ =	swait.ge [sflag:s20], $0x4000  }
0x97: {  	s2 =	smov.u32 s10;
	s0 =	sshra.s32 s9, $0x2;
	[sflag:s20] =	ssyncset.done $0x0  }
0x98: {  	s2 =	sadd.s32 $0x80, s0;
	[sflag:s20] =	ssyncadd.s32 $0xFFFFC000  }
0x99: {  	[tilespmem:s24], [sflag:$0x2] =	stream.indirect.gather [hbm4b:s4+s22], $0x80, s2, s22, $0xb8;
	[tilespmem:$0x1E000] =	vst v63  }
0x9a: {  	_ =	swait.ge [sflag:s25], $0x4000  }
0x9b: {  	[sflag:s25] =	ssyncset.done $0x0  }
0x9c: {  	s9 =	sadd.s32 $0x1000, s0;
	[sflag:s25] =	ssyncadd.s32 $0xFFFFC000  }
0x9d: {  	[spmem:s1] =	stream.indirect.scatter.add.f32 [tilespmem:s23], [sflag:$0x3], $0x80, s9, s22, $0xb8;
	[tilespmem:$0x1E000] =	vst v63  }
0x9e: {  	_ =	swait.ge [sflag:s20], $0x4000  }
0x9f: {  	[sflag:s20] =	ssyncset.done $0x0  }
0xa0: {  	s10 =	sadd.s32 $0x100, s0;
	[sflag:s20] =	ssyncadd.s32 $0xFFFFC000  }
0xa1: {  	[tilespmem:s23], [sflag:$0x1] =	stream.indirect.gather [hbm4b:s4+s22], $0x80, s10, s22, $0xb8;
	[tilespmem:$0x1E000] =	vst v63  }
0xa2: {  	_ =	swait.ge [sflag:s26], $0x4000  }
0xa3: {  	[sflag:s26] =	ssyncset.done $0x0  }
0xa4: {  	s8 =	sadd.s32 $0x1080, s0;
	[sflag:s26] =	ssyncadd.s32 $0xFFFFC000  }
0xa5: {  	[spmem:s1] =	stream.indirect.scatter.add.f32 [tilespmem:s24], [sflag:$0x3], $0x80, s8, s22, $0xb8;
	[tilespmem:$0x1E000] =	vst v63  }
0xa6: {  	_ =	swait.ge [sflag:s20], $0x4000  }
0xa7: {  	[sflag:s20] =	ssyncset.done $0x0  }
0xa8: {  	[sflag:s20] =	ssyncadd.s32 $0xFFFFC000  }
0xa9: {  	[tilespmem:s24], [sflag:$0x2] =	stream.indirect.gather [hbm4b:s4+s22], $0x80, s28, s22, $0xb8;
	[tilespmem:$0x1E000] =	vst v63  }
0xaa: {  	_ =	swait.ge [sflag:s25], $0x4000  }
0xab: {  	[sflag:s25] =	ssyncset.done $0x0  }
0xac: {  	[sflag:s25] =	ssyncadd.s32 $0xFFFFC000  }
0xad: {  	[spmem:s1] =	stream.indirect.scatter.add.f32 [tilespmem:s23], [sflag:$0x3], $0x80, s29, s22, $0xb8;
	[tilespmem:$0x1E000] =	vst v63  }
0xae: {  	_ =	swait.ge [sflag:s20], $0x4000  }
0xaf: {  	[sflag:s20] =	ssyncset.done $0x0  }
0xb0: {  	[sflag:s20] =	ssyncadd.s32 $0xFFFFC000  }
0xb1: {  	_ =	swait.ge [sflag:s26], $0x4000  }
0xb2: {  	[sflag:s26] =	ssyncset.done $0x0  }
0xb3: {  	[sflag:s26] =	ssyncadd.s32 $0xFFFFC000  }
0xb4: {  	[spmem:s1] =	stream.indirect.scatter.add.f32 [tilespmem:s24], [sflag:$0x3], $0x80, s30, s22, $0xb8;
	[tilespmem:$0x1E000] =	vst v63  }
0xb5: {  	_ =	swait.ge [sflag:s20], $0x4000  }
0xb6: {  	[sflag:s20] =	ssyncset.done $0x0  }
0xb7: {  	s9 =	simm.s32 $0x0;
	s10 =	rddreg [dreg:$0x5];
	[sflag:s20] =	ssyncadd.s32 $0xFFFFC000  }
0xb8: {  	[tilespmem:s9], [sflag:$0x3] =	stream.linear.gather [hbm4b:s10+s9], $0x1000, $0x38;
	[tilespmem:$0x1E000] =	vst v63  }
0xb9: {  	_ =	swait.ge [sflag:s20], $0x1000  }
0xba: {  	[sflag:s20] =	ssyncset.done $0x0  }
0xbb: {  	[sflag:s20] =	ssyncadd.s32 $0xFFFFF000  }
0xbc: {  	[tilespmem:s21], [sflag:$0x3] =	stream.linear.gather [hbm4b:s11+s9], $0x1000, $0x38;
	[tilespmem:$0x1E000] =	vst v63  }
0xbd: {  	_ =	swait.ge [sflag:s20], $0x1000  }
0xbe: {  	[sflag:s20] =	ssyncset.done $0x0  }
0xbf: {  	[sflag:s20] =	ssyncadd.s32 $0xFFFFF000  }
0xc0: {  	[tilespmem:s23], [sflag:$0x1] =	stream.indirect.gather [hbm4b:s4+s22], $0x80, s9, s22, $0xb8;
	[tilespmem:$0x1E000] =	vst v63  }
0xc1: {  	s2 =	simm.s32 $0x80  }
0xc2: {  	[tilespmem:s24], [sflag:$0x2] =	stream.indirect.gather [hbm4b:s4+s22], $0x80, s2, s22, $0xb8;
	[tilespmem:$0x1E000] =	vst v63  }
0xc3: {  	_ =	swait.ge [sflag:s25], $0x4000  }
0xc4: {  	[sflag:s25] =	ssyncset.done $0x0  }
0xc5: {  	s8 =	simm.s32 $0x1000;
	[sflag:s25] =	ssyncadd.s32 $0xFFFFC000  }
0xc6: {  	[spmem:s1] =	stream.indirect.scatter.add.f32 [tilespmem:s23], [sflag:$0x3], $0x80, s8, s22, $0xb8;
	[tilespmem:$0x1E000] =	vst v63  }
0xc7: {  	_ =	swait.ge [sflag:s20], $0x4000  }
0xc8: {  	[sflag:s20] =	ssyncset.done $0x0  }
0xc9: {  	s9 =	simm.s32 $0x100;
	[sflag:s20] =	ssyncadd.s32 $0xFFFFC000  }
0xca: {  	[tilespmem:s23], [sflag:$0x1] =	stream.indirect.gather [hbm4b:s4+s22], $0x80, s9, s22, $0xb8;
	[tilespmem:$0x1E000] =	vst v63  }
0xcb: {  	_ =	swait.ge [sflag:s26], $0x4000  }
0xcc: {  	[sflag:s26] =	ssyncset.done $0x0  }
0xcd: {  	s10 =	simm.s32 $0x1080;
	[sflag:s26] =	ssyncadd.s32 $0xFFFFC000  }
0xce: {  	[spmem:s1] =	stream.indirect.scatter.add.f32 [tilespmem:s24], [sflag:$0x3], $0x80, s10, s22, $0xb8;
	[tilespmem:$0x1E000] =	vst v63  }
0xcf: {  	_ =	swait.ge [sflag:s20], $0x4000  }
0xd0: {  	s0 =	simm.s32 $0x100;
	s2 =	simm.s32 $0x800;
	[sflag:s20] =	ssyncset.done $0x0  }
.LBB2_5:
0xd1: {  	s8 =	sadd.s32 $0x80, s0  }
0xd2: {  	[sflag:s20] =	ssyncadd.s32 $0xFFFFC000;
	s9 =	smov.u32 s2;
	s10 =	sadd.s32 $0x400, s2  }
0xd3: {  	[tilespmem:s24], [sflag:$0x2] =	stream.indirect.gather [hbm4b:s4+s22], $0x80, s8, s22, $0xb8;
	[tilespmem:$0x1E000] =	vst v63  }
0xd4: {  	p1 =	sne.s32 s2, $0x3800;
	_ =	swait.ge [sflag:s25], $0x4000  }
0xd5: {  	[sflag:s25] =	ssyncset.done $0x0  }
0xd6: {  	s2 =	sadd.s32 $0x1000, s0;
	[sflag:s25] =	ssyncadd.s32 $0xFFFFC000  }
0xd7: {  	[spmem:s1] =	stream.indirect.scatter.add.f32 [tilespmem:s23], [sflag:$0x3], $0x80, s2, s22, $0xb8;
	[tilespmem:$0x1E000] =	vst v63  }
0xd8: {  	_ =	swait.ge [sflag:s20], $0x4000  }
0xd9: {  	[sflag:s20] =	ssyncset.done $0x0  }
0xda: {  	s2 =	sadd.s32 $0x100, s0;
	[sflag:s20] =	ssyncadd.s32 $0xFFFFC000  }
0xdb: {  	[tilespmem:s23], [sflag:$0x1] =	stream.indirect.gather [hbm4b:s4+s22], $0x80, s2, s22, $0xb8;
	[tilespmem:$0x1E000] =	vst v63  }
0xdc: {  	_ =	swait.ge [sflag:s26], $0x4000  }
.Ltmp6:
0xdd: {  	[sflag:s26] =	ssyncset.done $0x0;
	(pc) =	sbr.rel @p1 .LBB2_5-.Ltmp6, $4  }
0xde: {  	s0 =	sadd.s32 $0x1080, s0;
	[sflag:s26] =	ssyncadd.s32 $0xFFFFC000  }
0xdf: {  	[spmem:s1] =	stream.indirect.scatter.add.f32 [tilespmem:s24], [sflag:$0x3], $0x80, s0, s22, $0xb8;
	[tilespmem:$0x1E000] =	vst v63  }
0xe0: {  	_ =	swait.ge [sflag:s20], $0x4000  }
0xe1: {  	s2 =	smov.u32 s10;
	s0 =	sshra.s32 s9, $0x2;
	[sflag:s20] =	ssyncset.done $0x0  }
0xe2: {  	s2 =	sadd.s32 $0x80, s0;
	[sflag:s20] =	ssyncadd.s32 $0xFFFFC000  }
0xe3: {  	[tilespmem:s24], [sflag:$0x2] =	stream.indirect.gather [hbm4b:s4+s22], $0x80, s2, s22, $0xb8;
	[tilespmem:$0x1E000] =	vst v63  }
0xe4: {  	_ =	swait.ge [sflag:s25], $0x4000  }
0xe5: {  	[sflag:s25] =	ssyncset.done $0x0  }
0xe6: {  	s10 =	sadd.s32 $0x1000, s0;
	[sflag:s25] =	ssyncadd.s32 $0xFFFFC000  }
0xe7: {  	[spmem:s1] =	stream.indirect.scatter.add.f32 [tilespmem:s23], [sflag:$0x3], $0x80, s10, s22, $0xb8;
	[tilespmem:$0x1E000] =	vst v63  }
0xe8: {  	_ =	swait.ge [sflag:s20], $0x4000  }
0xe9: {  	[sflag:s20] =	ssyncset.done $0x0  }
0xea: {  	s8 =	sadd.s32 $0x100, s0;
	[sflag:s20] =	ssyncadd.s32 $0xFFFFC000  }
0xeb: {  	[tilespmem:s23], [sflag:$0x1] =	stream.indirect.gather [hbm4b:s4+s22], $0x80, s8, s22, $0xb8;
	[tilespmem:$0x1E000] =	vst v63  }
0xec: {  	_ =	swait.ge [sflag:s26], $0x4000  }
0xed: {  	[sflag:s26] =	ssyncset.done $0x0  }
0xee: {  	s9 =	sadd.s32 $0x1080, s0;
	[sflag:s26] =	ssyncadd.s32 $0xFFFFC000  }
0xef: {  	[spmem:s1] =	stream.indirect.scatter.add.f32 [tilespmem:s24], [sflag:$0x3], $0x80, s9, s22, $0xb8;
	[tilespmem:$0x1E000] =	vst v63  }
0xf0: {  	_ =	swait.ge [sflag:s20], $0x4000  }
0xf1: {  	[sflag:s20] =	ssyncset.done $0x0  }
0xf2: {  	[sflag:s20] =	ssyncadd.s32 $0xFFFFC000  }
0xf3: {  	[tilespmem:s24], [sflag:$0x2] =	stream.indirect.gather [hbm4b:s4+s22], $0x80, s28, s22, $0xb8;
	[tilespmem:$0x1E000] =	vst v63  }
0xf4: {  	_ =	swait.ge [sflag:s25], $0x4000  }
0xf5: {  	[sflag:s25] =	ssyncset.done $0x0  }
0xf6: {  	[sflag:s25] =	ssyncadd.s32 $0xFFFFC000  }
0xf7: {  	[spmem:s1] =	stream.indirect.scatter.add.f32 [tilespmem:s23], [sflag:$0x3], $0x80, s29, s22, $0xb8;
	[tilespmem:$0x1E000] =	vst v63  }
0xf8: {  	_ =	swait.ge [sflag:s20], $0x4000  }
0xf9: {  	[sflag:s20] =	ssyncset.done $0x0  }
0xfa: {  	[sflag:s20] =	ssyncadd.s32 $0xFFFFC000  }
0xfb: {  	_ =	swait.ge [sflag:s26], $0x4000  }
0xfc: {  	[sflag:s26] =	ssyncset.done $0x0  }
0xfd: {  	[sflag:s26] =	ssyncadd.s32 $0xFFFFC000  }
0xfe: {  	[spmem:s1] =	stream.indirect.scatter.add.f32 [tilespmem:s24], [sflag:$0x3], $0x80, s30, s22, $0xb8;
	[tilespmem:$0x1E000] =	vst v63  }
0xff: {  	_ =	swait.ge [sflag:s20], $0x4000  }
0x100: {  	[sflag:s20] =	ssyncset.done $0x0  }
0x101: {  	s10 =	simm.s32 $0x0;
	[sflag:s20] =	ssyncadd.s32 $0xFFFFC000  }
0x102: {  	[tilespmem:s10], [sflag:$0x3] =	stream.linear.gather [hbm4b:s12+s10], $0x1000, $0x38;
	[tilespmem:$0x1E000] =	vst v63  }
0x103: {  	_ =	swait.ge [sflag:s20], $0x1000  }
0x104: {  	[sflag:s20] =	ssyncset.done $0x0  }
0x105: {  	[sflag:s20] =	ssyncadd.s32 $0xFFFFF000  }
0x106: {  	[tilespmem:s21], [sflag:$0x3] =	stream.linear.gather [hbm4b:s13+s10], $0x1000, $0x38;
	[tilespmem:$0x1E000] =	vst v63  }
0x107: {  	_ =	swait.ge [sflag:s20], $0x1000  }
0x108: {  	[sflag:s20] =	ssyncset.done $0x0  }
0x109: {  	[sflag:s20] =	ssyncadd.s32 $0xFFFFF000  }
0x10a: {  	[tilespmem:s23], [sflag:$0x1] =	stream.indirect.gather [hbm4b:s4+s22], $0x80, s10, s22, $0xb8;
	[tilespmem:$0x1E000] =	vst v63  }
0x10b: {  	s2 =	simm.s32 $0x80  }
0x10c: {  	[tilespmem:s24], [sflag:$0x2] =	stream.indirect.gather [hbm4b:s4+s22], $0x80, s2, s22, $0xb8;
	[tilespmem:$0x1E000] =	vst v63  }
0x10d: {  	_ =	swait.ge [sflag:s25], $0x4000  }
0x10e: {  	[sflag:s25] =	ssyncset.done $0x0  }
0x10f: {  	s8 =	simm.s32 $0x1000;
	[sflag:s25] =	ssyncadd.s32 $0xFFFFC000  }
0x110: {  	[spmem:s1] =	stream.indirect.scatter.add.f32 [tilespmem:s23], [sflag:$0x3], $0x80, s8, s22, $0xb8;
	[tilespmem:$0x1E000] =	vst v63  }
0x111: {  	_ =	swait.ge [sflag:s20], $0x4000  }
0x112: {  	[sflag:s20] =	ssyncset.done $0x0  }
0x113: {  	s9 =	simm.s32 $0x100;
	[sflag:s20] =	ssyncadd.s32 $0xFFFFC000  }
0x114: {  	[tilespmem:s23], [sflag:$0x1] =	stream.indirect.gather [hbm4b:s4+s22], $0x80, s9, s22, $0xb8;
	[tilespmem:$0x1E000] =	vst v63  }
0x115: {  	_ =	swait.ge [sflag:s26], $0x4000  }
0x116: {  	[sflag:s26] =	ssyncset.done $0x0  }
0x117: {  	s10 =	simm.s32 $0x1080;
	[sflag:s26] =	ssyncadd.s32 $0xFFFFC000  }
0x118: {  	[spmem:s1] =	stream.indirect.scatter.add.f32 [tilespmem:s24], [sflag:$0x3], $0x80, s10, s22, $0xb8;
	[tilespmem:$0x1E000] =	vst v63  }
0x119: {  	_ =	swait.ge [sflag:s20], $0x4000  }
0x11a: {  	s0 =	simm.s32 $0x100;
	s2 =	simm.s32 $0x800;
	[sflag:s20] =	ssyncset.done $0x0  }
.LBB2_7:
0x11b: {  	s8 =	sadd.s32 $0x80, s0  }
0x11c: {  	[sflag:s20] =	ssyncadd.s32 $0xFFFFC000;
	s9 =	smov.u32 s2;
	s10 =	sadd.s32 $0x400, s2  }
0x11d: {  	[tilespmem:s24], [sflag:$0x2] =	stream.indirect.gather [hbm4b:s4+s22], $0x80, s8, s22, $0xb8;
	[tilespmem:$0x1E000] =	vst v63  }
0x11e: {  	p1 =	sne.s32 s2, $0x3800;
	_ =	swait.ge [sflag:s25], $0x4000  }
0x11f: {  	[sflag:s25] =	ssyncset.done $0x0  }
0x120: {  	s2 =	sadd.s32 $0x1000, s0;
	[sflag:s25] =	ssyncadd.s32 $0xFFFFC000  }
0x121: {  	[spmem:s1] =	stream.indirect.scatter.add.f32 [tilespmem:s23], [sflag:$0x3], $0x80, s2, s22, $0xb8;
	[tilespmem:$0x1E000] =	vst v63  }
0x122: {  	_ =	swait.ge [sflag:s20], $0x4000  }
0x123: {  	[sflag:s20] =	ssyncset.done $0x0  }
0x124: {  	s2 =	sadd.s32 $0x100, s0;
	[sflag:s20] =	ssyncadd.s32 $0xFFFFC000  }
0x125: {  	[tilespmem:s23], [sflag:$0x1] =	stream.indirect.gather [hbm4b:s4+s22], $0x80, s2, s22, $0xb8;
	[tilespmem:$0x1E000] =	vst v63  }
0x126: {  	_ =	swait.ge [sflag:s26], $0x4000  }
.Ltmp7:
0x127: {  	[sflag:s26] =	ssyncset.done $0x0;
	(pc) =	sbr.rel @p1 .LBB2_7-.Ltmp7, $4  }
0x128: {  	s0 =	sadd.s32 $0x1080, s0;
	[sflag:s26] =	ssyncadd.s32 $0xFFFFC000  }
0x129: {  	[spmem:s1] =	stream.indirect.scatter.add.f32 [tilespmem:s24], [sflag:$0x3], $0x80, s0, s22, $0xb8;
	[tilespmem:$0x1E000] =	vst v63  }
0x12a: {  	_ =	swait.ge [sflag:s20], $0x4000  }
0x12b: {  	s2 =	smov.u32 s10;
	s0 =	sshra.s32 s9, $0x2;
	[sflag:s20] =	ssyncset.done $0x0  }
0x12c: {  	s2 =	sadd.s32 $0x80, s0;
	[sflag:s20] =	ssyncadd.s32 $0xFFFFC000  }
0x12d: {  	[tilespmem:s24], [sflag:$0x2] =	stream.indirect.gather [hbm4b:s4+s22], $0x80, s2, s22, $0xb8;
	[tilespmem:$0x1E000] =	vst v63  }
0x12e: {  	_ =	swait.ge [sflag:s25], $0x4000  }
0x12f: {  	[sflag:s25] =	ssyncset.done $0x0  }
0x130: {  	s10 =	sadd.s32 $0x1000, s0;
	[sflag:s25] =	ssyncadd.s32 $0xFFFFC000  }
0x131: {  	[spmem:s1] =	stream.indirect.scatter.add.f32 [tilespmem:s23], [sflag:$0x3], $0x80, s10, s22, $0xb8;
	[tilespmem:$0x1E000] =	vst v63  }
0x132: {  	_ =	swait.ge [sflag:s20], $0x4000  }
0x133: {  	[sflag:s20] =	ssyncset.done $0x0  }
0x134: {  	s8 =	sadd.s32 $0x100, s0;
	[sflag:s20] =	ssyncadd.s32 $0xFFFFC000  }
0x135: {  	[tilespmem:s23], [sflag:$0x1] =	stream.indirect.gather [hbm4b:s4+s22], $0x80, s8, s22, $0xb8;
	[tilespmem:$0x1E000] =	vst v63  }
0x136: {  	_ =	swait.ge [sflag:s26], $0x4000  }
0x137: {  	[sflag:s26] =	ssyncset.done $0x0  }
0x138: {  	s9 =	sadd.s32 $0x1080, s0;
	[sflag:s26] =	ssyncadd.s32 $0xFFFFC000  }
0x139: {  	[spmem:s1] =	stream.indirect.scatter.add.f32 [tilespmem:s24], [sflag:$0x3], $0x80, s9, s22, $0xb8;
	[tilespmem:$0x1E000] =	vst v63  }
0x13a: {  	_ =	swait.ge [sflag:s20], $0x4000  }
0x13b: {  	[sflag:s20] =	ssyncset.done $0x0  }
0x13c: {  	[sflag:s20] =	ssyncadd.s32 $0xFFFFC000  }
0x13d: {  	[tilespmem:s24], [sflag:$0x2] =	stream.indirect.gather [hbm4b:s4+s22], $0x80, s28, s22, $0xb8;
	[tilespmem:$0x1E000] =	vst v63  }
0x13e: {  	_ =	swait.ge [sflag:s25], $0x4000  }
0x13f: {  	[sflag:s25] =	ssyncset.done $0x0  }
0x140: {  	[sflag:s25] =	ssyncadd.s32 $0xFFFFC000  }
0x141: {  	[spmem:s1] =	stream.indirect.scatter.add.f32 [tilespmem:s23], [sflag:$0x3], $0x80, s29, s22, $0xb8;
	[tilespmem:$0x1E000] =	vst v63  }
0x142: {  	_ =	swait.ge [sflag:s20], $0x4000  }
0x143: {  	[sflag:s20] =	ssyncset.done $0x0  }
0x144: {  	[sflag:s20] =	ssyncadd.s32 $0xFFFFC000  }
0x145: {  	_ =	swait.ge [sflag:s26], $0x4000  }
0x146: {  	[sflag:s26] =	ssyncset.done $0x0  }
0x147: {  	[sflag:s26] =	ssyncadd.s32 $0xFFFFC000  }
0x148: {  	[spmem:s1] =	stream.indirect.scatter.add.f32 [tilespmem:s24], [sflag:$0x3], $0x80, s30, s22, $0xb8;
	[tilespmem:$0x1E000] =	vst v63  }
0x149: {  	_ =	swait.ge [sflag:s20], $0x4000  }
0x14a: {  	[sflag:s20] =	ssyncset.done $0x0  }
0x14b: {  	s10 =	simm.s32 $0x0;
	[sflag:s20] =	ssyncadd.s32 $0xFFFFC000  }
0x14c: {  	[tilespmem:s10], [sflag:$0x3] =	stream.linear.gather [hbm4b:s14+s10], $0x1000, $0x38;
	[tilespmem:$0x1E000] =	vst v63  }
0x14d: {  	_ =	swait.ge [sflag:s20], $0x1000  }
0x14e: {  	[sflag:s20] =	ssyncset.done $0x0  }
0x14f: {  	[sflag:s20] =	ssyncadd.s32 $0xFFFFF000  }
0x150: {  	[tilespmem:s21], [sflag:$0x3] =	stream.linear.gather [hbm4b:s15+s10], $0x1000, $0x38;
	[tilespmem:$0x1E000] =	vst v63  }
0x151: {  	_ =	swait.ge [sflag:s20], $0x1000  }
0x152: {  	[sflag:s20] =	ssyncset.done $0x0  }
0x153: {  	[sflag:s20] =	ssyncadd.s32 $0xFFFFF000  }
0x154: {  	[tilespmem:s23], [sflag:$0x1] =	stream.indirect.gather [hbm4b:s4+s22], $0x80, s10, s22, $0xb8;
	[tilespmem:$0x1E000] =	vst v63  }
0x155: {  	s2 =	simm.s32 $0x80  }
0x156: {  	[tilespmem:s24], [sflag:$0x2] =	stream.indirect.gather [hbm4b:s4+s22], $0x80, s2, s22, $0xb8;
	[tilespmem:$0x1E000] =	vst v63  }
0x157: {  	_ =	swait.ge [sflag:s25], $0x4000  }
0x158: {  	[sflag:s25] =	ssyncset.done $0x0  }
0x159: {  	s8 =	simm.s32 $0x1000;
	[sflag:s25] =	ssyncadd.s32 $0xFFFFC000  }
0x15a: {  	[spmem:s1] =	stream.indirect.scatter.add.f32 [tilespmem:s23], [sflag:$0x3], $0x80, s8, s22, $0xb8;
	[tilespmem:$0x1E000] =	vst v63  }
0x15b: {  	_ =	swait.ge [sflag:s20], $0x4000  }
0x15c: {  	[sflag:s20] =	ssyncset.done $0x0  }
0x15d: {  	s9 =	simm.s32 $0x100;
	[sflag:s20] =	ssyncadd.s32 $0xFFFFC000  }
0x15e: {  	[tilespmem:s23], [sflag:$0x1] =	stream.indirect.gather [hbm4b:s4+s22], $0x80, s9, s22, $0xb8;
	[tilespmem:$0x1E000] =	vst v63  }
0x15f: {  	_ =	swait.ge [sflag:s26], $0x4000  }
0x160: {  	[sflag:s26] =	ssyncset.done $0x0  }
0x161: {  	s10 =	simm.s32 $0x1080;
	[sflag:s26] =	ssyncadd.s32 $0xFFFFC000  }
0x162: {  	[spmem:s1] =	stream.indirect.scatter.add.f32 [tilespmem:s24], [sflag:$0x3], $0x80, s10, s22, $0xb8;
	[tilespmem:$0x1E000] =	vst v63  }
0x163: {  	_ =	swait.ge [sflag:s20], $0x4000  }
0x164: {  	s0 =	simm.s32 $0x100;
	s2 =	simm.s32 $0x800;
	[sflag:s20] =	ssyncset.done $0x0  }
.LBB2_9:
0x165: {  	s8 =	sadd.s32 $0x80, s0  }
0x166: {  	[sflag:s20] =	ssyncadd.s32 $0xFFFFC000;
	s9 =	smov.u32 s2;
	s10 =	sadd.s32 $0x400, s2  }
0x167: {  	[tilespmem:s24], [sflag:$0x2] =	stream.indirect.gather [hbm4b:s4+s22], $0x80, s8, s22, $0xb8;
	[tilespmem:$0x1E000] =	vst v63  }
0x168: {  	p1 =	seq.s32 s2, $0x3800;
	_ =	swait.ge [sflag:s25], $0x4000  }
0x169: {  	[sflag:s25] =	ssyncset.done $0x0  }
0x16a: {  	s2 =	sadd.s32 $0x1000, s0;
	[sflag:s25] =	ssyncadd.s32 $0xFFFFC000  }
0x16b: {  	[spmem:s1] =	stream.indirect.scatter.add.f32 [tilespmem:s23], [sflag:$0x3], $0x80, s2, s22, $0xb8;
	[tilespmem:$0x1E000] =	vst v63  }
0x16c: {  	_ =	swait.ge [sflag:s20], $0x4000  }
0x16d: {  	[sflag:s20] =	ssyncset.done $0x0  }
0x16e: {  	s2 =	sadd.s32 $0x100, s0;
	[sflag:s20] =	ssyncadd.s32 $0xFFFFC000  }
0x16f: {  	[tilespmem:s23], [sflag:$0x1] =	stream.indirect.gather [hbm4b:s4+s22], $0x80, s2, s22, $0xb8;
	[tilespmem:$0x1E000] =	vst v63  }
0x170: {  	_ =	swait.ge [sflag:s26], $0x4000  }
.Ltmp8:
0x171: {  	[sflag:s26] =	ssyncset.done $0x0;
	(pc) =	sbr.rel @!p1 .LBB2_9-.Ltmp8, $4  }
0x172: {  	s0 =	sadd.s32 $0x1080, s0;
	[sflag:s26] =	ssyncadd.s32 $0xFFFFC000  }
0x173: {  	[spmem:s1] =	stream.indirect.scatter.add.f32 [tilespmem:s24], [sflag:$0x3], $0x80, s0, s22, $0xb8;
	[tilespmem:$0x1E000] =	vst v63  }
0x174: {  	_ =	swait.ge [sflag:s20], $0x4000  }
0x175: {  	s2 =	smov.u32 s10;
	s0 =	sshra.s32 s9, $0x2;
	[sflag:s20] =	ssyncset.done $0x0  }
0x176: {  	s2 =	sadd.s32 $0x80, s0;
	[sflag:s20] =	ssyncadd.s32 $0xFFFFC000  }
0x177: {  	[tilespmem:s24], [sflag:$0x2] =	stream.indirect.gather [hbm4b:s4+s22], $0x80, s2, s22, $0xb8;
	[tilespmem:$0x1E000] =	vst v63  }
0x178: {  	_ =	swait.ge [sflag:s25], $0x4000  }
0x179: {  	[sflag:s25] =	ssyncset.done $0x0  }
0x17a: {  	s8 =	sadd.s32 $0x1000, s0;
	[sflag:s25] =	ssyncadd.s32 $0xFFFFC000  }
0x17b: {  	[spmem:s1] =	stream.indirect.scatter.add.f32 [tilespmem:s23], [sflag:$0x3], $0x80, s8, s22, $0xb8;
	[tilespmem:$0x1E000] =	vst v63  }
0x17c: {  	_ =	swait.ge [sflag:s20], $0x4000  }
0x17d: {  	[sflag:s20] =	ssyncset.done $0x0  }
0x17e: {  	s9 =	sadd.s32 $0x100, s0;
	[sflag:s20] =	ssyncadd.s32 $0xFFFFC000  }
0x17f: {  	[tilespmem:s23], [sflag:$0x1] =	stream.indirect.gather [hbm4b:s4+s22], $0x80, s9, s22, $0xb8;
	[tilespmem:$0x1E000] =	vst v63  }
0x180: {  	_ =	swait.ge [sflag:s26], $0x4000  }
0x181: {  	[sflag:s26] =	ssyncset.done $0x0  }
.Ltmp9:
0x182: {  	s10 =	sadd.s32 $0x1080, s0;
	[sflag:s26] =	ssyncadd.s32 $0xFFFFC000;
	(pc) =	sbr.rel .LBB2_14-.Ltmp9, $4  }
0x183: {  	[spmem:s1] =	stream.indirect.scatter.add.f32 [tilespmem:s24], [sflag:$0x3], $0x80, s10, s22, $0xb8;
	[tilespmem:$0x1E000] =	vst v63  }
0x184: {  	_ =	swait.ge [sflag:s20], $0x4000  }
0x185: {  	[sflag:s20] =	ssyncset.done $0x0  }
0x186: {  	[sflag:s20] =	ssyncadd.s32 $0xFFFFC000  }
.LBB2_15:
0x187: {  	_ =	sfence.sel $0x180000  }
0x188: {  	[bflag:$0x0] =	sbarrier.arrive $0xFFFF  }
0x189: {  	_ =	strace $0x90000050  }
0x18a: {  	s0 =	stileid.u32;
	[bflag:$0x2] =	sbarrier.arrive $0xFFFF  }
0x18b: {  	p0 =	sne.s32 s0, $0x0;
	s0 =	rddreg [dreg:$0x2]  }
0x18c: {  	s0 =	sadd.s32 @!p0 $0x100000, s0  }
0x18d: {  	[sflag:s0] =	ssyncadd.tile.s32 @!p0 $0x1;
	_ =	shalt  }
.Lfunc_end2:
_tile_overlayer_lowered:
.L_overlay_start_2:
0x18e: {  	(tag) =	ssettag $0x2  }
0x18f: {  	s0 =	rddreg [dreg:$0x0];
	s2 =	stileid.u32  }
0x190: {  	s1 =	rddreg [dreg:$0x1];
	p0 =	sne.s32 s2, $0x0  }
0x191: {  	s3 =	rddreg [dreg:$0x2];
	[bflag:$0x3] =	sbarrier.arrive $0xFFFF;
	s2 =	simm.s32 @!p0 $0x1C03  }
0x192: {  	[timem:s3], [sflag:s2] =	dma.local @!p0 [hbm:s0], s1  }
0x193: {  	s0 =	simm.s32 @!p0 $0x3  }
0x194: {  	_ =	swait.ge @!p0 [sflag:s0], s1  }
0x195: {  	s1 =	ssub.s32 @!p0 $0x0, s1;
	[sflag:s0] =	ssyncset.done @!p0 $0x0  }
0x196: {  	[sflag:s0] =	ssyncadd.s32 @!p0 s1  }
0x197: {  	[bflag:$0x3] =	sbarrier.arrive $0xFFFF  }
0x198: {  	_ =	shalt  }

</sc_bundles>
